<compile_context>
chip_gen: v7x
topology: tpu7x:2x2x1
jax: 0.10.2.dev20260603
libtpu: 0.0.44.dev20260713+nightly
codegen_flags: <defaults>
</compile_context>

<pallas_src>
import functools

import jax
import jax.numpy as jnp
import numpy as np
from jax import lax
from jax.experimental import pallas as pl
from jax.experimental.pallas import tpu as pltpu
from jax.experimental.pallas import tpu_sc as plsc

N = 10000
D_IN = 128
HEADS = 8
HID = 16
DH = HEADS * HID
DHALF = DH // 2
D_OUT = 128

NP_ = 10112
NC = 2
NS = 16
NW = NC * NS
K = 128
ZR = NP_ // NS

_mesh = plsc.VectorSubcoreMesh(
    core_axis_name="c", subcore_axis_name="s", num_cores=NC, num_subcores=NS
)
_sc_params = pltpu.CompilerParams(use_tc_tiling_on_sc=False)

f32 = jnp.float32
i32 = jnp.int32


def _k0_body(x_ref, wg_ref, a1_ref, a2_ref, hh_ref, als_ref, ald_ref, m_ref):
    h = jnp.dot(x_ref[...], wg_ref[...], preferred_element_type=f32)
    hh_ref[0] = h[:, :DHALF]
    hh_ref[1] = h[:, DHALF:]
    als = jnp.dot(h, a1_ref[...], preferred_element_type=f32)
    ald = jnp.dot(h, a2_ref[...], preferred_element_type=f32)
    als_ref[...] = als
    ald_ref[...] = ald
    s = jnp.max(als, axis=0, keepdims=True) + jnp.max(ald, axis=0, keepdims=True)
    mlr = jnp.maximum(s, 0.2 * s)
    col = lax.broadcasted_iota(i32, (1, 16), 1)
    m_ref[...] = jnp.where(col < HEADS, mlr, 1e9)


def _kd_body(acc_ref, den_ref, wgcn_ref, r1_ref, r2_ref, out_ref):
    acc = jnp.concatenate([acc_ref[0], acc_ref[1]], axis=1)
    den_all = den_ref[0] + den_ref[1]
    den128 = jnp.dot(den_all, r1_ref[...], preferred_element_type=f32)
    deg128 = jnp.dot(den_all, r2_ref[...], preferred_element_type=f32)
    ygat = acc / (den128 + 1e-16)
    dinv = jnp.where(deg128 > 0, lax.rsqrt(deg128), 0.0)
    h2p = dinv * jnp.dot(ygat, wgcn_ref[...], preferred_element_type=f32)
    out_ref[0] = h2p[:, :DHALF]
    out_ref[1] = h2p[:, DHALF:]


def _ke_body(acc_ref, den_ref, r2_ref, out_ref):
    den_all = den_ref[0] + den_ref[1]
    deg128 = jnp.dot(den_all, r2_ref[...], preferred_element_type=f32)
    dinv = jnp.where(deg128 > 0, lax.rsqrt(deg128), 0.0)
    out_ref[...] = dinv * jnp.concatenate([acc_ref[0], acc_ref[1]], axis=1)


def _make_attn_kernel(chw):
    @functools.partial(
        pl.kernel,
        out_type=(
            jax.ShapeDtypeStruct((NW * chw, K, 16), f32),
            jax.ShapeDtypeStruct((NC, NP_, 16), f32),
        ),
        mesh=_mesh,
        compiler_params=_sc_params,
        scratch_types=(
            pltpu.VMEM((2, K), i32),
            pltpu.VMEM((2, K), i32),
            pltpu.VMEM((K, 16), f32),
            pltpu.VMEM((K, 16), f32),
            pltpu.VMEM((K, 16), f32),
            pltpu.VMEM((K, 16), f32),
            pltpu.VMEM((K, 16), f32),
            pltpu.VMEM((K, 16), f32),
            pltpu.VMEM((1, 16), f32),
            pltpu.VMEM((ZR, 16), f32),
            pltpu.SemaphoreType.DMA,
            pltpu.SemaphoreType.DMA,
            pltpu.SemaphoreType.DMA,
            pltpu.SemaphoreType.DMA,
            pltpu.SemaphoreType.DMA,
            pltpu.SemaphoreType.DMA,
            pltpu.SemaphoreType.DMA,
            pltpu.SemaphoreType.DMA,
            pltpu.VMEM_SHARED((NP_, 16), f32),
        ),
    )
    def attn(als_hbm, ald_hbm, m_hbm, sd_hbm, ex_hbm, den_hbm,
             ix2a, ix2b, g1a, g1b, g2a, g2b, exa, exb2, mv, zb,
             sg1a, sg1b, sg2a, sg2b, sexa, sexb, ssca, sscb, den_sh):
        c = lax.axis_index("c")
        s = lax.axis_index("s")
        wid = s * NC + c
        ix2 = (ix2a, ix2b)
        g1 = (g1a, g1b)
        g2 = (g2a, g2b)
        exv = (exa, exb2)
        sg1 = (sg1a, sg1b)
        sg2 = (sg2a, sg2b)
        sex = (sexa, sexb)
        ssc = (ssca, sscb)
        zvec = jnp.zeros((16,), f32)

        def zrow(i, _):
            zb[i] = zvec
            return 0

        lax.fori_loop(0, ZR, zrow, 0)
        pltpu.sync_copy(zb, den_sh.at[pl.ds(s * ZR, ZR)])
        pltpu.sync_copy(m_hbm, mv)
        pltpu.sync_copy(sd_hbm.at[wid, 0], ix2[0])
        pltpu.async_copy(als_hbm.at[ix2[0].at[0]], g1[0], sg1[0])
        pltpu.async_copy(ald_hbm.at[ix2[0].at[1]], g2[0], sg2[0])
        plsc.subcore_barrier()

        mvv = mv[0]
        is8 = lax.iota(i32, 16) == HEADS

        def pair(p, _):
            for b in (0, 1):
                ci = 2 * p + b
                nb = 1 - b

                @pl.when(ci >= 1)
                def _():
                    pltpu.make_async_copy(exv[nb], ex_hbm.at[wid * chw + ci], sex[nb]).wait()
                    pltpu.make_async_copy(exv[nb], den_sh.at[ix2[nb].at[1]], ssc[nb]).wait()

                @pl.when(ci + 1 < chw)
                def _():
                    pltpu.sync_copy(sd_hbm.at[wid, ci + 1], ix2[nb])
                    pltpu.async_copy(als_hbm.at[ix2[nb].at[0]], g1[nb], sg1[nb])
                    pltpu.async_copy(ald_hbm.at[ix2[nb].at[1]], g2[nb], sg2[nb])

                pltpu.make_async_copy(als_hbm.at[ix2[b].at[0]], g1[b], sg1[b]).wait()
                pltpu.make_async_copy(ald_hbm.at[ix2[b].at[1]], g2[b], sg2[b]).wait()

                def row(i, _):
                    e = g1[b][i] + g2[b][i]
                    e = jnp.maximum(e, 0.2 * e)
                    ex = jnp.exp(e - mvv)
                    exv[b][i] = jnp.where(is8, 1.0, ex)
                    return 0

                lax.fori_loop(0, K, row, 0)
                pltpu.async_copy(exv[b], ex_hbm.at[wid * chw + ci], sex[b])
                pltpu.async_copy(exv[b], den_sh.at[ix2[b].at[1]], ssc[b], add=True)
            return 0

        lax.fori_loop(0, chw // 2, pair, 0)
        bl = (chw - 1) % 2
        pltpu.make_async_copy(exv[bl], ex_hbm.at[wid * chw + chw - 1], sex[bl]).wait()
        pltpu.make_async_copy(exv[bl], den_sh.at[ix2[bl].at[1]], ssc[bl]).wait()
        plsc.subcore_barrier()
        pltpu.sync_copy(den_sh.at[pl.ds(s * ZR, ZR)], zb)
        pltpu.sync_copy(zb, den_hbm.at[c, pl.ds(s * ZR, ZR)])

    return attn


def _make_agg_kernel(cht, scaled):
    @functools.partial(
        pl.kernel,
        out_type=jax.ShapeDtypeStruct((NC, NP_, DHALF), f32),
        mesh=_mesh,
        compiler_params=_sc_params,
        scratch_types=(
            pltpu.VMEM((2, K), i32),
            pltpu.VMEM((2, K), i32),
            pltpu.VMEM((2, K), i32),
            pltpu.VMEM((2, K), i32),
            pltpu.VMEM((K, DHALF), f32),
            pltpu.VMEM((K, DHALF), f32),
            pltpu.VMEM((K, 16), f32),
            pltpu.VMEM((K, 16), f32),
            pltpu.VMEM((ZR, DHALF), f32),
            pltpu.SemaphoreType.DMA,
            pltpu.SemaphoreType.DMA,
            pltpu.SemaphoreType.DMA,
            pltpu.SemaphoreType.DMA,
            pltpu.SemaphoreType.DMA,
            pltpu.SemaphoreType.DMA,
            pltpu.SemaphoreType.DMA,
            pltpu.SemaphoreType.DMA,
            pltpu.SemaphoreType.DMA,
            pltpu.SemaphoreType.DMA,
            pltpu.VMEM_SHARED((NP_, DHALF), f32),
        ),
    )
    def agg(tab_hbm, ex_hbm, sd_hbm, out_hbm,
            ixA, ixB, ixC, ixD, rowsa, rowsb, exa, exb2, zb,
            sixA, sixB, sixC, sixD, sga, sgb, sea, seb, ssa, ssb, acc_sh):
        c = lax.axis_index("c")
        s = lax.axis_index("s")
        ix2 = (ixA, ixB, ixC, ixD)
        six = (sixA, sixB, sixC, sixD)
        rows = (rowsa, rowsb)
        exv = (exa, exb2)
        sg = (sga, sgb)
        se = (sea, seb)
        ss = (ssa, ssb)
        zvec = jnp.zeros((16,), f32)

        def zrow(i, _):
            for j in range(DHALF // 16):
                zb[i, pl.ds(16 * j, 16)] = zvec
            return 0

        lax.fori_loop(0, ZR, zrow, 0)
        pltpu.sync_copy(zb, acc_sh.at[pl.ds(s * ZR, ZR)])
        pltpu.sync_copy(sd_hbm.at[s, 0], ix2[0])
        pltpu.async_copy(sd_hbm.at[s, 1], ix2[1], six[1])

        def gather(cc, ib, rb):
            def go():
                pltpu.async_copy(tab_hbm.at[cc].at[ix2[ib].at[0]], rows[rb], sg[rb])
            return go

        def gwait(cc, ib, rb):
            def go():
                pltpu.make_async_copy(
                    tab_hbm.at[cc].at[ix2[ib].at[0]], rows[rb], sg[rb]).wait()
            return go

        pl.when(c == 0)(gather(0, 0, 0))
        pl.when(c != 0)(gather(1, 0, 0))
        if scaled:
            pltpu.async_copy(ex_hbm.at[s * cht], exv[0], se[0])
        plsc.subcore_barrier()

        def quad(p4, _):
            for b4 in (0, 1, 2, 3):
                ci = 4 * p4 + b4
                rb = b4 % 2
                prb = 1 - rb
                ib = b4
                nib = (b4 + 1) % 4
                fib = (b4 + 2) % 4

                @pl.when(ci >= 1)
                def _():
                    pltpu.make_async_copy(
                        rows[prb], acc_sh.at[ix2[(b4 + 3) % 4].at[1]], ss[prb]).wait()

                @pl.when(ci + 2 < cht)
                def _():
                    pltpu.async_copy(sd_hbm.at[s, ci + 2], ix2[fib], six[fib])

                @pl.when(ci + 1 < cht)
                def _():
                    pltpu.make_async_copy(sd_hbm.at[s, ci + 1], ix2[nib], six[nib]).wait()
                    pl.when(c == 0)(gather(0, nib, prb))
                    pl.when(c != 0)(gather(1, nib, prb))
                    if scaled:
                        pltpu.async_copy(ex_hbm.at[s * cht + ci + 1], exv[prb], se[prb])

                pl.when(c == 0)(gwait(0, ib, rb))
                pl.when(c != 0)(gwait(1, ib, rb))
                if scaled:
                    pltpu.make_async_copy(ex_hbm.at[s * cht + ci], exv[rb], se[rb]).wait()

                    def scale(off):
                        def run():
                            def row(i, _):
                                exr = exv[rb][i]
                                for j in range(DHALF // 16):
                                    sl = pl.ds(16 * j, 16)
                                    rows[rb][i, sl] = rows[rb][i, sl] * exr[off + j]
                                return 0

                            lax.fori_loop(0, K, row, 0)
                        return run

                    pl.when(c == 0)(scale(0))
                    pl.when(c != 0)(scale(4))
                pltpu.async_copy(rows[rb], acc_sh.at[ix2[ib].at[1]], ss[rb], add=True)
            return 0

        lax.fori_loop(0, cht // 4, quad, 0)
        bl = (cht - 1) % 2
        pltpu.make_async_copy(rows[bl], acc_sh.at[ix2[(cht - 1) % 4].at[1]], ss[bl]).wait()
        plsc.subcore_barrier()
        pltpu.sync_copy(acc_sh.at[pl.ds(s * ZR, ZR)], zb)
        pltpu.sync_copy(zb, out_hbm.at[c, pl.ds(s * ZR, ZR)])

    return agg


def kernel(x, edge_index, W_gat, a_src, a_dst, W_gcn):
    E = edge_index.shape[1]
    E2 = E + N
    EP = -(-E2 // (2 * NW * K)) * (2 * NW * K)
    PAD = EP - E2
    CHW = EP // (NW * K)
    CHT = EP // (NS * K)

    xp = jnp.pad(x, ((0, NP_ - N), (0, 0)))
    eye8 = jnp.eye(HEADS, dtype=f32)
    a1 = jnp.concatenate(
        [(eye8[:, None, :] * a_src[:, :, None]).reshape(DH, HEADS),
         jnp.zeros((DH, HEADS), f32)], axis=1)
    a2 = jnp.concatenate(
        [(eye8[:, None, :] * a_dst[:, :, None]).reshape(DH, HEADS),
         jnp.zeros((DH, HEADS), f32)], axis=1)
    r1 = jnp.concatenate(
        [jnp.kron(eye8, jnp.ones((1, HID), f32)), jnp.zeros((8, DH), f32)],
        axis=0)
    r2 = jnp.zeros((16, DH), f32).at[HEADS].set(1.0)

    loop = jnp.arange(N, dtype=i32)
    padv = jnp.full((PAD,), N, dtype=i32)
    srcp = jnp.concatenate([edge_index[0].astype(i32), loop, padv])
    dstp = jnp.concatenate([edge_index[1].astype(i32), loop, padv])
    sd_attn = jnp.concatenate(
        [srcp.reshape(NW, CHW, 1, K), dstp.reshape(NW, CHW, 1, K)], axis=2)
    sd_agg = jnp.concatenate(
        [srcp.reshape(NS, CHT, 1, K), dstp.reshape(NS, CHT, 1, K)], axis=2)

    hh, als, ald, m16 = pl.pallas_call(
        _k0_body,
        out_shape=(
            jax.ShapeDtypeStruct((NC, NP_, DHALF), f32),
            jax.ShapeDtypeStruct((NP_, 16), f32),
            jax.ShapeDtypeStruct((NP_, 16), f32),
            jax.ShapeDtypeStruct((1, 16), f32),
        ),
    )(xp, W_gat, a1, a2)

    ex3, den2 = _make_attn_kernel(CHW)(als, ald, m16, sd_attn)
    ex_agg = ex3.reshape(NS * CHT, K, 16)
    acc_gat = _make_agg_kernel(CHT, scaled=True)(hh, ex_agg, sd_agg)

    h2h = pl.pallas_call(
        _kd_body,
        out_shape=jax.ShapeDtypeStruct((NC, NP_, DHALF), f32),
    )(acc_gat, den2, W_gcn, r1, r2)

    acc_gcn = _make_agg_kernel(CHT, scaled=False)(h2h, ex_agg, sd_agg)

    y = pl.pallas_call(
        _ke_body,
        out_shape=jax.ShapeDtypeStruct((NP_, D_OUT), f32),
    )(acc_gcn, den2, r2)

    return y[:N]

# --- scband reference (transcript-rebuilt; emitter-appended) ---
"""Pipeline reference for scband-gat-multi-heads-35527969472816 (READ-ONLY COPY).

The authoritative reference and input builder live on the scoring server;
editing this copy changes nothing except your own understanding.
"""

import jax, jax.numpy as jnp
import numpy as np

N = 10000
E = 320000
D_IN = 128
HEADS = 8
HID = 16
D_OUT = 128

def setup_inputs(seed: int = 0):
    key = jax.random.key(seed)
    ks = jax.random.split(key, 6)
    x = jax.random.normal(ks[0], (N, D_IN), dtype=jnp.float32)
    edge_index = jax.random.randint(ks[1], (2, E), 0, N, dtype=jnp.int32)
    W_gat = jax.random.normal(ks[2], (D_IN, HEADS * HID), dtype=jnp.float32) / np.sqrt(D_IN)
    a_src = jax.random.normal(ks[3], (HEADS, HID), dtype=jnp.float32) / np.sqrt(HID)
    a_dst = jax.random.normal(ks[4], (HEADS, HID), dtype=jnp.float32) / np.sqrt(HID)
    W_gcn = jax.random.normal(ks[5], (HEADS * HID, D_OUT), dtype=jnp.float32) / np.sqrt(HEADS * HID)
    return {"x": x, "edge_index": edge_index, "W_gat": W_gat, "a_src": a_src, "a_dst": a_dst, "W_gcn": W_gcn}

def _gat_layer(x, src, dst, W_gat, a_src, a_dst):
    # PyG GATConv, bias=False, concat heads, negative_slope=0.2
    h = (x @ W_gat).reshape(N, HEADS, HID)
    al_src = (h * a_src[None]).sum(-1)  # [N, H]
    al_dst = (h * a_dst[None]).sum(-1)  # [N, H]
    e = al_src[src] + al_dst[dst]       # [E, H]
    e = jnp.where(e > 0, e, 0.2 * e)    # leaky_relu
    e_max = jax.ops.segment_max(e, dst, num_segments=N)
    e_max = jax.lax.stop_gradient(jnp.where(jnp.isfinite(e_max), e_max, 0.0))
    ex = jnp.exp(e - e_max[dst])
    denom = jax.ops.segment_sum(ex, dst, num_segments=N)
    alpha = ex / (denom[dst] + 1e-16)
    out = jax.ops.segment_sum(h[src] * alpha[:, :, None], dst, num_segments=N)
    return out.reshape(N, HEADS * HID)

def _gcn_layer(x, src, dst, W_gcn):
    # PyG GCNConv, bias=False, normalize=True (sym D^-1/2 A D^-1/2 with self loops)
    w = jnp.ones((src.shape[0],), dtype=x.dtype)
    deg = jax.ops.segment_sum(w, dst, num_segments=N)
    dinv = jnp.where(deg > 0, deg ** -0.5, 0.0)
    norm = dinv[src] * w * dinv[dst]
    h = x @ W_gcn
    return jax.ops.segment_sum(h[src] * norm[:, None], dst, num_segments=N)

def reference(x, edge_index, W_gat, a_src, a_dst, W_gcn):
    # both PyG convs add self loops by default
    loop = jnp.arange(N, dtype=edge_index.dtype)
    ei = jnp.concatenate([edge_index, jnp.stack([loop, loop])], axis=1)
    src, dst = ei[0], ei[1]
    y_gat = _gat_layer(x, src, dst, W_gat, a_src, a_dst)
    y = _gcn_layer(y_gat, src, dst, W_gcn)
    return y

if __name__ == "__main__":
    import jax
    _d = setup_inputs()
    print(jax.jit(kernel)(*tuple(_d.values())))

</pallas_src>

<mosaic_0001>
#map = affine_map<(d0, d1) -> (0, 0, 0)>
#map1 = affine_map<(d0, d1) -> (0, 0, 0, 0)>
module attributes {stable_mosaic.version = 14 : i64} {
  func.func @agg(%arg0: i32, %arg1: i32, %arg2: memref<2x10112x64xf32, #tpu.memory_space<hbm>>, %arg3: memref<2624x128x16xf32, #tpu.memory_space<hbm>>, %arg4: memref<16x164x2x128xi32, #tpu.memory_space<hbm>>, %arg5: memref<2x10112x64xf32, #tpu.memory_space<hbm>>, %arg6: memref<2x128xi32, #tpu.memory_space<vmem>>, %arg7: memref<2x128xi32, #tpu.memory_space<vmem>>, %arg8: memref<2x128xi32, #tpu.memory_space<vmem>>, %arg9: memref<2x128xi32, #tpu.memory_space<vmem>>, %arg10: memref<128x64xf32, #tpu.memory_space<vmem>>, %arg11: memref<128x64xf32, #tpu.memory_space<vmem>>, %arg12: memref<128x16xf32, #tpu.memory_space<vmem>>, %arg13: memref<128x16xf32, #tpu.memory_space<vmem>>, %arg14: memref<632x64xf32, #tpu.memory_space<vmem>>, %arg15: memref<!tpu.dma_semaphore, #tpu.memory_space<semaphore_mem>>, %arg16: memref<!tpu.dma_semaphore, #tpu.memory_space<semaphore_mem>>, %arg17: memref<!tpu.dma_semaphore, #tpu.memory_space<semaphore_mem>>, %arg18: memref<!tpu.dma_semaphore, #tpu.memory_space<semaphore_mem>>, %arg19: memref<!tpu.dma_semaphore, #tpu.memory_space<semaphore_mem>>, %arg20: memref<!tpu.dma_semaphore, #tpu.memory_space<semaphore_mem>>, %arg21: memref<!tpu.dma_semaphore, #tpu.memory_space<semaphore_mem>>, %arg22: memref<!tpu.dma_semaphore, #tpu.memory_space<semaphore_mem>>, %arg23: memref<!tpu.dma_semaphore, #tpu.memory_space<semaphore_mem>>, %arg24: memref<!tpu.dma_semaphore, #tpu.memory_space<semaphore_mem>>, %arg25: memref<10112x64xf32, #tpu.memory_space<vmem_shared>>) attributes {dimension_semantics = [#tpu.dimension_semantics<core_parallel>, #tpu.dimension_semantics<subcore_parallel>], iteration_bounds = array<i64: 2, 16>, scalar_prefetch = 0 : i64, scratch_operands = 20 : i64, tpu.core_type = #tpu.core_type<sc_vector_subcore>, window_params = [{transform_indices = #map}, {transform_indices = #map}, {transform_indices = #map1}, {transform_indices = #map}]} {
    %broadcast_in_dim3A = arith.constant 0.000000e+00 : f32
    %broadcast_in_dim3A_0 = vector.broadcast %broadcast_in_dim3A : f32 to vector<16xf32>
    %scan3A = arith.constant 0 : i32
    %scan3A_1 = arith.constant 0 : i32
    %scan3A_2 = arith.constant 632 : i32
    %scan3A_3 = arith.addi %scan3A_1, %scan3A_2 : i32
    %scan3A_4 = arith.constant 1 : i32
    %scan3A_5 = scf.for %scan3A_50 = %scan3A_1 to %scan3A_3 step %scan3A_4 iter_args(%scan3A_51 = %scan3A) -> (i32)  : i32 {
      %swap3A = arith.index_cast %scan3A_50 : i32 to index
      %swap3A_52 = arith.constant 0 : index
      %swap3A_53 = tpu.vector_load %arg14[%swap3A, %swap3A_52] {strides = array<i32>} : memref<632x64xf32, #tpu.memory_space<vmem>>, vector<1x16xf32>,
      %swap3A_54 = vector.shape_cast %swap3A_53 : vector<1x16xf32> to vector<16xf32>
      %swap3A_55 = vector.shape_cast %broadcast_in_dim3A_0 : vector<16xf32> to vector<1x16xf32>
      tpu.vector_store %arg14[%swap3A, %swap3A_52], %swap3A_55 {strides = array<i32>} : memref<632x64xf32, #tpu.memory_space<vmem>>, vector<1x16xf32>,
      %swap3A_56 = arith.index_cast %scan3A_50 : i32 to index
      %swap3A_57 = arith.constant 16 : index
      %swap3A_58 = tpu.vector_load %arg14[%swap3A_56, %swap3A_57] {strides = array<i32>} : memref<632x64xf32, #tpu.memory_space<vmem>>, vector<1x16xf32>,
      %swap3A_59 = vector.shape_cast %swap3A_58 : vector<1x16xf32> to vector<16xf32>
      %swap3A_60 = vector.shape_cast %broadcast_in_dim3A_0 : vector<16xf32> to vector<1x16xf32>
      tpu.vector_store %arg14[%swap3A_56, %swap3A_57], %swap3A_60 {strides = array<i32>} : memref<632x64xf32, #tpu.memory_space<vmem>>, vector<1x16xf32>,
      %swap3A_61 = arith.index_cast %scan3A_50 : i32 to index
      %swap3A_62 = arith.constant 32 : index
      %swap3A_63 = tpu.vector_load %arg14[%swap3A_61, %swap3A_62] {strides = array<i32>} : memref<632x64xf32, #tpu.memory_space<vmem>>, vector<1x16xf32>,
      %swap3A_64 = vector.shape_cast %swap3A_63 : vector<1x16xf32> to vector<16xf32>
      %swap3A_65 = vector.shape_cast %broadcast_in_dim3A_0 : vector<16xf32> to vector<1x16xf32>
      tpu.vector_store %arg14[%swap3A_61, %swap3A_62], %swap3A_65 {strides = array<i32>} : memref<632x64xf32, #tpu.memory_space<vmem>>, vector<1x16xf32>,
      %swap3A_66 = arith.index_cast %scan3A_50 : i32 to index
      %swap3A_67 = arith.constant 48 : index
      %swap3A_68 = tpu.vector_load %arg14[%swap3A_66, %swap3A_67] {strides = array<i32>} : memref<632x64xf32, #tpu.memory_space<vmem>>, vector<1x16xf32>,
      %swap3A_69 = vector.shape_cast %swap3A_68 : vector<1x16xf32> to vector<16xf32>
      %swap3A_70 = vector.shape_cast %broadcast_in_dim3A_0 : vector<16xf32> to vector<1x16xf32>
      tpu.vector_store %arg14[%swap3A_66, %swap3A_67], %swap3A_70 {strides = array<i32>} : memref<632x64xf32, #tpu.memory_space<vmem>>, vector<1x16xf32>,
      %scan3A_71 = arith.constant 0 : i32
      scf.yield %scan3A_71 : i32
    }
    %scan3A_6 = arith.constant 632 : i32
    %mul3A = arith.constant 632 : i32
    %mul3A_7 = arith.muli %arg1, %mul3A : i32
    "tpu.region"() ({
      %run_scoped3A_50 = tpu.sem_alloc : memref<!tpu.dma_semaphore, #tpu.memory_space<semaphore_mem>>
      %dma_start3A_51 = arith.constant 0 : i32
      %dma_start3A_52 = tpu.memref_slice %arg25[%mul3A_7, %dma_start3A_51] : memref<10112x64xf32, #tpu.memory_space<vmem_shared>> -> memref<632x64xf32, #tpu.memory_space<vmem_shared>>
      %dma_start3A_53 = arith.constant 0 : i32
      %dma_start3A_54 = tpu.memref_slice %arg25[%mul3A_7, %dma_start3A_53] : memref<10112x64xf32, #tpu.memory_space<vmem_shared>> -> memref<632x64xf32, #tpu.memory_space<vmem_shared>>
      tpu.enqueue_dma source(%arg14 : memref<632x64xf32, #tpu.memory_space<vmem>>) target(%dma_start3A_54 : memref<632x64xf32, #tpu.memory_space<vmem_shared>>) target_semaphore(%run_scoped3A_50 : memref<!tpu.dma_semaphore, #tpu.memory_space<semaphore_mem>>)
      %dma_wait3A_55 = arith.constant 0 : i32
      %dma_wait3A_56 = tpu.memref_slice %arg25[%mul3A_7, %dma_wait3A_55] : memref<10112x64xf32, #tpu.memory_space<vmem_shared>> -> memref<632x64xf32, #tpu.memory_space<vmem_shared>>
      %dma_wait3A_57 = arith.constant 0 : i32
      %dma_wait3A_58 = tpu.memref_slice %arg25[%mul3A_7, %dma_wait3A_57] : memref<10112x64xf32, #tpu.memory_space<vmem_shared>> -> memref<632x64xf32, #tpu.memory_space<vmem_shared>>
      tpu.wait_dma2 semaphore(%run_scoped3A_50 : memref<!tpu.dma_semaphore, #tpu.memory_space<semaphore_mem>>) src(%arg14 : memref<632x64xf32, #tpu.memory_space<vmem>>) dst(%dma_wait3A_58 : memref<632x64xf32, #tpu.memory_space<vmem_shared>>)
      tpu.yield
    }) : () -> ()
    %run_scoped3A = arith.constant 0 : i32
    "tpu.region"() ({
      %run_scoped3A_50 = tpu.sem_alloc : memref<!tpu.dma_semaphore, #tpu.memory_space<semaphore_mem>>
      %dma_start3A_51 = arith.constant 0 : i32
      %dma_start3A_52 = arith.constant 0 : i32
      %dma_start3A_53 = tpu.memref_slice %arg4[%arg1, %run_scoped3A, %dma_start3A_51, %dma_start3A_52] : memref<16x164x2x128xi32, #tpu.memory_space<hbm>> -> memref<1x1x2x128xi32, #tpu.memory_space<hbm>>
      %dma_start3A_54 = tpu.memref_squeeze %dma_start3A_53 : memref<1x1x2x128xi32, #tpu.memory_space<hbm>> -> memref<2x128xi32, #tpu.memory_space<hbm>>
      %dma_start3A_55 = arith.constant 0 : i32
      %dma_start3A_56 = arith.constant 0 : i32
      %dma_start3A_57 = tpu.memref_slice %arg4[%arg1, %run_scoped3A, %dma_start3A_55, %dma_start3A_56] : memref<16x164x2x128xi32, #tpu.memory_space<hbm>> -> memref<1x1x2x128xi32, #tpu.memory_space<hbm>>
      %dma_start3A_58 = tpu.memref_squeeze %dma_start3A_57 : memref<1x1x2x128xi32, #tpu.memory_space<hbm>> -> memref<2x128xi32, #tpu.memory_space<hbm>>
      tpu.enqueue_dma source(%dma_start3A_58 : memref<2x128xi32, #tpu.memory_space<hbm>>) target(%arg6 : memref<2x128xi32, #tpu.memory_space<vmem>>) target_semaphore(%run_scoped3A_50 : memref<!tpu.dma_semaphore, #tpu.memory_space<semaphore_mem>>)
      %dma_wait3A_59 = arith.constant 0 : i32
      %dma_wait3A_60 = arith.constant 0 : i32
      %dma_wait3A_61 = tpu.memref_slice %arg4[%arg1, %run_scoped3A, %dma_wait3A_59, %dma_wait3A_60] : memref<16x164x2x128xi32, #tpu.memory_space<hbm>> -> memref<1x1x2x128xi32, #tpu.memory_space<hbm>>
      %dma_wait3A_62 = tpu.memref_squeeze %dma_wait3A_61 : memref<1x1x2x128xi32, #tpu.memory_space<hbm>> -> memref<2x128xi32, #tpu.memory_space<hbm>>
      %dma_wait3A_63 = arith.constant 0 : i32
      %dma_wait3A_64 = arith.constant 0 : i32
      %dma_wait3A_65 = tpu.memref_slice %arg4[%arg1, %run_scoped3A, %dma_wait3A_63, %dma_wait3A_64] : memref<16x164x2x128xi32, #tpu.memory_space<hbm>> -> memref<1x1x2x128xi32, #tpu.memory_space<hbm>>
      %dma_wait3A_66 = tpu.memref_squeeze %dma_wait3A_65 : memref<1x1x2x128xi32, #tpu.memory_space<hbm>> -> memref<2x128xi32, #tpu.memory_space<hbm>>
      tpu.wait_dma2 semaphore(%run_scoped3A_50 : memref<!tpu.dma_semaphore, #tpu.memory_space<semaphore_mem>>) src(%dma_wait3A_66 : memref<2x128xi32, #tpu.memory_space<hbm>>) dst(%arg6 : memref<2x128xi32, #tpu.memory_space<vmem>>)
      tpu.yield
    }) : () -> ()
    %dma_start3A = arith.constant 1 : i32
    %dma_start3A_8 = arith.constant 0 : i32
    %dma_start3A_9 = arith.constant 0 : i32
    %dma_start3A_10 = tpu.memref_slice %arg4[%arg1, %dma_start3A, %dma_start3A_8, %dma_start3A_9] : memref<16x164x2x128xi32, #tpu.memory_space<hbm>> -> memref<1x1x2x128xi32, #tpu.memory_space<hbm>>
    %dma_start3A_11 = tpu.memref_squeeze %dma_start3A_10 : memref<1x1x2x128xi32, #tpu.memory_space<hbm>> -> memref<2x128xi32, #tpu.memory_space<hbm>>
    %dma_start3A_12 = arith.constant 0 : i32
    %dma_start3A_13 = arith.constant 0 : i32
    %dma_start3A_14 = tpu.memref_slice %arg4[%arg1, %dma_start3A, %dma_start3A_12, %dma_start3A_13] : memref<16x164x2x128xi32, #tpu.memory_space<hbm>> -> memref<1x1x2x128xi32, #tpu.memory_space<hbm>>
    %dma_start3A_15 = tpu.memref_squeeze %dma_start3A_14 : memref<1x1x2x128xi32, #tpu.memory_space<hbm>> -> memref<2x128xi32, #tpu.memory_space<hbm>>
    tpu.enqueue_dma source(%dma_start3A_15 : memref<2x128xi32, #tpu.memory_space<hbm>>) target(%arg7 : memref<2x128xi32, #tpu.memory_space<vmem>>) target_semaphore(%arg16 : memref<!tpu.dma_semaphore, #tpu.memory_space<semaphore_mem>>)
    %eq3A = arith.constant 0 : i32
    %eq3A_16 = arith.cmpi eq, %arg0, %eq3A : i32
    %convert_element_type3A = arith.extui %eq3A_16 : i1 to i32
    %cond3A = arith.constant 0 : i32
    %cond3A_17 = arith.cmpi ne, %convert_element_type3A, %cond3A : i32
    scf.if %cond3A_17 {
      %dma_start3A_50 = arith.constant 0 : i32
      %dma_start3A_51 = arith.constant 0 : i32
      %dma_start3A_52 = arith.constant 0 : i32
      %dma_start3A_53 = tpu.memref_slice %arg6[%dma_start3A_51, %dma_start3A_52] : memref<2x128xi32, #tpu.memory_space<vmem>> -> memref<1x128xi32, #tpu.memory_space<vmem>>
      %dma_start3A_54 = tpu.memref_squeeze %dma_start3A_53 : memref<1x128xi32, #tpu.memory_space<vmem>> -> memref<128xi32, #tpu.memory_space<vmem>>
      %dma_start3A_55 = arith.constant 0 : i32
      %dma_start3A_56 = arith.constant 0 : i32
      %dma_start3A_57 = tpu.memref_slice %arg2[%dma_start3A_50, %dma_start3A_55, %dma_start3A_56] : memref<2x10112x64xf32, #tpu.memory_space<hbm>> -> memref<1x10112x64xf32, #tpu.memory_space<hbm>>
      %dma_start3A_58 = tpu.memref_squeeze %dma_start3A_57 : memref<1x10112x64xf32, #tpu.memory_space<hbm>> -> memref<10112x64xf32, #tpu.memory_space<hbm>>
      %dma_start3A_59 = arith.constant 0 : i32
      %dma_start3A_60 = arith.constant 0 : i32
      %dma_start3A_61 = tpu.memref_slice %dma_start3A_58[%dma_start3A_59, %dma_start3A_60] : memref<10112x64xf32, #tpu.memory_space<hbm>> -> memref<10112x64xf32, #tpu.memory_space<hbm>>
      tpu.enqueue_indirect_dma source(%dma_start3A_61 : memref<10112x64xf32, #tpu.memory_space<hbm>>) target(%arg10 : memref<128x64xf32, #tpu.memory_space<vmem>>) offsets(%dma_start3A_54 : memref<128xi32, #tpu.memory_space<vmem>>) semaphore(%arg19 : memref<!tpu.dma_semaphore, #tpu.memory_space<semaphore_mem>>)
    } else {
    }
    %ne3A = arith.constant 0 : i32
    %ne3A_18 = arith.cmpi ne, %arg0, %ne3A : i32
    %convert_element_type3A_19 = arith.extui %ne3A_18 : i1 to i32
    %cond3A_20 = arith.constant 0 : i32
    %cond3A_21 = arith.cmpi ne, %convert_element_type3A_19, %cond3A_20 : i32
    scf.if %cond3A_21 {
      %dma_start3A_50 = arith.constant 1 : i32
      %dma_start3A_51 = arith.constant 0 : i32
      %dma_start3A_52 = arith.constant 0 : i32
      %dma_start3A_53 = tpu.memref_slice %arg6[%dma_start3A_51, %dma_start3A_52] : memref<2x128xi32, #tpu.memory_space<vmem>> -> memref<1x128xi32, #tpu.memory_space<vmem>>
      %dma_start3A_54 = tpu.memref_squeeze %dma_start3A_53 : memref<1x128xi32, #tpu.memory_space<vmem>> -> memref<128xi32, #tpu.memory_space<vmem>>
      %dma_start3A_55 = arith.constant 0 : i32
      %dma_start3A_56 = arith.constant 0 : i32
      %dma_start3A_57 = tpu.memref_slice %arg2[%dma_start3A_50, %dma_start3A_55, %dma_start3A_56] : memref<2x10112x64xf32, #tpu.memory_space<hbm>> -> memref<1x10112x64xf32, #tpu.memory_space<hbm>>
      %dma_start3A_58 = tpu.memref_squeeze %dma_start3A_57 : memref<1x10112x64xf32, #tpu.memory_space<hbm>> -> memref<10112x64xf32, #tpu.memory_space<hbm>>
      %dma_start3A_59 = arith.constant 0 : i32
      %dma_start3A_60 = arith.constant 0 : i32
      %dma_start3A_61 = tpu.memref_slice %dma_start3A_58[%dma_start3A_59, %dma_start3A_60] : memref<10112x64xf32, #tpu.memory_space<hbm>> -> memref<10112x64xf32, #tpu.memory_space<hbm>>
      tpu.enqueue_indirect_dma source(%dma_start3A_61 : memref<10112x64xf32, #tpu.memory_space<hbm>>) target(%arg10 : memref<128x64xf32, #tpu.memory_space<vmem>>) offsets(%dma_start3A_54 : memref<128xi32, #tpu.memory_space<vmem>>) semaphore(%arg19 : memref<!tpu.dma_semaphore, #tpu.memory_space<semaphore_mem>>)
    } else {
    }
    %mul3A_22 = arith.constant 164 : i32
    %mul3A_23 = arith.muli %arg1, %mul3A_22 : i32
    %dma_start3A_24 = arith.constant 0 : i32
    %dma_start3A_25 = arith.constant 0 : i32
    %dma_start3A_26 = tpu.memref_slice %arg3[%mul3A_23, %dma_start3A_24, %dma_start3A_25] : memref<2624x128x16xf32, #tpu.memory_space<hbm>> -> memref<1x128x16xf32, #tpu.memory_space<hbm>>
    %dma_start3A_27 = tpu.memref_squeeze %dma_start3A_26 : memref<1x128x16xf32, #tpu.memory_space<hbm>> -> memref<128x16xf32, #tpu.memory_space<hbm>>
    %dma_start3A_28 = arith.constant 0 : i32
    %dma_start3A_29 = arith.constant 0 : i32
    %dma_start3A_30 = tpu.memref_slice %arg3[%mul3A_23, %dma_start3A_28, %dma_start3A_29] : memref<2624x128x16xf32, #tpu.memory_space<hbm>> -> memref<1x128x16xf32, #tpu.memory_space<hbm>>
    %dma_start3A_31 = tpu.memref_squeeze %dma_start3A_30 : memref<1x128x16xf32, #tpu.memory_space<hbm>> -> memref<128x16xf32, #tpu.memory_space<hbm>>
    tpu.enqueue_dma source(%dma_start3A_31 : memref<128x16xf32, #tpu.memory_space<hbm>>) target(%arg12 : memref<128x16xf32, #tpu.memory_space<vmem>>) target_semaphore(%arg21 : memref<!tpu.dma_semaphore, #tpu.memory_space<semaphore_mem>>)
    %barrier3A = arith.constant 0 : index
    tpu.barrier barrier_id(%barrier3A)
    %scan3A_32 = arith.constant 0 : i32
    %scan3A_33 = arith.constant 0 : i32
    %scan3A_34 = arith.constant 41 : i32
    %scan3A_35 = arith.addi %scan3A_33, %scan3A_34 : i32
    %scan3A_36 = arith.constant 1 : i32
    %scan3A_37 = scf.for %scan3A_50 = %scan3A_33 to %scan3A_35 step %scan3A_36 iter_args(%scan3A_51 = %scan3A_32) -> (i32)  : i32 {
      %mul3A_52 = arith.constant 4 : i32
      %mul3A_53 = arith.muli %mul3A_52, %scan3A_50 : i32
      %add3A = arith.constant 0 : i32
      %add3A_54 = arith.addi %mul3A_53, %add3A : i32
      %ge3A = arith.constant 1 : i32
      %ge3A_55 = arith.cmpi sge, %add3A_54, %ge3A : i32
      %convert_element_type3A_56 = arith.extui %ge3A_55 : i1 to i32
      %cond3A_57 = arith.constant 0 : i32
      %cond3A_58 = arith.cmpi ne, %convert_element_type3A_56, %cond3A_57 : i32
      scf.if %cond3A_58 {
        %dma_wait3A_294 = arith.constant 1 : i32
        %dma_wait3A_295 = arith.constant 0 : i32
        %dma_wait3A_296 = tpu.memref_slice %arg9[%dma_wait3A_294, %dma_wait3A_295] : memref<2x128xi32, #tpu.memory_space<vmem>> -> memref<1x128xi32, #tpu.memory_space<vmem>>
        %dma_wait3A_297 = tpu.memref_squeeze %dma_wait3A_296 : memref<1x128xi32, #tpu.memory_space<vmem>> -> memref<128xi32, #tpu.memory_space<vmem>>
        %dma_wait3A_298 = arith.constant 0 : i32
        %dma_wait3A_299 = arith.constant 0 : i32
        %dma_wait3A_300 = tpu.memref_slice %arg25[%dma_wait3A_298, %dma_wait3A_299] : memref<10112x64xf32, #tpu.memory_space<vmem_shared>> -> memref<10112x64xf32, #tpu.memory_space<vmem_shared>>
        tpu.wait_indirect_dma semaphore(%arg24 : memref<!tpu.dma_semaphore, #tpu.memory_space<semaphore_mem>>) src(%arg11 : memref<128x64xf32, #tpu.memory_space<vmem>>) dst(%dma_wait3A_300 : memref<10112x64xf32, #tpu.memory_space<vmem_shared>>)
      } else {
      }
      %add3A_59 = arith.constant 2 : i32
      %add3A_60 = arith.addi %add3A_54, %add3A_59 : i32
      %lt3A = arith.constant 164 : i32
      %lt3A_61 = arith.cmpi slt, %add3A_60, %lt3A : i32
      %convert_element_type3A_62 = arith.extui %lt3A_61 : i1 to i32
      %cond3A_63 = arith.constant 0 : i32
      %cond3A_64 = arith.cmpi ne, %convert_element_type3A_62, %cond3A_63 : i32
      scf.if %cond3A_64 {
        %add3A_294 = arith.constant 2 : i32
        %add3A_295 = arith.addi %add3A_54, %add3A_294 : i32
        %dma_start3A_296 = arith.constant 0 : i32
        %dma_start3A_297 = arith.constant 0 : i32
        %dma_start3A_298 = tpu.memref_slice %arg4[%arg1, %add3A_295, %dma_start3A_296, %dma_start3A_297] : memref<16x164x2x128xi32, #tpu.memory_space<hbm>> -> memref<1x1x2x128xi32, #tpu.memory_space<hbm>>
        %dma_start3A_299 = tpu.memref_squeeze %dma_start3A_298 : memref<1x1x2x128xi32, #tpu.memory_space<hbm>> -> memref<2x128xi32, #tpu.memory_space<hbm>>
        %dma_start3A_300 = arith.constant 0 : i32
        %dma_start3A_301 = arith.constant 0 : i32
        %dma_start3A_302 = tpu.memref_slice %arg4[%arg1, %add3A_295, %dma_start3A_300, %dma_start3A_301] : memref<16x164x2x128xi32, #tpu.memory_space<hbm>> -> memref<1x1x2x128xi32, #tpu.memory_space<hbm>>
        %dma_start3A_303 = tpu.memref_squeeze %dma_start3A_302 : memref<1x1x2x128xi32, #tpu.memory_space<hbm>> -> memref<2x128xi32, #tpu.memory_space<hbm>>
        tpu.enqueue_dma source(%dma_start3A_303 : memref<2x128xi32, #tpu.memory_space<hbm>>) target(%arg8 : memref<2x128xi32, #tpu.memory_space<vmem>>) target_semaphore(%arg17 : memref<!tpu.dma_semaphore, #tpu.memory_space<semaphore_mem>>)
      } else {
      }
      %add3A_65 = arith.constant 1 : i32
      %add3A_66 = arith.addi %add3A_54, %add3A_65 : i32
      %lt3A_67 = arith.constant 164 : i32
      %lt3A_68 = arith.cmpi slt, %add3A_66, %lt3A_67 : i32
      %convert_element_type3A_69 = arith.extui %lt3A_68 : i1 to i32
      %cond3A_70 = arith.constant 0 : i32
      %cond3A_71 = arith.cmpi ne, %convert_element_type3A_69, %cond3A_70 : i32
      scf.if %cond3A_71 {
        %add3A_294 = arith.constant 1 : i32
        %add3A_295 = arith.addi %add3A_54, %add3A_294 : i32
        %dma_wait3A_296 = arith.constant 0 : i32
        %dma_wait3A_297 = arith.constant 0 : i32
        %dma_wait3A_298 = tpu.memref_slice %arg4[%arg1, %add3A_295, %dma_wait3A_296, %dma_wait3A_297] : memref<16x164x2x128xi32, #tpu.memory_space<hbm>> -> memref<1x1x2x128xi32, #tpu.memory_space<hbm>>
        %dma_wait3A_299 = tpu.memref_squeeze %dma_wait3A_298 : memref<1x1x2x128xi32, #tpu.memory_space<hbm>> -> memref<2x128xi32, #tpu.memory_space<hbm>>
        %dma_wait3A_300 = arith.constant 0 : i32
        %dma_wait3A_301 = arith.constant 0 : i32
        %dma_wait3A_302 = tpu.memref_slice %arg4[%arg1, %add3A_295, %dma_wait3A_300, %dma_wait3A_301] : memref<16x164x2x128xi32, #tpu.memory_space<hbm>> -> memref<1x1x2x128xi32, #tpu.memory_space<hbm>>
        %dma_wait3A_303 = tpu.memref_squeeze %dma_wait3A_302 : memref<1x1x2x128xi32, #tpu.memory_space<hbm>> -> memref<2x128xi32, #tpu.memory_space<hbm>>
        tpu.wait_dma2 semaphore(%arg16 : memref<!tpu.dma_semaphore, #tpu.memory_space<semaphore_mem>>) src(%dma_wait3A_303 : memref<2x128xi32, #tpu.memory_space<hbm>>) dst(%arg7 : memref<2x128xi32, #tpu.memory_space<vmem>>)
        %eq3A_304 = arith.constant 0 : i32
        %eq3A_305 = arith.cmpi eq, %arg0, %eq3A_304 : i32
        %convert_element_type3A_306 = arith.extui %eq3A_305 : i1 to i32
        %cond3A_307 = arith.constant 0 : i32
        %cond3A_308 = arith.cmpi ne, %convert_element_type3A_306, %cond3A_307 : i32
        scf.if %cond3A_308 {
          %dma_start3A_327 = arith.constant 0 : i32
          %dma_start3A_328 = arith.constant 0 : i32
          %dma_start3A_329 = arith.constant 0 : i32
          %dma_start3A_330 = tpu.memref_slice %arg7[%dma_start3A_328, %dma_start3A_329] : memref<2x128xi32, #tpu.memory_space<vmem>> -> memref<1x128xi32, #tpu.memory_space<vmem>>
          %dma_start3A_331 = tpu.memref_squeeze %dma_start3A_330 : memref<1x128xi32, #tpu.memory_space<vmem>> -> memref<128xi32, #tpu.memory_space<vmem>>
          %dma_start3A_332 = arith.constant 0 : i32
          %dma_start3A_333 = arith.constant 0 : i32
          %dma_start3A_334 = tpu.memref_slice %arg2[%dma_start3A_327, %dma_start3A_332, %dma_start3A_333] : memref<2x10112x64xf32, #tpu.memory_space<hbm>> -> memref<1x10112x64xf32, #tpu.memory_space<hbm>>
          %dma_start3A_335 = tpu.memref_squeeze %dma_start3A_334 : memref<1x10112x64xf32, #tpu.memory_space<hbm>> -> memref<10112x64xf32, #tpu.memory_space<hbm>>
          %dma_start3A_336 = arith.constant 0 : i32
          %dma_start3A_337 = arith.constant 0 : i32
          %dma_start3A_338 = tpu.memref_slice %dma_start3A_335[%dma_start3A_336, %dma_start3A_337] : memref<10112x64xf32, #tpu.memory_space<hbm>> -> memref<10112x64xf32, #tpu.memory_space<hbm>>
          tpu.enqueue_indirect_dma source(%dma_start3A_338 : memref<10112x64xf32, #tpu.memory_space<hbm>>) target(%arg11 : memref<128x64xf32, #tpu.memory_space<vmem>>) offsets(%dma_start3A_331 : memref<128xi32, #tpu.memory_space<vmem>>) semaphore(%arg20 : memref<!tpu.dma_semaphore, #tpu.memory_space<semaphore_mem>>)
        } else {
        }
        %ne3A_309 = arith.constant 0 : i32
        %ne3A_310 = arith.cmpi ne, %arg0, %ne3A_309 : i32
        %convert_element_type3A_311 = arith.extui %ne3A_310 : i1 to i32
        %cond3A_312 = arith.constant 0 : i32
        %cond3A_313 = arith.cmpi ne, %convert_element_type3A_311, %cond3A_312 : i32
        scf.if %cond3A_313 {
          %dma_start3A_327 = arith.constant 1 : i32
          %dma_start3A_328 = arith.constant 0 : i32
          %dma_start3A_329 = arith.constant 0 : i32
          %dma_start3A_330 = tpu.memref_slice %arg7[%dma_start3A_328, %dma_start3A_329] : memref<2x128xi32, #tpu.memory_space<vmem>> -> memref<1x128xi32, #tpu.memory_space<vmem>>
          %dma_start3A_331 = tpu.memref_squeeze %dma_start3A_330 : memref<1x128xi32, #tpu.memory_space<vmem>> -> memref<128xi32, #tpu.memory_space<vmem>>
          %dma_start3A_332 = arith.constant 0 : i32
          %dma_start3A_333 = arith.constant 0 : i32
          %dma_start3A_334 = tpu.memref_slice %arg2[%dma_start3A_327, %dma_start3A_332, %dma_start3A_333] : memref<2x10112x64xf32, #tpu.memory_space<hbm>> -> memref<1x10112x64xf32, #tpu.memory_space<hbm>>
          %dma_start3A_335 = tpu.memref_squeeze %dma_start3A_334 : memref<1x10112x64xf32, #tpu.memory_space<hbm>> -> memref<10112x64xf32, #tpu.memory_space<hbm>>
          %dma_start3A_336 = arith.constant 0 : i32
          %dma_start3A_337 = arith.constant 0 : i32
          %dma_start3A_338 = tpu.memref_slice %dma_start3A_335[%dma_start3A_336, %dma_start3A_337] : memref<10112x64xf32, #tpu.memory_space<hbm>> -> memref<10112x64xf32, #tpu.memory_space<hbm>>
          tpu.enqueue_indirect_dma source(%dma_start3A_338 : memref<10112x64xf32, #tpu.memory_space<hbm>>) target(%arg11 : memref<128x64xf32, #tpu.memory_space<vmem>>) offsets(%dma_start3A_331 : memref<128xi32, #tpu.memory_space<vmem>>) semaphore(%arg20 : memref<!tpu.dma_semaphore, #tpu.memory_space<semaphore_mem>>)
        } else {
        }
        %mul3A_314 = arith.constant 164 : i32
        %mul3A_315 = arith.muli %arg1, %mul3A_314 : i32
        %add3A_316 = arith.addi %mul3A_315, %add3A_54 : i32
        %add3A_317 = arith.constant 1 : i32
        %add3A_318 = arith.addi %add3A_316, %add3A_317 : i32
        %dma_start3A_319 = arith.constant 0 : i32
        %dma_start3A_320 = arith.constant 0 : i32
        %dma_start3A_321 = tpu.memref_slice %arg3[%add3A_318, %dma_start3A_319, %dma_start3A_320] : memref<2624x128x16xf32, #tpu.memory_space<hbm>> -> memref<1x128x16xf32, #tpu.memory_space<hbm>>
        %dma_start3A_322 = tpu.memref_squeeze %dma_start3A_321 : memref<1x128x16xf32, #tpu.memory_space<hbm>> -> memref<128x16xf32, #tpu.memory_space<hbm>>
        %dma_start3A_323 = arith.constant 0 : i32
        %dma_start3A_324 = arith.constant 0 : i32
        %dma_start3A_325 = tpu.memref_slice %arg3[%add3A_318, %dma_start3A_323, %dma_start3A_324] : memref<2624x128x16xf32, #tpu.memory_space<hbm>> -> memref<1x128x16xf32, #tpu.memory_space<hbm>>
        %dma_start3A_326 = tpu.memref_squeeze %dma_start3A_325 : memref<1x128x16xf32, #tpu.memory_space<hbm>> -> memref<128x16xf32, #tpu.memory_space<hbm>>
        tpu.enqueue_dma source(%dma_start3A_326 : memref<128x16xf32, #tpu.memory_space<hbm>>) target(%arg13 : memref<128x16xf32, #tpu.memory_space<vmem>>) target_semaphore(%arg22 : memref<!tpu.dma_semaphore, #tpu.memory_space<semaphore_mem>>)
      } else {
      }
      %eq3A_72 = arith.constant 0 : i32
      %eq3A_73 = arith.cmpi eq, %arg0, %eq3A_72 : i32
      %convert_element_type3A_74 = arith.extui %eq3A_73 : i1 to i32
      %cond3A_75 = arith.constant 0 : i32
      %cond3A_76 = arith.cmpi ne, %convert_element_type3A_74, %cond3A_75 : i32
      scf.if %cond3A_76 {
        %dma_wait3A_294 = arith.constant 0 : i32
        %dma_wait3A_295 = arith.constant 0 : i32
        %dma_wait3A_296 = arith.constant 0 : i32
        %dma_wait3A_297 = tpu.memref_slice %arg6[%dma_wait3A_295, %dma_wait3A_296] : memref<2x128xi32, #tpu.memory_space<vmem>> -> memref<1x128xi32, #tpu.memory_space<vmem>>
        %dma_wait3A_298 = tpu.memref_squeeze %dma_wait3A_297 : memref<1x128xi32, #tpu.memory_space<vmem>> -> memref<128xi32, #tpu.memory_space<vmem>>
        %dma_wait3A_299 = arith.constant 0 : i32
        %dma_wait3A_300 = arith.constant 0 : i32
        %dma_wait3A_301 = tpu.memref_slice %arg2[%dma_wait3A_294, %dma_wait3A_299, %dma_wait3A_300] : memref<2x10112x64xf32, #tpu.memory_space<hbm>> -> memref<1x10112x64xf32, #tpu.memory_space<hbm>>
        %dma_wait3A_302 = tpu.memref_squeeze %dma_wait3A_301 : memref<1x10112x64xf32, #tpu.memory_space<hbm>> -> memref<10112x64xf32, #tpu.memory_space<hbm>>
        %dma_wait3A_303 = arith.constant 0 : i32
        %dma_wait3A_304 = arith.constant 0 : i32
        %dma_wait3A_305 = tpu.memref_slice %dma_wait3A_302[%dma_wait3A_303, %dma_wait3A_304] : memref<10112x64xf32, #tpu.memory_space<hbm>> -> memref<10112x64xf32, #tpu.memory_space<hbm>>
        tpu.wait_indirect_dma semaphore(%arg19 : memref<!tpu.dma_semaphore, #tpu.memory_space<semaphore_mem>>) src(%dma_wait3A_305 : memref<10112x64xf32, #tpu.memory_space<hbm>>) dst(%arg10 : memref<128x64xf32, #tpu.memory_space<vmem>>)
      } else {
      }
      %ne3A_77 = arith.constant 0 : i32
      %ne3A_78 = arith.cmpi ne, %arg0, %ne3A_77 : i32
      %convert_element_type3A_79 = arith.extui %ne3A_78 : i1 to i32
      %cond3A_80 = arith.constant 0 : i32
      %cond3A_81 = arith.cmpi ne, %convert_element_type3A_79, %cond3A_80 : i32
      scf.if %cond3A_81 {
        %dma_wait3A_294 = arith.constant 1 : i32
        %dma_wait3A_295 = arith.constant 0 : i32
        %dma_wait3A_296 = arith.constant 0 : i32
        %dma_wait3A_297 = tpu.memref_slice %arg6[%dma_wait3A_295, %dma_wait3A_296] : memref<2x128xi32, #tpu.memory_space<vmem>> -> memref<1x128xi32, #tpu.memory_space<vmem>>
        %dma_wait3A_298 = tpu.memref_squeeze %dma_wait3A_297 : memref<1x128xi32, #tpu.memory_space<vmem>> -> memref<128xi32, #tpu.memory_space<vmem>>
        %dma_wait3A_299 = arith.constant 0 : i32
        %dma_wait3A_300 = arith.constant 0 : i32
        %dma_wait3A_301 = tpu.memref_slice %arg2[%dma_wait3A_294, %dma_wait3A_299, %dma_wait3A_300] : memref<2x10112x64xf32, #tpu.memory_space<hbm>> -> memref<1x10112x64xf32, #tpu.memory_space<hbm>>
        %dma_wait3A_302 = tpu.memref_squeeze %dma_wait3A_301 : memref<1x10112x64xf32, #tpu.memory_space<hbm>> -> memref<10112x64xf32, #tpu.memory_space<hbm>>
        %dma_wait3A_303 = arith.constant 0 : i32
        %dma_wait3A_304 = arith.constant 0 : i32
        %dma_wait3A_305 = tpu.memref_slice %dma_wait3A_302[%dma_wait3A_303, %dma_wait3A_304] : memref<10112x64xf32, #tpu.memory_space<hbm>> -> memref<10112x64xf32, #tpu.memory_space<hbm>>
        tpu.wait_indirect_dma semaphore(%arg19 : memref<!tpu.dma_semaphore, #tpu.memory_space<semaphore_mem>>) src(%dma_wait3A_305 : memref<10112x64xf32, #tpu.memory_space<hbm>>) dst(%arg10 : memref<128x64xf32, #tpu.memory_space<vmem>>)
      } else {
      }
      %mul3A_82 = arith.constant 164 : i32
      %mul3A_83 = arith.muli %arg1, %mul3A_82 : i32
      %add3A_84 = arith.addi %mul3A_83, %add3A_54 : i32
      %dma_wait3A_85 = arith.constant 0 : i32
      %dma_wait3A_86 = arith.constant 0 : i32
      %dma_wait3A_87 = tpu.memref_slice %arg3[%add3A_84, %dma_wait3A_85, %dma_wait3A_86] : memref<2624x128x16xf32, #tpu.memory_space<hbm>> -> memref<1x128x16xf32, #tpu.memory_space<hbm>>
      %dma_wait3A_88 = tpu.memref_squeeze %dma_wait3A_87 : memref<1x128x16xf32, #tpu.memory_space<hbm>> -> memref<128x16xf32, #tpu.memory_space<hbm>>
      %dma_wait3A_89 = arith.constant 0 : i32
      %dma_wait3A_90 = arith.constant 0 : i32
      %dma_wait3A_91 = tpu.memref_slice %arg3[%add3A_84, %dma_wait3A_89, %dma_wait3A_90] : memref<2624x128x16xf32, #tpu.memory_space<hbm>> -> memref<1x128x16xf32, #tpu.memory_space<hbm>>
      %dma_wait3A_92 = tpu.memref_squeeze %dma_wait3A_91 : memref<1x128x16xf32, #tpu.memory_space<hbm>> -> memref<128x16xf32, #tpu.memory_space<hbm>>
      tpu.wait_dma2 semaphore(%arg21 : memref<!tpu.dma_semaphore, #tpu.memory_space<semaphore_mem>>) src(%dma_wait3A_92 : memref<128x16xf32, #tpu.memory_space<hbm>>) dst(%arg12 : memref<128x16xf32, #tpu.memory_space<vmem>>)
      %eq3A_93 = arith.constant 0 : i32
      %eq3A_94 = arith.cmpi eq, %arg0, %eq3A_93 : i32
      %convert_element_type3A_95 = arith.extui %eq3A_94 : i1 to i32
      %cond3A_96 = arith.constant 0 : i32
      %cond3A_97 = arith.cmpi ne, %convert_element_type3A_95, %cond3A_96 : i32
      scf.if %cond3A_97 {
        %scan3A_294 = arith.constant 0 : i32
        %scan3A_295 = arith.constant 0 : i32
        %scan3A_296 = arith.constant 128 : i32
        %scan3A_297 = arith.addi %scan3A_295, %scan3A_296 : i32
        %scan3A_298 = arith.constant 1 : i32
        %scan3A_299 = scf.for %scan3A_301 = %scan3A_295 to %scan3A_297 step %scan3A_298 iter_args(%scan3A_302 = %scan3A_294) -> (i32)  : i32 {
          %get3A = arith.index_cast %scan3A_301 : i32 to index
          %get3A_303 = arith.constant 0 : index
          %get3A_304 = tpu.vector_load %arg12[%get3A, %get3A_303] {strides = array<i32>} : memref<128x16xf32, #tpu.memory_space<vmem>>, vector<1x16xf32>,
          %get3A_305 = vector.shape_cast %get3A_304 : vector<1x16xf32> to vector<16xf32>
          %get3A_306 = arith.index_cast %scan3A_301 : i32 to index
          %get3A_307 = arith.constant 0 : index
          %get3A_308 = tpu.vector_load %arg10[%get3A_306, %get3A_307] {strides = array<i32>} : memref<128x64xf32, #tpu.memory_space<vmem>>, vector<1x16xf32>,
          %get3A_309 = vector.shape_cast %get3A_308 : vector<1x16xf32> to vector<16xf32>
          %slice3A = vector.extract_strided_slice %get3A_305 {offsets = [0], sizes = [1], strides = [1]} : vector<16xf32> to vector<1xf32>
          %squeeze3A = vector.extract %slice3A[0] : f32 from vector<1xf32>
          %mul3A_310 = vector.broadcast %squeeze3A : f32 to vector<16xf32>
          %mul3A_311 = arith.mulf %get3A_309, %mul3A_310 : vector<16xf32>
          %swap3A = arith.index_cast %scan3A_301 : i32 to index
          %swap3A_312 = arith.constant 0 : index
          %swap3A_313 = tpu.vector_load %arg10[%swap3A, %swap3A_312] {strides = array<i32>} : memref<128x64xf32, #tpu.memory_space<vmem>>, vector<1x16xf32>,
          %swap3A_314 = vector.shape_cast %swap3A_313 : vector<1x16xf32> to vector<16xf32>
          %swap3A_315 = vector.shape_cast %mul3A_311 : vector<16xf32> to vector<1x16xf32>
          tpu.vector_store %arg10[%swap3A, %swap3A_312], %swap3A_315 {strides = array<i32>} : memref<128x64xf32, #tpu.memory_space<vmem>>, vector<1x16xf32>,
          %get3A_316 = arith.index_cast %scan3A_301 : i32 to index
          %get3A_317 = arith.constant 16 : index
          %get3A_318 = tpu.vector_load %arg10[%get3A_316, %get3A_317] {strides = array<i32>} : memref<128x64xf32, #tpu.memory_space<vmem>>, vector<1x16xf32>,
          %get3A_319 = vector.shape_cast %get3A_318 : vector<1x16xf32> to vector<16xf32>
          %slice3A_320 = vector.extract_strided_slice %get3A_305 {offsets = [1], sizes = [1], strides = [1]} : vector<16xf32> to vector<1xf32>
          %squeeze3A_321 = vector.extract %slice3A_320[0] : f32 from vector<1xf32>
          %mul3A_322 = vector.broadcast %squeeze3A_321 : f32 to vector<16xf32>
          %mul3A_323 = arith.mulf %get3A_319, %mul3A_322 : vector<16xf32>
          %swap3A_324 = arith.index_cast %scan3A_301 : i32 to index
          %swap3A_325 = arith.constant 16 : index
          %swap3A_326 = tpu.vector_load %arg10[%swap3A_324, %swap3A_325] {strides = array<i32>} : memref<128x64xf32, #tpu.memory_space<vmem>>, vector<1x16xf32>,
          %swap3A_327 = vector.shape_cast %swap3A_326 : vector<1x16xf32> to vector<16xf32>
          %swap3A_328 = vector.shape_cast %mul3A_323 : vector<16xf32> to vector<1x16xf32>
          tpu.vector_store %arg10[%swap3A_324, %swap3A_325], %swap3A_328 {strides = array<i32>} : memref<128x64xf32, #tpu.memory_space<vmem>>, vector<1x16xf32>,
          %get3A_329 = arith.index_cast %scan3A_301 : i32 to index
          %get3A_330 = arith.constant 32 : index
          %get3A_331 = tpu.vector_load %arg10[%get3A_329, %get3A_330] {strides = array<i32>} : memref<128x64xf32, #tpu.memory_space<vmem>>, vector<1x16xf32>,
          %get3A_332 = vector.shape_cast %get3A_331 : vector<1x16xf32> to vector<16xf32>
          %slice3A_333 = vector.extract_strided_slice %get3A_305 {offsets = [2], sizes = [1], strides = [1]} : vector<16xf32> to vector<1xf32>
          %squeeze3A_334 = vector.extract %slice3A_333[0] : f32 from vector<1xf32>
          %mul3A_335 = vector.broadcast %squeeze3A_334 : f32 to vector<16xf32>
          %mul3A_336 = arith.mulf %get3A_332, %mul3A_335 : vector<16xf32>
          %swap3A_337 = arith.index_cast %scan3A_301 : i32 to index
          %swap3A_338 = arith.constant 32 : index
          %swap3A_339 = tpu.vector_load %arg10[%swap3A_337, %swap3A_338] {strides = array<i32>} : memref<128x64xf32, #tpu.memory_space<vmem>>, vector<1x16xf32>,
          %swap3A_340 = vector.shape_cast %swap3A_339 : vector<1x16xf32> to vector<16xf32>
          %swap3A_341 = vector.shape_cast %mul3A_336 : vector<16xf32> to vector<1x16xf32>
          tpu.vector_store %arg10[%swap3A_337, %swap3A_338], %swap3A_341 {strides = array<i32>} : memref<128x64xf32, #tpu.memory_space<vmem>>, vector<1x16xf32>,
          %get3A_342 = arith.index_cast %scan3A_301 : i32 to index
          %get3A_343 = arith.constant 48 : index
          %get3A_344 = tpu.vector_load %arg10[%get3A_342, %get3A_343] {strides = array<i32>} : memref<128x64xf32, #tpu.memory_space<vmem>>, vector<1x16xf32>,
          %get3A_345 = vector.shape_cast %get3A_344 : vector<1x16xf32> to vector<16xf32>
          %slice3A_346 = vector.extract_strided_slice %get3A_305 {offsets = [3], sizes = [1], strides = [1]} : vector<16xf32> to vector<1xf32>
          %squeeze3A_347 = vector.extract %slice3A_346[0] : f32 from vector<1xf32>
          %mul3A_348 = vector.broadcast %squeeze3A_347 : f32 to vector<16xf32>
          %mul3A_349 = arith.mulf %get3A_345, %mul3A_348 : vector<16xf32>
          %swap3A_350 = arith.index_cast %scan3A_301 : i32 to index
          %swap3A_351 = arith.constant 48 : index
          %swap3A_352 = tpu.vector_load %arg10[%swap3A_350, %swap3A_351] {strides = array<i32>} : memref<128x64xf32, #tpu.memory_space<vmem>>, vector<1x16xf32>,
          %swap3A_353 = vector.shape_cast %swap3A_352 : vector<1x16xf32> to vector<16xf32>
          %swap3A_354 = vector.shape_cast %mul3A_349 : vector<16xf32> to vector<1x16xf32>
          tpu.vector_store %arg10[%swap3A_350, %swap3A_351], %swap3A_354 {strides = array<i32>} : memref<128x64xf32, #tpu.memory_space<vmem>>, vector<1x16xf32>,
          %scan3A_355 = arith.constant 0 : i32
          scf.yield %scan3A_355 : i32
        }
        %scan3A_300 = arith.constant 128 : i32
      } else {
      }
      %ne3A_98 = arith.constant 0 : i32
      %ne3A_99 = arith.cmpi ne, %arg0, %ne3A_98 : i32
      %convert_element_type3A_100 = arith.extui %ne3A_99 : i1 to i32
      %cond3A_101 = arith.constant 0 : i32
      %cond3A_102 = arith.cmpi ne, %convert_element_type3A_100, %cond3A_101 : i32
      scf.if %cond3A_102 {
        %scan3A_294 = arith.constant 0 : i32
        %scan3A_295 = arith.constant 0 : i32
        %scan3A_296 = arith.constant 128 : i32
        %scan3A_297 = arith.addi %scan3A_295, %scan3A_296 : i32
        %scan3A_298 = arith.constant 1 : i32
        %scan3A_299 = scf.for %scan3A_301 = %scan3A_295 to %scan3A_297 step %scan3A_298 iter_args(%scan3A_302 = %scan3A_294) -> (i32)  : i32 {
          %get3A = arith.index_cast %scan3A_301 : i32 to index
          %get3A_303 = arith.constant 0 : index
          %get3A_304 = tpu.vector_load %arg12[%get3A, %get3A_303] {strides = array<i32>} : memref<128x16xf32, #tpu.memory_space<vmem>>, vector<1x16xf32>,
          %get3A_305 = vector.shape_cast %get3A_304 : vector<1x16xf32> to vector<16xf32>
          %get3A_306 = arith.index_cast %scan3A_301 : i32 to index
          %get3A_307 = arith.constant 0 : index
          %get3A_308 = tpu.vector_load %arg10[%get3A_306, %get3A_307] {strides = array<i32>} : memref<128x64xf32, #tpu.memory_space<vmem>>, vector<1x16xf32>,
          %get3A_309 = vector.shape_cast %get3A_308 : vector<1x16xf32> to vector<16xf32>
          %slice3A = vector.extract_strided_slice %get3A_305 {offsets = [4], sizes = [1], strides = [1]} : vector<16xf32> to vector<1xf32>
          %squeeze3A = vector.extract %slice3A[0] : f32 from vector<1xf32>
          %mul3A_310 = vector.broadcast %squeeze3A : f32 to vector<16xf32>
          %mul3A_311 = arith.mulf %get3A_309, %mul3A_310 : vector<16xf32>
          %swap3A = arith.index_cast %scan3A_301 : i32 to index
          %swap3A_312 = arith.constant 0 : index
          %swap3A_313 = tpu.vector_load %arg10[%swap3A, %swap3A_312] {strides = array<i32>} : memref<128x64xf32, #tpu.memory_space<vmem>>, vector<1x16xf32>,
          %swap3A_314 = vector.shape_cast %swap3A_313 : vector<1x16xf32> to vector<16xf32>
          %swap3A_315 = vector.shape_cast %mul3A_311 : vector<16xf32> to vector<1x16xf32>
          tpu.vector_store %arg10[%swap3A, %swap3A_312], %swap3A_315 {strides = array<i32>} : memref<128x64xf32, #tpu.memory_space<vmem>>, vector<1x16xf32>,
          %get3A_316 = arith.index_cast %scan3A_301 : i32 to index
          %get3A_317 = arith.constant 16 : index
          %get3A_318 = tpu.vector_load %arg10[%get3A_316, %get3A_317] {strides = array<i32>} : memref<128x64xf32, #tpu.memory_space<vmem>>, vector<1x16xf32>,
          %get3A_319 = vector.shape_cast %get3A_318 : vector<1x16xf32> to vector<16xf32>
          %slice3A_320 = vector.extract_strided_slice %get3A_305 {offsets = [5], sizes = [1], strides = [1]} : vector<16xf32> to vector<1xf32>
          %squeeze3A_321 = vector.extract %slice3A_320[0] : f32 from vector<1xf32>
          %mul3A_322 = vector.broadcast %squeeze3A_321 : f32 to vector<16xf32>
          %mul3A_323 = arith.mulf %get3A_319, %mul3A_322 : vector<16xf32>
          %swap3A_324 = arith.index_cast %scan3A_301 : i32 to index
          %swap3A_325 = arith.constant 16 : index
          %swap3A_326 = tpu.vector_load %arg10[%swap3A_324, %swap3A_325] {strides = array<i32>} : memref<128x64xf32, #tpu.memory_space<vmem>>, vector<1x16xf32>,
          %swap3A_327 = vector.shape_cast %swap3A_326 : vector<1x16xf32> to vector<16xf32>
          %swap3A_328 = vector.shape_cast %mul3A_323 : vector<16xf32> to vector<1x16xf32>
          tpu.vector_store %arg10[%swap3A_324, %swap3A_325], %swap3A_328 {strides = array<i32>} : memref<128x64xf32, #tpu.memory_space<vmem>>, vector<1x16xf32>,
          %get3A_329 = arith.index_cast %scan3A_301 : i32 to index
          %get3A_330 = arith.constant 32 : index
          %get3A_331 = tpu.vector_load %arg10[%get3A_329, %get3A_330] {strides = array<i32>} : memref<128x64xf32, #tpu.memory_space<vmem>>, vector<1x16xf32>,
          %get3A_332 = vector.shape_cast %get3A_331 : vector<1x16xf32> to vector<16xf32>
          %slice3A_333 = vector.extract_strided_slice %get3A_305 {offsets = [6], sizes = [1], strides = [1]} : vector<16xf32> to vector<1xf32>
          %squeeze3A_334 = vector.extract %slice3A_333[0] : f32 from vector<1xf32>
          %mul3A_335 = vector.broadcast %squeeze3A_334 : f32 to vector<16xf32>
          %mul3A_336 = arith.mulf %get3A_332, %mul3A_335 : vector<16xf32>
          %swap3A_337 = arith.index_cast %scan3A_301 : i32 to index
          %swap3A_338 = arith.constant 32 : index
          %swap3A_339 = tpu.vector_load %arg10[%swap3A_337, %swap3A_338] {strides = array<i32>} : memref<128x64xf32, #tpu.memory_space<vmem>>, vector<1x16xf32>,
          %swap3A_340 = vector.shape_cast %swap3A_339 : vector<1x16xf32> to vector<16xf32>
          %swap3A_341 = vector.shape_cast %mul3A_336 : vector<16xf32> to vector<1x16xf32>
          tpu.vector_store %arg10[%swap3A_337, %swap3A_338], %swap3A_341 {strides = array<i32>} : memref<128x64xf32, #tpu.memory_space<vmem>>, vector<1x16xf32>,
          %get3A_342 = arith.index_cast %scan3A_301 : i32 to index
          %get3A_343 = arith.constant 48 : index
          %get3A_344 = tpu.vector_load %arg10[%get3A_342, %get3A_343] {strides = array<i32>} : memref<128x64xf32, #tpu.memory_space<vmem>>, vector<1x16xf32>,
          %get3A_345 = vector.shape_cast %get3A_344 : vector<1x16xf32> to vector<16xf32>
          %slice3A_346 = vector.extract_strided_slice %get3A_305 {offsets = [7], sizes = [1], strides = [1]} : vector<16xf32> to vector<1xf32>
          %squeeze3A_347 = vector.extract %slice3A_346[0] : f32 from vector<1xf32>
          %mul3A_348 = vector.broadcast %squeeze3A_347 : f32 to vector<16xf32>
          %mul3A_349 = arith.mulf %get3A_345, %mul3A_348 : vector<16xf32>
          %swap3A_350 = arith.index_cast %scan3A_301 : i32 to index
          %swap3A_351 = arith.constant 48 : index
          %swap3A_352 = tpu.vector_load %arg10[%swap3A_350, %swap3A_351] {strides = array<i32>} : memref<128x64xf32, #tpu.memory_space<vmem>>, vector<1x16xf32>,
          %swap3A_353 = vector.shape_cast %swap3A_352 : vector<1x16xf32> to vector<16xf32>
          %swap3A_354 = vector.shape_cast %mul3A_349 : vector<16xf32> to vector<1x16xf32>
          tpu.vector_store %arg10[%swap3A_350, %swap3A_351], %swap3A_354 {strides = array<i32>} : memref<128x64xf32, #tpu.memory_space<vmem>>, vector<1x16xf32>,
          %scan3A_355 = arith.constant 0 : i32
          scf.yield %scan3A_355 : i32
        }
        %scan3A_300 = arith.constant 128 : i32
      } else {
      }
      %dma_start3A_103 = arith.constant 1 : i32
      %dma_start3A_104 = arith.constant 0 : i32
      %dma_start3A_105 = tpu.memref_slice %arg6[%dma_start3A_103, %dma_start3A_104] : memref<2x128xi32, #tpu.memory_space<vmem>> -> memref<1x128xi32, #tpu.memory_space<vmem>>
      %dma_start3A_106 = tpu.memref_squeeze %dma_start3A_105 : memref<1x128xi32, #tpu.memory_space<vmem>> -> memref<128xi32, #tpu.memory_space<vmem>>
      %dma_start3A_107 = arith.constant 0 : i32
      %dma_start3A_108 = arith.constant 0 : i32
      %dma_start3A_109 = tpu.memref_slice %arg25[%dma_start3A_107, %dma_start3A_108] : memref<10112x64xf32, #tpu.memory_space<vmem_shared>> -> memref<10112x64xf32, #tpu.memory_space<vmem_shared>>
      tpu.enqueue_indirect_dma source(%arg10 : memref<128x64xf32, #tpu.memory_space<vmem>>) target(%dma_start3A_109 : memref<10112x64xf32, #tpu.memory_space<vmem_shared>>) offsets(%dma_start3A_106 : memref<128xi32, #tpu.memory_space<vmem>>) semaphore(%arg23 : memref<!tpu.dma_semaphore, #tpu.memory_space<semaphore_mem>>) {add = true}
      %mul3A_110 = arith.constant 4 : i32
      %mul3A_111 = arith.muli %mul3A_110, %scan3A_50 : i32
      %add3A_112 = arith.constant 1 : i32
      %add3A_113 = arith.addi %mul3A_111, %add3A_112 : i32
      %ge3A_114 = arith.constant 1 : i32
      %ge3A_115 = arith.cmpi sge, %add3A_113, %ge3A_114 : i32
      %convert_element_type3A_116 = arith.extui %ge3A_115 : i1 to i32
      %cond3A_117 = arith.constant 0 : i32
      %cond3A_118 = arith.cmpi ne, %convert_element_type3A_116, %cond3A_117 : i32
      scf.if %cond3A_118 {
        %dma_wait3A_294 = arith.constant 1 : i32
        %dma_wait3A_295 = arith.constant 0 : i32
        %dma_wait3A_296 = tpu.memref_slice %arg6[%dma_wait3A_294, %dma_wait3A_295] : memref<2x128xi32, #tpu.memory_space<vmem>> -> memref<1x128xi32, #tpu.memory_space<vmem>>
        %dma_wait3A_297 = tpu.memref_squeeze %dma_wait3A_296 : memref<1x128xi32, #tpu.memory_space<vmem>> -> memref<128xi32, #tpu.memory_space<vmem>>
        %dma_wait3A_298 = arith.constant 0 : i32
        %dma_wait3A_299 = arith.constant 0 : i32
        %dma_wait3A_300 = tpu.memref_slice %arg25[%dma_wait3A_298, %dma_wait3A_299] : memref<10112x64xf32, #tpu.memory_space<vmem_shared>> -> memref<10112x64xf32, #tpu.memory_space<vmem_shared>>
        tpu.wait_indirect_dma semaphore(%arg23 : memref<!tpu.dma_semaphore, #tpu.memory_space<semaphore_mem>>) src(%arg10 : memref<128x64xf32, #tpu.memory_space<vmem>>) dst(%dma_wait3A_300 : memref<10112x64xf32, #tpu.memory_space<vmem_shared>>)
      } else {
      }
      %add3A_119 = arith.constant 2 : i32
      %add3A_120 = arith.addi %add3A_113, %add3A_119 : i32
      %lt3A_121 = arith.constant 164 : i32
      %lt3A_122 = arith.cmpi slt, %add3A_120, %lt3A_121 : i32
      %convert_element_type3A_123 = arith.extui %lt3A_122 : i1 to i32
      %cond3A_124 = arith.constant 0 : i32
      %cond3A_125 = arith.cmpi ne, %convert_element_type3A_123, %cond3A_124 : i32
      scf.if %cond3A_125 {
        %add3A_294 = arith.constant 2 : i32
        %add3A_295 = arith.addi %add3A_113, %add3A_294 : i32
        %dma_start3A_296 = arith.constant 0 : i32
        %dma_start3A_297 = arith.constant 0 : i32
        %dma_start3A_298 = tpu.memref_slice %arg4[%arg1, %add3A_295, %dma_start3A_296, %dma_start3A_297] : memref<16x164x2x128xi32, #tpu.memory_space<hbm>> -> memref<1x1x2x128xi32, #tpu.memory_space<hbm>>
        %dma_start3A_299 = tpu.memref_squeeze %dma_start3A_298 : memref<1x1x2x128xi32, #tpu.memory_space<hbm>> -> memref<2x128xi32, #tpu.memory_space<hbm>>
        %dma_start3A_300 = arith.constant 0 : i32
        %dma_start3A_301 = arith.constant 0 : i32
        %dma_start3A_302 = tpu.memref_slice %arg4[%arg1, %add3A_295, %dma_start3A_300, %dma_start3A_301] : memref<16x164x2x128xi32, #tpu.memory_space<hbm>> -> memref<1x1x2x128xi32, #tpu.memory_space<hbm>>
        %dma_start3A_303 = tpu.memref_squeeze %dma_start3A_302 : memref<1x1x2x128xi32, #tpu.memory_space<hbm>> -> memref<2x128xi32, #tpu.memory_space<hbm>>
        tpu.enqueue_dma source(%dma_start3A_303 : memref<2x128xi32, #tpu.memory_space<hbm>>) target(%arg9 : memref<2x128xi32, #tpu.memory_space<vmem>>) target_semaphore(%arg18 : memref<!tpu.dma_semaphore, #tpu.memory_space<semaphore_mem>>)
      } else {
      }
      %add3A_126 = arith.constant 1 : i32
      %add3A_127 = arith.addi %add3A_113, %add3A_126 : i32
      %lt3A_128 = arith.constant 164 : i32
      %lt3A_129 = arith.cmpi slt, %add3A_127, %lt3A_128 : i32
      %convert_element_type3A_130 = arith.extui %lt3A_129 : i1 to i32
      %cond3A_131 = arith.constant 0 : i32
      %cond3A_132 = arith.cmpi ne, %convert_element_type3A_130, %cond3A_131 : i32
      scf.if %cond3A_132 {
        %add3A_294 = arith.constant 1 : i32
        %add3A_295 = arith.addi %add3A_113, %add3A_294 : i32
        %dma_wait3A_296 = arith.constant 0 : i32
        %dma_wait3A_297 = arith.constant 0 : i32
        %dma_wait3A_298 = tpu.memref_slice %arg4[%arg1, %add3A_295, %dma_wait3A_296, %dma_wait3A_297] : memref<16x164x2x128xi32, #tpu.memory_space<hbm>> -> memref<1x1x2x128xi32, #tpu.memory_space<hbm>>
        %dma_wait3A_299 = tpu.memref_squeeze %dma_wait3A_298 : memref<1x1x2x128xi32, #tpu.memory_space<hbm>> -> memref<2x128xi32, #tpu.memory_space<hbm>>
        %dma_wait3A_300 = arith.constant 0 : i32
        %dma_wait3A_301 = arith.constant 0 : i32
        %dma_wait3A_302 = tpu.memref_slice %arg4[%arg1, %add3A_295, %dma_wait3A_300, %dma_wait3A_301] : memref<16x164x2x128xi32, #tpu.memory_space<hbm>> -> memref<1x1x2x128xi32, #tpu.memory_space<hbm>>
        %dma_wait3A_303 = tpu.memref_squeeze %dma_wait3A_302 : memref<1x1x2x128xi32, #tpu.memory_space<hbm>> -> memref<2x128xi32, #tpu.memory_space<hbm>>
        tpu.wait_dma2 semaphore(%arg17 : memref<!tpu.dma_semaphore, #tpu.memory_space<semaphore_mem>>) src(%dma_wait3A_303 : memref<2x128xi32, #tpu.memory_space<hbm>>) dst(%arg8 : memref<2x128xi32, #tpu.memory_space<vmem>>)
        %eq3A_304 = arith.constant 0 : i32
        %eq3A_305 = arith.cmpi eq, %arg0, %eq3A_304 : i32
        %convert_element_type3A_306 = arith.extui %eq3A_305 : i1 to i32
        %cond3A_307 = arith.constant 0 : i32
        %cond3A_308 = arith.cmpi ne, %convert_element_type3A_306, %cond3A_307 : i32
        scf.if %cond3A_308 {
          %dma_start3A_327 = arith.constant 0 : i32
          %dma_start3A_328 = arith.constant 0 : i32
          %dma_start3A_329 = arith.constant 0 : i32
          %dma_start3A_330 = tpu.memref_slice %arg8[%dma_start3A_328, %dma_start3A_329] : memref<2x128xi32, #tpu.memory_space<vmem>> -> memref<1x128xi32, #tpu.memory_space<vmem>>
          %dma_start3A_331 = tpu.memref_squeeze %dma_start3A_330 : memref<1x128xi32, #tpu.memory_space<vmem>> -> memref<128xi32, #tpu.memory_space<vmem>>
          %dma_start3A_332 = arith.constant 0 : i32
          %dma_start3A_333 = arith.constant 0 : i32
          %dma_start3A_334 = tpu.memref_slice %arg2[%dma_start3A_327, %dma_start3A_332, %dma_start3A_333] : memref<2x10112x64xf32, #tpu.memory_space<hbm>> -> memref<1x10112x64xf32, #tpu.memory_space<hbm>>
          %dma_start3A_335 = tpu.memref_squeeze %dma_start3A_334 : memref<1x10112x64xf32, #tpu.memory_space<hbm>> -> memref<10112x64xf32, #tpu.memory_space<hbm>>
          %dma_start3A_336 = arith.constant 0 : i32
          %dma_start3A_337 = arith.constant 0 : i32
          %dma_start3A_338 = tpu.memref_slice %dma_start3A_335[%dma_start3A_336, %dma_start3A_337] : memref<10112x64xf32, #tpu.memory_space<hbm>> -> memref<10112x64xf32, #tpu.memory_space<hbm>>
          tpu.enqueue_indirect_dma source(%dma_start3A_338 : memref<10112x64xf32, #tpu.memory_space<hbm>>) target(%arg10 : memref<128x64xf32, #tpu.memory_space<vmem>>) offsets(%dma_start3A_331 : memref<128xi32, #tpu.memory_space<vmem>>) semaphore(%arg19 : memref<!tpu.dma_semaphore, #tpu.memory_space<semaphore_mem>>)
        } else {
        }
        %ne3A_309 = arith.constant 0 : i32
        %ne3A_310 = arith.cmpi ne, %arg0, %ne3A_309 : i32
        %convert_element_type3A_311 = arith.extui %ne3A_310 : i1 to i32
        %cond3A_312 = arith.constant 0 : i32
        %cond3A_313 = arith.cmpi ne, %convert_element_type3A_311, %cond3A_312 : i32
        scf.if %cond3A_313 {
          %dma_start3A_327 = arith.constant 1 : i32
          %dma_start3A_328 = arith.constant 0 : i32
          %dma_start3A_329 = arith.constant 0 : i32
          %dma_start3A_330 = tpu.memref_slice %arg8[%dma_start3A_328, %dma_start3A_329] : memref<2x128xi32, #tpu.memory_space<vmem>> -> memref<1x128xi32, #tpu.memory_space<vmem>>
          %dma_start3A_331 = tpu.memref_squeeze %dma_start3A_330 : memref<1x128xi32, #tpu.memory_space<vmem>> -> memref<128xi32, #tpu.memory_space<vmem>>
          %dma_start3A_332 = arith.constant 0 : i32
          %dma_start3A_333 = arith.constant 0 : i32
          %dma_start3A_334 = tpu.memref_slice %arg2[%dma_start3A_327, %dma_start3A_332, %dma_start3A_333] : memref<2x10112x64xf32, #tpu.memory_space<hbm>> -> memref<1x10112x64xf32, #tpu.memory_space<hbm>>
          %dma_start3A_335 = tpu.memref_squeeze %dma_start3A_334 : memref<1x10112x64xf32, #tpu.memory_space<hbm>> -> memref<10112x64xf32, #tpu.memory_space<hbm>>
          %dma_start3A_336 = arith.constant 0 : i32
          %dma_start3A_337 = arith.constant 0 : i32
          %dma_start3A_338 = tpu.memref_slice %dma_start3A_335[%dma_start3A_336, %dma_start3A_337] : memref<10112x64xf32, #tpu.memory_space<hbm>> -> memref<10112x64xf32, #tpu.memory_space<hbm>>
          tpu.enqueue_indirect_dma source(%dma_start3A_338 : memref<10112x64xf32, #tpu.memory_space<hbm>>) target(%arg10 : memref<128x64xf32, #tpu.memory_space<vmem>>) offsets(%dma_start3A_331 : memref<128xi32, #tpu.memory_space<vmem>>) semaphore(%arg19 : memref<!tpu.dma_semaphore, #tpu.memory_space<semaphore_mem>>)
        } else {
        }
        %mul3A_314 = arith.constant 164 : i32
        %mul3A_315 = arith.muli %arg1, %mul3A_314 : i32
        %add3A_316 = arith.addi %mul3A_315, %add3A_113 : i32
        %add3A_317 = arith.constant 1 : i32
        %add3A_318 = arith.addi %add3A_316, %add3A_317 : i32
        %dma_start3A_319 = arith.constant 0 : i32
        %dma_start3A_320 = arith.constant 0 : i32
        %dma_start3A_321 = tpu.memref_slice %arg3[%add3A_318, %dma_start3A_319, %dma_start3A_320] : memref<2624x128x16xf32, #tpu.memory_space<hbm>> -> memref<1x128x16xf32, #tpu.memory_space<hbm>>
        %dma_start3A_322 = tpu.memref_squeeze %dma_start3A_321 : memref<1x128x16xf32, #tpu.memory_space<hbm>> -> memref<128x16xf32, #tpu.memory_space<hbm>>
        %dma_start3A_323 = arith.constant 0 : i32
        %dma_start3A_324 = arith.constant 0 : i32
        %dma_start3A_325 = tpu.memref_slice %arg3[%add3A_318, %dma_start3A_323, %dma_start3A_324] : memref<2624x128x16xf32, #tpu.memory_space<hbm>> -> memref<1x128x16xf32, #tpu.memory_space<hbm>>
        %dma_start3A_326 = tpu.memref_squeeze %dma_start3A_325 : memref<1x128x16xf32, #tpu.memory_space<hbm>> -> memref<128x16xf32, #tpu.memory_space<hbm>>
        tpu.enqueue_dma source(%dma_start3A_326 : memref<128x16xf32, #tpu.memory_space<hbm>>) target(%arg12 : memref<128x16xf32, #tpu.memory_space<vmem>>) target_semaphore(%arg21 : memref<!tpu.dma_semaphore, #tpu.memory_space<semaphore_mem>>)
      } else {
      }
      %eq3A_133 = arith.constant 0 : i32
      %eq3A_134 = arith.cmpi eq, %arg0, %eq3A_133 : i32
      %convert_element_type3A_135 = arith.extui %eq3A_134 : i1 to i32
      %cond3A_136 = arith.constant 0 : i32
      %cond3A_137 = arith.cmpi ne, %convert_element_type3A_135, %cond3A_136 : i32
      scf.if %cond3A_137 {
        %dma_wait3A_294 = arith.constant 0 : i32
        %dma_wait3A_295 = arith.constant 0 : i32
        %dma_wait3A_296 = arith.constant 0 : i32
        %dma_wait3A_297 = tpu.memref_slice %arg7[%dma_wait3A_295, %dma_wait3A_296] : memref<2x128xi32, #tpu.memory_space<vmem>> -> memref<1x128xi32, #tpu.memory_space<vmem>>
        %dma_wait3A_298 = tpu.memref_squeeze %dma_wait3A_297 : memref<1x128xi32, #tpu.memory_space<vmem>> -> memref<128xi32, #tpu.memory_space<vmem>>
        %dma_wait3A_299 = arith.constant 0 : i32
        %dma_wait3A_300 = arith.constant 0 : i32
        %dma_wait3A_301 = tpu.memref_slice %arg2[%dma_wait3A_294, %dma_wait3A_299, %dma_wait3A_300] : memref<2x10112x64xf32, #tpu.memory_space<hbm>> -> memref<1x10112x64xf32, #tpu.memory_space<hbm>>
        %dma_wait3A_302 = tpu.memref_squeeze %dma_wait3A_301 : memref<1x10112x64xf32, #tpu.memory_space<hbm>> -> memref<10112x64xf32, #tpu.memory_space<hbm>>
        %dma_wait3A_303 = arith.constant 0 : i32
        %dma_wait3A_304 = arith.constant 0 : i32
        %dma_wait3A_305 = tpu.memref_slice %dma_wait3A_302[%dma_wait3A_303, %dma_wait3A_304] : memref<10112x64xf32, #tpu.memory_space<hbm>> -> memref<10112x64xf32, #tpu.memory_space<hbm>>
        tpu.wait_indirect_dma semaphore(%arg20 : memref<!tpu.dma_semaphore, #tpu.memory_space<semaphore_mem>>) src(%dma_wait3A_305 : memref<10112x64xf32, #tpu.memory_space<hbm>>) dst(%arg11 : memref<128x64xf32, #tpu.memory_space<vmem>>)
      } else {
      }
      %ne3A_138 = arith.constant 0 : i32
      %ne3A_139 = arith.cmpi ne, %arg0, %ne3A_138 : i32
      %convert_element_type3A_140 = arith.extui %ne3A_139 : i1 to i32
      %cond3A_141 = arith.constant 0 : i32
      %cond3A_142 = arith.cmpi ne, %convert_element_type3A_140, %cond3A_141 : i32
      scf.if %cond3A_142 {
        %dma_wait3A_294 = arith.constant 1 : i32
        %dma_wait3A_295 = arith.constant 0 : i32
        %dma_wait3A_296 = arith.constant 0 : i32
        %dma_wait3A_297 = tpu.memref_slice %arg7[%dma_wait3A_295, %dma_wait3A_296] : memref<2x128xi32, #tpu.memory_space<vmem>> -> memref<1x128xi32, #tpu.memory_space<vmem>>
        %dma_wait3A_298 = tpu.memref_squeeze %dma_wait3A_297 : memref<1x128xi32, #tpu.memory_space<vmem>> -> memref<128xi32, #tpu.memory_space<vmem>>
        %dma_wait3A_299 = arith.constant 0 : i32
        %dma_wait3A_300 = arith.constant 0 : i32
        %dma_wait3A_301 = tpu.memref_slice %arg2[%dma_wait3A_294, %dma_wait3A_299, %dma_wait3A_300] : memref<2x10112x64xf32, #tpu.memory_space<hbm>> -> memref<1x10112x64xf32, #tpu.memory_space<hbm>>
        %dma_wait3A_302 = tpu.memref_squeeze %dma_wait3A_301 : memref<1x10112x64xf32, #tpu.memory_space<hbm>> -> memref<10112x64xf32, #tpu.memory_space<hbm>>
        %dma_wait3A_303 = arith.constant 0 : i32
        %dma_wait3A_304 = arith.constant 0 : i32
        %dma_wait3A_305 = tpu.memref_slice %dma_wait3A_302[%dma_wait3A_303, %dma_wait3A_304] : memref<10112x64xf32, #tpu.memory_space<hbm>> -> memref<10112x64xf32, #tpu.memory_space<hbm>>
        tpu.wait_indirect_dma semaphore(%arg20 : memref<!tpu.dma_semaphore, #tpu.memory_space<semaphore_mem>>) src(%dma_wait3A_305 : memref<10112x64xf32, #tpu.memory_space<hbm>>) dst(%arg11 : memref<128x64xf32, #tpu.memory_space<vmem>>)
      } else {
      }
      %mul3A_143 = arith.constant 164 : i32
      %mul3A_144 = arith.muli %arg1, %mul3A_143 : i32
      %add3A_145 = arith.addi %mul3A_144, %add3A_113 : i32
      %dma_wait3A_146 = arith.constant 0 : i32
      %dma_wait3A_147 = arith.constant 0 : i32
      %dma_wait3A_148 = tpu.memref_slice %arg3[%add3A_145, %dma_wait3A_146, %dma_wait3A_147] : memref<2624x128x16xf32, #tpu.memory_space<hbm>> -> memref<1x128x16xf32, #tpu.memory_space<hbm>>
      %dma_wait3A_149 = tpu.memref_squeeze %dma_wait3A_148 : memref<1x128x16xf32, #tpu.memory_space<hbm>> -> memref<128x16xf32, #tpu.memory_space<hbm>>
      %dma_wait3A_150 = arith.constant 0 : i32
      %dma_wait3A_151 = arith.constant 0 : i32
      %dma_wait3A_152 = tpu.memref_slice %arg3[%add3A_145, %dma_wait3A_150, %dma_wait3A_151] : memref<2624x128x16xf32, #tpu.memory_space<hbm>> -> memref<1x128x16xf32, #tpu.memory_space<hbm>>
      %dma_wait3A_153 = tpu.memref_squeeze %dma_wait3A_152 : memref<1x128x16xf32, #tpu.memory_space<hbm>> -> memref<128x16xf32, #tpu.memory_space<hbm>>
      tpu.wait_dma2 semaphore(%arg22 : memref<!tpu.dma_semaphore, #tpu.memory_space<semaphore_mem>>) src(%dma_wait3A_153 : memref<128x16xf32, #tpu.memory_space<hbm>>) dst(%arg13 : memref<128x16xf32, #tpu.memory_space<vmem>>)
      %eq3A_154 = arith.constant 0 : i32
      %eq3A_155 = arith.cmpi eq, %arg0, %eq3A_154 : i32
      %convert_element_type3A_156 = arith.extui %eq3A_155 : i1 to i32
      %cond3A_157 = arith.constant 0 : i32
      %cond3A_158 = arith.cmpi ne, %convert_element_type3A_156, %cond3A_157 : i32
      scf.if %cond3A_158 {
        %scan3A_294 = arith.constant 0 : i32
        %scan3A_295 = arith.constant 0 : i32
        %scan3A_296 = arith.constant 128 : i32
        %scan3A_297 = arith.addi %scan3A_295, %scan3A_296 : i32
        %scan3A_298 = arith.constant 1 : i32
        %scan3A_299 = scf.for %scan3A_301 = %scan3A_295 to %scan3A_297 step %scan3A_298 iter_args(%scan3A_302 = %scan3A_294) -> (i32)  : i32 {
          %get3A = arith.index_cast %scan3A_301 : i32 to index
          %get3A_303 = arith.constant 0 : index
          %get3A_304 = tpu.vector_load %arg13[%get3A, %get3A_303] {strides = array<i32>} : memref<128x16xf32, #tpu.memory_space<vmem>>, vector<1x16xf32>,
          %get3A_305 = vector.shape_cast %get3A_304 : vector<1x16xf32> to vector<16xf32>
          %get3A_306 = arith.index_cast %scan3A_301 : i32 to index
          %get3A_307 = arith.constant 0 : index
          %get3A_308 = tpu.vector_load %arg11[%get3A_306, %get3A_307] {strides = array<i32>} : memref<128x64xf32, #tpu.memory_space<vmem>>, vector<1x16xf32>,
          %get3A_309 = vector.shape_cast %get3A_308 : vector<1x16xf32> to vector<16xf32>
          %slice3A = vector.extract_strided_slice %get3A_305 {offsets = [0], sizes = [1], strides = [1]} : vector<16xf32> to vector<1xf32>
          %squeeze3A = vector.extract %slice3A[0] : f32 from vector<1xf32>
          %mul3A_310 = vector.broadcast %squeeze3A : f32 to vector<16xf32>
          %mul3A_311 = arith.mulf %get3A_309, %mul3A_310 : vector<16xf32>
          %swap3A = arith.index_cast %scan3A_301 : i32 to index
          %swap3A_312 = arith.constant 0 : index
          %swap3A_313 = tpu.vector_load %arg11[%swap3A, %swap3A_312] {strides = array<i32>} : memref<128x64xf32, #tpu.memory_space<vmem>>, vector<1x16xf32>,
          %swap3A_314 = vector.shape_cast %swap3A_313 : vector<1x16xf32> to vector<16xf32>
          %swap3A_315 = vector.shape_cast %mul3A_311 : vector<16xf32> to vector<1x16xf32>
          tpu.vector_store %arg11[%swap3A, %swap3A_312], %swap3A_315 {strides = array<i32>} : memref<128x64xf32, #tpu.memory_space<vmem>>, vector<1x16xf32>,
          %get3A_316 = arith.index_cast %scan3A_301 : i32 to index
          %get3A_317 = arith.constant 16 : index
          %get3A_318 = tpu.vector_load %arg11[%get3A_316, %get3A_317] {strides = array<i32>} : memref<128x64xf32, #tpu.memory_space<vmem>>, vector<1x16xf32>,
          %get3A_319 = vector.shape_cast %get3A_318 : vector<1x16xf32> to vector<16xf32>
          %slice3A_320 = vector.extract_strided_slice %get3A_305 {offsets = [1], sizes = [1], strides = [1]} : vector<16xf32> to vector<1xf32>
          %squeeze3A_321 = vector.extract %slice3A_320[0] : f32 from vector<1xf32>
          %mul3A_322 = vector.broadcast %squeeze3A_321 : f32 to vector<16xf32>
          %mul3A_323 = arith.mulf %get3A_319, %mul3A_322 : vector<16xf32>
          %swap3A_324 = arith.index_cast %scan3A_301 : i32 to index
          %swap3A_325 = arith.constant 16 : index
          %swap3A_326 = tpu.vector_load %arg11[%swap3A_324, %swap3A_325] {strides = array<i32>} : memref<128x64xf32, #tpu.memory_space<vmem>>, vector<1x16xf32>,
          %swap3A_327 = vector.shape_cast %swap3A_326 : vector<1x16xf32> to vector<16xf32>
          %swap3A_328 = vector.shape_cast %mul3A_323 : vector<16xf32> to vector<1x16xf32>
          tpu.vector_store %arg11[%swap3A_324, %swap3A_325], %swap3A_328 {strides = array<i32>} : memref<128x64xf32, #tpu.memory_space<vmem>>, vector<1x16xf32>,
          %get3A_329 = arith.index_cast %scan3A_301 : i32 to index
          %get3A_330 = arith.constant 32 : index
          %get3A_331 = tpu.vector_load %arg11[%get3A_329, %get3A_330] {strides = array<i32>} : memref<128x64xf32, #tpu.memory_space<vmem>>, vector<1x16xf32>,
          %get3A_332 = vector.shape_cast %get3A_331 : vector<1x16xf32> to vector<16xf32>
          %slice3A_333 = vector.extract_strided_slice %get3A_305 {offsets = [2], sizes = [1], strides = [1]} : vector<16xf32> to vector<1xf32>
          %squeeze3A_334 = vector.extract %slice3A_333[0] : f32 from vector<1xf32>
          %mul3A_335 = vector.broadcast %squeeze3A_334 : f32 to vector<16xf32>
          %mul3A_336 = arith.mulf %get3A_332, %mul3A_335 : vector<16xf32>
          %swap3A_337 = arith.index_cast %scan3A_301 : i32 to index
          %swap3A_338 = arith.constant 32 : index
          %swap3A_339 = tpu.vector_load %arg11[%swap3A_337, %swap3A_338] {strides = array<i32>} : memref<128x64xf32, #tpu.memory_space<vmem>>, vector<1x16xf32>,
          %swap3A_340 = vector.shape_cast %swap3A_339 : vector<1x16xf32> to vector<16xf32>
          %swap3A_341 = vector.shape_cast %mul3A_336 : vector<16xf32> to vector<1x16xf32>
          tpu.vector_store %arg11[%swap3A_337, %swap3A_338], %swap3A_341 {strides = array<i32>} : memref<128x64xf32, #tpu.memory_space<vmem>>, vector<1x16xf32>,
          %get3A_342 = arith.index_cast %scan3A_301 : i32 to index
          %get3A_343 = arith.constant 48 : index
          %get3A_344 = tpu.vector_load %arg11[%get3A_342, %get3A_343] {strides = array<i32>} : memref<128x64xf32, #tpu.memory_space<vmem>>, vector<1x16xf32>,
          %get3A_345 = vector.shape_cast %get3A_344 : vector<1x16xf32> to vector<16xf32>
          %slice3A_346 = vector.extract_strided_slice %get3A_305 {offsets = [3], sizes = [1], strides = [1]} : vector<16xf32> to vector<1xf32>
          %squeeze3A_347 = vector.extract %slice3A_346[0] : f32 from vector<1xf32>
          %mul3A_348 = vector.broadcast %squeeze3A_347 : f32 to vector<16xf32>
          %mul3A_349 = arith.mulf %get3A_345, %mul3A_348 : vector<16xf32>
          %swap3A_350 = arith.index_cast %scan3A_301 : i32 to index
          %swap3A_351 = arith.constant 48 : index
          %swap3A_352 = tpu.vector_load %arg11[%swap3A_350, %swap3A_351] {strides = array<i32>} : memref<128x64xf32, #tpu.memory_space<vmem>>, vector<1x16xf32>,
          %swap3A_353 = vector.shape_cast %swap3A_352 : vector<1x16xf32> to vector<16xf32>
          %swap3A_354 = vector.shape_cast %mul3A_349 : vector<16xf32> to vector<1x16xf32>
          tpu.vector_store %arg11[%swap3A_350, %swap3A_351], %swap3A_354 {strides = array<i32>} : memref<128x64xf32, #tpu.memory_space<vmem>>, vector<1x16xf32>,
          %scan3A_355 = arith.constant 0 : i32
          scf.yield %scan3A_355 : i32
        }
        %scan3A_300 = arith.constant 128 : i32
      } else {
      }
      %ne3A_159 = arith.constant 0 : i32
      %ne3A_160 = arith.cmpi ne, %arg0, %ne3A_159 : i32
      %convert_element_type3A_161 = arith.extui %ne3A_160 : i1 to i32
      %cond3A_162 = arith.constant 0 : i32
      %cond3A_163 = arith.cmpi ne, %convert_element_type3A_161, %cond3A_162 : i32
      scf.if %cond3A_163 {
        %scan3A_294 = arith.constant 0 : i32
        %scan3A_295 = arith.constant 0 : i32
        %scan3A_296 = arith.constant 128 : i32
        %scan3A_297 = arith.addi %scan3A_295, %scan3A_296 : i32
        %scan3A_298 = arith.constant 1 : i32
        %scan3A_299 = scf.for %scan3A_301 = %scan3A_295 to %scan3A_297 step %scan3A_298 iter_args(%scan3A_302 = %scan3A_294) -> (i32)  : i32 {
          %get3A = arith.index_cast %scan3A_301 : i32 to index
          %get3A_303 = arith.constant 0 : index
          %get3A_304 = tpu.vector_load %arg13[%get3A, %get3A_303] {strides = array<i32>} : memref<128x16xf32, #tpu.memory_space<vmem>>, vector<1x16xf32>,
          %get3A_305 = vector.shape_cast %get3A_304 : vector<1x16xf32> to vector<16xf32>
          %get3A_306 = arith.index_cast %scan3A_301 : i32 to index
          %get3A_307 = arith.constant 0 : index
          %get3A_308 = tpu.vector_load %arg11[%get3A_306, %get3A_307] {strides = array<i32>} : memref<128x64xf32, #tpu.memory_space<vmem>>, vector<1x16xf32>,
          %get3A_309 = vector.shape_cast %get3A_308 : vector<1x16xf32> to vector<16xf32>
          %slice3A = vector.extract_strided_slice %get3A_305 {offsets = [4], sizes = [1], strides = [1]} : vector<16xf32> to vector<1xf32>
          %squeeze3A = vector.extract %slice3A[0] : f32 from vector<1xf32>
          %mul3A_310 = vector.broadcast %squeeze3A : f32 to vector<16xf32>
          %mul3A_311 = arith.mulf %get3A_309, %mul3A_310 : vector<16xf32>
          %swap3A = arith.index_cast %scan3A_301 : i32 to index
          %swap3A_312 = arith.constant 0 : index
          %swap3A_313 = tpu.vector_load %arg11[%swap3A, %swap3A_312] {strides = array<i32>} : memref<128x64xf32, #tpu.memory_space<vmem>>, vector<1x16xf32>,
          %swap3A_314 = vector.shape_cast %swap3A_313 : vector<1x16xf32> to vector<16xf32>
          %swap3A_315 = vector.shape_cast %mul3A_311 : vector<16xf32> to vector<1x16xf32>
          tpu.vector_store %arg11[%swap3A, %swap3A_312], %swap3A_315 {strides = array<i32>} : memref<128x64xf32, #tpu.memory_space<vmem>>, vector<1x16xf32>,
          %get3A_316 = arith.index_cast %scan3A_301 : i32 to index
          %get3A_317 = arith.constant 16 : index
          %get3A_318 = tpu.vector_load %arg11[%get3A_316, %get3A_317] {strides = array<i32>} : memref<128x64xf32, #tpu.memory_space<vmem>>, vector<1x16xf32>,
          %get3A_319 = vector.shape_cast %get3A_318 : vector<1x16xf32> to vector<16xf32>
          %slice3A_320 = vector.extract_strided_slice %get3A_305 {offsets = [5], sizes = [1], strides = [1]} : vector<16xf32> to vector<1xf32>
          %squeeze3A_321 = vector.extract %slice3A_320[0] : f32 from vector<1xf32>
          %mul3A_322 = vector.broadcast %squeeze3A_321 : f32 to vector<16xf32>
          %mul3A_323 = arith.mulf %get3A_319, %mul3A_322 : vector<16xf32>
          %swap3A_324 = arith.index_cast %scan3A_301 : i32 to index
          %swap3A_325 = arith.constant 16 : index
          %swap3A_326 = tpu.vector_load %arg11[%swap3A_324, %swap3A_325] {strides = array<i32>} : memref<128x64xf32, #tpu.memory_space<vmem>>, vector<1x16xf32>,
          %swap3A_327 = vector.shape_cast %swap3A_326 : vector<1x16xf32> to vector<16xf32>
          %swap3A_328 = vector.shape_cast %mul3A_323 : vector<16xf32> to vector<1x16xf32>
          tpu.vector_store %arg11[%swap3A_324, %swap3A_325], %swap3A_328 {strides = array<i32>} : memref<128x64xf32, #tpu.memory_space<vmem>>, vector<1x16xf32>,
          %get3A_329 = arith.index_cast %scan3A_301 : i32 to index
          %get3A_330 = arith.constant 32 : index
          %get3A_331 = tpu.vector_load %arg11[%get3A_329, %get3A_330] {strides = array<i32>} : memref<128x64xf32, #tpu.memory_space<vmem>>, vector<1x16xf32>,
          %get3A_332 = vector.shape_cast %get3A_331 : vector<1x16xf32> to vector<16xf32>
          %slice3A_333 = vector.extract_strided_slice %get3A_305 {offsets = [6], sizes = [1], strides = [1]} : vector<16xf32> to vector<1xf32>
          %squeeze3A_334 = vector.extract %slice3A_333[0] : f32 from vector<1xf32>
          %mul3A_335 = vector.broadcast %squeeze3A_334 : f32 to vector<16xf32>
          %mul3A_336 = arith.mulf %get3A_332, %mul3A_335 : vector<16xf32>
          %swap3A_337 = arith.index_cast %scan3A_301 : i32 to index
          %swap3A_338 = arith.constant 32 : index
          %swap3A_339 = tpu.vector_load %arg11[%swap3A_337, %swap3A_338] {strides = array<i32>} : memref<128x64xf32, #tpu.memory_space<vmem>>, vector<1x16xf32>,
          %swap3A_340 = vector.shape_cast %swap3A_339 : vector<1x16xf32> to vector<16xf32>
          %swap3A_341 = vector.shape_cast %mul3A_336 : vector<16xf32> to vector<1x16xf32>
          tpu.vector_store %arg11[%swap3A_337, %swap3A_338], %swap3A_341 {strides = array<i32>} : memref<128x64xf32, #tpu.memory_space<vmem>>, vector<1x16xf32>,
          %get3A_342 = arith.index_cast %scan3A_301 : i32 to index
          %get3A_343 = arith.constant 48 : index
          %get3A_344 = tpu.vector_load %arg11[%get3A_342, %get3A_343] {strides = array<i32>} : memref<128x64xf32, #tpu.memory_space<vmem>>, vector<1x16xf32>,
          %get3A_345 = vector.shape_cast %get3A_344 : vector<1x16xf32> to vector<16xf32>
          %slice3A_346 = vector.extract_strided_slice %get3A_305 {offsets = [7], sizes = [1], strides = [1]} : vector<16xf32> to vector<1xf32>
          %squeeze3A_347 = vector.extract %slice3A_346[0] : f32 from vector<1xf32>
          %mul3A_348 = vector.broadcast %squeeze3A_347 : f32 to vector<16xf32>
          %mul3A_349 = arith.mulf %get3A_345, %mul3A_348 : vector<16xf32>
          %swap3A_350 = arith.index_cast %scan3A_301 : i32 to index
          %swap3A_351 = arith.constant 48 : index
          %swap3A_352 = tpu.vector_load %arg11[%swap3A_350, %swap3A_351] {strides = array<i32>} : memref<128x64xf32, #tpu.memory_space<vmem>>, vector<1x16xf32>,
          %swap3A_353 = vector.shape_cast %swap3A_352 : vector<1x16xf32> to vector<16xf32>
          %swap3A_354 = vector.shape_cast %mul3A_349 : vector<16xf32> to vector<1x16xf32>
          tpu.vector_store %arg11[%swap3A_350, %swap3A_351], %swap3A_354 {strides = array<i32>} : memref<128x64xf32, #tpu.memory_space<vmem>>, vector<1x16xf32>,
          %scan3A_355 = arith.constant 0 : i32
          scf.yield %scan3A_355 : i32
        }
        %scan3A_300 = arith.constant 128 : i32
      } else {
      }
      %dma_start3A_164 = arith.constant 1 : i32
      %dma_start3A_165 = arith.constant 0 : i32
      %dma_start3A_166 = tpu.memref_slice %arg7[%dma_start3A_164, %dma_start3A_165] : memref<2x128xi32, #tpu.memory_space<vmem>> -> memref<1x128xi32, #tpu.memory_space<vmem>>
      %dma_start3A_167 = tpu.memref_squeeze %dma_start3A_166 : memref<1x128xi32, #tpu.memory_space<vmem>> -> memref<128xi32, #tpu.memory_space<vmem>>
      %dma_start3A_168 = arith.constant 0 : i32
      %dma_start3A_169 = arith.constant 0 : i32
      %dma_start3A_170 = tpu.memref_slice %arg25[%dma_start3A_168, %dma_start3A_169] : memref<10112x64xf32, #tpu.memory_space<vmem_shared>> -> memref<10112x64xf32, #tpu.memory_space<vmem_shared>>
      tpu.enqueue_indirect_dma source(%arg11 : memref<128x64xf32, #tpu.memory_space<vmem>>) target(%dma_start3A_170 : memref<10112x64xf32, #tpu.memory_space<vmem_shared>>) offsets(%dma_start3A_167 : memref<128xi32, #tpu.memory_space<vmem>>) semaphore(%arg24 : memref<!tpu.dma_semaphore, #tpu.memory_space<semaphore_mem>>) {add = true}
      %mul3A_171 = arith.constant 4 : i32
      %mul3A_172 = arith.muli %mul3A_171, %scan3A_50 : i32
      %add3A_173 = arith.constant 2 : i32
      %add3A_174 = arith.addi %mul3A_172, %add3A_173 : i32
      %ge3A_175 = arith.constant 1 : i32
      %ge3A_176 = arith.cmpi sge, %add3A_174, %ge3A_175 : i32
      %convert_element_type3A_177 = arith.extui %ge3A_176 : i1 to i32
      %cond3A_178 = arith.constant 0 : i32
      %cond3A_179 = arith.cmpi ne, %convert_element_type3A_177, %cond3A_178 : i32
      scf.if %cond3A_179 {
        %dma_wait3A_294 = arith.constant 1 : i32
        %dma_wait3A_295 = arith.constant 0 : i32
        %dma_wait3A_296 = tpu.memref_slice %arg7[%dma_wait3A_294, %dma_wait3A_295] : memref<2x128xi32, #tpu.memory_space<vmem>> -> memref<1x128xi32, #tpu.memory_space<vmem>>
        %dma_wait3A_297 = tpu.memref_squeeze %dma_wait3A_296 : memref<1x128xi32, #tpu.memory_space<vmem>> -> memref<128xi32, #tpu.memory_space<vmem>>
        %dma_wait3A_298 = arith.constant 0 : i32
        %dma_wait3A_299 = arith.constant 0 : i32
        %dma_wait3A_300 = tpu.memref_slice %arg25[%dma_wait3A_298, %dma_wait3A_299] : memref<10112x64xf32, #tpu.memory_space<vmem_shared>> -> memref<10112x64xf32, #tpu.memory_space<vmem_shared>>
        tpu.wait_indirect_dma semaphore(%arg24 : memref<!tpu.dma_semaphore, #tpu.memory_space<semaphore_mem>>) src(%arg11 : memref<128x64xf32, #tpu.memory_space<vmem>>) dst(%dma_wait3A_300 : memref<10112x64xf32, #tpu.memory_space<vmem_shared>>)
      } else {
      }
      %add3A_180 = arith.constant 2 : i32
      %add3A_181 = arith.addi %add3A_174, %add3A_180 : i32
      %lt3A_182 = arith.constant 164 : i32
      %lt3A_183 = arith.cmpi slt, %add3A_181, %lt3A_182 : i32
      %convert_element_type3A_184 = arith.extui %lt3A_183 : i1 to i32
      %cond3A_185 = arith.constant 0 : i32
      %cond3A_186 = arith.cmpi ne, %convert_element_type3A_184, %cond3A_185 : i32
      scf.if %cond3A_186 {
        %add3A_294 = arith.constant 2 : i32
        %add3A_295 = arith.addi %add3A_174, %add3A_294 : i32
        %dma_start3A_296 = arith.constant 0 : i32
        %dma_start3A_297 = arith.constant 0 : i32
        %dma_start3A_298 = tpu.memref_slice %arg4[%arg1, %add3A_295, %dma_start3A_296, %dma_start3A_297] : memref<16x164x2x128xi32, #tpu.memory_space<hbm>> -> memref<1x1x2x128xi32, #tpu.memory_space<hbm>>
        %dma_start3A_299 = tpu.memref_squeeze %dma_start3A_298 : memref<1x1x2x128xi32, #tpu.memory_space<hbm>> -> memref<2x128xi32, #tpu.memory_space<hbm>>
        %dma_start3A_300 = arith.constant 0 : i32
        %dma_start3A_301 = arith.constant 0 : i32
        %dma_start3A_302 = tpu.memref_slice %arg4[%arg1, %add3A_295, %dma_start3A_300, %dma_start3A_301] : memref<16x164x2x128xi32, #tpu.memory_space<hbm>> -> memref<1x1x2x128xi32, #tpu.memory_space<hbm>>
        %dma_start3A_303 = tpu.memref_squeeze %dma_start3A_302 : memref<1x1x2x128xi32, #tpu.memory_space<hbm>> -> memref<2x128xi32, #tpu.memory_space<hbm>>
        tpu.enqueue_dma source(%dma_start3A_303 : memref<2x128xi32, #tpu.memory_space<hbm>>) target(%arg6 : memref<2x128xi32, #tpu.memory_space<vmem>>) target_semaphore(%arg15 : memref<!tpu.dma_semaphore, #tpu.memory_space<semaphore_mem>>)
      } else {
      }
      %add3A_187 = arith.constant 1 : i32
      %add3A_188 = arith.addi %add3A_174, %add3A_187 : i32
      %lt3A_189 = arith.constant 164 : i32
      %lt3A_190 = arith.cmpi slt, %add3A_188, %lt3A_189 : i32
      %convert_element_type3A_191 = arith.extui %lt3A_190 : i1 to i32
      %cond3A_192 = arith.constant 0 : i32
      %cond3A_193 = arith.cmpi ne, %convert_element_type3A_191, %cond3A_192 : i32
      scf.if %cond3A_193 {
        %add3A_294 = arith.constant 1 : i32
        %add3A_295 = arith.addi %add3A_174, %add3A_294 : i32
        %dma_wait3A_296 = arith.constant 0 : i32
        %dma_wait3A_297 = arith.constant 0 : i32
        %dma_wait3A_298 = tpu.memref_slice %arg4[%arg1, %add3A_295, %dma_wait3A_296, %dma_wait3A_297] : memref<16x164x2x128xi32, #tpu.memory_space<hbm>> -> memref<1x1x2x128xi32, #tpu.memory_space<hbm>>
        %dma_wait3A_299 = tpu.memref_squeeze %dma_wait3A_298 : memref<1x1x2x128xi32, #tpu.memory_space<hbm>> -> memref<2x128xi32, #tpu.memory_space<hbm>>
        %dma_wait3A_300 = arith.constant 0 : i32
        %dma_wait3A_301 = arith.constant 0 : i32
        %dma_wait3A_302 = tpu.memref_slice %arg4[%arg1, %add3A_295, %dma_wait3A_300, %dma_wait3A_301] : memref<16x164x2x128xi32, #tpu.memory_space<hbm>> -> memref<1x1x2x128xi32, #tpu.memory_space<hbm>>
        %dma_wait3A_303 = tpu.memref_squeeze %dma_wait3A_302 : memref<1x1x2x128xi32, #tpu.memory_space<hbm>> -> memref<2x128xi32, #tpu.memory_space<hbm>>
        tpu.wait_dma2 semaphore(%arg18 : memref<!tpu.dma_semaphore, #tpu.memory_space<semaphore_mem>>) src(%dma_wait3A_303 : memref<2x128xi32, #tpu.memory_space<hbm>>) dst(%arg9 : memref<2x128xi32, #tpu.memory_space<vmem>>)
        %eq3A_304 = arith.constant 0 : i32
        %eq3A_305 = arith.cmpi eq, %arg0, %eq3A_304 : i32
        %convert_element_type3A_306 = arith.extui %eq3A_305 : i1 to i32
        %cond3A_307 = arith.constant 0 : i32
        %cond3A_308 = arith.cmpi ne, %convert_element_type3A_306, %cond3A_307 : i32
        scf.if %cond3A_308 {
          %dma_start3A_327 = arith.constant 0 : i32
          %dma_start3A_328 = arith.constant 0 : i32
          %dma_start3A_329 = arith.constant 0 : i32
          %dma_start3A_330 = tpu.memref_slice %arg9[%dma_start3A_328, %dma_start3A_329] : memref<2x128xi32, #tpu.memory_space<vmem>> -> memref<1x128xi32, #tpu.memory_space<vmem>>
          %dma_start3A_331 = tpu.memref_squeeze %dma_start3A_330 : memref<1x128xi32, #tpu.memory_space<vmem>> -> memref<128xi32, #tpu.memory_space<vmem>>
          %dma_start3A_332 = arith.constant 0 : i32
          %dma_start3A_333 = arith.constant 0 : i32
          %dma_start3A_334 = tpu.memref_slice %arg2[%dma_start3A_327, %dma_start3A_332, %dma_start3A_333] : memref<2x10112x64xf32, #tpu.memory_space<hbm>> -> memref<1x10112x64xf32, #tpu.memory_space<hbm>>
          %dma_start3A_335 = tpu.memref_squeeze %dma_start3A_334 : memref<1x10112x64xf32, #tpu.memory_space<hbm>> -> memref<10112x64xf32, #tpu.memory_space<hbm>>
          %dma_start3A_336 = arith.constant 0 : i32
          %dma_start3A_337 = arith.constant 0 : i32
          %dma_start3A_338 = tpu.memref_slice %dma_start3A_335[%dma_start3A_336, %dma_start3A_337] : memref<10112x64xf32, #tpu.memory_space<hbm>> -> memref<10112x64xf32, #tpu.memory_space<hbm>>
          tpu.enqueue_indirect_dma source(%dma_start3A_338 : memref<10112x64xf32, #tpu.memory_space<hbm>>) target(%arg11 : memref<128x64xf32, #tpu.memory_space<vmem>>) offsets(%dma_start3A_331 : memref<128xi32, #tpu.memory_space<vmem>>) semaphore(%arg20 : memref<!tpu.dma_semaphore, #tpu.memory_space<semaphore_mem>>)
        } else {
        }
        %ne3A_309 = arith.constant 0 : i32
        %ne3A_310 = arith.cmpi ne, %arg0, %ne3A_309 : i32
        %convert_element_type3A_311 = arith.extui %ne3A_310 : i1 to i32
        %cond3A_312 = arith.constant 0 : i32
        %cond3A_313 = arith.cmpi ne, %convert_element_type3A_311, %cond3A_312 : i32
        scf.if %cond3A_313 {
          %dma_start3A_327 = arith.constant 1 : i32
          %dma_start3A_328 = arith.constant 0 : i32
          %dma_start3A_329 = arith.constant 0 : i32
          %dma_start3A_330 = tpu.memref_slice %arg9[%dma_start3A_328, %dma_start3A_329] : memref<2x128xi32, #tpu.memory_space<vmem>> -> memref<1x128xi32, #tpu.memory_space<vmem>>
          %dma_start3A_331 = tpu.memref_squeeze %dma_start3A_330 : memref<1x128xi32, #tpu.memory_space<vmem>> -> memref<128xi32, #tpu.memory_space<vmem>>
          %dma_start3A_332 = arith.constant 0 : i32
          %dma_start3A_333 = arith.constant 0 : i32
          %dma_start3A_334 = tpu.memref_slice %arg2[%dma_start3A_327, %dma_start3A_332, %dma_start3A_333] : memref<2x10112x64xf32, #tpu.memory_space<hbm>> -> memref<1x10112x64xf32, #tpu.memory_space<hbm>>
          %dma_start3A_335 = tpu.memref_squeeze %dma_start3A_334 : memref<1x10112x64xf32, #tpu.memory_space<hbm>> -> memref<10112x64xf32, #tpu.memory_space<hbm>>
          %dma_start3A_336 = arith.constant 0 : i32
          %dma_start3A_337 = arith.constant 0 : i32
          %dma_start3A_338 = tpu.memref_slice %dma_start3A_335[%dma_start3A_336, %dma_start3A_337] : memref<10112x64xf32, #tpu.memory_space<hbm>> -> memref<10112x64xf32, #tpu.memory_space<hbm>>
          tpu.enqueue_indirect_dma source(%dma_start3A_338 : memref<10112x64xf32, #tpu.memory_space<hbm>>) target(%arg11 : memref<128x64xf32, #tpu.memory_space<vmem>>) offsets(%dma_start3A_331 : memref<128xi32, #tpu.memory_space<vmem>>) semaphore(%arg20 : memref<!tpu.dma_semaphore, #tpu.memory_space<semaphore_mem>>)
        } else {
        }
        %mul3A_314 = arith.constant 164 : i32
        %mul3A_315 = arith.muli %arg1, %mul3A_314 : i32
        %add3A_316 = arith.addi %mul3A_315, %add3A_174 : i32
        %add3A_317 = arith.constant 1 : i32
        %add3A_318 = arith.addi %add3A_316, %add3A_317 : i32
        %dma_start3A_319 = arith.constant 0 : i32
        %dma_start3A_320 = arith.constant 0 : i32
        %dma_start3A_321 = tpu.memref_slice %arg3[%add3A_318, %dma_start3A_319, %dma_start3A_320] : memref<2624x128x16xf32, #tpu.memory_space<hbm>> -> memref<1x128x16xf32, #tpu.memory_space<hbm>>
        %dma_start3A_322 = tpu.memref_squeeze %dma_start3A_321 : memref<1x128x16xf32, #tpu.memory_space<hbm>> -> memref<128x16xf32, #tpu.memory_space<hbm>>
        %dma_start3A_323 = arith.constant 0 : i32
        %dma_start3A_324 = arith.constant 0 : i32
        %dma_start3A_325 = tpu.memref_slice %arg3[%add3A_318, %dma_start3A_323, %dma_start3A_324] : memref<2624x128x16xf32, #tpu.memory_space<hbm>> -> memref<1x128x16xf32, #tpu.memory_space<hbm>>
        %dma_start3A_326 = tpu.memref_squeeze %dma_start3A_325 : memref<1x128x16xf32, #tpu.memory_space<hbm>> -> memref<128x16xf32, #tpu.memory_space<hbm>>
        tpu.enqueue_dma source(%dma_start3A_326 : memref<128x16xf32, #tpu.memory_space<hbm>>) target(%arg13 : memref<128x16xf32, #tpu.memory_space<vmem>>) target_semaphore(%arg22 : memref<!tpu.dma_semaphore, #tpu.memory_space<semaphore_mem>>)
      } else {
      }
      %eq3A_194 = arith.constant 0 : i32
      %eq3A_195 = arith.cmpi eq, %arg0, %eq3A_194 : i32
      %convert_element_type3A_196 = arith.extui %eq3A_195 : i1 to i32
      %cond3A_197 = arith.constant 0 : i32
      %cond3A_198 = arith.cmpi ne, %convert_element_type3A_196, %cond3A_197 : i32
      scf.if %cond3A_198 {
        %dma_wait3A_294 = arith.constant 0 : i32
        %dma_wait3A_295 = arith.constant 0 : i32
        %dma_wait3A_296 = arith.constant 0 : i32
        %dma_wait3A_297 = tpu.memref_slice %arg8[%dma_wait3A_295, %dma_wait3A_296] : memref<2x128xi32, #tpu.memory_space<vmem>> -> memref<1x128xi32, #tpu.memory_space<vmem>>
        %dma_wait3A_298 = tpu.memref_squeeze %dma_wait3A_297 : memref<1x128xi32, #tpu.memory_space<vmem>> -> memref<128xi32, #tpu.memory_space<vmem>>
        %dma_wait3A_299 = arith.constant 0 : i32
        %dma_wait3A_300 = arith.constant 0 : i32
        %dma_wait3A_301 = tpu.memref_slice %arg2[%dma_wait3A_294, %dma_wait3A_299, %dma_wait3A_300] : memref<2x10112x64xf32, #tpu.memory_space<hbm>> -> memref<1x10112x64xf32, #tpu.memory_space<hbm>>
        %dma_wait3A_302 = tpu.memref_squeeze %dma_wait3A_301 : memref<1x10112x64xf32, #tpu.memory_space<hbm>> -> memref<10112x64xf32, #tpu.memory_space<hbm>>
        %dma_wait3A_303 = arith.constant 0 : i32
        %dma_wait3A_304 = arith.constant 0 : i32
        %dma_wait3A_305 = tpu.memref_slice %dma_wait3A_302[%dma_wait3A_303, %dma_wait3A_304] : memref<10112x64xf32, #tpu.memory_space<hbm>> -> memref<10112x64xf32, #tpu.memory_space<hbm>>
        tpu.wait_indirect_dma semaphore(%arg19 : memref<!tpu.dma_semaphore, #tpu.memory_space<semaphore_mem>>) src(%dma_wait3A_305 : memref<10112x64xf32, #tpu.memory_space<hbm>>) dst(%arg10 : memref<128x64xf32, #tpu.memory_space<vmem>>)
      } else {
      }
      %ne3A_199 = arith.constant 0 : i32
      %ne3A_200 = arith.cmpi ne, %arg0, %ne3A_199 : i32
      %convert_element_type3A_201 = arith.extui %ne3A_200 : i1 to i32
      %cond3A_202 = arith.constant 0 : i32
      %cond3A_203 = arith.cmpi ne, %convert_element_type3A_201, %cond3A_202 : i32
      scf.if %cond3A_203 {
        %dma_wait3A_294 = arith.constant 1 : i32
        %dma_wait3A_295 = arith.constant 0 : i32
        %dma_wait3A_296 = arith.constant 0 : i32
        %dma_wait3A_297 = tpu.memref_slice %arg8[%dma_wait3A_295, %dma_wait3A_296] : memref<2x128xi32, #tpu.memory_space<vmem>> -> memref<1x128xi32, #tpu.memory_space<vmem>>
        %dma_wait3A_298 = tpu.memref_squeeze %dma_wait3A_297 : memref<1x128xi32, #tpu.memory_space<vmem>> -> memref<128xi32, #tpu.memory_space<vmem>>
        %dma_wait3A_299 = arith.constant 0 : i32
        %dma_wait3A_300 = arith.constant 0 : i32
        %dma_wait3A_301 = tpu.memref_slice %arg2[%dma_wait3A_294, %dma_wait3A_299, %dma_wait3A_300] : memref<2x10112x64xf32, #tpu.memory_space<hbm>> -> memref<1x10112x64xf32, #tpu.memory_space<hbm>>
        %dma_wait3A_302 = tpu.memref_squeeze %dma_wait3A_301 : memref<1x10112x64xf32, #tpu.memory_space<hbm>> -> memref<10112x64xf32, #tpu.memory_space<hbm>>
        %dma_wait3A_303 = arith.constant 0 : i32
        %dma_wait3A_304 = arith.constant 0 : i32
        %dma_wait3A_305 = tpu.memref_slice %dma_wait3A_302[%dma_wait3A_303, %dma_wait3A_304] : memref<10112x64xf32, #tpu.memory_space<hbm>> -> memref<10112x64xf32, #tpu.memory_space<hbm>>
        tpu.wait_indirect_dma semaphore(%arg19 : memref<!tpu.dma_semaphore, #tpu.memory_space<semaphore_mem>>) src(%dma_wait3A_305 : memref<10112x64xf32, #tpu.memory_space<hbm>>) dst(%arg10 : memref<128x64xf32, #tpu.memory_space<vmem>>)
      } else {
      }
      %mul3A_204 = arith.constant 164 : i32
      %mul3A_205 = arith.muli %arg1, %mul3A_204 : i32
      %add3A_206 = arith.addi %mul3A_205, %add3A_174 : i32
      %dma_wait3A_207 = arith.constant 0 : i32
      %dma_wait3A_208 = arith.constant 0 : i32
      %dma_wait3A_209 = tpu.memref_slice %arg3[%add3A_206, %dma_wait3A_207, %dma_wait3A_208] : memref<2624x128x16xf32, #tpu.memory_space<hbm>> -> memref<1x128x16xf32, #tpu.memory_space<hbm>>
      %dma_wait3A_210 = tpu.memref_squeeze %dma_wait3A_209 : memref<1x128x16xf32, #tpu.memory_space<hbm>> -> memref<128x16xf32, #tpu.memory_space<hbm>>
      %dma_wait3A_211 = arith.constant 0 : i32
      %dma_wait3A_212 = arith.constant 0 : i32
      %dma_wait3A_213 = tpu.memref_slice %arg3[%add3A_206, %dma_wait3A_211, %dma_wait3A_212] : memref<2624x128x16xf32, #tpu.memory_space<hbm>> -> memref<1x128x16xf32, #tpu.memory_space<hbm>>
      %dma_wait3A_214 = tpu.memref_squeeze %dma_wait3A_213 : memref<1x128x16xf32, #tpu.memory_space<hbm>> -> memref<128x16xf32, #tpu.memory_space<hbm>>
      tpu.wait_dma2 semaphore(%arg21 : memref<!tpu.dma_semaphore, #tpu.memory_space<semaphore_mem>>) src(%dma_wait3A_214 : memref<128x16xf32, #tpu.memory_space<hbm>>) dst(%arg12 : memref<128x16xf32, #tpu.memory_space<vmem>>)
      %eq3A_215 = arith.constant 0 : i32
      %eq3A_216 = arith.cmpi eq, %arg0, %eq3A_215 : i32
      %convert_element_type3A_217 = arith.extui %eq3A_216 : i1 to i32
      %cond3A_218 = arith.constant 0 : i32
      %cond3A_219 = arith.cmpi ne, %convert_element_type3A_217, %cond3A_218 : i32
      scf.if %cond3A_219 {
        %scan3A_294 = arith.constant 0 : i32
        %scan3A_295 = arith.constant 0 : i32
        %scan3A_296 = arith.constant 128 : i32
        %scan3A_297 = arith.addi %scan3A_295, %scan3A_296 : i32
        %scan3A_298 = arith.constant 1 : i32
        %scan3A_299 = scf.for %scan3A_301 = %scan3A_295 to %scan3A_297 step %scan3A_298 iter_args(%scan3A_302 = %scan3A_294) -> (i32)  : i32 {
          %get3A = arith.index_cast %scan3A_301 : i32 to index
          %get3A_303 = arith.constant 0 : index
          %get3A_304 = tpu.vector_load %arg12[%get3A, %get3A_303] {strides = array<i32>} : memref<128x16xf32, #tpu.memory_space<vmem>>, vector<1x16xf32>,
          %get3A_305 = vector.shape_cast %get3A_304 : vector<1x16xf32> to vector<16xf32>
          %get3A_306 = arith.index_cast %scan3A_301 : i32 to index
          %get3A_307 = arith.constant 0 : index
          %get3A_308 = tpu.vector_load %arg10[%get3A_306, %get3A_307] {strides = array<i32>} : memref<128x64xf32, #tpu.memory_space<vmem>>, vector<1x16xf32>,
          %get3A_309 = vector.shape_cast %get3A_308 : vector<1x16xf32> to vector<16xf32>
          %slice3A = vector.extract_strided_slice %get3A_305 {offsets = [0], sizes = [1], strides = [1]} : vector<16xf32> to vector<1xf32>
          %squeeze3A = vector.extract %slice3A[0] : f32 from vector<1xf32>
          %mul3A_310 = vector.broadcast %squeeze3A : f32 to vector<16xf32>
          %mul3A_311 = arith.mulf %get3A_309, %mul3A_310 : vector<16xf32>
          %swap3A = arith.index_cast %scan3A_301 : i32 to index
          %swap3A_312 = arith.constant 0 : index
          %swap3A_313 = tpu.vector_load %arg10[%swap3A, %swap3A_312] {strides = array<i32>} : memref<128x64xf32, #tpu.memory_space<vmem>>, vector<1x16xf32>,
          %swap3A_314 = vector.shape_cast %swap3A_313 : vector<1x16xf32> to vector<16xf32>
          %swap3A_315 = vector.shape_cast %mul3A_311 : vector<16xf32> to vector<1x16xf32>
          tpu.vector_store %arg10[%swap3A, %swap3A_312], %swap3A_315 {strides = array<i32>} : memref<128x64xf32, #tpu.memory_space<vmem>>, vector<1x16xf32>,
          %get3A_316 = arith.index_cast %scan3A_301 : i32 to index
          %get3A_317 = arith.constant 16 : index
          %get3A_318 = tpu.vector_load %arg10[%get3A_316, %get3A_317] {strides = array<i32>} : memref<128x64xf32, #tpu.memory_space<vmem>>, vector<1x16xf32>,
          %get3A_319 = vector.shape_cast %get3A_318 : vector<1x16xf32> to vector<16xf32>
          %slice3A_320 = vector.extract_strided_slice %get3A_305 {offsets = [1], sizes = [1], strides = [1]} : vector<16xf32> to vector<1xf32>
          %squeeze3A_321 = vector.extract %slice3A_320[0] : f32 from vector<1xf32>
          %mul3A_322 = vector.broadcast %squeeze3A_321 : f32 to vector<16xf32>
          %mul3A_323 = arith.mulf %get3A_319, %mul3A_322 : vector<16xf32>
          %swap3A_324 = arith.index_cast %scan3A_301 : i32 to index
          %swap3A_325 = arith.constant 16 : index
          %swap3A_326 = tpu.vector_load %arg10[%swap3A_324, %swap3A_325] {strides = array<i32>} : memref<128x64xf32, #tpu.memory_space<vmem>>, vector<1x16xf32>,
          %swap3A_327 = vector.shape_cast %swap3A_326 : vector<1x16xf32> to vector<16xf32>
          %swap3A_328 = vector.shape_cast %mul3A_323 : vector<16xf32> to vector<1x16xf32>
          tpu.vector_store %arg10[%swap3A_324, %swap3A_325], %swap3A_328 {strides = array<i32>} : memref<128x64xf32, #tpu.memory_space<vmem>>, vector<1x16xf32>,
          %get3A_329 = arith.index_cast %scan3A_301 : i32 to index
          %get3A_330 = arith.constant 32 : index
          %get3A_331 = tpu.vector_load %arg10[%get3A_329, %get3A_330] {strides = array<i32>} : memref<128x64xf32, #tpu.memory_space<vmem>>, vector<1x16xf32>,
          %get3A_332 = vector.shape_cast %get3A_331 : vector<1x16xf32> to vector<16xf32>
          %slice3A_333 = vector.extract_strided_slice %get3A_305 {offsets = [2], sizes = [1], strides = [1]} : vector<16xf32> to vector<1xf32>
          %squeeze3A_334 = vector.extract %slice3A_333[0] : f32 from vector<1xf32>
          %mul3A_335 = vector.broadcast %squeeze3A_334 : f32 to vector<16xf32>
          %mul3A_336 = arith.mulf %get3A_332, %mul3A_335 : vector<16xf32>
          %swap3A_337 = arith.index_cast %scan3A_301 : i32 to index
          %swap3A_338 = arith.constant 32 : index
          %swap3A_339 = tpu.vector_load %arg10[%swap3A_337, %swap3A_338] {strides = array<i32>} : memref<128x64xf32, #tpu.memory_space<vmem>>, vector<1x16xf32>,
          %swap3A_340 = vector.shape_cast %swap3A_339 : vector<1x16xf32> to vector<16xf32>
          %swap3A_341 = vector.shape_cast %mul3A_336 : vector<16xf32> to vector<1x16xf32>
          tpu.vector_store %arg10[%swap3A_337, %swap3A_338], %swap3A_341 {strides = array<i32>} : memref<128x64xf32, #tpu.memory_space<vmem>>, vector<1x16xf32>,
          %get3A_342 = arith.index_cast %scan3A_301 : i32 to index
          %get3A_343 = arith.constant 48 : index
          %get3A_344 = tpu.vector_load %arg10[%get3A_342, %get3A_343] {strides = array<i32>} : memref<128x64xf32, #tpu.memory_space<vmem>>, vector<1x16xf32>,
          %get3A_345 = vector.shape_cast %get3A_344 : vector<1x16xf32> to vector<16xf32>
          %slice3A_346 = vector.extract_strided_slice %get3A_305 {offsets = [3], sizes = [1], strides = [1]} : vector<16xf32> to vector<1xf32>
          %squeeze3A_347 = vector.extract %slice3A_346[0] : f32 from vector<1xf32>
          %mul3A_348 = vector.broadcast %squeeze3A_347 : f32 to vector<16xf32>
          %mul3A_349 = arith.mulf %get3A_345, %mul3A_348 : vector<16xf32>
          %swap3A_350 = arith.index_cast %scan3A_301 : i32 to index
          %swap3A_351 = arith.constant 48 : index
          %swap3A_352 = tpu.vector_load %arg10[%swap3A_350, %swap3A_351] {strides = array<i32>} : memref<128x64xf32, #tpu.memory_space<vmem>>, vector<1x16xf32>,
          %swap3A_353 = vector.shape_cast %swap3A_352 : vector<1x16xf32> to vector<16xf32>
          %swap3A_354 = vector.shape_cast %mul3A_349 : vector<16xf32> to vector<1x16xf32>
          tpu.vector_store %arg10[%swap3A_350, %swap3A_351], %swap3A_354 {strides = array<i32>} : memref<128x64xf32, #tpu.memory_space<vmem>>, vector<1x16xf32>,
          %scan3A_355 = arith.constant 0 : i32
          scf.yield %scan3A_355 : i32
        }
        %scan3A_300 = arith.constant 128 : i32
      } else {
      }
      %ne3A_220 = arith.constant 0 : i32
      %ne3A_221 = arith.cmpi ne, %arg0, %ne3A_220 : i32
      %convert_element_type3A_222 = arith.extui %ne3A_221 : i1 to i32
      %cond3A_223 = arith.constant 0 : i32
      %cond3A_224 = arith.cmpi ne, %convert_element_type3A_222, %cond3A_223 : i32
      scf.if %cond3A_224 {
        %scan3A_294 = arith.constant 0 : i32
        %scan3A_295 = arith.constant 0 : i32
        %scan3A_296 = arith.constant 128 : i32
        %scan3A_297 = arith.addi %scan3A_295, %scan3A_296 : i32
        %scan3A_298 = arith.constant 1 : i32
        %scan3A_299 = scf.for %scan3A_301 = %scan3A_295 to %scan3A_297 step %scan3A_298 iter_args(%scan3A_302 = %scan3A_294) -> (i32)  : i32 {
          %get3A = arith.index_cast %scan3A_301 : i32 to index
          %get3A_303 = arith.constant 0 : index
          %get3A_304 = tpu.vector_load %arg12[%get3A, %get3A_303] {strides = array<i32>} : memref<128x16xf32, #tpu.memory_space<vmem>>, vector<1x16xf32>,
          %get3A_305 = vector.shape_cast %get3A_304 : vector<1x16xf32> to vector<16xf32>
          %get3A_306 = arith.index_cast %scan3A_301 : i32 to index
          %get3A_307 = arith.constant 0 : index
          %get3A_308 = tpu.vector_load %arg10[%get3A_306, %get3A_307] {strides = array<i32>} : memref<128x64xf32, #tpu.memory_space<vmem>>, vector<1x16xf32>,
          %get3A_309 = vector.shape_cast %get3A_308 : vector<1x16xf32> to vector<16xf32>
          %slice3A = vector.extract_strided_slice %get3A_305 {offsets = [4], sizes = [1], strides = [1]} : vector<16xf32> to vector<1xf32>
          %squeeze3A = vector.extract %slice3A[0] : f32 from vector<1xf32>
          %mul3A_310 = vector.broadcast %squeeze3A : f32 to vector<16xf32>
          %mul3A_311 = arith.mulf %get3A_309, %mul3A_310 : vector<16xf32>
          %swap3A = arith.index_cast %scan3A_301 : i32 to index
          %swap3A_312 = arith.constant 0 : index
          %swap3A_313 = tpu.vector_load %arg10[%swap3A, %swap3A_312] {strides = array<i32>} : memref<128x64xf32, #tpu.memory_space<vmem>>, vector<1x16xf32>,
          %swap3A_314 = vector.shape_cast %swap3A_313 : vector<1x16xf32> to vector<16xf32>
          %swap3A_315 = vector.shape_cast %mul3A_311 : vector<16xf32> to vector<1x16xf32>
          tpu.vector_store %arg10[%swap3A, %swap3A_312], %swap3A_315 {strides = array<i32>} : memref<128x64xf32, #tpu.memory_space<vmem>>, vector<1x16xf32>,
          %get3A_316 = arith.index_cast %scan3A_301 : i32 to index
          %get3A_317 = arith.constant 16 : index
          %get3A_318 = tpu.vector_load %arg10[%get3A_316, %get3A_317] {strides = array<i32>} : memref<128x64xf32, #tpu.memory_space<vmem>>, vector<1x16xf32>,
          %get3A_319 = vector.shape_cast %get3A_318 : vector<1x16xf32> to vector<16xf32>
          %slice3A_320 = vector.extract_strided_slice %get3A_305 {offsets = [5], sizes = [1], strides = [1]} : vector<16xf32> to vector<1xf32>
          %squeeze3A_321 = vector.extract %slice3A_320[0] : f32 from vector<1xf32>
          %mul3A_322 = vector.broadcast %squeeze3A_321 : f32 to vector<16xf32>
          %mul3A_323 = arith.mulf %get3A_319, %mul3A_322 : vector<16xf32>
          %swap3A_324 = arith.index_cast %scan3A_301 : i32 to index
          %swap3A_325 = arith.constant 16 : index
          %swap3A_326 = tpu.vector_load %arg10[%swap3A_324, %swap3A_325] {strides = array<i32>} : memref<128x64xf32, #tpu.memory_space<vmem>>, vector<1x16xf32>,
          %swap3A_327 = vector.shape_cast %swap3A_326 : vector<1x16xf32> to vector<16xf32>
          %swap3A_328 = vector.shape_cast %mul3A_323 : vector<16xf32> to vector<1x16xf32>
          tpu.vector_store %arg10[%swap3A_324, %swap3A_325], %swap3A_328 {strides = array<i32>} : memref<128x64xf32, #tpu.memory_space<vmem>>, vector<1x16xf32>,
          %get3A_329 = arith.index_cast %scan3A_301 : i32 to index
          %get3A_330 = arith.constant 32 : index
          %get3A_331 = tpu.vector_load %arg10[%get3A_329, %get3A_330] {strides = array<i32>} : memref<128x64xf32, #tpu.memory_space<vmem>>, vector<1x16xf32>,
          %get3A_332 = vector.shape_cast %get3A_331 : vector<1x16xf32> to vector<16xf32>
          %slice3A_333 = vector.extract_strided_slice %get3A_305 {offsets = [6], sizes = [1], strides = [1]} : vector<16xf32> to vector<1xf32>
          %squeeze3A_334 = vector.extract %slice3A_333[0] : f32 from vector<1xf32>
          %mul3A_335 = vector.broadcast %squeeze3A_334 : f32 to vector<16xf32>
          %mul3A_336 = arith.mulf %get3A_332, %mul3A_335 : vector<16xf32>
          %swap3A_337 = arith.index_cast %scan3A_301 : i32 to index
          %swap3A_338 = arith.constant 32 : index
          %swap3A_339 = tpu.vector_load %arg10[%swap3A_337, %swap3A_338] {strides = array<i32>} : memref<128x64xf32, #tpu.memory_space<vmem>>, vector<1x16xf32>,
          %swap3A_340 = vector.shape_cast %swap3A_339 : vector<1x16xf32> to vector<16xf32>
          %swap3A_341 = vector.shape_cast %mul3A_336 : vector<16xf32> to vector<1x16xf32>
          tpu.vector_store %arg10[%swap3A_337, %swap3A_338], %swap3A_341 {strides = array<i32>} : memref<128x64xf32, #tpu.memory_space<vmem>>, vector<1x16xf32>,
          %get3A_342 = arith.index_cast %scan3A_301 : i32 to index
          %get3A_343 = arith.constant 48 : index
          %get3A_344 = tpu.vector_load %arg10[%get3A_342, %get3A_343] {strides = array<i32>} : memref<128x64xf32, #tpu.memory_space<vmem>>, vector<1x16xf32>,
          %get3A_345 = vector.shape_cast %get3A_344 : vector<1x16xf32> to vector<16xf32>
          %slice3A_346 = vector.extract_strided_slice %get3A_305 {offsets = [7], sizes = [1], strides = [1]} : vector<16xf32> to vector<1xf32>
          %squeeze3A_347 = vector.extract %slice3A_346[0] : f32 from vector<1xf32>
          %mul3A_348 = vector.broadcast %squeeze3A_347 : f32 to vector<16xf32>
          %mul3A_349 = arith.mulf %get3A_345, %mul3A_348 : vector<16xf32>
          %swap3A_350 = arith.index_cast %scan3A_301 : i32 to index
          %swap3A_351 = arith.constant 48 : index
          %swap3A_352 = tpu.vector_load %arg10[%swap3A_350, %swap3A_351] {strides = array<i32>} : memref<128x64xf32, #tpu.memory_space<vmem>>, vector<1x16xf32>,
          %swap3A_353 = vector.shape_cast %swap3A_352 : vector<1x16xf32> to vector<16xf32>
          %swap3A_354 = vector.shape_cast %mul3A_349 : vector<16xf32> to vector<1x16xf32>
          tpu.vector_store %arg10[%swap3A_350, %swap3A_351], %swap3A_354 {strides = array<i32>} : memref<128x64xf32, #tpu.memory_space<vmem>>, vector<1x16xf32>,
          %scan3A_355 = arith.constant 0 : i32
          scf.yield %scan3A_355 : i32
        }
        %scan3A_300 = arith.constant 128 : i32
      } else {
      }
      %dma_start3A_225 = arith.constant 1 : i32
      %dma_start3A_226 = arith.constant 0 : i32
      %dma_start3A_227 = tpu.memref_slice %arg8[%dma_start3A_225, %dma_start3A_226] : memref<2x128xi32, #tpu.memory_space<vmem>> -> memref<1x128xi32, #tpu.memory_space<vmem>>
      %dma_start3A_228 = tpu.memref_squeeze %dma_start3A_227 : memref<1x128xi32, #tpu.memory_space<vmem>> -> memref<128xi32, #tpu.memory_space<vmem>>
      %dma_start3A_229 = arith.constant 0 : i32
      %dma_start3A_230 = arith.constant 0 : i32
      %dma_start3A_231 = tpu.memref_slice %arg25[%dma_start3A_229, %dma_start3A_230] : memref<10112x64xf32, #tpu.memory_space<vmem_shared>> -> memref<10112x64xf32, #tpu.memory_space<vmem_shared>>
      tpu.enqueue_indirect_dma source(%arg10 : memref<128x64xf32, #tpu.memory_space<vmem>>) target(%dma_start3A_231 : memref<10112x64xf32, #tpu.memory_space<vmem_shared>>) offsets(%dma_start3A_228 : memref<128xi32, #tpu.memory_space<vmem>>) semaphore(%arg23 : memref<!tpu.dma_semaphore, #tpu.memory_space<semaphore_mem>>) {add = true}
      %mul3A_232 = arith.constant 4 : i32
      %mul3A_233 = arith.muli %mul3A_232, %scan3A_50 : i32
      %add3A_234 = arith.constant 3 : i32
      %add3A_235 = arith.addi %mul3A_233, %add3A_234 : i32
      %ge3A_236 = arith.constant 1 : i32
      %ge3A_237 = arith.cmpi sge, %add3A_235, %ge3A_236 : i32
      %convert_element_type3A_238 = arith.extui %ge3A_237 : i1 to i32
      %cond3A_239 = arith.constant 0 : i32
      %cond3A_240 = arith.cmpi ne, %convert_element_type3A_238, %cond3A_239 : i32
      scf.if %cond3A_240 {
        %dma_wait3A_294 = arith.constant 1 : i32
        %dma_wait3A_295 = arith.constant 0 : i32
        %dma_wait3A_296 = tpu.memref_slice %arg8[%dma_wait3A_294, %dma_wait3A_295] : memref<2x128xi32, #tpu.memory_space<vmem>> -> memref<1x128xi32, #tpu.memory_space<vmem>>
        %dma_wait3A_297 = tpu.memref_squeeze %dma_wait3A_296 : memref<1x128xi32, #tpu.memory_space<vmem>> -> memref<128xi32, #tpu.memory_space<vmem>>
        %dma_wait3A_298 = arith.constant 0 : i32
        %dma_wait3A_299 = arith.constant 0 : i32
        %dma_wait3A_300 = tpu.memref_slice %arg25[%dma_wait3A_298, %dma_wait3A_299] : memref<10112x64xf32, #tpu.memory_space<vmem_shared>> -> memref<10112x64xf32, #tpu.memory_space<vmem_shared>>
        tpu.wait_indirect_dma semaphore(%arg23 : memref<!tpu.dma_semaphore, #tpu.memory_space<semaphore_mem>>) src(%arg10 : memref<128x64xf32, #tpu.memory_space<vmem>>) dst(%dma_wait3A_300 : memref<10112x64xf32, #tpu.memory_space<vmem_shared>>)
      } else {
      }
      %add3A_241 = arith.constant 2 : i32
      %add3A_242 = arith.addi %add3A_235, %add3A_241 : i32
      %lt3A_243 = arith.constant 164 : i32
      %lt3A_244 = arith.cmpi slt, %add3A_242, %lt3A_243 : i32
      %convert_element_type3A_245 = arith.extui %lt3A_244 : i1 to i32
      %cond3A_246 = arith.constant 0 : i32
      %cond3A_247 = arith.cmpi ne, %convert_element_type3A_245, %cond3A_246 : i32
      scf.if %cond3A_247 {
        %add3A_294 = arith.constant 2 : i32
        %add3A_295 = arith.addi %add3A_235, %add3A_294 : i32
        %dma_start3A_296 = arith.constant 0 : i32
        %dma_start3A_297 = arith.constant 0 : i32
        %dma_start3A_298 = tpu.memref_slice %arg4[%arg1, %add3A_295, %dma_start3A_296, %dma_start3A_297] : memref<16x164x2x128xi32, #tpu.memory_space<hbm>> -> memref<1x1x2x128xi32, #tpu.memory_space<hbm>>
        %dma_start3A_299 = tpu.memref_squeeze %dma_start3A_298 : memref<1x1x2x128xi32, #tpu.memory_space<hbm>> -> memref<2x128xi32, #tpu.memory_space<hbm>>
        %dma_start3A_300 = arith.constant 0 : i32
        %dma_start3A_301 = arith.constant 0 : i32
        %dma_start3A_302 = tpu.memref_slice %arg4[%arg1, %add3A_295, %dma_start3A_300, %dma_start3A_301] : memref<16x164x2x128xi32, #tpu.memory_space<hbm>> -> memref<1x1x2x128xi32, #tpu.memory_space<hbm>>
        %dma_start3A_303 = tpu.memref_squeeze %dma_start3A_302 : memref<1x1x2x128xi32, #tpu.memory_space<hbm>> -> memref<2x128xi32, #tpu.memory_space<hbm>>
        tpu.enqueue_dma source(%dma_start3A_303 : memref<2x128xi32, #tpu.memory_space<hbm>>) target(%arg7 : memref<2x128xi32, #tpu.memory_space<vmem>>) target_semaphore(%arg16 : memref<!tpu.dma_semaphore, #tpu.memory_space<semaphore_mem>>)
      } else {
      }
      %add3A_248 = arith.constant 1 : i32
      %add3A_249 = arith.addi %add3A_235, %add3A_248 : i32
      %lt3A_250 = arith.constant 164 : i32
      %lt3A_251 = arith.cmpi slt, %add3A_249, %lt3A_250 : i32
      %convert_element_type3A_252 = arith.extui %lt3A_251 : i1 to i32
      %cond3A_253 = arith.constant 0 : i32
      %cond3A_254 = arith.cmpi ne, %convert_element_type3A_252, %cond3A_253 : i32
      scf.if %cond3A_254 {
        %add3A_294 = arith.constant 1 : i32
        %add3A_295 = arith.addi %add3A_235, %add3A_294 : i32
        %dma_wait3A_296 = arith.constant 0 : i32
        %dma_wait3A_297 = arith.constant 0 : i32
        %dma_wait3A_298 = tpu.memref_slice %arg4[%arg1, %add3A_295, %dma_wait3A_296, %dma_wait3A_297] : memref<16x164x2x128xi32, #tpu.memory_space<hbm>> -> memref<1x1x2x128xi32, #tpu.memory_space<hbm>>
        %dma_wait3A_299 = tpu.memref_squeeze %dma_wait3A_298 : memref<1x1x2x128xi32, #tpu.memory_space<hbm>> -> memref<2x128xi32, #tpu.memory_space<hbm>>
        %dma_wait3A_300 = arith.constant 0 : i32
        %dma_wait3A_301 = arith.constant 0 : i32
        %dma_wait3A_302 = tpu.memref_slice %arg4[%arg1, %add3A_295, %dma_wait3A_300, %dma_wait3A_301] : memref<16x164x2x128xi32, #tpu.memory_space<hbm>> -> memref<1x1x2x128xi32, #tpu.memory_space<hbm>>
        %dma_wait3A_303 = tpu.memref_squeeze %dma_wait3A_302 : memref<1x1x2x128xi32, #tpu.memory_space<hbm>> -> memref<2x128xi32, #tpu.memory_space<hbm>>
        tpu.wait_dma2 semaphore(%arg15 : memref<!tpu.dma_semaphore, #tpu.memory_space<semaphore_mem>>) src(%dma_wait3A_303 : memref<2x128xi32, #tpu.memory_space<hbm>>) dst(%arg6 : memref<2x128xi32, #tpu.memory_space<vmem>>)
        %eq3A_304 = arith.constant 0 : i32
        %eq3A_305 = arith.cmpi eq, %arg0, %eq3A_304 : i32
        %convert_element_type3A_306 = arith.extui %eq3A_305 : i1 to i32
        %cond3A_307 = arith.constant 0 : i32
        %cond3A_308 = arith.cmpi ne, %convert_element_type3A_306, %cond3A_307 : i32
        scf.if %cond3A_308 {
          %dma_start3A_327 = arith.constant 0 : i32
          %dma_start3A_328 = arith.constant 0 : i32
          %dma_start3A_329 = arith.constant 0 : i32
          %dma_start3A_330 = tpu.memref_slice %arg6[%dma_start3A_328, %dma_start3A_329] : memref<2x128xi32, #tpu.memory_space<vmem>> -> memref<1x128xi32, #tpu.memory_space<vmem>>
          %dma_start3A_331 = tpu.memref_squeeze %dma_start3A_330 : memref<1x128xi32, #tpu.memory_space<vmem>> -> memref<128xi32, #tpu.memory_space<vmem>>
          %dma_start3A_332 = arith.constant 0 : i32
          %dma_start3A_333 = arith.constant 0 : i32
          %dma_start3A_334 = tpu.memref_slice %arg2[%dma_start3A_327, %dma_start3A_332, %dma_start3A_333] : memref<2x10112x64xf32, #tpu.memory_space<hbm>> -> memref<1x10112x64xf32, #tpu.memory_space<hbm>>
          %dma_start3A_335 = tpu.memref_squeeze %dma_start3A_334 : memref<1x10112x64xf32, #tpu.memory_space<hbm>> -> memref<10112x64xf32, #tpu.memory_space<hbm>>
          %dma_start3A_336 = arith.constant 0 : i32
          %dma_start3A_337 = arith.constant 0 : i32
          %dma_start3A_338 = tpu.memref_slice %dma_start3A_335[%dma_start3A_336, %dma_start3A_337] : memref<10112x64xf32, #tpu.memory_space<hbm>> -> memref<10112x64xf32, #tpu.memory_space<hbm>>
          tpu.enqueue_indirect_dma source(%dma_start3A_338 : memref<10112x64xf32, #tpu.memory_space<hbm>>) target(%arg10 : memref<128x64xf32, #tpu.memory_space<vmem>>) offsets(%dma_start3A_331 : memref<128xi32, #tpu.memory_space<vmem>>) semaphore(%arg19 : memref<!tpu.dma_semaphore, #tpu.memory_space<semaphore_mem>>)
        } else {
        }
        %ne3A_309 = arith.constant 0 : i32
        %ne3A_310 = arith.cmpi ne, %arg0, %ne3A_309 : i32
        %convert_element_type3A_311 = arith.extui %ne3A_310 : i1 to i32
        %cond3A_312 = arith.constant 0 : i32
        %cond3A_313 = arith.cmpi ne, %convert_element_type3A_311, %cond3A_312 : i32
        scf.if %cond3A_313 {
          %dma_start3A_327 = arith.constant 1 : i32
          %dma_start3A_328 = arith.constant 0 : i32
          %dma_start3A_329 = arith.constant 0 : i32
          %dma_start3A_330 = tpu.memref_slice %arg6[%dma_start3A_328, %dma_start3A_329] : memref<2x128xi32, #tpu.memory_space<vmem>> -> memref<1x128xi32, #tpu.memory_space<vmem>>
          %dma_start3A_331 = tpu.memref_squeeze %dma_start3A_330 : memref<1x128xi32, #tpu.memory_space<vmem>> -> memref<128xi32, #tpu.memory_space<vmem>>
          %dma_start3A_332 = arith.constant 0 : i32
          %dma_start3A_333 = arith.constant 0 : i32
          %dma_start3A_334 = tpu.memref_slice %arg2[%dma_start3A_327, %dma_start3A_332, %dma_start3A_333] : memref<2x10112x64xf32, #tpu.memory_space<hbm>> -> memref<1x10112x64xf32, #tpu.memory_space<hbm>>
          %dma_start3A_335 = tpu.memref_squeeze %dma_start3A_334 : memref<1x10112x64xf32, #tpu.memory_space<hbm>> -> memref<10112x64xf32, #tpu.memory_space<hbm>>
          %dma_start3A_336 = arith.constant 0 : i32
          %dma_start3A_337 = arith.constant 0 : i32
          %dma_start3A_338 = tpu.memref_slice %dma_start3A_335[%dma_start3A_336, %dma_start3A_337] : memref<10112x64xf32, #tpu.memory_space<hbm>> -> memref<10112x64xf32, #tpu.memory_space<hbm>>
          tpu.enqueue_indirect_dma source(%dma_start3A_338 : memref<10112x64xf32, #tpu.memory_space<hbm>>) target(%arg10 : memref<128x64xf32, #tpu.memory_space<vmem>>) offsets(%dma_start3A_331 : memref<128xi32, #tpu.memory_space<vmem>>) semaphore(%arg19 : memref<!tpu.dma_semaphore, #tpu.memory_space<semaphore_mem>>)
        } else {
        }
        %mul3A_314 = arith.constant 164 : i32
        %mul3A_315 = arith.muli %arg1, %mul3A_314 : i32
        %add3A_316 = arith.addi %mul3A_315, %add3A_235 : i32
        %add3A_317 = arith.constant 1 : i32
        %add3A_318 = arith.addi %add3A_316, %add3A_317 : i32
        %dma_start3A_319 = arith.constant 0 : i32
        %dma_start3A_320 = arith.constant 0 : i32
        %dma_start3A_321 = tpu.memref_slice %arg3[%add3A_318, %dma_start3A_319, %dma_start3A_320] : memref<2624x128x16xf32, #tpu.memory_space<hbm>> -> memref<1x128x16xf32, #tpu.memory_space<hbm>>
        %dma_start3A_322 = tpu.memref_squeeze %dma_start3A_321 : memref<1x128x16xf32, #tpu.memory_space<hbm>> -> memref<128x16xf32, #tpu.memory_space<hbm>>
        %dma_start3A_323 = arith.constant 0 : i32
        %dma_start3A_324 = arith.constant 0 : i32
        %dma_start3A_325 = tpu.memref_slice %arg3[%add3A_318, %dma_start3A_323, %dma_start3A_324] : memref<2624x128x16xf32, #tpu.memory_space<hbm>> -> memref<1x128x16xf32, #tpu.memory_space<hbm>>
        %dma_start3A_326 = tpu.memref_squeeze %dma_start3A_325 : memref<1x128x16xf32, #tpu.memory_space<hbm>> -> memref<128x16xf32, #tpu.memory_space<hbm>>
        tpu.enqueue_dma source(%dma_start3A_326 : memref<128x16xf32, #tpu.memory_space<hbm>>) target(%arg12 : memref<128x16xf32, #tpu.memory_space<vmem>>) target_semaphore(%arg21 : memref<!tpu.dma_semaphore, #tpu.memory_space<semaphore_mem>>)
      } else {
      }
      %eq3A_255 = arith.constant 0 : i32
      %eq3A_256 = arith.cmpi eq, %arg0, %eq3A_255 : i32
      %convert_element_type3A_257 = arith.extui %eq3A_256 : i1 to i32
      %cond3A_258 = arith.constant 0 : i32
      %cond3A_259 = arith.cmpi ne, %convert_element_type3A_257, %cond3A_258 : i32
      scf.if %cond3A_259 {
        %dma_wait3A_294 = arith.constant 0 : i32
        %dma_wait3A_295 = arith.constant 0 : i32
        %dma_wait3A_296 = arith.constant 0 : i32
        %dma_wait3A_297 = tpu.memref_slice %arg9[%dma_wait3A_295, %dma_wait3A_296] : memref<2x128xi32, #tpu.memory_space<vmem>> -> memref<1x128xi32, #tpu.memory_space<vmem>>
        %dma_wait3A_298 = tpu.memref_squeeze %dma_wait3A_297 : memref<1x128xi32, #tpu.memory_space<vmem>> -> memref<128xi32, #tpu.memory_space<vmem>>
        %dma_wait3A_299 = arith.constant 0 : i32
        %dma_wait3A_300 = arith.constant 0 : i32
        %dma_wait3A_301 = tpu.memref_slice %arg2[%dma_wait3A_294, %dma_wait3A_299, %dma_wait3A_300] : memref<2x10112x64xf32, #tpu.memory_space<hbm>> -> memref<1x10112x64xf32, #tpu.memory_space<hbm>>
        %dma_wait3A_302 = tpu.memref_squeeze %dma_wait3A_301 : memref<1x10112x64xf32, #tpu.memory_space<hbm>> -> memref<10112x64xf32, #tpu.memory_space<hbm>>
        %dma_wait3A_303 = arith.constant 0 : i32
        %dma_wait3A_304 = arith.constant 0 : i32
        %dma_wait3A_305 = tpu.memref_slice %dma_wait3A_302[%dma_wait3A_303, %dma_wait3A_304] : memref<10112x64xf32, #tpu.memory_space<hbm>> -> memref<10112x64xf32, #tpu.memory_space<hbm>>
        tpu.wait_indirect_dma semaphore(%arg20 : memref<!tpu.dma_semaphore, #tpu.memory_space<semaphore_mem>>) src(%dma_wait3A_305 : memref<10112x64xf32, #tpu.memory_space<hbm>>) dst(%arg11 : memref<128x64xf32, #tpu.memory_space<vmem>>)
      } else {
      }
      %ne3A_260 = arith.constant 0 : i32
      %ne3A_261 = arith.cmpi ne, %arg0, %ne3A_260 : i32
      %convert_element_type3A_262 = arith.extui %ne3A_261 : i1 to i32
      %cond3A_263 = arith.constant 0 : i32
      %cond3A_264 = arith.cmpi ne, %convert_element_type3A_262, %cond3A_263 : i32
      scf.if %cond3A_264 {
        %dma_wait3A_294 = arith.constant 1 : i32
        %dma_wait3A_295 = arith.constant 0 : i32
        %dma_wait3A_296 = arith.constant 0 : i32
        %dma_wait3A_297 = tpu.memref_slice %arg9[%dma_wait3A_295, %dma_wait3A_296] : memref<2x128xi32, #tpu.memory_space<vmem>> -> memref<1x128xi32, #tpu.memory_space<vmem>>
        %dma_wait3A_298 = tpu.memref_squeeze %dma_wait3A_297 : memref<1x128xi32, #tpu.memory_space<vmem>> -> memref<128xi32, #tpu.memory_space<vmem>>
        %dma_wait3A_299 = arith.constant 0 : i32
        %dma_wait3A_300 = arith.constant 0 : i32
        %dma_wait3A_301 = tpu.memref_slice %arg2[%dma_wait3A_294, %dma_wait3A_299, %dma_wait3A_300] : memref<2x10112x64xf32, #tpu.memory_space<hbm>> -> memref<1x10112x64xf32, #tpu.memory_space<hbm>>
        %dma_wait3A_302 = tpu.memref_squeeze %dma_wait3A_301 : memref<1x10112x64xf32, #tpu.memory_space<hbm>> -> memref<10112x64xf32, #tpu.memory_space<hbm>>
        %dma_wait3A_303 = arith.constant 0 : i32
        %dma_wait3A_304 = arith.constant 0 : i32
        %dma_wait3A_305 = tpu.memref_slice %dma_wait3A_302[%dma_wait3A_303, %dma_wait3A_304] : memref<10112x64xf32, #tpu.memory_space<hbm>> -> memref<10112x64xf32, #tpu.memory_space<hbm>>
        tpu.wait_indirect_dma semaphore(%arg20 : memref<!tpu.dma_semaphore, #tpu.memory_space<semaphore_mem>>) src(%dma_wait3A_305 : memref<10112x64xf32, #tpu.memory_space<hbm>>) dst(%arg11 : memref<128x64xf32, #tpu.memory_space<vmem>>)
      } else {
      }
      %mul3A_265 = arith.constant 164 : i32
      %mul3A_266 = arith.muli %arg1, %mul3A_265 : i32
      %add3A_267 = arith.addi %mul3A_266, %add3A_235 : i32
      %dma_wait3A_268 = arith.constant 0 : i32
      %dma_wait3A_269 = arith.constant 0 : i32
      %dma_wait3A_270 = tpu.memref_slice %arg3[%add3A_267, %dma_wait3A_268, %dma_wait3A_269] : memref<2624x128x16xf32, #tpu.memory_space<hbm>> -> memref<1x128x16xf32, #tpu.memory_space<hbm>>
      %dma_wait3A_271 = tpu.memref_squeeze %dma_wait3A_270 : memref<1x128x16xf32, #tpu.memory_space<hbm>> -> memref<128x16xf32, #tpu.memory_space<hbm>>
      %dma_wait3A_272 = arith.constant 0 : i32
      %dma_wait3A_273 = arith.constant 0 : i32
      %dma_wait3A_274 = tpu.memref_slice %arg3[%add3A_267, %dma_wait3A_272, %dma_wait3A_273] : memref<2624x128x16xf32, #tpu.memory_space<hbm>> -> memref<1x128x16xf32, #tpu.memory_space<hbm>>
      %dma_wait3A_275 = tpu.memref_squeeze %dma_wait3A_274 : memref<1x128x16xf32, #tpu.memory_space<hbm>> -> memref<128x16xf32, #tpu.memory_space<hbm>>
      tpu.wait_dma2 semaphore(%arg22 : memref<!tpu.dma_semaphore, #tpu.memory_space<semaphore_mem>>) src(%dma_wait3A_275 : memref<128x16xf32, #tpu.memory_space<hbm>>) dst(%arg13 : memref<128x16xf32, #tpu.memory_space<vmem>>)
      %eq3A_276 = arith.constant 0 : i32
      %eq3A_277 = arith.cmpi eq, %arg0, %eq3A_276 : i32
      %convert_element_type3A_278 = arith.extui %eq3A_277 : i1 to i32
      %cond3A_279 = arith.constant 0 : i32
      %cond3A_280 = arith.cmpi ne, %convert_element_type3A_278, %cond3A_279 : i32
      scf.if %cond3A_280 {
        %scan3A_294 = arith.constant 0 : i32
        %scan3A_295 = arith.constant 0 : i32
        %scan3A_296 = arith.constant 128 : i32
        %scan3A_297 = arith.addi %scan3A_295, %scan3A_296 : i32
        %scan3A_298 = arith.constant 1 : i32
        %scan3A_299 = scf.for %scan3A_301 = %scan3A_295 to %scan3A_297 step %scan3A_298 iter_args(%scan3A_302 = %scan3A_294) -> (i32)  : i32 {
          %get3A = arith.index_cast %scan3A_301 : i32 to index
          %get3A_303 = arith.constant 0 : index
          %get3A_304 = tpu.vector_load %arg13[%get3A, %get3A_303] {strides = array<i32>} : memref<128x16xf32, #tpu.memory_space<vmem>>, vector<1x16xf32>,
          %get3A_305 = vector.shape_cast %get3A_304 : vector<1x16xf32> to vector<16xf32>
          %get3A_306 = arith.index_cast %scan3A_301 : i32 to index
          %get3A_307 = arith.constant 0 : index
          %get3A_308 = tpu.vector_load %arg11[%get3A_306, %get3A_307] {strides = array<i32>} : memref<128x64xf32, #tpu.memory_space<vmem>>, vector<1x16xf32>,
          %get3A_309 = vector.shape_cast %get3A_308 : vector<1x16xf32> to vector<16xf32>
          %slice3A = vector.extract_strided_slice %get3A_305 {offsets = [0], sizes = [1], strides = [1]} : vector<16xf32> to vector<1xf32>
          %squeeze3A = vector.extract %slice3A[0] : f32 from vector<1xf32>
          %mul3A_310 = vector.broadcast %squeeze3A : f32 to vector<16xf32>
          %mul3A_311 = arith.mulf %get3A_309, %mul3A_310 : vector<16xf32>
          %swap3A = arith.index_cast %scan3A_301 : i32 to index
          %swap3A_312 = arith.constant 0 : index
          %swap3A_313 = tpu.vector_load %arg11[%swap3A, %swap3A_312] {strides = array<i32>} : memref<128x64xf32, #tpu.memory_space<vmem>>, vector<1x16xf32>,
          %swap3A_314 = vector.shape_cast %swap3A_313 : vector<1x16xf32> to vector<16xf32>
          %swap3A_315 = vector.shape_cast %mul3A_311 : vector<16xf32> to vector<1x16xf32>
          tpu.vector_store %arg11[%swap3A, %swap3A_312], %swap3A_315 {strides = array<i32>} : memref<128x64xf32, #tpu.memory_space<vmem>>, vector<1x16xf32>,
          %get3A_316 = arith.index_cast %scan3A_301 : i32 to index
          %get3A_317 = arith.constant 16 : index
          %get3A_318 = tpu.vector_load %arg11[%get3A_316, %get3A_317] {strides = array<i32>} : memref<128x64xf32, #tpu.memory_space<vmem>>, vector<1x16xf32>,
          %get3A_319 = vector.shape_cast %get3A_318 : vector<1x16xf32> to vector<16xf32>
          %slice3A_320 = vector.extract_strided_slice %get3A_305 {offsets = [1], sizes = [1], strides = [1]} : vector<16xf32> to vector<1xf32>
          %squeeze3A_321 = vector.extract %slice3A_320[0] : f32 from vector<1xf32>
          %mul3A_322 = vector.broadcast %squeeze3A_321 : f32 to vector<16xf32>
          %mul3A_323 = arith.mulf %get3A_319, %mul3A_322 : vector<16xf32>
          %swap3A_324 = arith.index_cast %scan3A_301 : i32 to index
          %swap3A_325 = arith.constant 16 : index
          %swap3A_326 = tpu.vector_load %arg11[%swap3A_324, %swap3A_325] {strides = array<i32>} : memref<128x64xf32, #tpu.memory_space<vmem>>, vector<1x16xf32>,
          %swap3A_327 = vector.shape_cast %swap3A_326 : vector<1x16xf32> to vector<16xf32>
          %swap3A_328 = vector.shape_cast %mul3A_323 : vector<16xf32> to vector<1x16xf32>
          tpu.vector_store %arg11[%swap3A_324, %swap3A_325], %swap3A_328 {strides = array<i32>} : memref<128x64xf32, #tpu.memory_space<vmem>>, vector<1x16xf32>,
          %get3A_329 = arith.index_cast %scan3A_301 : i32 to index
          %get3A_330 = arith.constant 32 : index
          %get3A_331 = tpu.vector_load %arg11[%get3A_329, %get3A_330] {strides = array<i32>} : memref<128x64xf32, #tpu.memory_space<vmem>>, vector<1x16xf32>,
          %get3A_332 = vector.shape_cast %get3A_331 : vector<1x16xf32> to vector<16xf32>
          %slice3A_333 = vector.extract_strided_slice %get3A_305 {offsets = [2], sizes = [1], strides = [1]} : vector<16xf32> to vector<1xf32>
          %squeeze3A_334 = vector.extract %slice3A_333[0] : f32 from vector<1xf32>
          %mul3A_335 = vector.broadcast %squeeze3A_334 : f32 to vector<16xf32>
          %mul3A_336 = arith.mulf %get3A_332, %mul3A_335 : vector<16xf32>
          %swap3A_337 = arith.index_cast %scan3A_301 : i32 to index
          %swap3A_338 = arith.constant 32 : index
          %swap3A_339 = tpu.vector_load %arg11[%swap3A_337, %swap3A_338] {strides = array<i32>} : memref<128x64xf32, #tpu.memory_space<vmem>>, vector<1x16xf32>,
          %swap3A_340 = vector.shape_cast %swap3A_339 : vector<1x16xf32> to vector<16xf32>
          %swap3A_341 = vector.shape_cast %mul3A_336 : vector<16xf32> to vector<1x16xf32>
          tpu.vector_store %arg11[%swap3A_337, %swap3A_338], %swap3A_341 {strides = array<i32>} : memref<128x64xf32, #tpu.memory_space<vmem>>, vector<1x16xf32>,
          %get3A_342 = arith.index_cast %scan3A_301 : i32 to index
          %get3A_343 = arith.constant 48 : index
          %get3A_344 = tpu.vector_load %arg11[%get3A_342, %get3A_343] {strides = array<i32>} : memref<128x64xf32, #tpu.memory_space<vmem>>, vector<1x16xf32>,
          %get3A_345 = vector.shape_cast %get3A_344 : vector<1x16xf32> to vector<16xf32>
          %slice3A_346 = vector.extract_strided_slice %get3A_305 {offsets = [3], sizes = [1], strides = [1]} : vector<16xf32> to vector<1xf32>
          %squeeze3A_347 = vector.extract %slice3A_346[0] : f32 from vector<1xf32>
          %mul3A_348 = vector.broadcast %squeeze3A_347 : f32 to vector<16xf32>
          %mul3A_349 = arith.mulf %get3A_345, %mul3A_348 : vector<16xf32>
          %swap3A_350 = arith.index_cast %scan3A_301 : i32 to index
          %swap3A_351 = arith.constant 48 : index
          %swap3A_352 = tpu.vector_load %arg11[%swap3A_350, %swap3A_351] {strides = array<i32>} : memref<128x64xf32, #tpu.memory_space<vmem>>, vector<1x16xf32>,
          %swap3A_353 = vector.shape_cast %swap3A_352 : vector<1x16xf32> to vector<16xf32>
          %swap3A_354 = vector.shape_cast %mul3A_349 : vector<16xf32> to vector<1x16xf32>
          tpu.vector_store %arg11[%swap3A_350, %swap3A_351], %swap3A_354 {strides = array<i32>} : memref<128x64xf32, #tpu.memory_space<vmem>>, vector<1x16xf32>,
          %scan3A_355 = arith.constant 0 : i32
          scf.yield %scan3A_355 : i32
        }
        %scan3A_300 = arith.constant 128 : i32
      } else {
      }
      %ne3A_281 = arith.constant 0 : i32
      %ne3A_282 = arith.cmpi ne, %arg0, %ne3A_281 : i32
      %convert_element_type3A_283 = arith.extui %ne3A_282 : i1 to i32
      %cond3A_284 = arith.constant 0 : i32
      %cond3A_285 = arith.cmpi ne, %convert_element_type3A_283, %cond3A_284 : i32
      scf.if %cond3A_285 {
        %scan3A_294 = arith.constant 0 : i32
        %scan3A_295 = arith.constant 0 : i32
        %scan3A_296 = arith.constant 128 : i32
        %scan3A_297 = arith.addi %scan3A_295, %scan3A_296 : i32
        %scan3A_298 = arith.constant 1 : i32
        %scan3A_299 = scf.for %scan3A_301 = %scan3A_295 to %scan3A_297 step %scan3A_298 iter_args(%scan3A_302 = %scan3A_294) -> (i32)  : i32 {
          %get3A = arith.index_cast %scan3A_301 : i32 to index
          %get3A_303 = arith.constant 0 : index
          %get3A_304 = tpu.vector_load %arg13[%get3A, %get3A_303] {strides = array<i32>} : memref<128x16xf32, #tpu.memory_space<vmem>>, vector<1x16xf32>,
          %get3A_305 = vector.shape_cast %get3A_304 : vector<1x16xf32> to vector<16xf32>
          %get3A_306 = arith.index_cast %scan3A_301 : i32 to index
          %get3A_307 = arith.constant 0 : index
          %get3A_308 = tpu.vector_load %arg11[%get3A_306, %get3A_307] {strides = array<i32>} : memref<128x64xf32, #tpu.memory_space<vmem>>, vector<1x16xf32>,
          %get3A_309 = vector.shape_cast %get3A_308 : vector<1x16xf32> to vector<16xf32>
          %slice3A = vector.extract_strided_slice %get3A_305 {offsets = [4], sizes = [1], strides = [1]} : vector<16xf32> to vector<1xf32>
          %squeeze3A = vector.extract %slice3A[0] : f32 from vector<1xf32>
          %mul3A_310 = vector.broadcast %squeeze3A : f32 to vector<16xf32>
          %mul3A_311 = arith.mulf %get3A_309, %mul3A_310 : vector<16xf32>
          %swap3A = arith.index_cast %scan3A_301 : i32 to index
          %swap3A_312 = arith.constant 0 : index
          %swap3A_313 = tpu.vector_load %arg11[%swap3A, %swap3A_312] {strides = array<i32>} : memref<128x64xf32, #tpu.memory_space<vmem>>, vector<1x16xf32>,
          %swap3A_314 = vector.shape_cast %swap3A_313 : vector<1x16xf32> to vector<16xf32>
          %swap3A_315 = vector.shape_cast %mul3A_311 : vector<16xf32> to vector<1x16xf32>
          tpu.vector_store %arg11[%swap3A, %swap3A_312], %swap3A_315 {strides = array<i32>} : memref<128x64xf32, #tpu.memory_space<vmem>>, vector<1x16xf32>,
          %get3A_316 = arith.index_cast %scan3A_301 : i32 to index
          %get3A_317 = arith.constant 16 : index
          %get3A_318 = tpu.vector_load %arg11[%get3A_316, %get3A_317] {strides = array<i32>} : memref<128x64xf32, #tpu.memory_space<vmem>>, vector<1x16xf32>,
          %get3A_319 = vector.shape_cast %get3A_318 : vector<1x16xf32> to vector<16xf32>
          %slice3A_320 = vector.extract_strided_slice %get3A_305 {offsets = [5], sizes = [1], strides = [1]} : vector<16xf32> to vector<1xf32>
          %squeeze3A_321 = vector.extract %slice3A_320[0] : f32 from vector<1xf32>
          %mul3A_322 = vector.broadcast %squeeze3A_321 : f32 to vector<16xf32>
          %mul3A_323 = arith.mulf %get3A_319, %mul3A_322 : vector<16xf32>
          %swap3A_324 = arith.index_cast %scan3A_301 : i32 to index
          %swap3A_325 = arith.constant 16 : index
          %swap3A_326 = tpu.vector_load %arg11[%swap3A_324, %swap3A_325] {strides = array<i32>} : memref<128x64xf32, #tpu.memory_space<vmem>>, vector<1x16xf32>,
          %swap3A_327 = vector.shape_cast %swap3A_326 : vector<1x16xf32> to vector<16xf32>
          %swap3A_328 = vector.shape_cast %mul3A_323 : vector<16xf32> to vector<1x16xf32>
          tpu.vector_store %arg11[%swap3A_324, %swap3A_325], %swap3A_328 {strides = array<i32>} : memref<128x64xf32, #tpu.memory_space<vmem>>, vector<1x16xf32>,
          %get3A_329 = arith.index_cast %scan3A_301 : i32 to index
          %get3A_330 = arith.constant 32 : index
          %get3A_331 = tpu.vector_load %arg11[%get3A_329, %get3A_330] {strides = array<i32>} : memref<128x64xf32, #tpu.memory_space<vmem>>, vector<1x16xf32>,
          %get3A_332 = vector.shape_cast %get3A_331 : vector<1x16xf32> to vector<16xf32>
          %slice3A_333 = vector.extract_strided_slice %get3A_305 {offsets = [6], sizes = [1], strides = [1]} : vector<16xf32> to vector<1xf32>
          %squeeze3A_334 = vector.extract %slice3A_333[0] : f32 from vector<1xf32>
          %mul3A_335 = vector.broadcast %squeeze3A_334 : f32 to vector<16xf32>
          %mul3A_336 = arith.mulf %get3A_332, %mul3A_335 : vector<16xf32>
          %swap3A_337 = arith.index_cast %scan3A_301 : i32 to index
          %swap3A_338 = arith.constant 32 : index
          %swap3A_339 = tpu.vector_load %arg11[%swap3A_337, %swap3A_338] {strides = array<i32>} : memref<128x64xf32, #tpu.memory_space<vmem>>, vector<1x16xf32>,
          %swap3A_340 = vector.shape_cast %swap3A_339 : vector<1x16xf32> to vector<16xf32>
          %swap3A_341 = vector.shape_cast %mul3A_336 : vector<16xf32> to vector<1x16xf32>
          tpu.vector_store %arg11[%swap3A_337, %swap3A_338], %swap3A_341 {strides = array<i32>} : memref<128x64xf32, #tpu.memory_space<vmem>>, vector<1x16xf32>,
          %get3A_342 = arith.index_cast %scan3A_301 : i32 to index
          %get3A_343 = arith.constant 48 : index
          %get3A_344 = tpu.vector_load %arg11[%get3A_342, %get3A_343] {strides = array<i32>} : memref<128x64xf32, #tpu.memory_space<vmem>>, vector<1x16xf32>,
          %get3A_345 = vector.shape_cast %get3A_344 : vector<1x16xf32> to vector<16xf32>
          %slice3A_346 = vector.extract_strided_slice %get3A_305 {offsets = [7], sizes = [1], strides = [1]} : vector<16xf32> to vector<1xf32>
          %squeeze3A_347 = vector.extract %slice3A_346[0] : f32 from vector<1xf32>
          %mul3A_348 = vector.broadcast %squeeze3A_347 : f32 to vector<16xf32>
          %mul3A_349 = arith.mulf %get3A_345, %mul3A_348 : vector<16xf32>
          %swap3A_350 = arith.index_cast %scan3A_301 : i32 to index
          %swap3A_351 = arith.constant 48 : index
          %swap3A_352 = tpu.vector_load %arg11[%swap3A_350, %swap3A_351] {strides = array<i32>} : memref<128x64xf32, #tpu.memory_space<vmem>>, vector<1x16xf32>,
          %swap3A_353 = vector.shape_cast %swap3A_352 : vector<1x16xf32> to vector<16xf32>
          %swap3A_354 = vector.shape_cast %mul3A_349 : vector<16xf32> to vector<1x16xf32>
          tpu.vector_store %arg11[%swap3A_350, %swap3A_351], %swap3A_354 {strides = array<i32>} : memref<128x64xf32, #tpu.memory_space<vmem>>, vector<1x16xf32>,
          %scan3A_355 = arith.constant 0 : i32
          scf.yield %scan3A_355 : i32
        }
        %scan3A_300 = arith.constant 128 : i32
      } else {
      }
      %dma_start3A_286 = arith.constant 1 : i32
      %dma_start3A_287 = arith.constant 0 : i32
      %dma_start3A_288 = tpu.memref_slice %arg9[%dma_start3A_286, %dma_start3A_287] : memref<2x128xi32, #tpu.memory_space<vmem>> -> memref<1x128xi32, #tpu.memory_space<vmem>>
      %dma_start3A_289 = tpu.memref_squeeze %dma_start3A_288 : memref<1x128xi32, #tpu.memory_space<vmem>> -> memref<128xi32, #tpu.memory_space<vmem>>
      %dma_start3A_290 = arith.constant 0 : i32
      %dma_start3A_291 = arith.constant 0 : i32
      %dma_start3A_292 = tpu.memref_slice %arg25[%dma_start3A_290, %dma_start3A_291] : memref<10112x64xf32, #tpu.memory_space<vmem_shared>> -> memref<10112x64xf32, #tpu.memory_space<vmem_shared>>
      tpu.enqueue_indirect_dma source(%arg11 : memref<128x64xf32, #tpu.memory_space<vmem>>) target(%dma_start3A_292 : memref<10112x64xf32, #tpu.memory_space<vmem_shared>>) offsets(%dma_start3A_289 : memref<128xi32, #tpu.memory_space<vmem>>) semaphore(%arg24 : memref<!tpu.dma_semaphore, #tpu.memory_space<semaphore_mem>>) {add = true}
      %scan3A_293 = arith.constant 0 : i32
      scf.yield %scan3A_293 : i32
    }
    %scan3A_38 = arith.constant 41 : i32
    %dma_wait3A = arith.constant 1 : i32
    %dma_wait3A_39 = arith.constant 0 : i32
    %dma_wait3A_40 = tpu.memref_slice %arg9[%dma_wait3A, %dma_wait3A_39] : memref<2x128xi32, #tpu.memory_space<vmem>> -> memref<1x128xi32, #tpu.memory_space<vmem>>
    %dma_wait3A_41 = tpu.memref_squeeze %dma_wait3A_40 : memref<1x128xi32, #tpu.memory_space<vmem>> -> memref<128xi32, #tpu.memory_space<vmem>>
    %dma_wait3A_42 = arith.constant 0 : i32
    %dma_wait3A_43 = arith.constant 0 : i32
    %dma_wait3A_44 = tpu.memref_slice %arg25[%dma_wait3A_42, %dma_wait3A_43] : memref<10112x64xf32, #tpu.memory_space<vmem_shared>> -> memref<10112x64xf32, #tpu.memory_space<vmem_shared>>
    tpu.wait_indirect_dma semaphore(%arg24 : memref<!tpu.dma_semaphore, #tpu.memory_space<semaphore_mem>>) src(%arg11 : memref<128x64xf32, #tpu.memory_space<vmem>>) dst(%dma_wait3A_44 : memref<10112x64xf32, #tpu.memory_space<vmem_shared>>)
    %barrier3A_45 = arith.constant 0 : index
    tpu.barrier barrier_id(%barrier3A_45)
    %mul3A_46 = arith.constant 632 : i32
    %mul3A_47 = arith.muli %arg1, %mul3A_46 : i32
    "tpu.region"() ({
      %run_scoped3A_50 = tpu.sem_alloc : memref<!tpu.dma_semaphore, #tpu.memory_space<semaphore_mem>>
      %dma_start3A_51 = arith.constant 0 : i32
      %dma_start3A_52 = tpu.memref_slice %arg25[%mul3A_47, %dma_start3A_51] : memref<10112x64xf32, #tpu.memory_space<vmem_shared>> -> memref<632x64xf32, #tpu.memory_space<vmem_shared>>
      %dma_start3A_53 = arith.constant 0 : i32
      %dma_start3A_54 = tpu.memref_slice %arg25[%mul3A_47, %dma_start3A_53] : memref<10112x64xf32, #tpu.memory_space<vmem_shared>> -> memref<632x64xf32, #tpu.memory_space<vmem_shared>>
      tpu.enqueue_dma source(%dma_start3A_54 : memref<632x64xf32, #tpu.memory_space<vmem_shared>>) target(%arg14 : memref<632x64xf32, #tpu.memory_space<vmem>>) target_semaphore(%run_scoped3A_50 : memref<!tpu.dma_semaphore, #tpu.memory_space<semaphore_mem>>)
      %dma_wait3A_55 = arith.constant 0 : i32
      %dma_wait3A_56 = tpu.memref_slice %arg25[%mul3A_47, %dma_wait3A_55] : memref<10112x64xf32, #tpu.memory_space<vmem_shared>> -> memref<632x64xf32, #tpu.memory_space<vmem_shared>>
      %dma_wait3A_57 = arith.constant 0 : i32
      %dma_wait3A_58 = tpu.memref_slice %arg25[%mul3A_47, %dma_wait3A_57] : memref<10112x64xf32, #tpu.memory_space<vmem_shared>> -> memref<632x64xf32, #tpu.memory_space<vmem_shared>>
      tpu.wait_dma2 semaphore(%run_scoped3A_50 : memref<!tpu.dma_semaphore, #tpu.memory_space<semaphore_mem>>) src(%dma_wait3A_58 : memref<632x64xf32, #tpu.memory_space<vmem_shared>>) dst(%arg14 : memref<632x64xf32, #tpu.memory_space<vmem>>)
      tpu.yield
    }) : () -> ()
    %mul3A_48 = arith.constant 632 : i32
    %mul3A_49 = arith.muli %arg1, %mul3A_48 : i32
    "tpu.region"() ({
      %run_scoped3A_50 = tpu.sem_alloc : memref<!tpu.dma_semaphore, #tpu.memory_space<semaphore_mem>>
      %dma_start3A_51 = arith.constant 0 : i32
      %dma_start3A_52 = tpu.memref_slice %arg5[%arg0, %mul3A_49, %dma_start3A_51] : memref<2x10112x64xf32, #tpu.memory_space<hbm>> -> memref<1x632x64xf32, #tpu.memory_space<hbm>>
      %dma_start3A_53 = tpu.memref_squeeze %dma_start3A_52 : memref<1x632x64xf32, #tpu.memory_space<hbm>> -> memref<632x64xf32, #tpu.memory_space<hbm>>
      %dma_start3A_54 = arith.constant 0 : i32
      %dma_start3A_55 = tpu.memref_slice %arg5[%arg0, %mul3A_49, %dma_start3A_54] : memref<2x10112x64xf32, #tpu.memory_space<hbm>> -> memref<1x632x64xf32, #tpu.memory_space<hbm>>
      %dma_start3A_56 = tpu.memref_squeeze %dma_start3A_55 : memref<1x632x64xf32, #tpu.memory_space<hbm>> -> memref<632x64xf32, #tpu.memory_space<hbm>>
      tpu.enqueue_dma source(%arg14 : memref<632x64xf32, #tpu.memory_space<vmem>>) target(%dma_start3A_56 : memref<632x64xf32, #tpu.memory_space<hbm>>) target_semaphore(%run_scoped3A_50 : memref<!tpu.dma_semaphore, #tpu.memory_space<semaphore_mem>>)
      %dma_wait3A_57 = arith.constant 0 : i32
      %dma_wait3A_58 = tpu.memref_slice %arg5[%arg0, %mul3A_49, %dma_wait3A_57] : memref<2x10112x64xf32, #tpu.memory_space<hbm>> -> memref<1x632x64xf32, #tpu.memory_space<hbm>>
      %dma_wait3A_59 = tpu.memref_squeeze %dma_wait3A_58 : memref<1x632x64xf32, #tpu.memory_space<hbm>> -> memref<632x64xf32, #tpu.memory_space<hbm>>
      %dma_wait3A_60 = arith.constant 0 : i32
      %dma_wait3A_61 = tpu.memref_slice %arg5[%arg0, %mul3A_49, %dma_wait3A_60] : memref<2x10112x64xf32, #tpu.memory_space<hbm>> -> memref<1x632x64xf32, #tpu.memory_space<hbm>>
      %dma_wait3A_62 = tpu.memref_squeeze %dma_wait3A_61 : memref<1x632x64xf32, #tpu.memory_space<hbm>> -> memref<632x64xf32, #tpu.memory_space<hbm>>
      tpu.wait_dma2 semaphore(%run_scoped3A_50 : memref<!tpu.dma_semaphore, #tpu.memory_space<semaphore_mem>>) src(%arg14 : memref<632x64xf32, #tpu.memory_space<vmem>>) dst(%dma_wait3A_62 : memref<632x64xf32, #tpu.memory_space<hbm>>)
      tpu.yield
    }) : () -> ()
    return
  }
}

#map = affine_map<(d0, d1) -> (0, 0, 0)>
#map1 = affine_map<(d0, d1) -> (0, 0, 0, 0)>
module attributes {stable_mosaic.version = 14 : i64} {
  func.func @agg(%arg0: i32, %arg1: i32, %arg2: memref<2x10112x64xf32, #tpu.memory_space<hbm>>, %arg3: memref<2624x128x16xf32, #tpu.memory_space<hbm>>, %arg4: memref<16x164x2x128xi32, #tpu.memory_space<hbm>>, %arg5: memref<2x10112x64xf32, #tpu.memory_space<hbm>>, %arg6: memref<2x128xi32, #tpu.memory_space<vmem>>, %arg7: memref<2x128xi32, #tpu.memory_space<vmem>>, %arg8: memref<2x128xi32, #tpu.memory_space<vmem>>, %arg9: memref<2x128xi32, #tpu.memory_space<vmem>>, %arg10: memref<128x64xf32, #tpu.memory_space<vmem>>, %arg11: memref<128x64xf32, #tpu.memory_space<vmem>>, %arg12: memref<128x16xf32, #tpu.memory_space<vmem>>, %arg13: memref<128x16xf32, #tpu.memory_space<vmem>>, %arg14: memref<632x64xf32, #tpu.memory_space<vmem>>, %arg15: memref<!tpu.dma_semaphore, #tpu.memory_space<semaphore_mem>>, %arg16: memref<!tpu.dma_semaphore, #tpu.memory_space<semaphore_mem>>, %arg17: memref<!tpu.dma_semaphore, #tpu.memory_space<semaphore_mem>>, %arg18: memref<!tpu.dma_semaphore, #tpu.memory_space<semaphore_mem>>, %arg19: memref<!tpu.dma_semaphore, #tpu.memory_space<semaphore_mem>>, %arg20: memref<!tpu.dma_semaphore, #tpu.memory_space<semaphore_mem>>, %arg21: memref<!tpu.dma_semaphore, #tpu.memory_space<semaphore_mem>>, %arg22: memref<!tpu.dma_semaphore, #tpu.memory_space<semaphore_mem>>, %arg23: memref<!tpu.dma_semaphore, #tpu.memory_space<semaphore_mem>>, %arg24: memref<!tpu.dma_semaphore, #tpu.memory_space<semaphore_mem>>, %arg25: memref<10112x64xf32, #tpu.memory_space<vmem_shared>>) attributes {dimension_semantics = [#tpu.dimension_semantics<core_parallel>, #tpu.dimension_semantics<subcore_parallel>], iteration_bounds = array<i64: 2, 16>, scalar_prefetch = 0 : i64, scratch_operands = 20 : i64, tpu.core_type = #tpu.core_type<sc_vector_subcore>, window_params = [{transform_indices = #map}, {transform_indices = #map}, {transform_indices = #map1}, {transform_indices = #map}]} {
    %broadcast_in_dim3A = arith.constant 0.000000e+00 : f32
    %broadcast_in_dim3A_0 = vector.broadcast %broadcast_in_dim3A : f32 to vector<16xf32>
    %scan3A = arith.constant 0 : i32
    %scan3A_1 = arith.constant 0 : i32
    %scan3A_2 = arith.constant 632 : i32
    %scan3A_3 = arith.addi %scan3A_1, %scan3A_2 : i32
    %scan3A_4 = arith.constant 1 : i32
    %scan3A_5 = scf.for %scan3A_40 = %scan3A_1 to %scan3A_3 step %scan3A_4 iter_args(%scan3A_41 = %scan3A) -> (i32)  : i32 {
      %swap3A = arith.index_cast %scan3A_40 : i32 to index
      %swap3A_42 = arith.constant 0 : index
      %swap3A_43 = tpu.vector_load %arg14[%swap3A, %swap3A_42] {strides = array<i32>} : memref<632x64xf32, #tpu.memory_space<vmem>>, vector<1x16xf32>,
      %swap3A_44 = vector.shape_cast %swap3A_43 : vector<1x16xf32> to vector<16xf32>
      %swap3A_45 = vector.shape_cast %broadcast_in_dim3A_0 : vector<16xf32> to vector<1x16xf32>
      tpu.vector_store %arg14[%swap3A, %swap3A_42], %swap3A_45 {strides = array<i32>} : memref<632x64xf32, #tpu.memory_space<vmem>>, vector<1x16xf32>,
      %swap3A_46 = arith.index_cast %scan3A_40 : i32 to index
      %swap3A_47 = arith.constant 16 : index
      %swap3A_48 = tpu.vector_load %arg14[%swap3A_46, %swap3A_47] {strides = array<i32>} : memref<632x64xf32, #tpu.memory_space<vmem>>, vector<1x16xf32>,
      %swap3A_49 = vector.shape_cast %swap3A_48 : vector<1x16xf32> to vector<16xf32>
      %swap3A_50 = vector.shape_cast %broadcast_in_dim3A_0 : vector<16xf32> to vector<1x16xf32>
      tpu.vector_store %arg14[%swap3A_46, %swap3A_47], %swap3A_50 {strides = array<i32>} : memref<632x64xf32, #tpu.memory_space<vmem>>, vector<1x16xf32>,
      %swap3A_51 = arith.index_cast %scan3A_40 : i32 to index
      %swap3A_52 = arith.constant 32 : index
      %swap3A_53 = tpu.vector_load %arg14[%swap3A_51, %swap3A_52] {strides = array<i32>} : memref<632x64xf32, #tpu.memory_space<vmem>>, vector<1x16xf32>,
      %swap3A_54 = vector.shape_cast %swap3A_53 : vector<1x16xf32> to vector<16xf32>
      %swap3A_55 = vector.shape_cast %broadcast_in_dim3A_0 : vector<16xf32> to vector<1x16xf32>
      tpu.vector_store %arg14[%swap3A_51, %swap3A_52], %swap3A_55 {strides = array<i32>} : memref<632x64xf32, #tpu.memory_space<vmem>>, vector<1x16xf32>,
      %swap3A_56 = arith.index_cast %scan3A_40 : i32 to index
      %swap3A_57 = arith.constant 48 : index
      %swap3A_58 = tpu.vector_load %arg14[%swap3A_56, %swap3A_57] {strides = array<i32>} : memref<632x64xf32, #tpu.memory_space<vmem>>, vector<1x16xf32>,
      %swap3A_59 = vector.shape_cast %swap3A_58 : vector<1x16xf32> to vector<16xf32>
      %swap3A_60 = vector.shape_cast %broadcast_in_dim3A_0 : vector<16xf32> to vector<1x16xf32>
      tpu.vector_store %arg14[%swap3A_56, %swap3A_57], %swap3A_60 {strides = array<i32>} : memref<632x64xf32, #tpu.memory_space<vmem>>, vector<1x16xf32>,
      %scan3A_61 = arith.constant 0 : i32
      scf.yield %scan3A_61 : i32
    }
    %scan3A_6 = arith.constant 632 : i32
    %mul3A = arith.constant 632 : i32
    %mul3A_7 = arith.muli %arg1, %mul3A : i32
    "tpu.region"() ({
      %run_scoped3A_40 = tpu.sem_alloc : memref<!tpu.dma_semaphore, #tpu.memory_space<semaphore_mem>>
      %dma_start3A_41 = arith.constant 0 : i32
      %dma_start3A_42 = tpu.memref_slice %arg25[%mul3A_7, %dma_start3A_41] : memref<10112x64xf32, #tpu.memory_space<vmem_shared>> -> memref<632x64xf32, #tpu.memory_space<vmem_shared>>
      %dma_start3A_43 = arith.constant 0 : i32
      %dma_start3A_44 = tpu.memref_slice %arg25[%mul3A_7, %dma_start3A_43] : memref<10112x64xf32, #tpu.memory_space<vmem_shared>> -> memref<632x64xf32, #tpu.memory_space<vmem_shared>>
      tpu.enqueue_dma source(%arg14 : memref<632x64xf32, #tpu.memory_space<vmem>>) target(%dma_start3A_44 : memref<632x64xf32, #tpu.memory_space<vmem_shared>>) target_semaphore(%run_scoped3A_40 : memref<!tpu.dma_semaphore, #tpu.memory_space<semaphore_mem>>)
      %dma_wait3A_45 = arith.constant 0 : i32
      %dma_wait3A_46 = tpu.memref_slice %arg25[%mul3A_7, %dma_wait3A_45] : memref<10112x64xf32, #tpu.memory_space<vmem_shared>> -> memref<632x64xf32, #tpu.memory_space<vmem_shared>>
      %dma_wait3A_47 = arith.constant 0 : i32
      %dma_wait3A_48 = tpu.memref_slice %arg25[%mul3A_7, %dma_wait3A_47] : memref<10112x64xf32, #tpu.memory_space<vmem_shared>> -> memref<632x64xf32, #tpu.memory_space<vmem_shared>>
      tpu.wait_dma2 semaphore(%run_scoped3A_40 : memref<!tpu.dma_semaphore, #tpu.memory_space<semaphore_mem>>) src(%arg14 : memref<632x64xf32, #tpu.memory_space<vmem>>) dst(%dma_wait3A_48 : memref<632x64xf32, #tpu.memory_space<vmem_shared>>)
      tpu.yield
    }) : () -> ()
    %run_scoped3A = arith.constant 0 : i32
    "tpu.region"() ({
      %run_scoped3A_40 = tpu.sem_alloc : memref<!tpu.dma_semaphore, #tpu.memory_space<semaphore_mem>>
      %dma_start3A_41 = arith.constant 0 : i32
      %dma_start3A_42 = arith.constant 0 : i32
      %dma_start3A_43 = tpu.memref_slice %arg4[%arg1, %run_scoped3A, %dma_start3A_41, %dma_start3A_42] : memref<16x164x2x128xi32, #tpu.memory_space<hbm>> -> memref<1x1x2x128xi32, #tpu.memory_space<hbm>>
      %dma_start3A_44 = tpu.memref_squeeze %dma_start3A_43 : memref<1x1x2x128xi32, #tpu.memory_space<hbm>> -> memref<2x128xi32, #tpu.memory_space<hbm>>
      %dma_start3A_45 = arith.constant 0 : i32
      %dma_start3A_46 = arith.constant 0 : i32
      %dma_start3A_47 = tpu.memref_slice %arg4[%arg1, %run_scoped3A, %dma_start3A_45, %dma_start3A_46] : memref<16x164x2x128xi32, #tpu.memory_space<hbm>> -> memref<1x1x2x128xi32, #tpu.memory_space<hbm>>
      %dma_start3A_48 = tpu.memref_squeeze %dma_start3A_47 : memref<1x1x2x128xi32, #tpu.memory_space<hbm>> -> memref<2x128xi32, #tpu.memory_space<hbm>>
      tpu.enqueue_dma source(%dma_start3A_48 : memref<2x128xi32, #tpu.memory_space<hbm>>) target(%arg6 : memref<2x128xi32, #tpu.memory_space<vmem>>) target_semaphore(%run_scoped3A_40 : memref<!tpu.dma_semaphore, #tpu.memory_space<semaphore_mem>>)
      %dma_wait3A_49 = arith.constant 0 : i32
      %dma_wait3A_50 = arith.constant 0 : i32
      %dma_wait3A_51 = tpu.memref_slice %arg4[%arg1, %run_scoped3A, %dma_wait3A_49, %dma_wait3A_50] : memref<16x164x2x128xi32, #tpu.memory_space<hbm>> -> memref<1x1x2x128xi32, #tpu.memory_space<hbm>>
      %dma_wait3A_52 = tpu.memref_squeeze %dma_wait3A_51 : memref<1x1x2x128xi32, #tpu.memory_space<hbm>> -> memref<2x128xi32, #tpu.memory_space<hbm>>
      %dma_wait3A_53 = arith.constant 0 : i32
      %dma_wait3A_54 = arith.constant 0 : i32
      %dma_wait3A_55 = tpu.memref_slice %arg4[%arg1, %run_scoped3A, %dma_wait3A_53, %dma_wait3A_54] : memref<16x164x2x128xi32, #tpu.memory_space<hbm>> -> memref<1x1x2x128xi32, #tpu.memory_space<hbm>>
      %dma_wait3A_56 = tpu.memref_squeeze %dma_wait3A_55 : memref<1x1x2x128xi32, #tpu.memory_space<hbm>> -> memref<2x128xi32, #tpu.memory_space<hbm>>
      tpu.wait_dma2 semaphore(%run_scoped3A_40 : memref<!tpu.dma_semaphore, #tpu.memory_space<semaphore_mem>>) src(%dma_wait3A_56 : memref<2x128xi32, #tpu.memory_space<hbm>>) dst(%arg6 : memref<2x128xi32, #tpu.memory_space<vmem>>)
      tpu.yield
    }) : () -> ()
    %dma_start3A = arith.constant 1 : i32
    %dma_start3A_8 = arith.constant 0 : i32
    %dma_start3A_9 = arith.constant 0 : i32
    %dma_start3A_10 = tpu.memref_slice %arg4[%arg1, %dma_start3A, %dma_start3A_8, %dma_start3A_9] : memref<16x164x2x128xi32, #tpu.memory_space<hbm>> -> memref<1x1x2x128xi32, #tpu.memory_space<hbm>>
    %dma_start3A_11 = tpu.memref_squeeze %dma_start3A_10 : memref<1x1x2x128xi32, #tpu.memory_space<hbm>> -> memref<2x128xi32, #tpu.memory_space<hbm>>
    %dma_start3A_12 = arith.constant 0 : i32
    %dma_start3A_13 = arith.constant 0 : i32
    %dma_start3A_14 = tpu.memref_slice %arg4[%arg1, %dma_start3A, %dma_start3A_12, %dma_start3A_13] : memref<16x164x2x128xi32, #tpu.memory_space<hbm>> -> memref<1x1x2x128xi32, #tpu.memory_space<hbm>>
    %dma_start3A_15 = tpu.memref_squeeze %dma_start3A_14 : memref<1x1x2x128xi32, #tpu.memory_space<hbm>> -> memref<2x128xi32, #tpu.memory_space<hbm>>
    tpu.enqueue_dma source(%dma_start3A_15 : memref<2x128xi32, #tpu.memory_space<hbm>>) target(%arg7 : memref<2x128xi32, #tpu.memory_space<vmem>>) target_semaphore(%arg16 : memref<!tpu.dma_semaphore, #tpu.memory_space<semaphore_mem>>)
    %eq3A = arith.constant 0 : i32
    %eq3A_16 = arith.cmpi eq, %arg0, %eq3A : i32
    %convert_element_type3A = arith.extui %eq3A_16 : i1 to i32
    %cond3A = arith.constant 0 : i32
    %cond3A_17 = arith.cmpi ne, %convert_element_type3A, %cond3A : i32
    scf.if %cond3A_17 {
      %dma_start3A_40 = arith.constant 0 : i32
      %dma_start3A_41 = arith.constant 0 : i32
      %dma_start3A_42 = arith.constant 0 : i32
      %dma_start3A_43 = tpu.memref_slice %arg6[%dma_start3A_41, %dma_start3A_42] : memref<2x128xi32, #tpu.memory_space<vmem>> -> memref<1x128xi32, #tpu.memory_space<vmem>>
      %dma_start3A_44 = tpu.memref_squeeze %dma_start3A_43 : memref<1x128xi32, #tpu.memory_space<vmem>> -> memref<128xi32, #tpu.memory_space<vmem>>
      %dma_start3A_45 = arith.constant 0 : i32
      %dma_start3A_46 = arith.constant 0 : i32
      %dma_start3A_47 = tpu.memref_slice %arg2[%dma_start3A_40, %dma_start3A_45, %dma_start3A_46] : memref<2x10112x64xf32, #tpu.memory_space<hbm>> -> memref<1x10112x64xf32, #tpu.memory_space<hbm>>
      %dma_start3A_48 = tpu.memref_squeeze %dma_start3A_47 : memref<1x10112x64xf32, #tpu.memory_space<hbm>> -> memref<10112x64xf32, #tpu.memory_space<hbm>>
      %dma_start3A_49 = arith.constant 0 : i32
      %dma_start3A_50 = arith.constant 0 : i32
      %dma_start3A_51 = tpu.memref_slice %dma_start3A_48[%dma_start3A_49, %dma_start3A_50] : memref<10112x64xf32, #tpu.memory_space<hbm>> -> memref<10112x64xf32, #tpu.memory_space<hbm>>
      tpu.enqueue_indirect_dma source(%dma_start3A_51 : memref<10112x64xf32, #tpu.memory_space<hbm>>) target(%arg10 : memref<128x64xf32, #tpu.memory_space<vmem>>) offsets(%dma_start3A_44 : memref<128xi32, #tpu.memory_space<vmem>>) semaphore(%arg19 : memref<!tpu.dma_semaphore, #tpu.memory_space<semaphore_mem>>)
    } else {
    }
    %ne3A = arith.constant 0 : i32
    %ne3A_18 = arith.cmpi ne, %arg0, %ne3A : i32
    %convert_element_type3A_19 = arith.extui %ne3A_18 : i1 to i32
    %cond3A_20 = arith.constant 0 : i32
    %cond3A_21 = arith.cmpi ne, %convert_element_type3A_19, %cond3A_20 : i32
    scf.if %cond3A_21 {
      %dma_start3A_40 = arith.constant 1 : i32
      %dma_start3A_41 = arith.constant 0 : i32
      %dma_start3A_42 = arith.constant 0 : i32
      %dma_start3A_43 = tpu.memref_slice %arg6[%dma_start3A_41, %dma_start3A_42] : memref<2x128xi32, #tpu.memory_space<vmem>> -> memref<1x128xi32, #tpu.memory_space<vmem>>
      %dma_start3A_44 = tpu.memref_squeeze %dma_start3A_43 : memref<1x128xi32, #tpu.memory_space<vmem>> -> memref<128xi32, #tpu.memory_space<vmem>>
      %dma_start3A_45 = arith.constant 0 : i32
      %dma_start3A_46 = arith.constant 0 : i32
      %dma_start3A_47 = tpu.memref_slice %arg2[%dma_start3A_40, %dma_start3A_45, %dma_start3A_46] : memref<2x10112x64xf32, #tpu.memory_space<hbm>> -> memref<1x10112x64xf32, #tpu.memory_space<hbm>>
      %dma_start3A_48 = tpu.memref_squeeze %dma_start3A_47 : memref<1x10112x64xf32, #tpu.memory_space<hbm>> -> memref<10112x64xf32, #tpu.memory_space<hbm>>
      %dma_start3A_49 = arith.constant 0 : i32
      %dma_start3A_50 = arith.constant 0 : i32
      %dma_start3A_51 = tpu.memref_slice %dma_start3A_48[%dma_start3A_49, %dma_start3A_50] : memref<10112x64xf32, #tpu.memory_space<hbm>> -> memref<10112x64xf32, #tpu.memory_space<hbm>>
      tpu.enqueue_indirect_dma source(%dma_start3A_51 : memref<10112x64xf32, #tpu.memory_space<hbm>>) target(%arg10 : memref<128x64xf32, #tpu.memory_space<vmem>>) offsets(%dma_start3A_44 : memref<128xi32, #tpu.memory_space<vmem>>) semaphore(%arg19 : memref<!tpu.dma_semaphore, #tpu.memory_space<semaphore_mem>>)
    } else {
    }
    %barrier3A = arith.constant 0 : index
    tpu.barrier barrier_id(%barrier3A)
    %scan3A_22 = arith.constant 0 : i32
    %scan3A_23 = arith.constant 0 : i32
    %scan3A_24 = arith.constant 41 : i32
    %scan3A_25 = arith.addi %scan3A_23, %scan3A_24 : i32
    %scan3A_26 = arith.constant 1 : i32
    %scan3A_27 = scf.for %scan3A_40 = %scan3A_23 to %scan3A_25 step %scan3A_26 iter_args(%scan3A_41 = %scan3A_22) -> (i32)  : i32 {
      %mul3A_42 = arith.constant 4 : i32
      %mul3A_43 = arith.muli %mul3A_42, %scan3A_40 : i32
      %add3A = arith.constant 0 : i32
      %add3A_44 = arith.addi %mul3A_43, %add3A : i32
      %ge3A = arith.constant 1 : i32
      %ge3A_45 = arith.cmpi sge, %add3A_44, %ge3A : i32
      %convert_element_type3A_46 = arith.extui %ge3A_45 : i1 to i32
      %cond3A_47 = arith.constant 0 : i32
      %cond3A_48 = arith.cmpi ne, %convert_element_type3A_46, %cond3A_47 : i32
      scf.if %cond3A_48 {
        %dma_wait3A_200 = arith.constant 1 : i32
        %dma_wait3A_201 = arith.constant 0 : i32
        %dma_wait3A_202 = tpu.memref_slice %arg9[%dma_wait3A_200, %dma_wait3A_201] : memref<2x128xi32, #tpu.memory_space<vmem>> -> memref<1x128xi32, #tpu.memory_space<vmem>>
        %dma_wait3A_203 = tpu.memref_squeeze %dma_wait3A_202 : memref<1x128xi32, #tpu.memory_space<vmem>> -> memref<128xi32, #tpu.memory_space<vmem>>
        %dma_wait3A_204 = arith.constant 0 : i32
        %dma_wait3A_205 = arith.constant 0 : i32
        %dma_wait3A_206 = tpu.memref_slice %arg25[%dma_wait3A_204, %dma_wait3A_205] : memref<10112x64xf32, #tpu.memory_space<vmem_shared>> -> memref<10112x64xf32, #tpu.memory_space<vmem_shared>>
        tpu.wait_indirect_dma semaphore(%arg24 : memref<!tpu.dma_semaphore, #tpu.memory_space<semaphore_mem>>) src(%arg11 : memref<128x64xf32, #tpu.memory_space<vmem>>) dst(%dma_wait3A_206 : memref<10112x64xf32, #tpu.memory_space<vmem_shared>>)
      } else {
      }
      %add3A_49 = arith.constant 2 : i32
      %add3A_50 = arith.addi %add3A_44, %add3A_49 : i32
      %lt3A = arith.constant 164 : i32
      %lt3A_51 = arith.cmpi slt, %add3A_50, %lt3A : i32
      %convert_element_type3A_52 = arith.extui %lt3A_51 : i1 to i32
      %cond3A_53 = arith.constant 0 : i32
      %cond3A_54 = arith.cmpi ne, %convert_element_type3A_52, %cond3A_53 : i32
      scf.if %cond3A_54 {
        %add3A_200 = arith.constant 2 : i32
        %add3A_201 = arith.addi %add3A_44, %add3A_200 : i32
        %dma_start3A_202 = arith.constant 0 : i32
        %dma_start3A_203 = arith.constant 0 : i32
        %dma_start3A_204 = tpu.memref_slice %arg4[%arg1, %add3A_201, %dma_start3A_202, %dma_start3A_203] : memref<16x164x2x128xi32, #tpu.memory_space<hbm>> -> memref<1x1x2x128xi32, #tpu.memory_space<hbm>>
        %dma_start3A_205 = tpu.memref_squeeze %dma_start3A_204 : memref<1x1x2x128xi32, #tpu.memory_space<hbm>> -> memref<2x128xi32, #tpu.memory_space<hbm>>
        %dma_start3A_206 = arith.constant 0 : i32
        %dma_start3A_207 = arith.constant 0 : i32
        %dma_start3A_208 = tpu.memref_slice %arg4[%arg1, %add3A_201, %dma_start3A_206, %dma_start3A_207] : memref<16x164x2x128xi32, #tpu.memory_space<hbm>> -> memref<1x1x2x128xi32, #tpu.memory_space<hbm>>
        %dma_start3A_209 = tpu.memref_squeeze %dma_start3A_208 : memref<1x1x2x128xi32, #tpu.memory_space<hbm>> -> memref<2x128xi32, #tpu.memory_space<hbm>>
        tpu.enqueue_dma source(%dma_start3A_209 : memref<2x128xi32, #tpu.memory_space<hbm>>) target(%arg8 : memref<2x128xi32, #tpu.memory_space<vmem>>) target_semaphore(%arg17 : memref<!tpu.dma_semaphore, #tpu.memory_space<semaphore_mem>>)
      } else {
      }
      %add3A_55 = arith.constant 1 : i32
      %add3A_56 = arith.addi %add3A_44, %add3A_55 : i32
      %lt3A_57 = arith.constant 164 : i32
      %lt3A_58 = arith.cmpi slt, %add3A_56, %lt3A_57 : i32
      %convert_element_type3A_59 = arith.extui %lt3A_58 : i1 to i32
      %cond3A_60 = arith.constant 0 : i32
      %cond3A_61 = arith.cmpi ne, %convert_element_type3A_59, %cond3A_60 : i32
      scf.if %cond3A_61 {
        %add3A_200 = arith.constant 1 : i32
        %add3A_201 = arith.addi %add3A_44, %add3A_200 : i32
        %dma_wait3A_202 = arith.constant 0 : i32
        %dma_wait3A_203 = arith.constant 0 : i32
        %dma_wait3A_204 = tpu.memref_slice %arg4[%arg1, %add3A_201, %dma_wait3A_202, %dma_wait3A_203] : memref<16x164x2x128xi32, #tpu.memory_space<hbm>> -> memref<1x1x2x128xi32, #tpu.memory_space<hbm>>
        %dma_wait3A_205 = tpu.memref_squeeze %dma_wait3A_204 : memref<1x1x2x128xi32, #tpu.memory_space<hbm>> -> memref<2x128xi32, #tpu.memory_space<hbm>>
        %dma_wait3A_206 = arith.constant 0 : i32
        %dma_wait3A_207 = arith.constant 0 : i32
        %dma_wait3A_208 = tpu.memref_slice %arg4[%arg1, %add3A_201, %dma_wait3A_206, %dma_wait3A_207] : memref<16x164x2x128xi32, #tpu.memory_space<hbm>> -> memref<1x1x2x128xi32, #tpu.memory_space<hbm>>
        %dma_wait3A_209 = tpu.memref_squeeze %dma_wait3A_208 : memref<1x1x2x128xi32, #tpu.memory_space<hbm>> -> memref<2x128xi32, #tpu.memory_space<hbm>>
        tpu.wait_dma2 semaphore(%arg16 : memref<!tpu.dma_semaphore, #tpu.memory_space<semaphore_mem>>) src(%dma_wait3A_209 : memref<2x128xi32, #tpu.memory_space<hbm>>) dst(%arg7 : memref<2x128xi32, #tpu.memory_space<vmem>>)
        %eq3A_210 = arith.constant 0 : i32
        %eq3A_211 = arith.cmpi eq, %arg0, %eq3A_210 : i32
        %convert_element_type3A_212 = arith.extui %eq3A_211 : i1 to i32
        %cond3A_213 = arith.constant 0 : i32
        %cond3A_214 = arith.cmpi ne, %convert_element_type3A_212, %cond3A_213 : i32
        scf.if %cond3A_214 {
          %dma_start3A_220 = arith.constant 0 : i32
          %dma_start3A_221 = arith.constant 0 : i32
          %dma_start3A_222 = arith.constant 0 : i32
          %dma_start3A_223 = tpu.memref_slice %arg7[%dma_start3A_221, %dma_start3A_222] : memref<2x128xi32, #tpu.memory_space<vmem>> -> memref<1x128xi32, #tpu.memory_space<vmem>>
          %dma_start3A_224 = tpu.memref_squeeze %dma_start3A_223 : memref<1x128xi32, #tpu.memory_space<vmem>> -> memref<128xi32, #tpu.memory_space<vmem>>
          %dma_start3A_225 = arith.constant 0 : i32
          %dma_start3A_226 = arith.constant 0 : i32
          %dma_start3A_227 = tpu.memref_slice %arg2[%dma_start3A_220, %dma_start3A_225, %dma_start3A_226] : memref<2x10112x64xf32, #tpu.memory_space<hbm>> -> memref<1x10112x64xf32, #tpu.memory_space<hbm>>
          %dma_start3A_228 = tpu.memref_squeeze %dma_start3A_227 : memref<1x10112x64xf32, #tpu.memory_space<hbm>> -> memref<10112x64xf32, #tpu.memory_space<hbm>>
          %dma_start3A_229 = arith.constant 0 : i32
          %dma_start3A_230 = arith.constant 0 : i32
          %dma_start3A_231 = tpu.memref_slice %dma_start3A_228[%dma_start3A_229, %dma_start3A_230] : memref<10112x64xf32, #tpu.memory_space<hbm>> -> memref<10112x64xf32, #tpu.memory_space<hbm>>
          tpu.enqueue_indirect_dma source(%dma_start3A_231 : memref<10112x64xf32, #tpu.memory_space<hbm>>) target(%arg11 : memref<128x64xf32, #tpu.memory_space<vmem>>) offsets(%dma_start3A_224 : memref<128xi32, #tpu.memory_space<vmem>>) semaphore(%arg20 : memref<!tpu.dma_semaphore, #tpu.memory_space<semaphore_mem>>)
        } else {
        }
        %ne3A_215 = arith.constant 0 : i32
        %ne3A_216 = arith.cmpi ne, %arg0, %ne3A_215 : i32
        %convert_element_type3A_217 = arith.extui %ne3A_216 : i1 to i32
        %cond3A_218 = arith.constant 0 : i32
        %cond3A_219 = arith.cmpi ne, %convert_element_type3A_217, %cond3A_218 : i32
        scf.if %cond3A_219 {
          %dma_start3A_220 = arith.constant 1 : i32
          %dma_start3A_221 = arith.constant 0 : i32
          %dma_start3A_222 = arith.constant 0 : i32
          %dma_start3A_223 = tpu.memref_slice %arg7[%dma_start3A_221, %dma_start3A_222] : memref<2x128xi32, #tpu.memory_space<vmem>> -> memref<1x128xi32, #tpu.memory_space<vmem>>
          %dma_start3A_224 = tpu.memref_squeeze %dma_start3A_223 : memref<1x128xi32, #tpu.memory_space<vmem>> -> memref<128xi32, #tpu.memory_space<vmem>>
          %dma_start3A_225 = arith.constant 0 : i32
          %dma_start3A_226 = arith.constant 0 : i32
          %dma_start3A_227 = tpu.memref_slice %arg2[%dma_start3A_220, %dma_start3A_225, %dma_start3A_226] : memref<2x10112x64xf32, #tpu.memory_space<hbm>> -> memref<1x10112x64xf32, #tpu.memory_space<hbm>>
          %dma_start3A_228 = tpu.memref_squeeze %dma_start3A_227 : memref<1x10112x64xf32, #tpu.memory_space<hbm>> -> memref<10112x64xf32, #tpu.memory_space<hbm>>
          %dma_start3A_229 = arith.constant 0 : i32
          %dma_start3A_230 = arith.constant 0 : i32
          %dma_start3A_231 = tpu.memref_slice %dma_start3A_228[%dma_start3A_229, %dma_start3A_230] : memref<10112x64xf32, #tpu.memory_space<hbm>> -> memref<10112x64xf32, #tpu.memory_space<hbm>>
          tpu.enqueue_indirect_dma source(%dma_start3A_231 : memref<10112x64xf32, #tpu.memory_space<hbm>>) target(%arg11 : memref<128x64xf32, #tpu.memory_space<vmem>>) offsets(%dma_start3A_224 : memref<128xi32, #tpu.memory_space<vmem>>) semaphore(%arg20 : memref<!tpu.dma_semaphore, #tpu.memory_space<semaphore_mem>>)
        } else {
        }
      } else {
      }
      %eq3A_62 = arith.constant 0 : i32
      %eq3A_63 = arith.cmpi eq, %arg0, %eq3A_62 : i32
      %convert_element_type3A_64 = arith.extui %eq3A_63 : i1 to i32
      %cond3A_65 = arith.constant 0 : i32
      %cond3A_66 = arith.cmpi ne, %convert_element_type3A_64, %cond3A_65 : i32
      scf.if %cond3A_66 {
        %dma_wait3A_200 = arith.constant 0 : i32
        %dma_wait3A_201 = arith.constant 0 : i32
        %dma_wait3A_202 = arith.constant 0 : i32
        %dma_wait3A_203 = tpu.memref_slice %arg6[%dma_wait3A_201, %dma_wait3A_202] : memref<2x128xi32, #tpu.memory_space<vmem>> -> memref<1x128xi32, #tpu.memory_space<vmem>>
        %dma_wait3A_204 = tpu.memref_squeeze %dma_wait3A_203 : memref<1x128xi32, #tpu.memory_space<vmem>> -> memref<128xi32, #tpu.memory_space<vmem>>
        %dma_wait3A_205 = arith.constant 0 : i32
        %dma_wait3A_206 = arith.constant 0 : i32
        %dma_wait3A_207 = tpu.memref_slice %arg2[%dma_wait3A_200, %dma_wait3A_205, %dma_wait3A_206] : memref<2x10112x64xf32, #tpu.memory_space<hbm>> -> memref<1x10112x64xf32, #tpu.memory_space<hbm>>
        %dma_wait3A_208 = tpu.memref_squeeze %dma_wait3A_207 : memref<1x10112x64xf32, #tpu.memory_space<hbm>> -> memref<10112x64xf32, #tpu.memory_space<hbm>>
        %dma_wait3A_209 = arith.constant 0 : i32
        %dma_wait3A_210 = arith.constant 0 : i32
        %dma_wait3A_211 = tpu.memref_slice %dma_wait3A_208[%dma_wait3A_209, %dma_wait3A_210] : memref<10112x64xf32, #tpu.memory_space<hbm>> -> memref<10112x64xf32, #tpu.memory_space<hbm>>
        tpu.wait_indirect_dma semaphore(%arg19 : memref<!tpu.dma_semaphore, #tpu.memory_space<semaphore_mem>>) src(%dma_wait3A_211 : memref<10112x64xf32, #tpu.memory_space<hbm>>) dst(%arg10 : memref<128x64xf32, #tpu.memory_space<vmem>>)
      } else {
      }
      %ne3A_67 = arith.constant 0 : i32
      %ne3A_68 = arith.cmpi ne, %arg0, %ne3A_67 : i32
      %convert_element_type3A_69 = arith.extui %ne3A_68 : i1 to i32
      %cond3A_70 = arith.constant 0 : i32
      %cond3A_71 = arith.cmpi ne, %convert_element_type3A_69, %cond3A_70 : i32
      scf.if %cond3A_71 {
        %dma_wait3A_200 = arith.constant 1 : i32
        %dma_wait3A_201 = arith.constant 0 : i32
        %dma_wait3A_202 = arith.constant 0 : i32
        %dma_wait3A_203 = tpu.memref_slice %arg6[%dma_wait3A_201, %dma_wait3A_202] : memref<2x128xi32, #tpu.memory_space<vmem>> -> memref<1x128xi32, #tpu.memory_space<vmem>>
        %dma_wait3A_204 = tpu.memref_squeeze %dma_wait3A_203 : memref<1x128xi32, #tpu.memory_space<vmem>> -> memref<128xi32, #tpu.memory_space<vmem>>
        %dma_wait3A_205 = arith.constant 0 : i32
        %dma_wait3A_206 = arith.constant 0 : i32
        %dma_wait3A_207 = tpu.memref_slice %arg2[%dma_wait3A_200, %dma_wait3A_205, %dma_wait3A_206] : memref<2x10112x64xf32, #tpu.memory_space<hbm>> -> memref<1x10112x64xf32, #tpu.memory_space<hbm>>
        %dma_wait3A_208 = tpu.memref_squeeze %dma_wait3A_207 : memref<1x10112x64xf32, #tpu.memory_space<hbm>> -> memref<10112x64xf32, #tpu.memory_space<hbm>>
        %dma_wait3A_209 = arith.constant 0 : i32
        %dma_wait3A_210 = arith.constant 0 : i32
        %dma_wait3A_211 = tpu.memref_slice %dma_wait3A_208[%dma_wait3A_209, %dma_wait3A_210] : memref<10112x64xf32, #tpu.memory_space<hbm>> -> memref<10112x64xf32, #tpu.memory_space<hbm>>
        tpu.wait_indirect_dma semaphore(%arg19 : memref<!tpu.dma_semaphore, #tpu.memory_space<semaphore_mem>>) src(%dma_wait3A_211 : memref<10112x64xf32, #tpu.memory_space<hbm>>) dst(%arg10 : memref<128x64xf32, #tpu.memory_space<vmem>>)
      } else {
      }
      %dma_start3A_72 = arith.constant 1 : i32
      %dma_start3A_73 = arith.constant 0 : i32
      %dma_start3A_74 = tpu.memref_slice %arg6[%dma_start3A_72, %dma_start3A_73] : memref<2x128xi32, #tpu.memory_space<vmem>> -> memref<1x128xi32, #tpu.memory_space<vmem>>
      %dma_start3A_75 = tpu.memref_squeeze %dma_start3A_74 : memref<1x128xi32, #tpu.memory_space<vmem>> -> memref<128xi32, #tpu.memory_space<vmem>>
      %dma_start3A_76 = arith.constant 0 : i32
      %dma_start3A_77 = arith.constant 0 : i32
      %dma_start3A_78 = tpu.memref_slice %arg25[%dma_start3A_76, %dma_start3A_77] : memref<10112x64xf32, #tpu.memory_space<vmem_shared>> -> memref<10112x64xf32, #tpu.memory_space<vmem_shared>>
      tpu.enqueue_indirect_dma source(%arg10 : memref<128x64xf32, #tpu.memory_space<vmem>>) target(%dma_start3A_78 : memref<10112x64xf32, #tpu.memory_space<vmem_shared>>) offsets(%dma_start3A_75 : memref<128xi32, #tpu.memory_space<vmem>>) semaphore(%arg23 : memref<!tpu.dma_semaphore, #tpu.memory_space<semaphore_mem>>) {add = true}
      %mul3A_79 = arith.constant 4 : i32
      %mul3A_80 = arith.muli %mul3A_79, %scan3A_40 : i32
      %add3A_81 = arith.constant 1 : i32
      %add3A_82 = arith.addi %mul3A_80, %add3A_81 : i32
      %ge3A_83 = arith.constant 1 : i32
      %ge3A_84 = arith.cmpi sge, %add3A_82, %ge3A_83 : i32
      %convert_element_type3A_85 = arith.extui %ge3A_84 : i1 to i32
      %cond3A_86 = arith.constant 0 : i32
      %cond3A_87 = arith.cmpi ne, %convert_element_type3A_85, %cond3A_86 : i32
      scf.if %cond3A_87 {
        %dma_wait3A_200 = arith.constant 1 : i32
        %dma_wait3A_201 = arith.constant 0 : i32
        %dma_wait3A_202 = tpu.memref_slice %arg6[%dma_wait3A_200, %dma_wait3A_201] : memref<2x128xi32, #tpu.memory_space<vmem>> -> memref<1x128xi32, #tpu.memory_space<vmem>>
        %dma_wait3A_203 = tpu.memref_squeeze %dma_wait3A_202 : memref<1x128xi32, #tpu.memory_space<vmem>> -> memref<128xi32, #tpu.memory_space<vmem>>
        %dma_wait3A_204 = arith.constant 0 : i32
        %dma_wait3A_205 = arith.constant 0 : i32
        %dma_wait3A_206 = tpu.memref_slice %arg25[%dma_wait3A_204, %dma_wait3A_205] : memref<10112x64xf32, #tpu.memory_space<vmem_shared>> -> memref<10112x64xf32, #tpu.memory_space<vmem_shared>>
        tpu.wait_indirect_dma semaphore(%arg23 : memref<!tpu.dma_semaphore, #tpu.memory_space<semaphore_mem>>) src(%arg10 : memref<128x64xf32, #tpu.memory_space<vmem>>) dst(%dma_wait3A_206 : memref<10112x64xf32, #tpu.memory_space<vmem_shared>>)
      } else {
      }
      %add3A_88 = arith.constant 2 : i32
      %add3A_89 = arith.addi %add3A_82, %add3A_88 : i32
      %lt3A_90 = arith.constant 164 : i32
      %lt3A_91 = arith.cmpi slt, %add3A_89, %lt3A_90 : i32
      %convert_element_type3A_92 = arith.extui %lt3A_91 : i1 to i32
      %cond3A_93 = arith.constant 0 : i32
      %cond3A_94 = arith.cmpi ne, %convert_element_type3A_92, %cond3A_93 : i32
      scf.if %cond3A_94 {
        %add3A_200 = arith.constant 2 : i32
        %add3A_201 = arith.addi %add3A_82, %add3A_200 : i32
        %dma_start3A_202 = arith.constant 0 : i32
        %dma_start3A_203 = arith.constant 0 : i32
        %dma_start3A_204 = tpu.memref_slice %arg4[%arg1, %add3A_201, %dma_start3A_202, %dma_start3A_203] : memref<16x164x2x128xi32, #tpu.memory_space<hbm>> -> memref<1x1x2x128xi32, #tpu.memory_space<hbm>>
        %dma_start3A_205 = tpu.memref_squeeze %dma_start3A_204 : memref<1x1x2x128xi32, #tpu.memory_space<hbm>> -> memref<2x128xi32, #tpu.memory_space<hbm>>
        %dma_start3A_206 = arith.constant 0 : i32
        %dma_start3A_207 = arith.constant 0 : i32
        %dma_start3A_208 = tpu.memref_slice %arg4[%arg1, %add3A_201, %dma_start3A_206, %dma_start3A_207] : memref<16x164x2x128xi32, #tpu.memory_space<hbm>> -> memref<1x1x2x128xi32, #tpu.memory_space<hbm>>
        %dma_start3A_209 = tpu.memref_squeeze %dma_start3A_208 : memref<1x1x2x128xi32, #tpu.memory_space<hbm>> -> memref<2x128xi32, #tpu.memory_space<hbm>>
        tpu.enqueue_dma source(%dma_start3A_209 : memref<2x128xi32, #tpu.memory_space<hbm>>) target(%arg9 : memref<2x128xi32, #tpu.memory_space<vmem>>) target_semaphore(%arg18 : memref<!tpu.dma_semaphore, #tpu.memory_space<semaphore_mem>>)
      } else {
      }
      %add3A_95 = arith.constant 1 : i32
      %add3A_96 = arith.addi %add3A_82, %add3A_95 : i32
      %lt3A_97 = arith.constant 164 : i32
      %lt3A_98 = arith.cmpi slt, %add3A_96, %lt3A_97 : i32
      %convert_element_type3A_99 = arith.extui %lt3A_98 : i1 to i32
      %cond3A_100 = arith.constant 0 : i32
      %cond3A_101 = arith.cmpi ne, %convert_element_type3A_99, %cond3A_100 : i32
      scf.if %cond3A_101 {
        %add3A_200 = arith.constant 1 : i32
        %add3A_201 = arith.addi %add3A_82, %add3A_200 : i32
        %dma_wait3A_202 = arith.constant 0 : i32
        %dma_wait3A_203 = arith.constant 0 : i32
        %dma_wait3A_204 = tpu.memref_slice %arg4[%arg1, %add3A_201, %dma_wait3A_202, %dma_wait3A_203] : memref<16x164x2x128xi32, #tpu.memory_space<hbm>> -> memref<1x1x2x128xi32, #tpu.memory_space<hbm>>
        %dma_wait3A_205 = tpu.memref_squeeze %dma_wait3A_204 : memref<1x1x2x128xi32, #tpu.memory_space<hbm>> -> memref<2x128xi32, #tpu.memory_space<hbm>>
        %dma_wait3A_206 = arith.constant 0 : i32
        %dma_wait3A_207 = arith.constant 0 : i32
        %dma_wait3A_208 = tpu.memref_slice %arg4[%arg1, %add3A_201, %dma_wait3A_206, %dma_wait3A_207] : memref<16x164x2x128xi32, #tpu.memory_space<hbm>> -> memref<1x1x2x128xi32, #tpu.memory_space<hbm>>
        %dma_wait3A_209 = tpu.memref_squeeze %dma_wait3A_208 : memref<1x1x2x128xi32, #tpu.memory_space<hbm>> -> memref<2x128xi32, #tpu.memory_space<hbm>>
        tpu.wait_dma2 semaphore(%arg17 : memref<!tpu.dma_semaphore, #tpu.memory_space<semaphore_mem>>) src(%dma_wait3A_209 : memref<2x128xi32, #tpu.memory_space<hbm>>) dst(%arg8 : memref<2x128xi32, #tpu.memory_space<vmem>>)
        %eq3A_210 = arith.constant 0 : i32
        %eq3A_211 = arith.cmpi eq, %arg0, %eq3A_210 : i32
        %convert_element_type3A_212 = arith.extui %eq3A_211 : i1 to i32
        %cond3A_213 = arith.constant 0 : i32
        %cond3A_214 = arith.cmpi ne, %convert_element_type3A_212, %cond3A_213 : i32
        scf.if %cond3A_214 {
          %dma_start3A_220 = arith.constant 0 : i32
          %dma_start3A_221 = arith.constant 0 : i32
          %dma_start3A_222 = arith.constant 0 : i32
          %dma_start3A_223 = tpu.memref_slice %arg8[%dma_start3A_221, %dma_start3A_222] : memref<2x128xi32, #tpu.memory_space<vmem>> -> memref<1x128xi32, #tpu.memory_space<vmem>>
          %dma_start3A_224 = tpu.memref_squeeze %dma_start3A_223 : memref<1x128xi32, #tpu.memory_space<vmem>> -> memref<128xi32, #tpu.memory_space<vmem>>
          %dma_start3A_225 = arith.constant 0 : i32
          %dma_start3A_226 = arith.constant 0 : i32
          %dma_start3A_227 = tpu.memref_slice %arg2[%dma_start3A_220, %dma_start3A_225, %dma_start3A_226] : memref<2x10112x64xf32, #tpu.memory_space<hbm>> -> memref<1x10112x64xf32, #tpu.memory_space<hbm>>
          %dma_start3A_228 = tpu.memref_squeeze %dma_start3A_227 : memref<1x10112x64xf32, #tpu.memory_space<hbm>> -> memref<10112x64xf32, #tpu.memory_space<hbm>>
          %dma_start3A_229 = arith.constant 0 : i32
          %dma_start3A_230 = arith.constant 0 : i32
          %dma_start3A_231 = tpu.memref_slice %dma_start3A_228[%dma_start3A_229, %dma_start3A_230] : memref<10112x64xf32, #tpu.memory_space<hbm>> -> memref<10112x64xf32, #tpu.memory_space<hbm>>
          tpu.enqueue_indirect_dma source(%dma_start3A_231 : memref<10112x64xf32, #tpu.memory_space<hbm>>) target(%arg10 : memref<128x64xf32, #tpu.memory_space<vmem>>) offsets(%dma_start3A_224 : memref<128xi32, #tpu.memory_space<vmem>>) semaphore(%arg19 : memref<!tpu.dma_semaphore, #tpu.memory_space<semaphore_mem>>)
        } else {
        }
        %ne3A_215 = arith.constant 0 : i32
        %ne3A_216 = arith.cmpi ne, %arg0, %ne3A_215 : i32
        %convert_element_type3A_217 = arith.extui %ne3A_216 : i1 to i32
        %cond3A_218 = arith.constant 0 : i32
        %cond3A_219 = arith.cmpi ne, %convert_element_type3A_217, %cond3A_218 : i32
        scf.if %cond3A_219 {
          %dma_start3A_220 = arith.constant 1 : i32
          %dma_start3A_221 = arith.constant 0 : i32
          %dma_start3A_222 = arith.constant 0 : i32
          %dma_start3A_223 = tpu.memref_slice %arg8[%dma_start3A_221, %dma_start3A_222] : memref<2x128xi32, #tpu.memory_space<vmem>> -> memref<1x128xi32, #tpu.memory_space<vmem>>
          %dma_start3A_224 = tpu.memref_squeeze %dma_start3A_223 : memref<1x128xi32, #tpu.memory_space<vmem>> -> memref<128xi32, #tpu.memory_space<vmem>>
          %dma_start3A_225 = arith.constant 0 : i32
          %dma_start3A_226 = arith.constant 0 : i32
          %dma_start3A_227 = tpu.memref_slice %arg2[%dma_start3A_220, %dma_start3A_225, %dma_start3A_226] : memref<2x10112x64xf32, #tpu.memory_space<hbm>> -> memref<1x10112x64xf32, #tpu.memory_space<hbm>>
          %dma_start3A_228 = tpu.memref_squeeze %dma_start3A_227 : memref<1x10112x64xf32, #tpu.memory_space<hbm>> -> memref<10112x64xf32, #tpu.memory_space<hbm>>
          %dma_start3A_229 = arith.constant 0 : i32
          %dma_start3A_230 = arith.constant 0 : i32
          %dma_start3A_231 = tpu.memref_slice %dma_start3A_228[%dma_start3A_229, %dma_start3A_230] : memref<10112x64xf32, #tpu.memory_space<hbm>> -> memref<10112x64xf32, #tpu.memory_space<hbm>>
          tpu.enqueue_indirect_dma source(%dma_start3A_231 : memref<10112x64xf32, #tpu.memory_space<hbm>>) target(%arg10 : memref<128x64xf32, #tpu.memory_space<vmem>>) offsets(%dma_start3A_224 : memref<128xi32, #tpu.memory_space<vmem>>) semaphore(%arg19 : memref<!tpu.dma_semaphore, #tpu.memory_space<semaphore_mem>>)
        } else {
        }
      } else {
      }
      %eq3A_102 = arith.constant 0 : i32
      %eq3A_103 = arith.cmpi eq, %arg0, %eq3A_102 : i32
      %convert_element_type3A_104 = arith.extui %eq3A_103 : i1 to i32
      %cond3A_105 = arith.constant 0 : i32
      %cond3A_106 = arith.cmpi ne, %convert_element_type3A_104, %cond3A_105 : i32
      scf.if %cond3A_106 {
        %dma_wait3A_200 = arith.constant 0 : i32
        %dma_wait3A_201 = arith.constant 0 : i32
        %dma_wait3A_202 = arith.constant 0 : i32
        %dma_wait3A_203 = tpu.memref_slice %arg7[%dma_wait3A_201, %dma_wait3A_202] : memref<2x128xi32, #tpu.memory_space<vmem>> -> memref<1x128xi32, #tpu.memory_space<vmem>>
        %dma_wait3A_204 = tpu.memref_squeeze %dma_wait3A_203 : memref<1x128xi32, #tpu.memory_space<vmem>> -> memref<128xi32, #tpu.memory_space<vmem>>
        %dma_wait3A_205 = arith.constant 0 : i32
        %dma_wait3A_206 = arith.constant 0 : i32
        %dma_wait3A_207 = tpu.memref_slice %arg2[%dma_wait3A_200, %dma_wait3A_205, %dma_wait3A_206] : memref<2x10112x64xf32, #tpu.memory_space<hbm>> -> memref<1x10112x64xf32, #tpu.memory_space<hbm>>
        %dma_wait3A_208 = tpu.memref_squeeze %dma_wait3A_207 : memref<1x10112x64xf32, #tpu.memory_space<hbm>> -> memref<10112x64xf32, #tpu.memory_space<hbm>>
        %dma_wait3A_209 = arith.constant 0 : i32
        %dma_wait3A_210 = arith.constant 0 : i32
        %dma_wait3A_211 = tpu.memref_slice %dma_wait3A_208[%dma_wait3A_209, %dma_wait3A_210] : memref<10112x64xf32, #tpu.memory_space<hbm>> -> memref<10112x64xf32, #tpu.memory_space<hbm>>
        tpu.wait_indirect_dma semaphore(%arg20 : memref<!tpu.dma_semaphore, #tpu.memory_space<semaphore_mem>>) src(%dma_wait3A_211 : memref<10112x64xf32, #tpu.memory_space<hbm>>) dst(%arg11 : memref<128x64xf32, #tpu.memory_space<vmem>>)
      } else {
      }
      %ne3A_107 = arith.constant 0 : i32
      %ne3A_108 = arith.cmpi ne, %arg0, %ne3A_107 : i32
      %convert_element_type3A_109 = arith.extui %ne3A_108 : i1 to i32
      %cond3A_110 = arith.constant 0 : i32
      %cond3A_111 = arith.cmpi ne, %convert_element_type3A_109, %cond3A_110 : i32
      scf.if %cond3A_111 {
        %dma_wait3A_200 = arith.constant 1 : i32
        %dma_wait3A_201 = arith.constant 0 : i32
        %dma_wait3A_202 = arith.constant 0 : i32
        %dma_wait3A_203 = tpu.memref_slice %arg7[%dma_wait3A_201, %dma_wait3A_202] : memref<2x128xi32, #tpu.memory_space<vmem>> -> memref<1x128xi32, #tpu.memory_space<vmem>>
        %dma_wait3A_204 = tpu.memref_squeeze %dma_wait3A_203 : memref<1x128xi32, #tpu.memory_space<vmem>> -> memref<128xi32, #tpu.memory_space<vmem>>
        %dma_wait3A_205 = arith.constant 0 : i32
        %dma_wait3A_206 = arith.constant 0 : i32
        %dma_wait3A_207 = tpu.memref_slice %arg2[%dma_wait3A_200, %dma_wait3A_205, %dma_wait3A_206] : memref<2x10112x64xf32, #tpu.memory_space<hbm>> -> memref<1x10112x64xf32, #tpu.memory_space<hbm>>
        %dma_wait3A_208 = tpu.memref_squeeze %dma_wait3A_207 : memref<1x10112x64xf32, #tpu.memory_space<hbm>> -> memref<10112x64xf32, #tpu.memory_space<hbm>>
        %dma_wait3A_209 = arith.constant 0 : i32
        %dma_wait3A_210 = arith.constant 0 : i32
        %dma_wait3A_211 = tpu.memref_slice %dma_wait3A_208[%dma_wait3A_209, %dma_wait3A_210] : memref<10112x64xf32, #tpu.memory_space<hbm>> -> memref<10112x64xf32, #tpu.memory_space<hbm>>
        tpu.wait_indirect_dma semaphore(%arg20 : memref<!tpu.dma_semaphore, #tpu.memory_space<semaphore_mem>>) src(%dma_wait3A_211 : memref<10112x64xf32, #tpu.memory_space<hbm>>) dst(%arg11 : memref<128x64xf32, #tpu.memory_space<vmem>>)
      } else {
      }
      %dma_start3A_112 = arith.constant 1 : i32
      %dma_start3A_113 = arith.constant 0 : i32
      %dma_start3A_114 = tpu.memref_slice %arg7[%dma_start3A_112, %dma_start3A_113] : memref<2x128xi32, #tpu.memory_space<vmem>> -> memref<1x128xi32, #tpu.memory_space<vmem>>
      %dma_start3A_115 = tpu.memref_squeeze %dma_start3A_114 : memref<1x128xi32, #tpu.memory_space<vmem>> -> memref<128xi32, #tpu.memory_space<vmem>>
      %dma_start3A_116 = arith.constant 0 : i32
      %dma_start3A_117 = arith.constant 0 : i32
      %dma_start3A_118 = tpu.memref_slice %arg25[%dma_start3A_116, %dma_start3A_117] : memref<10112x64xf32, #tpu.memory_space<vmem_shared>> -> memref<10112x64xf32, #tpu.memory_space<vmem_shared>>
      tpu.enqueue_indirect_dma source(%arg11 : memref<128x64xf32, #tpu.memory_space<vmem>>) target(%dma_start3A_118 : memref<10112x64xf32, #tpu.memory_space<vmem_shared>>) offsets(%dma_start3A_115 : memref<128xi32, #tpu.memory_space<vmem>>) semaphore(%arg24 : memref<!tpu.dma_semaphore, #tpu.memory_space<semaphore_mem>>) {add = true}
      %mul3A_119 = arith.constant 4 : i32
      %mul3A_120 = arith.muli %mul3A_119, %scan3A_40 : i32
      %add3A_121 = arith.constant 2 : i32
      %add3A_122 = arith.addi %mul3A_120, %add3A_121 : i32
      %ge3A_123 = arith.constant 1 : i32
      %ge3A_124 = arith.cmpi sge, %add3A_122, %ge3A_123 : i32
      %convert_element_type3A_125 = arith.extui %ge3A_124 : i1 to i32
      %cond3A_126 = arith.constant 0 : i32
      %cond3A_127 = arith.cmpi ne, %convert_element_type3A_125, %cond3A_126 : i32
      scf.if %cond3A_127 {
        %dma_wait3A_200 = arith.constant 1 : i32
        %dma_wait3A_201 = arith.constant 0 : i32
        %dma_wait3A_202 = tpu.memref_slice %arg7[%dma_wait3A_200, %dma_wait3A_201] : memref<2x128xi32, #tpu.memory_space<vmem>> -> memref<1x128xi32, #tpu.memory_space<vmem>>
        %dma_wait3A_203 = tpu.memref_squeeze %dma_wait3A_202 : memref<1x128xi32, #tpu.memory_space<vmem>> -> memref<128xi32, #tpu.memory_space<vmem>>
        %dma_wait3A_204 = arith.constant 0 : i32
        %dma_wait3A_205 = arith.constant 0 : i32
        %dma_wait3A_206 = tpu.memref_slice %arg25[%dma_wait3A_204, %dma_wait3A_205] : memref<10112x64xf32, #tpu.memory_space<vmem_shared>> -> memref<10112x64xf32, #tpu.memory_space<vmem_shared>>
        tpu.wait_indirect_dma semaphore(%arg24 : memref<!tpu.dma_semaphore, #tpu.memory_space<semaphore_mem>>) src(%arg11 : memref<128x64xf32, #tpu.memory_space<vmem>>) dst(%dma_wait3A_206 : memref<10112x64xf32, #tpu.memory_space<vmem_shared>>)
      } else {
      }
      %add3A_128 = arith.constant 2 : i32
      %add3A_129 = arith.addi %add3A_122, %add3A_128 : i32
      %lt3A_130 = arith.constant 164 : i32
      %lt3A_131 = arith.cmpi slt, %add3A_129, %lt3A_130 : i32
      %convert_element_type3A_132 = arith.extui %lt3A_131 : i1 to i32
      %cond3A_133 = arith.constant 0 : i32
      %cond3A_134 = arith.cmpi ne, %convert_element_type3A_132, %cond3A_133 : i32
      scf.if %cond3A_134 {
        %add3A_200 = arith.constant 2 : i32
        %add3A_201 = arith.addi %add3A_122, %add3A_200 : i32
        %dma_start3A_202 = arith.constant 0 : i32
        %dma_start3A_203 = arith.constant 0 : i32
        %dma_start3A_204 = tpu.memref_slice %arg4[%arg1, %add3A_201, %dma_start3A_202, %dma_start3A_203] : memref<16x164x2x128xi32, #tpu.memory_space<hbm>> -> memref<1x1x2x128xi32, #tpu.memory_space<hbm>>
        %dma_start3A_205 = tpu.memref_squeeze %dma_start3A_204 : memref<1x1x2x128xi32, #tpu.memory_space<hbm>> -> memref<2x128xi32, #tpu.memory_space<hbm>>
        %dma_start3A_206 = arith.constant 0 : i32
        %dma_start3A_207 = arith.constant 0 : i32
        %dma_start3A_208 = tpu.memref_slice %arg4[%arg1, %add3A_201, %dma_start3A_206, %dma_start3A_207] : memref<16x164x2x128xi32, #tpu.memory_space<hbm>> -> memref<1x1x2x128xi32, #tpu.memory_space<hbm>>
        %dma_start3A_209 = tpu.memref_squeeze %dma_start3A_208 : memref<1x1x2x128xi32, #tpu.memory_space<hbm>> -> memref<2x128xi32, #tpu.memory_space<hbm>>
        tpu.enqueue_dma source(%dma_start3A_209 : memref<2x128xi32, #tpu.memory_space<hbm>>) target(%arg6 : memref<2x128xi32, #tpu.memory_space<vmem>>) target_semaphore(%arg15 : memref<!tpu.dma_semaphore, #tpu.memory_space<semaphore_mem>>)
      } else {
      }
      %add3A_135 = arith.constant 1 : i32
      %add3A_136 = arith.addi %add3A_122, %add3A_135 : i32
      %lt3A_137 = arith.constant 164 : i32
      %lt3A_138 = arith.cmpi slt, %add3A_136, %lt3A_137 : i32
      %convert_element_type3A_139 = arith.extui %lt3A_138 : i1 to i32
      %cond3A_140 = arith.constant 0 : i32
      %cond3A_141 = arith.cmpi ne, %convert_element_type3A_139, %cond3A_140 : i32
      scf.if %cond3A_141 {
        %add3A_200 = arith.constant 1 : i32
        %add3A_201 = arith.addi %add3A_122, %add3A_200 : i32
        %dma_wait3A_202 = arith.constant 0 : i32
        %dma_wait3A_203 = arith.constant 0 : i32
        %dma_wait3A_204 = tpu.memref_slice %arg4[%arg1, %add3A_201, %dma_wait3A_202, %dma_wait3A_203] : memref<16x164x2x128xi32, #tpu.memory_space<hbm>> -> memref<1x1x2x128xi32, #tpu.memory_space<hbm>>
        %dma_wait3A_205 = tpu.memref_squeeze %dma_wait3A_204 : memref<1x1x2x128xi32, #tpu.memory_space<hbm>> -> memref<2x128xi32, #tpu.memory_space<hbm>>
        %dma_wait3A_206 = arith.constant 0 : i32
        %dma_wait3A_207 = arith.constant 0 : i32
        %dma_wait3A_208 = tpu.memref_slice %arg4[%arg1, %add3A_201, %dma_wait3A_206, %dma_wait3A_207] : memref<16x164x2x128xi32, #tpu.memory_space<hbm>> -> memref<1x1x2x128xi32, #tpu.memory_space<hbm>>
        %dma_wait3A_209 = tpu.memref_squeeze %dma_wait3A_208 : memref<1x1x2x128xi32, #tpu.memory_space<hbm>> -> memref<2x128xi32, #tpu.memory_space<hbm>>
        tpu.wait_dma2 semaphore(%arg18 : memref<!tpu.dma_semaphore, #tpu.memory_space<semaphore_mem>>) src(%dma_wait3A_209 : memref<2x128xi32, #tpu.memory_space<hbm>>) dst(%arg9 : memref<2x128xi32, #tpu.memory_space<vmem>>)
        %eq3A_210 = arith.constant 0 : i32
        %eq3A_211 = arith.cmpi eq, %arg0, %eq3A_210 : i32
        %convert_element_type3A_212 = arith.extui %eq3A_211 : i1 to i32
        %cond3A_213 = arith.constant 0 : i32
        %cond3A_214 = arith.cmpi ne, %convert_element_type3A_212, %cond3A_213 : i32
        scf.if %cond3A_214 {
          %dma_start3A_220 = arith.constant 0 : i32
          %dma_start3A_221 = arith.constant 0 : i32
          %dma_start3A_222 = arith.constant 0 : i32
          %dma_start3A_223 = tpu.memref_slice %arg9[%dma_start3A_221, %dma_start3A_222] : memref<2x128xi32, #tpu.memory_space<vmem>> -> memref<1x128xi32, #tpu.memory_space<vmem>>
          %dma_start3A_224 = tpu.memref_squeeze %dma_start3A_223 : memref<1x128xi32, #tpu.memory_space<vmem>> -> memref<128xi32, #tpu.memory_space<vmem>>
          %dma_start3A_225 = arith.constant 0 : i32
          %dma_start3A_226 = arith.constant 0 : i32
          %dma_start3A_227 = tpu.memref_slice %arg2[%dma_start3A_220, %dma_start3A_225, %dma_start3A_226] : memref<2x10112x64xf32, #tpu.memory_space<hbm>> -> memref<1x10112x64xf32, #tpu.memory_space<hbm>>
          %dma_start3A_228 = tpu.memref_squeeze %dma_start3A_227 : memref<1x10112x64xf32, #tpu.memory_space<hbm>> -> memref<10112x64xf32, #tpu.memory_space<hbm>>
          %dma_start3A_229 = arith.constant 0 : i32
          %dma_start3A_230 = arith.constant 0 : i32
          %dma_start3A_231 = tpu.memref_slice %dma_start3A_228[%dma_start3A_229, %dma_start3A_230] : memref<10112x64xf32, #tpu.memory_space<hbm>> -> memref<10112x64xf32, #tpu.memory_space<hbm>>
          tpu.enqueue_indirect_dma source(%dma_start3A_231 : memref<10112x64xf32, #tpu.memory_space<hbm>>) target(%arg11 : memref<128x64xf32, #tpu.memory_space<vmem>>) offsets(%dma_start3A_224 : memref<128xi32, #tpu.memory_space<vmem>>) semaphore(%arg20 : memref<!tpu.dma_semaphore, #tpu.memory_space<semaphore_mem>>)
        } else {
        }
        %ne3A_215 = arith.constant 0 : i32
        %ne3A_216 = arith.cmpi ne, %arg0, %ne3A_215 : i32
        %convert_element_type3A_217 = arith.extui %ne3A_216 : i1 to i32
        %cond3A_218 = arith.constant 0 : i32
        %cond3A_219 = arith.cmpi ne, %convert_element_type3A_217, %cond3A_218 : i32
        scf.if %cond3A_219 {
          %dma_start3A_220 = arith.constant 1 : i32
          %dma_start3A_221 = arith.constant 0 : i32
          %dma_start3A_222 = arith.constant 0 : i32
          %dma_start3A_223 = tpu.memref_slice %arg9[%dma_start3A_221, %dma_start3A_222] : memref<2x128xi32, #tpu.memory_space<vmem>> -> memref<1x128xi32, #tpu.memory_space<vmem>>
          %dma_start3A_224 = tpu.memref_squeeze %dma_start3A_223 : memref<1x128xi32, #tpu.memory_space<vmem>> -> memref<128xi32, #tpu.memory_space<vmem>>
          %dma_start3A_225 = arith.constant 0 : i32
          %dma_start3A_226 = arith.constant 0 : i32
          %dma_start3A_227 = tpu.memref_slice %arg2[%dma_start3A_220, %dma_start3A_225, %dma_start3A_226] : memref<2x10112x64xf32, #tpu.memory_space<hbm>> -> memref<1x10112x64xf32, #tpu.memory_space<hbm>>
          %dma_start3A_228 = tpu.memref_squeeze %dma_start3A_227 : memref<1x10112x64xf32, #tpu.memory_space<hbm>> -> memref<10112x64xf32, #tpu.memory_space<hbm>>
          %dma_start3A_229 = arith.constant 0 : i32
          %dma_start3A_230 = arith.constant 0 : i32
          %dma_start3A_231 = tpu.memref_slice %dma_start3A_228[%dma_start3A_229, %dma_start3A_230] : memref<10112x64xf32, #tpu.memory_space<hbm>> -> memref<10112x64xf32, #tpu.memory_space<hbm>>
          tpu.enqueue_indirect_dma source(%dma_start3A_231 : memref<10112x64xf32, #tpu.memory_space<hbm>>) target(%arg11 : memref<128x64xf32, #tpu.memory_space<vmem>>) offsets(%dma_start3A_224 : memref<128xi32, #tpu.memory_space<vmem>>) semaphore(%arg20 : memref<!tpu.dma_semaphore, #tpu.memory_space<semaphore_mem>>)
        } else {
        }
      } else {
      }
      %eq3A_142 = arith.constant 0 : i32
      %eq3A_143 = arith.cmpi eq, %arg0, %eq3A_142 : i32
      %convert_element_type3A_144 = arith.extui %eq3A_143 : i1 to i32
      %cond3A_145 = arith.constant 0 : i32
      %cond3A_146 = arith.cmpi ne, %convert_element_type3A_144, %cond3A_145 : i32
      scf.if %cond3A_146 {
        %dma_wait3A_200 = arith.constant 0 : i32
        %dma_wait3A_201 = arith.constant 0 : i32
        %dma_wait3A_202 = arith.constant 0 : i32
        %dma_wait3A_203 = tpu.memref_slice %arg8[%dma_wait3A_201, %dma_wait3A_202] : memref<2x128xi32, #tpu.memory_space<vmem>> -> memref<1x128xi32, #tpu.memory_space<vmem>>
        %dma_wait3A_204 = tpu.memref_squeeze %dma_wait3A_203 : memref<1x128xi32, #tpu.memory_space<vmem>> -> memref<128xi32, #tpu.memory_space<vmem>>
        %dma_wait3A_205 = arith.constant 0 : i32
        %dma_wait3A_206 = arith.constant 0 : i32
        %dma_wait3A_207 = tpu.memref_slice %arg2[%dma_wait3A_200, %dma_wait3A_205, %dma_wait3A_206] : memref<2x10112x64xf32, #tpu.memory_space<hbm>> -> memref<1x10112x64xf32, #tpu.memory_space<hbm>>
        %dma_wait3A_208 = tpu.memref_squeeze %dma_wait3A_207 : memref<1x10112x64xf32, #tpu.memory_space<hbm>> -> memref<10112x64xf32, #tpu.memory_space<hbm>>
        %dma_wait3A_209 = arith.constant 0 : i32
        %dma_wait3A_210 = arith.constant 0 : i32
        %dma_wait3A_211 = tpu.memref_slice %dma_wait3A_208[%dma_wait3A_209, %dma_wait3A_210] : memref<10112x64xf32, #tpu.memory_space<hbm>> -> memref<10112x64xf32, #tpu.memory_space<hbm>>
        tpu.wait_indirect_dma semaphore(%arg19 : memref<!tpu.dma_semaphore, #tpu.memory_space<semaphore_mem>>) src(%dma_wait3A_211 : memref<10112x64xf32, #tpu.memory_space<hbm>>) dst(%arg10 : memref<128x64xf32, #tpu.memory_space<vmem>>)
      } else {
      }
      %ne3A_147 = arith.constant 0 : i32
      %ne3A_148 = arith.cmpi ne, %arg0, %ne3A_147 : i32
      %convert_element_type3A_149 = arith.extui %ne3A_148 : i1 to i32
      %cond3A_150 = arith.constant 0 : i32
      %cond3A_151 = arith.cmpi ne, %convert_element_type3A_149, %cond3A_150 : i32
      scf.if %cond3A_151 {
        %dma_wait3A_200 = arith.constant 1 : i32
        %dma_wait3A_201 = arith.constant 0 : i32
        %dma_wait3A_202 = arith.constant 0 : i32
        %dma_wait3A_203 = tpu.memref_slice %arg8[%dma_wait3A_201, %dma_wait3A_202] : memref<2x128xi32, #tpu.memory_space<vmem>> -> memref<1x128xi32, #tpu.memory_space<vmem>>
        %dma_wait3A_204 = tpu.memref_squeeze %dma_wait3A_203 : memref<1x128xi32, #tpu.memory_space<vmem>> -> memref<128xi32, #tpu.memory_space<vmem>>
        %dma_wait3A_205 = arith.constant 0 : i32
        %dma_wait3A_206 = arith.constant 0 : i32
        %dma_wait3A_207 = tpu.memref_slice %arg2[%dma_wait3A_200, %dma_wait3A_205, %dma_wait3A_206] : memref<2x10112x64xf32, #tpu.memory_space<hbm>> -> memref<1x10112x64xf32, #tpu.memory_space<hbm>>
        %dma_wait3A_208 = tpu.memref_squeeze %dma_wait3A_207 : memref<1x10112x64xf32, #tpu.memory_space<hbm>> -> memref<10112x64xf32, #tpu.memory_space<hbm>>
        %dma_wait3A_209 = arith.constant 0 : i32
        %dma_wait3A_210 = arith.constant 0 : i32
        %dma_wait3A_211 = tpu.memref_slice %dma_wait3A_208[%dma_wait3A_209, %dma_wait3A_210] : memref<10112x64xf32, #tpu.memory_space<hbm>> -> memref<10112x64xf32, #tpu.memory_space<hbm>>
        tpu.wait_indirect_dma semaphore(%arg19 : memref<!tpu.dma_semaphore, #tpu.memory_space<semaphore_mem>>) src(%dma_wait3A_211 : memref<10112x64xf32, #tpu.memory_space<hbm>>) dst(%arg10 : memref<128x64xf32, #tpu.memory_space<vmem>>)
      } else {
      }
      %dma_start3A_152 = arith.constant 1 : i32
      %dma_start3A_153 = arith.constant 0 : i32
      %dma_start3A_154 = tpu.memref_slice %arg8[%dma_start3A_152, %dma_start3A_153] : memref<2x128xi32, #tpu.memory_space<vmem>> -> memref<1x128xi32, #tpu.memory_space<vmem>>
      %dma_start3A_155 = tpu.memref_squeeze %dma_start3A_154 : memref<1x128xi32, #tpu.memory_space<vmem>> -> memref<128xi32, #tpu.memory_space<vmem>>
      %dma_start3A_156 = arith.constant 0 : i32
      %dma_start3A_157 = arith.constant 0 : i32
      %dma_start3A_158 = tpu.memref_slice %arg25[%dma_start3A_156, %dma_start3A_157] : memref<10112x64xf32, #tpu.memory_space<vmem_shared>> -> memref<10112x64xf32, #tpu.memory_space<vmem_shared>>
      tpu.enqueue_indirect_dma source(%arg10 : memref<128x64xf32, #tpu.memory_space<vmem>>) target(%dma_start3A_158 : memref<10112x64xf32, #tpu.memory_space<vmem_shared>>) offsets(%dma_start3A_155 : memref<128xi32, #tpu.memory_space<vmem>>) semaphore(%arg23 : memref<!tpu.dma_semaphore, #tpu.memory_space<semaphore_mem>>) {add = true}
      %mul3A_159 = arith.constant 4 : i32
      %mul3A_160 = arith.muli %mul3A_159, %scan3A_40 : i32
      %add3A_161 = arith.constant 3 : i32
      %add3A_162 = arith.addi %mul3A_160, %add3A_161 : i32
      %ge3A_163 = arith.constant 1 : i32
      %ge3A_164 = arith.cmpi sge, %add3A_162, %ge3A_163 : i32
      %convert_element_type3A_165 = arith.extui %ge3A_164 : i1 to i32
      %cond3A_166 = arith.constant 0 : i32
      %cond3A_167 = arith.cmpi ne, %convert_element_type3A_165, %cond3A_166 : i32
      scf.if %cond3A_167 {
        %dma_wait3A_200 = arith.constant 1 : i32
        %dma_wait3A_201 = arith.constant 0 : i32
        %dma_wait3A_202 = tpu.memref_slice %arg8[%dma_wait3A_200, %dma_wait3A_201] : memref<2x128xi32, #tpu.memory_space<vmem>> -> memref<1x128xi32, #tpu.memory_space<vmem>>
        %dma_wait3A_203 = tpu.memref_squeeze %dma_wait3A_202 : memref<1x128xi32, #tpu.memory_space<vmem>> -> memref<128xi32, #tpu.memory_space<vmem>>
        %dma_wait3A_204 = arith.constant 0 : i32
        %dma_wait3A_205 = arith.constant 0 : i32
        %dma_wait3A_206 = tpu.memref_slice %arg25[%dma_wait3A_204, %dma_wait3A_205] : memref<10112x64xf32, #tpu.memory_space<vmem_shared>> -> memref<10112x64xf32, #tpu.memory_space<vmem_shared>>
        tpu.wait_indirect_dma semaphore(%arg23 : memref<!tpu.dma_semaphore, #tpu.memory_space<semaphore_mem>>) src(%arg10 : memref<128x64xf32, #tpu.memory_space<vmem>>) dst(%dma_wait3A_206 : memref<10112x64xf32, #tpu.memory_space<vmem_shared>>)
      } else {
      }
      %add3A_168 = arith.constant 2 : i32
      %add3A_169 = arith.addi %add3A_162, %add3A_168 : i32
      %lt3A_170 = arith.constant 164 : i32
      %lt3A_171 = arith.cmpi slt, %add3A_169, %lt3A_170 : i32
      %convert_element_type3A_172 = arith.extui %lt3A_171 : i1 to i32
      %cond3A_173 = arith.constant 0 : i32
      %cond3A_174 = arith.cmpi ne, %convert_element_type3A_172, %cond3A_173 : i32
      scf.if %cond3A_174 {
        %add3A_200 = arith.constant 2 : i32
        %add3A_201 = arith.addi %add3A_162, %add3A_200 : i32
        %dma_start3A_202 = arith.constant 0 : i32
        %dma_start3A_203 = arith.constant 0 : i32
        %dma_start3A_204 = tpu.memref_slice %arg4[%arg1, %add3A_201, %dma_start3A_202, %dma_start3A_203] : memref<16x164x2x128xi32, #tpu.memory_space<hbm>> -> memref<1x1x2x128xi32, #tpu.memory_space<hbm>>
        %dma_start3A_205 = tpu.memref_squeeze %dma_start3A_204 : memref<1x1x2x128xi32, #tpu.memory_space<hbm>> -> memref<2x128xi32, #tpu.memory_space<hbm>>
        %dma_start3A_206 = arith.constant 0 : i32
        %dma_start3A_207 = arith.constant 0 : i32
        %dma_start3A_208 = tpu.memref_slice %arg4[%arg1, %add3A_201, %dma_start3A_206, %dma_start3A_207] : memref<16x164x2x128xi32, #tpu.memory_space<hbm>> -> memref<1x1x2x128xi32, #tpu.memory_space<hbm>>
        %dma_start3A_209 = tpu.memref_squeeze %dma_start3A_208 : memref<1x1x2x128xi32, #tpu.memory_space<hbm>> -> memref<2x128xi32, #tpu.memory_space<hbm>>
        tpu.enqueue_dma source(%dma_start3A_209 : memref<2x128xi32, #tpu.memory_space<hbm>>) target(%arg7 : memref<2x128xi32, #tpu.memory_space<vmem>>) target_semaphore(%arg16 : memref<!tpu.dma_semaphore, #tpu.memory_space<semaphore_mem>>)
      } else {
      }
      %add3A_175 = arith.constant 1 : i32
      %add3A_176 = arith.addi %add3A_162, %add3A_175 : i32
      %lt3A_177 = arith.constant 164 : i32
      %lt3A_178 = arith.cmpi slt, %add3A_176, %lt3A_177 : i32
      %convert_element_type3A_179 = arith.extui %lt3A_178 : i1 to i32
      %cond3A_180 = arith.constant 0 : i32
      %cond3A_181 = arith.cmpi ne, %convert_element_type3A_179, %cond3A_180 : i32
      scf.if %cond3A_181 {
        %add3A_200 = arith.constant 1 : i32
        %add3A_201 = arith.addi %add3A_162, %add3A_200 : i32
        %dma_wait3A_202 = arith.constant 0 : i32
        %dma_wait3A_203 = arith.constant 0 : i32
        %dma_wait3A_204 = tpu.memref_slice %arg4[%arg1, %add3A_201, %dma_wait3A_202, %dma_wait3A_203] : memref<16x164x2x128xi32, #tpu.memory_space<hbm>> -> memref<1x1x2x128xi32, #tpu.memory_space<hbm>>
        %dma_wait3A_205 = tpu.memref_squeeze %dma_wait3A_204 : memref<1x1x2x128xi32, #tpu.memory_space<hbm>> -> memref<2x128xi32, #tpu.memory_space<hbm>>
        %dma_wait3A_206 = arith.constant 0 : i32
        %dma_wait3A_207 = arith.constant 0 : i32
        %dma_wait3A_208 = tpu.memref_slice %arg4[%arg1, %add3A_201, %dma_wait3A_206, %dma_wait3A_207] : memref<16x164x2x128xi32, #tpu.memory_space<hbm>> -> memref<1x1x2x128xi32, #tpu.memory_space<hbm>>
        %dma_wait3A_209 = tpu.memref_squeeze %dma_wait3A_208 : memref<1x1x2x128xi32, #tpu.memory_space<hbm>> -> memref<2x128xi32, #tpu.memory_space<hbm>>
        tpu.wait_dma2 semaphore(%arg15 : memref<!tpu.dma_semaphore, #tpu.memory_space<semaphore_mem>>) src(%dma_wait3A_209 : memref<2x128xi32, #tpu.memory_space<hbm>>) dst(%arg6 : memref<2x128xi32, #tpu.memory_space<vmem>>)
        %eq3A_210 = arith.constant 0 : i32
        %eq3A_211 = arith.cmpi eq, %arg0, %eq3A_210 : i32
        %convert_element_type3A_212 = arith.extui %eq3A_211 : i1 to i32
        %cond3A_213 = arith.constant 0 : i32
        %cond3A_214 = arith.cmpi ne, %convert_element_type3A_212, %cond3A_213 : i32
        scf.if %cond3A_214 {
          %dma_start3A_220 = arith.constant 0 : i32
          %dma_start3A_221 = arith.constant 0 : i32
          %dma_start3A_222 = arith.constant 0 : i32
          %dma_start3A_223 = tpu.memref_slice %arg6[%dma_start3A_221, %dma_start3A_222] : memref<2x128xi32, #tpu.memory_space<vmem>> -> memref<1x128xi32, #tpu.memory_space<vmem>>
          %dma_start3A_224 = tpu.memref_squeeze %dma_start3A_223 : memref<1x128xi32, #tpu.memory_space<vmem>> -> memref<128xi32, #tpu.memory_space<vmem>>
          %dma_start3A_225 = arith.constant 0 : i32
          %dma_start3A_226 = arith.constant 0 : i32
          %dma_start3A_227 = tpu.memref_slice %arg2[%dma_start3A_220, %dma_start3A_225, %dma_start3A_226] : memref<2x10112x64xf32, #tpu.memory_space<hbm>> -> memref<1x10112x64xf32, #tpu.memory_space<hbm>>
          %dma_start3A_228 = tpu.memref_squeeze %dma_start3A_227 : memref<1x10112x64xf32, #tpu.memory_space<hbm>> -> memref<10112x64xf32, #tpu.memory_space<hbm>>
          %dma_start3A_229 = arith.constant 0 : i32
          %dma_start3A_230 = arith.constant 0 : i32
          %dma_start3A_231 = tpu.memref_slice %dma_start3A_228[%dma_start3A_229, %dma_start3A_230] : memref<10112x64xf32, #tpu.memory_space<hbm>> -> memref<10112x64xf32, #tpu.memory_space<hbm>>
          tpu.enqueue_indirect_dma source(%dma_start3A_231 : memref<10112x64xf32, #tpu.memory_space<hbm>>) target(%arg10 : memref<128x64xf32, #tpu.memory_space<vmem>>) offsets(%dma_start3A_224 : memref<128xi32, #tpu.memory_space<vmem>>) semaphore(%arg19 : memref<!tpu.dma_semaphore, #tpu.memory_space<semaphore_mem>>)
        } else {
        }
        %ne3A_215 = arith.constant 0 : i32
        %ne3A_216 = arith.cmpi ne, %arg0, %ne3A_215 : i32
        %convert_element_type3A_217 = arith.extui %ne3A_216 : i1 to i32
        %cond3A_218 = arith.constant 0 : i32
        %cond3A_219 = arith.cmpi ne, %convert_element_type3A_217, %cond3A_218 : i32
        scf.if %cond3A_219 {
          %dma_start3A_220 = arith.constant 1 : i32
          %dma_start3A_221 = arith.constant 0 : i32
          %dma_start3A_222 = arith.constant 0 : i32
          %dma_start3A_223 = tpu.memref_slice %arg6[%dma_start3A_221, %dma_start3A_222] : memref<2x128xi32, #tpu.memory_space<vmem>> -> memref<1x128xi32, #tpu.memory_space<vmem>>
          %dma_start3A_224 = tpu.memref_squeeze %dma_start3A_223 : memref<1x128xi32, #tpu.memory_space<vmem>> -> memref<128xi32, #tpu.memory_space<vmem>>
          %dma_start3A_225 = arith.constant 0 : i32
          %dma_start3A_226 = arith.constant 0 : i32
          %dma_start3A_227 = tpu.memref_slice %arg2[%dma_start3A_220, %dma_start3A_225, %dma_start3A_226] : memref<2x10112x64xf32, #tpu.memory_space<hbm>> -> memref<1x10112x64xf32, #tpu.memory_space<hbm>>
          %dma_start3A_228 = tpu.memref_squeeze %dma_start3A_227 : memref<1x10112x64xf32, #tpu.memory_space<hbm>> -> memref<10112x64xf32, #tpu.memory_space<hbm>>
          %dma_start3A_229 = arith.constant 0 : i32
          %dma_start3A_230 = arith.constant 0 : i32
          %dma_start3A_231 = tpu.memref_slice %dma_start3A_228[%dma_start3A_229, %dma_start3A_230] : memref<10112x64xf32, #tpu.memory_space<hbm>> -> memref<10112x64xf32, #tpu.memory_space<hbm>>
          tpu.enqueue_indirect_dma source(%dma_start3A_231 : memref<10112x64xf32, #tpu.memory_space<hbm>>) target(%arg10 : memref<128x64xf32, #tpu.memory_space<vmem>>) offsets(%dma_start3A_224 : memref<128xi32, #tpu.memory_space<vmem>>) semaphore(%arg19 : memref<!tpu.dma_semaphore, #tpu.memory_space<semaphore_mem>>)
        } else {
        }
      } else {
      }
      %eq3A_182 = arith.constant 0 : i32
      %eq3A_183 = arith.cmpi eq, %arg0, %eq3A_182 : i32
      %convert_element_type3A_184 = arith.extui %eq3A_183 : i1 to i32
      %cond3A_185 = arith.constant 0 : i32
      %cond3A_186 = arith.cmpi ne, %convert_element_type3A_184, %cond3A_185 : i32
      scf.if %cond3A_186 {
        %dma_wait3A_200 = arith.constant 0 : i32
        %dma_wait3A_201 = arith.constant 0 : i32
        %dma_wait3A_202 = arith.constant 0 : i32
        %dma_wait3A_203 = tpu.memref_slice %arg9[%dma_wait3A_201, %dma_wait3A_202] : memref<2x128xi32, #tpu.memory_space<vmem>> -> memref<1x128xi32, #tpu.memory_space<vmem>>
        %dma_wait3A_204 = tpu.memref_squeeze %dma_wait3A_203 : memref<1x128xi32, #tpu.memory_space<vmem>> -> memref<128xi32, #tpu.memory_space<vmem>>
        %dma_wait3A_205 = arith.constant 0 : i32
        %dma_wait3A_206 = arith.constant 0 : i32
        %dma_wait3A_207 = tpu.memref_slice %arg2[%dma_wait3A_200, %dma_wait3A_205, %dma_wait3A_206] : memref<2x10112x64xf32, #tpu.memory_space<hbm>> -> memref<1x10112x64xf32, #tpu.memory_space<hbm>>
        %dma_wait3A_208 = tpu.memref_squeeze %dma_wait3A_207 : memref<1x10112x64xf32, #tpu.memory_space<hbm>> -> memref<10112x64xf32, #tpu.memory_space<hbm>>
        %dma_wait3A_209 = arith.constant 0 : i32
        %dma_wait3A_210 = arith.constant 0 : i32
        %dma_wait3A_211 = tpu.memref_slice %dma_wait3A_208[%dma_wait3A_209, %dma_wait3A_210] : memref<10112x64xf32, #tpu.memory_space<hbm>> -> memref<10112x64xf32, #tpu.memory_space<hbm>>
        tpu.wait_indirect_dma semaphore(%arg20 : memref<!tpu.dma_semaphore, #tpu.memory_space<semaphore_mem>>) src(%dma_wait3A_211 : memref<10112x64xf32, #tpu.memory_space<hbm>>) dst(%arg11 : memref<128x64xf32, #tpu.memory_space<vmem>>)
      } else {
      }
      %ne3A_187 = arith.constant 0 : i32
      %ne3A_188 = arith.cmpi ne, %arg0, %ne3A_187 : i32
      %convert_element_type3A_189 = arith.extui %ne3A_188 : i1 to i32
      %cond3A_190 = arith.constant 0 : i32
      %cond3A_191 = arith.cmpi ne, %convert_element_type3A_189, %cond3A_190 : i32
      scf.if %cond3A_191 {
        %dma_wait3A_200 = arith.constant 1 : i32
        %dma_wait3A_201 = arith.constant 0 : i32
        %dma_wait3A_202 = arith.constant 0 : i32
        %dma_wait3A_203 = tpu.memref_slice %arg9[%dma_wait3A_201, %dma_wait3A_202] : memref<2x128xi32, #tpu.memory_space<vmem>> -> memref<1x128xi32, #tpu.memory_space<vmem>>
        %dma_wait3A_204 = tpu.memref_squeeze %dma_wait3A_203 : memref<1x128xi32, #tpu.memory_space<vmem>> -> memref<128xi32, #tpu.memory_space<vmem>>
        %dma_wait3A_205 = arith.constant 0 : i32
        %dma_wait3A_206 = arith.constant 0 : i32
        %dma_wait3A_207 = tpu.memref_slice %arg2[%dma_wait3A_200, %dma_wait3A_205, %dma_wait3A_206] : memref<2x10112x64xf32, #tpu.memory_space<hbm>> -> memref<1x10112x64xf32, #tpu.memory_space<hbm>>
        %dma_wait3A_208 = tpu.memref_squeeze %dma_wait3A_207 : memref<1x10112x64xf32, #tpu.memory_space<hbm>> -> memref<10112x64xf32, #tpu.memory_space<hbm>>
        %dma_wait3A_209 = arith.constant 0 : i32
        %dma_wait3A_210 = arith.constant 0 : i32
        %dma_wait3A_211 = tpu.memref_slice %dma_wait3A_208[%dma_wait3A_209, %dma_wait3A_210] : memref<10112x64xf32, #tpu.memory_space<hbm>> -> memref<10112x64xf32, #tpu.memory_space<hbm>>
        tpu.wait_indirect_dma semaphore(%arg20 : memref<!tpu.dma_semaphore, #tpu.memory_space<semaphore_mem>>) src(%dma_wait3A_211 : memref<10112x64xf32, #tpu.memory_space<hbm>>) dst(%arg11 : memref<128x64xf32, #tpu.memory_space<vmem>>)
      } else {
      }
      %dma_start3A_192 = arith.constant 1 : i32
      %dma_start3A_193 = arith.constant 0 : i32
      %dma_start3A_194 = tpu.memref_slice %arg9[%dma_start3A_192, %dma_start3A_193] : memref<2x128xi32, #tpu.memory_space<vmem>> -> memref<1x128xi32, #tpu.memory_space<vmem>>
      %dma_start3A_195 = tpu.memref_squeeze %dma_start3A_194 : memref<1x128xi32, #tpu.memory_space<vmem>> -> memref<128xi32, #tpu.memory_space<vmem>>
      %dma_start3A_196 = arith.constant 0 : i32
      %dma_start3A_197 = arith.constant 0 : i32
      %dma_start3A_198 = tpu.memref_slice %arg25[%dma_start3A_196, %dma_start3A_197] : memref<10112x64xf32, #tpu.memory_space<vmem_shared>> -> memref<10112x64xf32, #tpu.memory_space<vmem_shared>>
      tpu.enqueue_indirect_dma source(%arg11 : memref<128x64xf32, #tpu.memory_space<vmem>>) target(%dma_start3A_198 : memref<10112x64xf32, #tpu.memory_space<vmem_shared>>) offsets(%dma_start3A_195 : memref<128xi32, #tpu.memory_space<vmem>>) semaphore(%arg24 : memref<!tpu.dma_semaphore, #tpu.memory_space<semaphore_mem>>) {add = true}
      %scan3A_199 = arith.constant 0 : i32
      scf.yield %scan3A_199 : i32
    }
    %scan3A_28 = arith.constant 41 : i32
    %dma_wait3A = arith.constant 1 : i32
    %dma_wait3A_29 = arith.constant 0 : i32
    %dma_wait3A_30 = tpu.memref_slice %arg9[%dma_wait3A, %dma_wait3A_29] : memref<2x128xi32, #tpu.memory_space<vmem>> -> memref<1x128xi32, #tpu.memory_space<vmem>>
    %dma_wait3A_31 = tpu.memref_squeeze %dma_wait3A_30 : memref<1x128xi32, #tpu.memory_space<vmem>> -> memref<128xi32, #tpu.memory_space<vmem>>
    %dma_wait3A_32 = arith.constant 0 : i32
    %dma_wait3A_33 = arith.constant 0 : i32
    %dma_wait3A_34 = tpu.memref_slice %arg25[%dma_wait3A_32, %dma_wait3A_33] : memref<10112x64xf32, #tpu.memory_space<vmem_shared>> -> memref<10112x64xf32, #tpu.memory_space<vmem_shared>>
    tpu.wait_indirect_dma semaphore(%arg24 : memref<!tpu.dma_semaphore, #tpu.memory_space<semaphore_mem>>) src(%arg11 : memref<128x64xf32, #tpu.memory_space<vmem>>) dst(%dma_wait3A_34 : memref<10112x64xf32, #tpu.memory_space<vmem_shared>>)
    %barrier3A_35 = arith.constant 0 : index
    tpu.barrier barrier_id(%barrier3A_35)
    %mul3A_36 = arith.constant 632 : i32
    %mul3A_37 = arith.muli %arg1, %mul3A_36 : i32
    "tpu.region"() ({
      %run_scoped3A_40 = tpu.sem_alloc : memref<!tpu.dma_semaphore, #tpu.memory_space<semaphore_mem>>
      %dma_start3A_41 = arith.constant 0 : i32
      %dma_start3A_42 = tpu.memref_slice %arg25[%mul3A_37, %dma_start3A_41] : memref<10112x64xf32, #tpu.memory_space<vmem_shared>> -> memref<632x64xf32, #tpu.memory_space<vmem_shared>>
      %dma_start3A_43 = arith.constant 0 : i32
      %dma_start3A_44 = tpu.memref_slice %arg25[%mul3A_37, %dma_start3A_43] : memref<10112x64xf32, #tpu.memory_space<vmem_shared>> -> memref<632x64xf32, #tpu.memory_space<vmem_shared>>
      tpu.enqueue_dma source(%dma_start3A_44 : memref<632x64xf32, #tpu.memory_space<vmem_shared>>) target(%arg14 : memref<632x64xf32, #tpu.memory_space<vmem>>) target_semaphore(%run_scoped3A_40 : memref<!tpu.dma_semaphore, #tpu.memory_space<semaphore_mem>>)
      %dma_wait3A_45 = arith.constant 0 : i32
      %dma_wait3A_46 = tpu.memref_slice %arg25[%mul3A_37, %dma_wait3A_45] : memref<10112x64xf32, #tpu.memory_space<vmem_shared>> -> memref<632x64xf32, #tpu.memory_space<vmem_shared>>
      %dma_wait3A_47 = arith.constant 0 : i32
      %dma_wait3A_48 = tpu.memref_slice %arg25[%mul3A_37, %dma_wait3A_47] : memref<10112x64xf32, #tpu.memory_space<vmem_shared>> -> memref<632x64xf32, #tpu.memory_space<vmem_shared>>
      tpu.wait_dma2 semaphore(%run_scoped3A_40 : memref<!tpu.dma_semaphore, #tpu.memory_space<semaphore_mem>>) src(%dma_wait3A_48 : memref<632x64xf32, #tpu.memory_space<vmem_shared>>) dst(%arg14 : memref<632x64xf32, #tpu.memory_space<vmem>>)
      tpu.yield
    }) : () -> ()
    %mul3A_38 = arith.constant 632 : i32
    %mul3A_39 = arith.muli %arg1, %mul3A_38 : i32
    "tpu.region"() ({
      %run_scoped3A_40 = tpu.sem_alloc : memref<!tpu.dma_semaphore, #tpu.memory_space<semaphore_mem>>
      %dma_start3A_41 = arith.constant 0 : i32
      %dma_start3A_42 = tpu.memref_slice %arg5[%arg0, %mul3A_39, %dma_start3A_41] : memref<2x10112x64xf32, #tpu.memory_space<hbm>> -> memref<1x632x64xf32, #tpu.memory_space<hbm>>
      %dma_start3A_43 = tpu.memref_squeeze %dma_start3A_42 : memref<1x632x64xf32, #tpu.memory_space<hbm>> -> memref<632x64xf32, #tpu.memory_space<hbm>>
      %dma_start3A_44 = arith.constant 0 : i32
      %dma_start3A_45 = tpu.memref_slice %arg5[%arg0, %mul3A_39, %dma_start3A_44] : memref<2x10112x64xf32, #tpu.memory_space<hbm>> -> memref<1x632x64xf32, #tpu.memory_space<hbm>>
      %dma_start3A_46 = tpu.memref_squeeze %dma_start3A_45 : memref<1x632x64xf32, #tpu.memory_space<hbm>> -> memref<632x64xf32, #tpu.memory_space<hbm>>
      tpu.enqueue_dma source(%arg14 : memref<632x64xf32, #tpu.memory_space<vmem>>) target(%dma_start3A_46 : memref<632x64xf32, #tpu.memory_space<hbm>>) target_semaphore(%run_scoped3A_40 : memref<!tpu.dma_semaphore, #tpu.memory_space<semaphore_mem>>)
      %dma_wait3A_47 = arith.constant 0 : i32
      %dma_wait3A_48 = tpu.memref_slice %arg5[%arg0, %mul3A_39, %dma_wait3A_47] : memref<2x10112x64xf32, #tpu.memory_space<hbm>> -> memref<1x632x64xf32, #tpu.memory_space<hbm>>
      %dma_wait3A_49 = tpu.memref_squeeze %dma_wait3A_48 : memref<1x632x64xf32, #tpu.memory_space<hbm>> -> memref<632x64xf32, #tpu.memory_space<hbm>>
      %dma_wait3A_50 = arith.constant 0 : i32
      %dma_wait3A_51 = tpu.memref_slice %arg5[%arg0, %mul3A_39, %dma_wait3A_50] : memref<2x10112x64xf32, #tpu.memory_space<hbm>> -> memref<1x632x64xf32, #tpu.memory_space<hbm>>
      %dma_wait3A_52 = tpu.memref_squeeze %dma_wait3A_51 : memref<1x632x64xf32, #tpu.memory_space<hbm>> -> memref<632x64xf32, #tpu.memory_space<hbm>>
      tpu.wait_dma2 semaphore(%run_scoped3A_40 : memref<!tpu.dma_semaphore, #tpu.memory_space<semaphore_mem>>) src(%arg14 : memref<632x64xf32, #tpu.memory_space<vmem>>) dst(%dma_wait3A_52 : memref<632x64xf32, #tpu.memory_space<hbm>>)
      tpu.yield
    }) : () -> ()
    return
  }
}

#map = affine_map<(d0, d1) -> (0, 0)>
#map1 = affine_map<(d0, d1) -> (0, 0, 0, 0)>
#map2 = affine_map<(d0, d1) -> (0, 0, 0)>
module attributes {stable_mosaic.version = 14 : i64} {
  func.func @attn(%arg0: i32, %arg1: i32, %arg2: memref<10112x16xf32, #tpu.memory_space<hbm>>, %arg3: memref<10112x16xf32, #tpu.memory_space<hbm>>, %arg4: memref<1x16xf32, #tpu.memory_space<hbm>>, %arg5: memref<32x82x2x128xi32, #tpu.memory_space<hbm>>, %arg6: memref<2624x128x16xf32, #tpu.memory_space<hbm>>, %arg7: memref<2x10112x16xf32, #tpu.memory_space<hbm>>, %arg8: memref<2x128xi32, #tpu.memory_space<vmem>>, %arg9: memref<2x128xi32, #tpu.memory_space<vmem>>, %arg10: memref<128x16xf32, #tpu.memory_space<vmem>>, %arg11: memref<128x16xf32, #tpu.memory_space<vmem>>, %arg12: memref<128x16xf32, #tpu.memory_space<vmem>>, %arg13: memref<128x16xf32, #tpu.memory_space<vmem>>, %arg14: memref<128x16xf32, #tpu.memory_space<vmem>>, %arg15: memref<128x16xf32, #tpu.memory_space<vmem>>, %arg16: memref<1x16xf32, #tpu.memory_space<vmem>>, %arg17: memref<632x16xf32, #tpu.memory_space<vmem>>, %arg18: memref<!tpu.dma_semaphore, #tpu.memory_space<semaphore_mem>>, %arg19: memref<!tpu.dma_semaphore, #tpu.memory_space<semaphore_mem>>, %arg20: memref<!tpu.dma_semaphore, #tpu.memory_space<semaphore_mem>>, %arg21: memref<!tpu.dma_semaphore, #tpu.memory_space<semaphore_mem>>, %arg22: memref<!tpu.dma_semaphore, #tpu.memory_space<semaphore_mem>>, %arg23: memref<!tpu.dma_semaphore, #tpu.memory_space<semaphore_mem>>, %arg24: memref<!tpu.dma_semaphore, #tpu.memory_space<semaphore_mem>>, %arg25: memref<!tpu.dma_semaphore, #tpu.memory_space<semaphore_mem>>, %arg26: memref<10112x16xf32, #tpu.memory_space<vmem_shared>>) attributes {dimension_semantics = [#tpu.dimension_semantics<core_parallel>, #tpu.dimension_semantics<subcore_parallel>], iteration_bounds = array<i64: 2, 16>, scalar_prefetch = 0 : i64, scratch_operands = 19 : i64, tpu.core_type = #tpu.core_type<sc_vector_subcore>, window_params = [{transform_indices = #map}, {transform_indices = #map}, {transform_indices = #map}, {transform_indices = #map1}, {transform_indices = #map2}, {transform_indices = #map2}]} {
    %mul3A = arith.constant 2 : i32
    %mul3A_0 = arith.muli %arg1, %mul3A : i32
    %add3A = arith.addi %mul3A_0, %arg0 : i32
    %broadcast_in_dim3A = arith.constant 0.000000e+00 : f32
    %broadcast_in_dim3A_1 = vector.broadcast %broadcast_in_dim3A : f32 to vector<16xf32>
    %scan3A = arith.constant 0 : i32
    %scan3A_2 = arith.constant 0 : i32
    %scan3A_3 = arith.constant 632 : i32
    %scan3A_4 = arith.addi %scan3A_2, %scan3A_3 : i32
    %scan3A_5 = arith.constant 1 : i32
    %scan3A_6 = scf.for %scan3A_60 = %scan3A_2 to %scan3A_4 step %scan3A_5 iter_args(%scan3A_61 = %scan3A) -> (i32)  : i32 {
      %swap3A = arith.index_cast %scan3A_60 : i32 to index
      %swap3A_62 = arith.constant 0 : index
      %swap3A_63 = tpu.vector_load %arg17[%swap3A, %swap3A_62] {strides = array<i32>} : memref<632x16xf32, #tpu.memory_space<vmem>>, vector<1x16xf32>,
      %swap3A_64 = vector.shape_cast %swap3A_63 : vector<1x16xf32> to vector<16xf32>
      %swap3A_65 = vector.shape_cast %broadcast_in_dim3A_1 : vector<16xf32> to vector<1x16xf32>
      tpu.vector_store %arg17[%swap3A, %swap3A_62], %swap3A_65 {strides = array<i32>} : memref<632x16xf32, #tpu.memory_space<vmem>>, vector<1x16xf32>,
      %scan3A_66 = arith.constant 0 : i32
      scf.yield %scan3A_66 : i32
    }
    %scan3A_7 = arith.constant 632 : i32
    %mul3A_8 = arith.constant 632 : i32
    %mul3A_9 = arith.muli %arg1, %mul3A_8 : i32
    "tpu.region"() ({
      %run_scoped3A_60 = tpu.sem_alloc : memref<!tpu.dma_semaphore, #tpu.memory_space<semaphore_mem>>
      %dma_start3A_61 = arith.constant 0 : i32
      %dma_start3A_62 = tpu.memref_slice %arg26[%mul3A_9, %dma_start3A_61] : memref<10112x16xf32, #tpu.memory_space<vmem_shared>> -> memref<632x16xf32, #tpu.memory_space<vmem_shared>>
      %dma_start3A_63 = arith.constant 0 : i32
      %dma_start3A_64 = tpu.memref_slice %arg26[%mul3A_9, %dma_start3A_63] : memref<10112x16xf32, #tpu.memory_space<vmem_shared>> -> memref<632x16xf32, #tpu.memory_space<vmem_shared>>
      tpu.enqueue_dma source(%arg17 : memref<632x16xf32, #tpu.memory_space<vmem>>) target(%dma_start3A_64 : memref<632x16xf32, #tpu.memory_space<vmem_shared>>) target_semaphore(%run_scoped3A_60 : memref<!tpu.dma_semaphore, #tpu.memory_space<semaphore_mem>>)
      %dma_wait3A_65 = arith.constant 0 : i32
      %dma_wait3A_66 = tpu.memref_slice %arg26[%mul3A_9, %dma_wait3A_65] : memref<10112x16xf32, #tpu.memory_space<vmem_shared>> -> memref<632x16xf32, #tpu.memory_space<vmem_shared>>
      %dma_wait3A_67 = arith.constant 0 : i32
      %dma_wait3A_68 = tpu.memref_slice %arg26[%mul3A_9, %dma_wait3A_67] : memref<10112x16xf32, #tpu.memory_space<vmem_shared>> -> memref<632x16xf32, #tpu.memory_space<vmem_shared>>
      tpu.wait_dma2 semaphore(%run_scoped3A_60 : memref<!tpu.dma_semaphore, #tpu.memory_space<semaphore_mem>>) src(%arg17 : memref<632x16xf32, #tpu.memory_space<vmem>>) dst(%dma_wait3A_68 : memref<632x16xf32, #tpu.memory_space<vmem_shared>>)
      tpu.yield
    }) : () -> ()
    "tpu.region"() ({
      %run_scoped3A_60 = tpu.sem_alloc : memref<!tpu.dma_semaphore, #tpu.memory_space<semaphore_mem>>
      tpu.enqueue_dma source(%arg4 : memref<1x16xf32, #tpu.memory_space<hbm>>) target(%arg16 : memref<1x16xf32, #tpu.memory_space<vmem>>) target_semaphore(%run_scoped3A_60 : memref<!tpu.dma_semaphore, #tpu.memory_space<semaphore_mem>>)
      tpu.wait_dma2 semaphore(%run_scoped3A_60 : memref<!tpu.dma_semaphore, #tpu.memory_space<semaphore_mem>>) src(%arg4 : memref<1x16xf32, #tpu.memory_space<hbm>>) dst(%arg16 : memref<1x16xf32, #tpu.memory_space<vmem>>)
      tpu.yield
    }) : () -> ()
    %run_scoped3A = arith.constant 0 : i32
    "tpu.region"() ({
      %run_scoped3A_60 = tpu.sem_alloc : memref<!tpu.dma_semaphore, #tpu.memory_space<semaphore_mem>>
      %dma_start3A_61 = arith.constant 0 : i32
      %dma_start3A_62 = arith.constant 0 : i32
      %dma_start3A_63 = tpu.memref_slice %arg5[%add3A, %run_scoped3A, %dma_start3A_61, %dma_start3A_62] : memref<32x82x2x128xi32, #tpu.memory_space<hbm>> -> memref<1x1x2x128xi32, #tpu.memory_space<hbm>>
      %dma_start3A_64 = tpu.memref_squeeze %dma_start3A_63 : memref<1x1x2x128xi32, #tpu.memory_space<hbm>> -> memref<2x128xi32, #tpu.memory_space<hbm>>
      %dma_start3A_65 = arith.constant 0 : i32
      %dma_start3A_66 = arith.constant 0 : i32
      %dma_start3A_67 = tpu.memref_slice %arg5[%add3A, %run_scoped3A, %dma_start3A_65, %dma_start3A_66] : memref<32x82x2x128xi32, #tpu.memory_space<hbm>> -> memref<1x1x2x128xi32, #tpu.memory_space<hbm>>
      %dma_start3A_68 = tpu.memref_squeeze %dma_start3A_67 : memref<1x1x2x128xi32, #tpu.memory_space<hbm>> -> memref<2x128xi32, #tpu.memory_space<hbm>>
      tpu.enqueue_dma source(%dma_start3A_68 : memref<2x128xi32, #tpu.memory_space<hbm>>) target(%arg8 : memref<2x128xi32, #tpu.memory_space<vmem>>) target_semaphore(%run_scoped3A_60 : memref<!tpu.dma_semaphore, #tpu.memory_space<semaphore_mem>>)
      %dma_wait3A_69 = arith.constant 0 : i32
      %dma_wait3A_70 = arith.constant 0 : i32
      %dma_wait3A_71 = tpu.memref_slice %arg5[%add3A, %run_scoped3A, %dma_wait3A_69, %dma_wait3A_70] : memref<32x82x2x128xi32, #tpu.memory_space<hbm>> -> memref<1x1x2x128xi32, #tpu.memory_space<hbm>>
      %dma_wait3A_72 = tpu.memref_squeeze %dma_wait3A_71 : memref<1x1x2x128xi32, #tpu.memory_space<hbm>> -> memref<2x128xi32, #tpu.memory_space<hbm>>
      %dma_wait3A_73 = arith.constant 0 : i32
      %dma_wait3A_74 = arith.constant 0 : i32
      %dma_wait3A_75 = tpu.memref_slice %arg5[%add3A, %run_scoped3A, %dma_wait3A_73, %dma_wait3A_74] : memref<32x82x2x128xi32, #tpu.memory_space<hbm>> -> memref<1x1x2x128xi32, #tpu.memory_space<hbm>>
      %dma_wait3A_76 = tpu.memref_squeeze %dma_wait3A_75 : memref<1x1x2x128xi32, #tpu.memory_space<hbm>> -> memref<2x128xi32, #tpu.memory_space<hbm>>
      tpu.wait_dma2 semaphore(%run_scoped3A_60 : memref<!tpu.dma_semaphore, #tpu.memory_space<semaphore_mem>>) src(%dma_wait3A_76 : memref<2x128xi32, #tpu.memory_space<hbm>>) dst(%arg8 : memref<2x128xi32, #tpu.memory_space<vmem>>)
      tpu.yield
    }) : () -> ()
    %dma_start3A = arith.constant 0 : i32
    %dma_start3A_10 = arith.constant 0 : i32
    %dma_start3A_11 = tpu.memref_slice %arg8[%dma_start3A, %dma_start3A_10] : memref<2x128xi32, #tpu.memory_space<vmem>> -> memref<1x128xi32, #tpu.memory_space<vmem>>
    %dma_start3A_12 = tpu.memref_squeeze %dma_start3A_11 : memref<1x128xi32, #tpu.memory_space<vmem>> -> memref<128xi32, #tpu.memory_space<vmem>>
    %dma_start3A_13 = arith.constant 0 : i32
    %dma_start3A_14 = arith.constant 0 : i32
    %dma_start3A_15 = tpu.memref_slice %arg2[%dma_start3A_13, %dma_start3A_14] : memref<10112x16xf32, #tpu.memory_space<hbm>> -> memref<10112x16xf32, #tpu.memory_space<hbm>>
    tpu.enqueue_indirect_dma source(%dma_start3A_15 : memref<10112x16xf32, #tpu.memory_space<hbm>>) target(%arg10 : memref<128x16xf32, #tpu.memory_space<vmem>>) offsets(%dma_start3A_12 : memref<128xi32, #tpu.memory_space<vmem>>) semaphore(%arg18 : memref<!tpu.dma_semaphore, #tpu.memory_space<semaphore_mem>>)
    %dma_start3A_16 = arith.constant 1 : i32
    %dma_start3A_17 = arith.constant 0 : i32
    %dma_start3A_18 = tpu.memref_slice %arg8[%dma_start3A_16, %dma_start3A_17] : memref<2x128xi32, #tpu.memory_space<vmem>> -> memref<1x128xi32, #tpu.memory_space<vmem>>
    %dma_start3A_19 = tpu.memref_squeeze %dma_start3A_18 : memref<1x128xi32, #tpu.memory_space<vmem>> -> memref<128xi32, #tpu.memory_space<vmem>>
    %dma_start3A_20 = arith.constant 0 : i32
    %dma_start3A_21 = arith.constant 0 : i32
    %dma_start3A_22 = tpu.memref_slice %arg3[%dma_start3A_20, %dma_start3A_21] : memref<10112x16xf32, #tpu.memory_space<hbm>> -> memref<10112x16xf32, #tpu.memory_space<hbm>>
    tpu.enqueue_indirect_dma source(%dma_start3A_22 : memref<10112x16xf32, #tpu.memory_space<hbm>>) target(%arg12 : memref<128x16xf32, #tpu.memory_space<vmem>>) offsets(%dma_start3A_19 : memref<128xi32, #tpu.memory_space<vmem>>) semaphore(%arg20 : memref<!tpu.dma_semaphore, #tpu.memory_space<semaphore_mem>>)
    %barrier3A = arith.constant 0 : index
    tpu.barrier barrier_id(%barrier3A)
    %get3A = arith.constant 0 : i32
    %get3A_23 = arith.index_cast %get3A : i32 to index
    %get3A_24 = arith.constant 0 : index
    %get3A_25 = tpu.vector_load %arg16[%get3A_23, %get3A_24] {strides = array<i32>} : memref<1x16xf32, #tpu.memory_space<vmem>>, vector<1x16xf32>,
    %get3A_26 = vector.shape_cast %get3A_25 : vector<1x16xf32> to vector<16xf32>
    %iota3A = tpu.iota {dimensions = array<i32: 0>} : vector<16xi32>
    %eq3A = arith.constant 8 : i32
    %eq3A_27 = vector.broadcast %eq3A : i32 to vector<16xi32>
    %eq3A_28 = arith.cmpi eq, %iota3A, %eq3A_27 : vector<16xi32>
    %scan3A_29 = arith.constant 0 : i32
    %scan3A_30 = arith.constant 0 : i32
    %scan3A_31 = arith.constant 41 : i32
    %scan3A_32 = arith.addi %scan3A_30, %scan3A_31 : i32
    %scan3A_33 = arith.constant 1 : i32
    %scan3A_34 = scf.for %scan3A_60 = %scan3A_30 to %scan3A_32 step %scan3A_33 iter_args(%scan3A_61 = %scan3A_29) -> (i32)  : i32 {
      %mul3A_62 = arith.constant 2 : i32
      %mul3A_63 = arith.muli %mul3A_62, %scan3A_60 : i32
      %add3A_64 = arith.constant 0 : i32
      %add3A_65 = arith.addi %mul3A_63, %add3A_64 : i32
      %ge3A = arith.constant 1 : i32
      %ge3A_66 = arith.cmpi sge, %add3A_65, %ge3A : i32
      %convert_element_type3A = arith.extui %ge3A_66 : i1 to i32
      %cond3A = arith.constant 0 : i32
      %cond3A_67 = arith.cmpi ne, %convert_element_type3A, %cond3A : i32
      scf.if %cond3A_67 {
        %mul3A_169 = arith.constant 82 : i32
        %mul3A_170 = arith.muli %add3A, %mul3A_169 : i32
        %add3A_171 = arith.addi %mul3A_170, %add3A_65 : i32
        %dma_wait3A_172 = arith.constant 0 : i32
        %dma_wait3A_173 = arith.constant 0 : i32
        %dma_wait3A_174 = tpu.memref_slice %arg6[%add3A_171, %dma_wait3A_172, %dma_wait3A_173] : memref<2624x128x16xf32, #tpu.memory_space<hbm>> -> memref<1x128x16xf32, #tpu.memory_space<hbm>>
        %dma_wait3A_175 = tpu.memref_squeeze %dma_wait3A_174 : memref<1x128x16xf32, #tpu.memory_space<hbm>> -> memref<128x16xf32, #tpu.memory_space<hbm>>
        %dma_wait3A_176 = arith.constant 0 : i32
        %dma_wait3A_177 = arith.constant 0 : i32
        %dma_wait3A_178 = tpu.memref_slice %arg6[%add3A_171, %dma_wait3A_176, %dma_wait3A_177] : memref<2624x128x16xf32, #tpu.memory_space<hbm>> -> memref<1x128x16xf32, #tpu.memory_space<hbm>>
        %dma_wait3A_179 = tpu.memref_squeeze %dma_wait3A_178 : memref<1x128x16xf32, #tpu.memory_space<hbm>> -> memref<128x16xf32, #tpu.memory_space<hbm>>
        tpu.wait_dma2 semaphore(%arg23 : memref<!tpu.dma_semaphore, #tpu.memory_space<semaphore_mem>>) src(%arg15 : memref<128x16xf32, #tpu.memory_space<vmem>>) dst(%dma_wait3A_179 : memref<128x16xf32, #tpu.memory_space<hbm>>)
        %dma_wait3A_180 = arith.constant 1 : i32
        %dma_wait3A_181 = arith.constant 0 : i32
        %dma_wait3A_182 = tpu.memref_slice %arg9[%dma_wait3A_180, %dma_wait3A_181] : memref<2x128xi32, #tpu.memory_space<vmem>> -> memref<1x128xi32, #tpu.memory_space<vmem>>
        %dma_wait3A_183 = tpu.memref_squeeze %dma_wait3A_182 : memref<1x128xi32, #tpu.memory_space<vmem>> -> memref<128xi32, #tpu.memory_space<vmem>>
        %dma_wait3A_184 = arith.constant 0 : i32
        %dma_wait3A_185 = arith.constant 0 : i32
        %dma_wait3A_186 = tpu.memref_slice %arg26[%dma_wait3A_184, %dma_wait3A_185] : memref<10112x16xf32, #tpu.memory_space<vmem_shared>> -> memref<10112x16xf32, #tpu.memory_space<vmem_shared>>
        tpu.wait_indirect_dma semaphore(%arg25 : memref<!tpu.dma_semaphore, #tpu.memory_space<semaphore_mem>>) src(%arg15 : memref<128x16xf32, #tpu.memory_space<vmem>>) dst(%dma_wait3A_186 : memref<10112x16xf32, #tpu.memory_space<vmem_shared>>)
      } else {
      }
      %add3A_68 = arith.constant 1 : i32
      %add3A_69 = arith.addi %add3A_65, %add3A_68 : i32
      %lt3A = arith.constant 82 : i32
      %lt3A_70 = arith.cmpi slt, %add3A_69, %lt3A : i32
      %convert_element_type3A_71 = arith.extui %lt3A_70 : i1 to i32
      %cond3A_72 = arith.constant 0 : i32
      %cond3A_73 = arith.cmpi ne, %convert_element_type3A_71, %cond3A_72 : i32
      scf.if %cond3A_73 {
        %add3A_169 = arith.constant 1 : i32
        %add3A_170 = arith.addi %add3A_65, %add3A_169 : i32
        "tpu.region"() ({
          %run_scoped3A_185 = tpu.sem_alloc : memref<!tpu.dma_semaphore, #tpu.memory_space<semaphore_mem>>
          %dma_start3A_186 = arith.constant 0 : i32
          %dma_start3A_187 = arith.constant 0 : i32
          %dma_start3A_188 = tpu.memref_slice %arg5[%add3A, %add3A_170, %dma_start3A_186, %dma_start3A_187] : memref<32x82x2x128xi32, #tpu.memory_space<hbm>> -> memref<1x1x2x128xi32, #tpu.memory_space<hbm>>
          %dma_start3A_189 = tpu.memref_squeeze %dma_start3A_188 : memref<1x1x2x128xi32, #tpu.memory_space<hbm>> -> memref<2x128xi32, #tpu.memory_space<hbm>>
          %dma_start3A_190 = arith.constant 0 : i32
          %dma_start3A_191 = arith.constant 0 : i32
          %dma_start3A_192 = tpu.memref_slice %arg5[%add3A, %add3A_170, %dma_start3A_190, %dma_start3A_191] : memref<32x82x2x128xi32, #tpu.memory_space<hbm>> -> memref<1x1x2x128xi32, #tpu.memory_space<hbm>>
          %dma_start3A_193 = tpu.memref_squeeze %dma_start3A_192 : memref<1x1x2x128xi32, #tpu.memory_space<hbm>> -> memref<2x128xi32, #tpu.memory_space<hbm>>
          tpu.enqueue_dma source(%dma_start3A_193 : memref<2x128xi32, #tpu.memory_space<hbm>>) target(%arg9 : memref<2x128xi32, #tpu.memory_space<vmem>>) target_semaphore(%run_scoped3A_185 : memref<!tpu.dma_semaphore, #tpu.memory_space<semaphore_mem>>)
          %dma_wait3A_194 = arith.constant 0 : i32
          %dma_wait3A_195 = arith.constant 0 : i32
          %dma_wait3A_196 = tpu.memref_slice %arg5[%add3A, %add3A_170, %dma_wait3A_194, %dma_wait3A_195] : memref<32x82x2x128xi32, #tpu.memory_space<hbm>> -> memref<1x1x2x128xi32, #tpu.memory_space<hbm>>
          %dma_wait3A_197 = tpu.memref_squeeze %dma_wait3A_196 : memref<1x1x2x128xi32, #tpu.memory_space<hbm>> -> memref<2x128xi32, #tpu.memory_space<hbm>>
          %dma_wait3A_198 = arith.constant 0 : i32
          %dma_wait3A_199 = arith.constant 0 : i32
          %dma_wait3A_200 = tpu.memref_slice %arg5[%add3A, %add3A_170, %dma_wait3A_198, %dma_wait3A_199] : memref<32x82x2x128xi32, #tpu.memory_space<hbm>> -> memref<1x1x2x128xi32, #tpu.memory_space<hbm>>
          %dma_wait3A_201 = tpu.memref_squeeze %dma_wait3A_200 : memref<1x1x2x128xi32, #tpu.memory_space<hbm>> -> memref<2x128xi32, #tpu.memory_space<hbm>>
          tpu.wait_dma2 semaphore(%run_scoped3A_185 : memref<!tpu.dma_semaphore, #tpu.memory_space<semaphore_mem>>) src(%dma_wait3A_201 : memref<2x128xi32, #tpu.memory_space<hbm>>) dst(%arg9 : memref<2x128xi32, #tpu.memory_space<vmem>>)
          tpu.yield
        }) : () -> ()
        %dma_start3A_171 = arith.constant 0 : i32
        %dma_start3A_172 = arith.constant 0 : i32
        %dma_start3A_173 = tpu.memref_slice %arg9[%dma_start3A_171, %dma_start3A_172] : memref<2x128xi32, #tpu.memory_space<vmem>> -> memref<1x128xi32, #tpu.memory_space<vmem>>
        %dma_start3A_174 = tpu.memref_squeeze %dma_start3A_173 : memref<1x128xi32, #tpu.memory_space<vmem>> -> memref<128xi32, #tpu.memory_space<vmem>>
        %dma_start3A_175 = arith.constant 0 : i32
        %dma_start3A_176 = arith.constant 0 : i32
        %dma_start3A_177 = tpu.memref_slice %arg2[%dma_start3A_175, %dma_start3A_176] : memref<10112x16xf32, #tpu.memory_space<hbm>> -> memref<10112x16xf32, #tpu.memory_space<hbm>>
        tpu.enqueue_indirect_dma source(%dma_start3A_177 : memref<10112x16xf32, #tpu.memory_space<hbm>>) target(%arg11 : memref<128x16xf32, #tpu.memory_space<vmem>>) offsets(%dma_start3A_174 : memref<128xi32, #tpu.memory_space<vmem>>) semaphore(%arg19 : memref<!tpu.dma_semaphore, #tpu.memory_space<semaphore_mem>>)
        %dma_start3A_178 = arith.constant 1 : i32
        %dma_start3A_179 = arith.constant 0 : i32
        %dma_start3A_180 = tpu.memref_slice %arg9[%dma_start3A_178, %dma_start3A_179] : memref<2x128xi32, #tpu.memory_space<vmem>> -> memref<1x128xi32, #tpu.memory_space<vmem>>
        %dma_start3A_181 = tpu.memref_squeeze %dma_start3A_180 : memref<1x128xi32, #tpu.memory_space<vmem>> -> memref<128xi32, #tpu.memory_space<vmem>>
        %dma_start3A_182 = arith.constant 0 : i32
        %dma_start3A_183 = arith.constant 0 : i32
        %dma_start3A_184 = tpu.memref_slice %arg3[%dma_start3A_182, %dma_start3A_183] : memref<10112x16xf32, #tpu.memory_space<hbm>> -> memref<10112x16xf32, #tpu.memory_space<hbm>>
        tpu.enqueue_indirect_dma source(%dma_start3A_184 : memref<10112x16xf32, #tpu.memory_space<hbm>>) target(%arg13 : memref<128x16xf32, #tpu.memory_space<vmem>>) offsets(%dma_start3A_181 : memref<128xi32, #tpu.memory_space<vmem>>) semaphore(%arg21 : memref<!tpu.dma_semaphore, #tpu.memory_space<semaphore_mem>>)
      } else {
      }
      %dma_wait3A_74 = arith.constant 0 : i32
      %dma_wait3A_75 = arith.constant 0 : i32
      %dma_wait3A_76 = tpu.memref_slice %arg8[%dma_wait3A_74, %dma_wait3A_75] : memref<2x128xi32, #tpu.memory_space<vmem>> -> memref<1x128xi32, #tpu.memory_space<vmem>>
      %dma_wait3A_77 = tpu.memref_squeeze %dma_wait3A_76 : memref<1x128xi32, #tpu.memory_space<vmem>> -> memref<128xi32, #tpu.memory_space<vmem>>
      %dma_wait3A_78 = arith.constant 0 : i32
      %dma_wait3A_79 = arith.constant 0 : i32
      %dma_wait3A_80 = tpu.memref_slice %arg2[%dma_wait3A_78, %dma_wait3A_79] : memref<10112x16xf32, #tpu.memory_space<hbm>> -> memref<10112x16xf32, #tpu.memory_space<hbm>>
      tpu.wait_indirect_dma semaphore(%arg18 : memref<!tpu.dma_semaphore, #tpu.memory_space<semaphore_mem>>) src(%dma_wait3A_80 : memref<10112x16xf32, #tpu.memory_space<hbm>>) dst(%arg10 : memref<128x16xf32, #tpu.memory_space<vmem>>)
      %dma_wait3A_81 = arith.constant 1 : i32
      %dma_wait3A_82 = arith.constant 0 : i32
      %dma_wait3A_83 = tpu.memref_slice %arg8[%dma_wait3A_81, %dma_wait3A_82] : memref<2x128xi32, #tpu.memory_space<vmem>> -> memref<1x128xi32, #tpu.memory_space<vmem>>
      %dma_wait3A_84 = tpu.memref_squeeze %dma_wait3A_83 : memref<1x128xi32, #tpu.memory_space<vmem>> -> memref<128xi32, #tpu.memory_space<vmem>>
      %dma_wait3A_85 = arith.constant 0 : i32
      %dma_wait3A_86 = arith.constant 0 : i32
      %dma_wait3A_87 = tpu.memref_slice %arg3[%dma_wait3A_85, %dma_wait3A_86] : memref<10112x16xf32, #tpu.memory_space<hbm>> -> memref<10112x16xf32, #tpu.memory_space<hbm>>
      tpu.wait_indirect_dma semaphore(%arg20 : memref<!tpu.dma_semaphore, #tpu.memory_space<semaphore_mem>>) src(%dma_wait3A_87 : memref<10112x16xf32, #tpu.memory_space<hbm>>) dst(%arg12 : memref<128x16xf32, #tpu.memory_space<vmem>>)
      %scan3A_88 = arith.constant 0 : i32
      %scan3A_89 = arith.constant 0 : i32
      %scan3A_90 = arith.constant 128 : i32
      %scan3A_91 = arith.addi %scan3A_89, %scan3A_90 : i32
      %scan3A_92 = arith.constant 1 : i32
      %scan3A_93 = scf.for %scan3A_169 = %scan3A_89 to %scan3A_91 step %scan3A_92 iter_args(%scan3A_170 = %scan3A_88) -> (i32)  : i32 {
        %get3A_171 = arith.index_cast %scan3A_169 : i32 to index
        %get3A_172 = arith.constant 0 : index
        %get3A_173 = tpu.vector_load %arg10[%get3A_171, %get3A_172] {strides = array<i32>} : memref<128x16xf32, #tpu.memory_space<vmem>>, vector<1x16xf32>,
        %get3A_174 = vector.shape_cast %get3A_173 : vector<1x16xf32> to vector<16xf32>
        %get3A_175 = arith.index_cast %scan3A_169 : i32 to index
        %get3A_176 = arith.constant 0 : index
        %get3A_177 = tpu.vector_load %arg12[%get3A_175, %get3A_176] {strides = array<i32>} : memref<128x16xf32, #tpu.memory_space<vmem>>, vector<1x16xf32>,
        %get3A_178 = vector.shape_cast %get3A_177 : vector<1x16xf32> to vector<16xf32>
        %add3A_179 = arith.addf %get3A_174, %get3A_178 : vector<16xf32>
        %mul3A_180 = arith.constant 2.000000e-01 : f32
        %mul3A_181 = vector.broadcast %mul3A_180 : f32 to vector<16xf32>
        %mul3A_182 = arith.mulf %mul3A_181, %add3A_179 : vector<16xf32>
        %max3A = arith.maximumf %add3A_179, %mul3A_182 : vector<16xf32>
        %sub3A_183 = arith.subf %max3A, %get3A_26 : vector<16xf32>
        %exp3A = math.exp %sub3A_183 : vector<16xf32>
        %jit3A = arith.constant 1.000000e+00 : f32
        %broadcast_in_dim3A_184 = vector.broadcast %jit3A : f32 to vector<16xf32>
        %select_n3A = arith.select %eq3A_28, %broadcast_in_dim3A_184, %exp3A : vector<16xi1>, vector<16xf32>
        %swap3A = arith.index_cast %scan3A_169 : i32 to index
        %swap3A_185 = arith.constant 0 : index
        %swap3A_186 = tpu.vector_load %arg14[%swap3A, %swap3A_185] {strides = array<i32>} : memref<128x16xf32, #tpu.memory_space<vmem>>, vector<1x16xf32>,
        %swap3A_187 = vector.shape_cast %swap3A_186 : vector<1x16xf32> to vector<16xf32>
        %swap3A_188 = vector.shape_cast %select_n3A : vector<16xf32> to vector<1x16xf32>
        tpu.vector_store %arg14[%swap3A, %swap3A_185], %swap3A_188 {strides = array<i32>} : memref<128x16xf32, #tpu.memory_space<vmem>>, vector<1x16xf32>,
        %scan3A_189 = arith.constant 0 : i32
        scf.yield %scan3A_189 : i32
      }
      %scan3A_94 = arith.constant 128 : i32
      %mul3A_95 = arith.constant 82 : i32
      %mul3A_96 = arith.muli %add3A, %mul3A_95 : i32
      %add3A_97 = arith.addi %mul3A_96, %add3A_65 : i32
      %dma_start3A_98 = arith.constant 0 : i32
      %dma_start3A_99 = arith.constant 0 : i32
      %dma_start3A_100 = tpu.memref_slice %arg6[%add3A_97, %dma_start3A_98, %dma_start3A_99] : memref<2624x128x16xf32, #tpu.memory_space<hbm>> -> memref<1x128x16xf32, #tpu.memory_space<hbm>>
      %dma_start3A_101 = tpu.memref_squeeze %dma_start3A_100 : memref<1x128x16xf32, #tpu.memory_space<hbm>> -> memref<128x16xf32, #tpu.memory_space<hbm>>
      %dma_start3A_102 = arith.constant 0 : i32
      %dma_start3A_103 = arith.constant 0 : i32
      %dma_start3A_104 = tpu.memref_slice %arg6[%add3A_97, %dma_start3A_102, %dma_start3A_103] : memref<2624x128x16xf32, #tpu.memory_space<hbm>> -> memref<1x128x16xf32, #tpu.memory_space<hbm>>
      %dma_start3A_105 = tpu.memref_squeeze %dma_start3A_104 : memref<1x128x16xf32, #tpu.memory_space<hbm>> -> memref<128x16xf32, #tpu.memory_space<hbm>>
      tpu.enqueue_dma source(%arg14 : memref<128x16xf32, #tpu.memory_space<vmem>>) target(%dma_start3A_105 : memref<128x16xf32, #tpu.memory_space<hbm>>) target_semaphore(%arg22 : memref<!tpu.dma_semaphore, #tpu.memory_space<semaphore_mem>>)
      %dma_start3A_106 = arith.constant 1 : i32
      %dma_start3A_107 = arith.constant 0 : i32
      %dma_start3A_108 = tpu.memref_slice %arg8[%dma_start3A_106, %dma_start3A_107] : memref<2x128xi32, #tpu.memory_space<vmem>> -> memref<1x128xi32, #tpu.memory_space<vmem>>
      %dma_start3A_109 = tpu.memref_squeeze %dma_start3A_108 : memref<1x128xi32, #tpu.memory_space<vmem>> -> memref<128xi32, #tpu.memory_space<vmem>>
      %dma_start3A_110 = arith.constant 0 : i32
      %dma_start3A_111 = arith.constant 0 : i32
      %dma_start3A_112 = tpu.memref_slice %arg26[%dma_start3A_110, %dma_start3A_111] : memref<10112x16xf32, #tpu.memory_space<vmem_shared>> -> memref<10112x16xf32, #tpu.memory_space<vmem_shared>>
      tpu.enqueue_indirect_dma source(%arg14 : memref<128x16xf32, #tpu.memory_space<vmem>>) target(%dma_start3A_112 : memref<10112x16xf32, #tpu.memory_space<vmem_shared>>) offsets(%dma_start3A_109 : memref<128xi32, #tpu.memory_space<vmem>>) semaphore(%arg24 : memref<!tpu.dma_semaphore, #tpu.memory_space<semaphore_mem>>) {add = true}
      %mul3A_113 = arith.constant 2 : i32
      %mul3A_114 = arith.muli %mul3A_113, %scan3A_60 : i32
      %add3A_115 = arith.constant 1 : i32
      %add3A_116 = arith.addi %mul3A_114, %add3A_115 : i32
      %ge3A_117 = arith.constant 1 : i32
      %ge3A_118 = arith.cmpi sge, %add3A_116, %ge3A_117 : i32
      %convert_element_type3A_119 = arith.extui %ge3A_118 : i1 to i32
      %cond3A_120 = arith.constant 0 : i32
      %cond3A_121 = arith.cmpi ne, %convert_element_type3A_119, %cond3A_120 : i32
      scf.if %cond3A_121 {
        %mul3A_169 = arith.constant 82 : i32
        %mul3A_170 = arith.muli %add3A, %mul3A_169 : i32
        %add3A_171 = arith.addi %mul3A_170, %add3A_116 : i32
        %dma_wait3A_172 = arith.constant 0 : i32
        %dma_wait3A_173 = arith.constant 0 : i32
        %dma_wait3A_174 = tpu.memref_slice %arg6[%add3A_171, %dma_wait3A_172, %dma_wait3A_173] : memref<2624x128x16xf32, #tpu.memory_space<hbm>> -> memref<1x128x16xf32, #tpu.memory_space<hbm>>
        %dma_wait3A_175 = tpu.memref_squeeze %dma_wait3A_174 : memref<1x128x16xf32, #tpu.memory_space<hbm>> -> memref<128x16xf32, #tpu.memory_space<hbm>>
        %dma_wait3A_176 = arith.constant 0 : i32
        %dma_wait3A_177 = arith.constant 0 : i32
        %dma_wait3A_178 = tpu.memref_slice %arg6[%add3A_171, %dma_wait3A_176, %dma_wait3A_177] : memref<2624x128x16xf32, #tpu.memory_space<hbm>> -> memref<1x128x16xf32, #tpu.memory_space<hbm>>
        %dma_wait3A_179 = tpu.memref_squeeze %dma_wait3A_178 : memref<1x128x16xf32, #tpu.memory_space<hbm>> -> memref<128x16xf32, #tpu.memory_space<hbm>>
        tpu.wait_dma2 semaphore(%arg22 : memref<!tpu.dma_semaphore, #tpu.memory_space<semaphore_mem>>) src(%arg14 : memref<128x16xf32, #tpu.memory_space<vmem>>) dst(%dma_wait3A_179 : memref<128x16xf32, #tpu.memory_space<hbm>>)
        %dma_wait3A_180 = arith.constant 1 : i32
        %dma_wait3A_181 = arith.constant 0 : i32
        %dma_wait3A_182 = tpu.memref_slice %arg8[%dma_wait3A_180, %dma_wait3A_181] : memref<2x128xi32, #tpu.memory_space<vmem>> -> memref<1x128xi32, #tpu.memory_space<vmem>>
        %dma_wait3A_183 = tpu.memref_squeeze %dma_wait3A_182 : memref<1x128xi32, #tpu.memory_space<vmem>> -> memref<128xi32, #tpu.memory_space<vmem>>
        %dma_wait3A_184 = arith.constant 0 : i32
        %dma_wait3A_185 = arith.constant 0 : i32
        %dma_wait3A_186 = tpu.memref_slice %arg26[%dma_wait3A_184, %dma_wait3A_185] : memref<10112x16xf32, #tpu.memory_space<vmem_shared>> -> memref<10112x16xf32, #tpu.memory_space<vmem_shared>>
        tpu.wait_indirect_dma semaphore(%arg24 : memref<!tpu.dma_semaphore, #tpu.memory_space<semaphore_mem>>) src(%arg14 : memref<128x16xf32, #tpu.memory_space<vmem>>) dst(%dma_wait3A_186 : memref<10112x16xf32, #tpu.memory_space<vmem_shared>>)
      } else {
      }
      %add3A_122 = arith.constant 1 : i32
      %add3A_123 = arith.addi %add3A_116, %add3A_122 : i32
      %lt3A_124 = arith.constant 82 : i32
      %lt3A_125 = arith.cmpi slt, %add3A_123, %lt3A_124 : i32
      %convert_element_type3A_126 = arith.extui %lt3A_125 : i1 to i32
      %cond3A_127 = arith.constant 0 : i32
      %cond3A_128 = arith.cmpi ne, %convert_element_type3A_126, %cond3A_127 : i32
      scf.if %cond3A_128 {
        %add3A_169 = arith.constant 1 : i32
        %add3A_170 = arith.addi %add3A_116, %add3A_169 : i32
        "tpu.region"() ({
          %run_scoped3A_185 = tpu.sem_alloc : memref<!tpu.dma_semaphore, #tpu.memory_space<semaphore_mem>>
          %dma_start3A_186 = arith.constant 0 : i32
          %dma_start3A_187 = arith.constant 0 : i32
          %dma_start3A_188 = tpu.memref_slice %arg5[%add3A, %add3A_170, %dma_start3A_186, %dma_start3A_187] : memref<32x82x2x128xi32, #tpu.memory_space<hbm>> -> memref<1x1x2x128xi32, #tpu.memory_space<hbm>>
          %dma_start3A_189 = tpu.memref_squeeze %dma_start3A_188 : memref<1x1x2x128xi32, #tpu.memory_space<hbm>> -> memref<2x128xi32, #tpu.memory_space<hbm>>
          %dma_start3A_190 = arith.constant 0 : i32
          %dma_start3A_191 = arith.constant 0 : i32
          %dma_start3A_192 = tpu.memref_slice %arg5[%add3A, %add3A_170, %dma_start3A_190, %dma_start3A_191] : memref<32x82x2x128xi32, #tpu.memory_space<hbm>> -> memref<1x1x2x128xi32, #tpu.memory_space<hbm>>
          %dma_start3A_193 = tpu.memref_squeeze %dma_start3A_192 : memref<1x1x2x128xi32, #tpu.memory_space<hbm>> -> memref<2x128xi32, #tpu.memory_space<hbm>>
          tpu.enqueue_dma source(%dma_start3A_193 : memref<2x128xi32, #tpu.memory_space<hbm>>) target(%arg8 : memref<2x128xi32, #tpu.memory_space<vmem>>) target_semaphore(%run_scoped3A_185 : memref<!tpu.dma_semaphore, #tpu.memory_space<semaphore_mem>>)
          %dma_wait3A_194 = arith.constant 0 : i32
          %dma_wait3A_195 = arith.constant 0 : i32
          %dma_wait3A_196 = tpu.memref_slice %arg5[%add3A, %add3A_170, %dma_wait3A_194, %dma_wait3A_195] : memref<32x82x2x128xi32, #tpu.memory_space<hbm>> -> memref<1x1x2x128xi32, #tpu.memory_space<hbm>>
          %dma_wait3A_197 = tpu.memref_squeeze %dma_wait3A_196 : memref<1x1x2x128xi32, #tpu.memory_space<hbm>> -> memref<2x128xi32, #tpu.memory_space<hbm>>
          %dma_wait3A_198 = arith.constant 0 : i32
          %dma_wait3A_199 = arith.constant 0 : i32
          %dma_wait3A_200 = tpu.memref_slice %arg5[%add3A, %add3A_170, %dma_wait3A_198, %dma_wait3A_199] : memref<32x82x2x128xi32, #tpu.memory_space<hbm>> -> memref<1x1x2x128xi32, #tpu.memory_space<hbm>>
          %dma_wait3A_201 = tpu.memref_squeeze %dma_wait3A_200 : memref<1x1x2x128xi32, #tpu.memory_space<hbm>> -> memref<2x128xi32, #tpu.memory_space<hbm>>
          tpu.wait_dma2 semaphore(%run_scoped3A_185 : memref<!tpu.dma_semaphore, #tpu.memory_space<semaphore_mem>>) src(%dma_wait3A_201 : memref<2x128xi32, #tpu.memory_space<hbm>>) dst(%arg8 : memref<2x128xi32, #tpu.memory_space<vmem>>)
          tpu.yield
        }) : () -> ()
        %dma_start3A_171 = arith.constant 0 : i32
        %dma_start3A_172 = arith.constant 0 : i32
        %dma_start3A_173 = tpu.memref_slice %arg8[%dma_start3A_171, %dma_start3A_172] : memref<2x128xi32, #tpu.memory_space<vmem>> -> memref<1x128xi32, #tpu.memory_space<vmem>>
        %dma_start3A_174 = tpu.memref_squeeze %dma_start3A_173 : memref<1x128xi32, #tpu.memory_space<vmem>> -> memref<128xi32, #tpu.memory_space<vmem>>
        %dma_start3A_175 = arith.constant 0 : i32
        %dma_start3A_176 = arith.constant 0 : i32
        %dma_start3A_177 = tpu.memref_slice %arg2[%dma_start3A_175, %dma_start3A_176] : memref<10112x16xf32, #tpu.memory_space<hbm>> -> memref<10112x16xf32, #tpu.memory_space<hbm>>
        tpu.enqueue_indirect_dma source(%dma_start3A_177 : memref<10112x16xf32, #tpu.memory_space<hbm>>) target(%arg10 : memref<128x16xf32, #tpu.memory_space<vmem>>) offsets(%dma_start3A_174 : memref<128xi32, #tpu.memory_space<vmem>>) semaphore(%arg18 : memref<!tpu.dma_semaphore, #tpu.memory_space<semaphore_mem>>)
        %dma_start3A_178 = arith.constant 1 : i32
        %dma_start3A_179 = arith.constant 0 : i32
        %dma_start3A_180 = tpu.memref_slice %arg8[%dma_start3A_178, %dma_start3A_179] : memref<2x128xi32, #tpu.memory_space<vmem>> -> memref<1x128xi32, #tpu.memory_space<vmem>>
        %dma_start3A_181 = tpu.memref_squeeze %dma_start3A_180 : memref<1x128xi32, #tpu.memory_space<vmem>> -> memref<128xi32, #tpu.memory_space<vmem>>
        %dma_start3A_182 = arith.constant 0 : i32
        %dma_start3A_183 = arith.constant 0 : i32
        %dma_start3A_184 = tpu.memref_slice %arg3[%dma_start3A_182, %dma_start3A_183] : memref<10112x16xf32, #tpu.memory_space<hbm>> -> memref<10112x16xf32, #tpu.memory_space<hbm>>
        tpu.enqueue_indirect_dma source(%dma_start3A_184 : memref<10112x16xf32, #tpu.memory_space<hbm>>) target(%arg12 : memref<128x16xf32, #tpu.memory_space<vmem>>) offsets(%dma_start3A_181 : memref<128xi32, #tpu.memory_space<vmem>>) semaphore(%arg20 : memref<!tpu.dma_semaphore, #tpu.memory_space<semaphore_mem>>)
      } else {
      }
      %dma_wait3A_129 = arith.constant 0 : i32
      %dma_wait3A_130 = arith.constant 0 : i32
      %dma_wait3A_131 = tpu.memref_slice %arg9[%dma_wait3A_129, %dma_wait3A_130] : memref<2x128xi32, #tpu.memory_space<vmem>> -> memref<1x128xi32, #tpu.memory_space<vmem>>
      %dma_wait3A_132 = tpu.memref_squeeze %dma_wait3A_131 : memref<1x128xi32, #tpu.memory_space<vmem>> -> memref<128xi32, #tpu.memory_space<vmem>>
      %dma_wait3A_133 = arith.constant 0 : i32
      %dma_wait3A_134 = arith.constant 0 : i32
      %dma_wait3A_135 = tpu.memref_slice %arg2[%dma_wait3A_133, %dma_wait3A_134] : memref<10112x16xf32, #tpu.memory_space<hbm>> -> memref<10112x16xf32, #tpu.memory_space<hbm>>
      tpu.wait_indirect_dma semaphore(%arg19 : memref<!tpu.dma_semaphore, #tpu.memory_space<semaphore_mem>>) src(%dma_wait3A_135 : memref<10112x16xf32, #tpu.memory_space<hbm>>) dst(%arg11 : memref<128x16xf32, #tpu.memory_space<vmem>>)
      %dma_wait3A_136 = arith.constant 1 : i32
      %dma_wait3A_137 = arith.constant 0 : i32
      %dma_wait3A_138 = tpu.memref_slice %arg9[%dma_wait3A_136, %dma_wait3A_137] : memref<2x128xi32, #tpu.memory_space<vmem>> -> memref<1x128xi32, #tpu.memory_space<vmem>>
      %dma_wait3A_139 = tpu.memref_squeeze %dma_wait3A_138 : memref<1x128xi32, #tpu.memory_space<vmem>> -> memref<128xi32, #tpu.memory_space<vmem>>
      %dma_wait3A_140 = arith.constant 0 : i32
      %dma_wait3A_141 = arith.constant 0 : i32
      %dma_wait3A_142 = tpu.memref_slice %arg3[%dma_wait3A_140, %dma_wait3A_141] : memref<10112x16xf32, #tpu.memory_space<hbm>> -> memref<10112x16xf32, #tpu.memory_space<hbm>>
      tpu.wait_indirect_dma semaphore(%arg21 : memref<!tpu.dma_semaphore, #tpu.memory_space<semaphore_mem>>) src(%dma_wait3A_142 : memref<10112x16xf32, #tpu.memory_space<hbm>>) dst(%arg13 : memref<128x16xf32, #tpu.memory_space<vmem>>)
      %scan3A_143 = arith.constant 0 : i32
      %scan3A_144 = arith.constant 0 : i32
      %scan3A_145 = arith.constant 128 : i32
      %scan3A_146 = arith.addi %scan3A_144, %scan3A_145 : i32
      %scan3A_147 = arith.constant 1 : i32
      %scan3A_148 = scf.for %scan3A_169 = %scan3A_144 to %scan3A_146 step %scan3A_147 iter_args(%scan3A_170 = %scan3A_143) -> (i32)  : i32 {
        %get3A_171 = arith.index_cast %scan3A_169 : i32 to index
        %get3A_172 = arith.constant 0 : index
        %get3A_173 = tpu.vector_load %arg11[%get3A_171, %get3A_172] {strides = array<i32>} : memref<128x16xf32, #tpu.memory_space<vmem>>, vector<1x16xf32>,
        %get3A_174 = vector.shape_cast %get3A_173 : vector<1x16xf32> to vector<16xf32>
        %get3A_175 = arith.index_cast %scan3A_169 : i32 to index
        %get3A_176 = arith.constant 0 : index
        %get3A_177 = tpu.vector_load %arg13[%get3A_175, %get3A_176] {strides = array<i32>} : memref<128x16xf32, #tpu.memory_space<vmem>>, vector<1x16xf32>,
        %get3A_178 = vector.shape_cast %get3A_177 : vector<1x16xf32> to vector<16xf32>
        %add3A_179 = arith.addf %get3A_174, %get3A_178 : vector<16xf32>
        %mul3A_180 = arith.constant 2.000000e-01 : f32
        %mul3A_181 = vector.broadcast %mul3A_180 : f32 to vector<16xf32>
        %mul3A_182 = arith.mulf %mul3A_181, %add3A_179 : vector<16xf32>
        %max3A = arith.maximumf %add3A_179, %mul3A_182 : vector<16xf32>
        %sub3A_183 = arith.subf %max3A, %get3A_26 : vector<16xf32>
        %exp3A = math.exp %sub3A_183 : vector<16xf32>
        %jit3A = arith.constant 1.000000e+00 : f32
        %broadcast_in_dim3A_184 = vector.broadcast %jit3A : f32 to vector<16xf32>
        %select_n3A = arith.select %eq3A_28, %broadcast_in_dim3A_184, %exp3A : vector<16xi1>, vector<16xf32>
        %swap3A = arith.index_cast %scan3A_169 : i32 to index
        %swap3A_185 = arith.constant 0 : index
        %swap3A_186 = tpu.vector_load %arg15[%swap3A, %swap3A_185] {strides = array<i32>} : memref<128x16xf32, #tpu.memory_space<vmem>>, vector<1x16xf32>,
        %swap3A_187 = vector.shape_cast %swap3A_186 : vector<1x16xf32> to vector<16xf32>
        %swap3A_188 = vector.shape_cast %select_n3A : vector<16xf32> to vector<1x16xf32>
        tpu.vector_store %arg15[%swap3A, %swap3A_185], %swap3A_188 {strides = array<i32>} : memref<128x16xf32, #tpu.memory_space<vmem>>, vector<1x16xf32>,
        %scan3A_189 = arith.constant 0 : i32
        scf.yield %scan3A_189 : i32
      }
      %scan3A_149 = arith.constant 128 : i32
      %mul3A_150 = arith.constant 82 : i32
      %mul3A_151 = arith.muli %add3A, %mul3A_150 : i32
      %add3A_152 = arith.addi %mul3A_151, %add3A_116 : i32
      %dma_start3A_153 = arith.constant 0 : i32
      %dma_start3A_154 = arith.constant 0 : i32
      %dma_start3A_155 = tpu.memref_slice %arg6[%add3A_152, %dma_start3A_153, %dma_start3A_154] : memref<2624x128x16xf32, #tpu.memory_space<hbm>> -> memref<1x128x16xf32, #tpu.memory_space<hbm>>
      %dma_start3A_156 = tpu.memref_squeeze %dma_start3A_155 : memref<1x128x16xf32, #tpu.memory_space<hbm>> -> memref<128x16xf32, #tpu.memory_space<hbm>>
      %dma_start3A_157 = arith.constant 0 : i32
      %dma_start3A_158 = arith.constant 0 : i32
      %dma_start3A_159 = tpu.memref_slice %arg6[%add3A_152, %dma_start3A_157, %dma_start3A_158] : memref<2624x128x16xf32, #tpu.memory_space<hbm>> -> memref<1x128x16xf32, #tpu.memory_space<hbm>>
      %dma_start3A_160 = tpu.memref_squeeze %dma_start3A_159 : memref<1x128x16xf32, #tpu.memory_space<hbm>> -> memref<128x16xf32, #tpu.memory_space<hbm>>
      tpu.enqueue_dma source(%arg15 : memref<128x16xf32, #tpu.memory_space<vmem>>) target(%dma_start3A_160 : memref<128x16xf32, #tpu.memory_space<hbm>>) target_semaphore(%arg23 : memref<!tpu.dma_semaphore, #tpu.memory_space<semaphore_mem>>)
      %dma_start3A_161 = arith.constant 1 : i32
      %dma_start3A_162 = arith.constant 0 : i32
      %dma_start3A_163 = tpu.memref_slice %arg9[%dma_start3A_161, %dma_start3A_162] : memref<2x128xi32, #tpu.memory_space<vmem>> -> memref<1x128xi32, #tpu.memory_space<vmem>>
      %dma_start3A_164 = tpu.memref_squeeze %dma_start3A_163 : memref<1x128xi32, #tpu.memory_space<vmem>> -> memref<128xi32, #tpu.memory_space<vmem>>
      %dma_start3A_165 = arith.constant 0 : i32
      %dma_start3A_166 = arith.constant 0 : i32
      %dma_start3A_167 = tpu.memref_slice %arg26[%dma_start3A_165, %dma_start3A_166] : memref<10112x16xf32, #tpu.memory_space<vmem_shared>> -> memref<10112x16xf32, #tpu.memory_space<vmem_shared>>
      tpu.enqueue_indirect_dma source(%arg15 : memref<128x16xf32, #tpu.memory_space<vmem>>) target(%dma_start3A_167 : memref<10112x16xf32, #tpu.memory_space<vmem_shared>>) offsets(%dma_start3A_164 : memref<128xi32, #tpu.memory_space<vmem>>) semaphore(%arg25 : memref<!tpu.dma_semaphore, #tpu.memory_space<semaphore_mem>>) {add = true}
      %scan3A_168 = arith.constant 0 : i32
      scf.yield %scan3A_168 : i32
    }
    %scan3A_35 = arith.constant 41 : i32
    %mul3A_36 = arith.constant 82 : i32
    %mul3A_37 = arith.muli %add3A, %mul3A_36 : i32
    %add3A_38 = arith.constant 82 : i32
    %add3A_39 = arith.addi %mul3A_37, %add3A_38 : i32
    %sub3A = arith.constant 1 : i32
    %sub3A_40 = arith.subi %add3A_39, %sub3A : i32
    %dma_wait3A = arith.constant 0 : i32
    %dma_wait3A_41 = arith.constant 0 : i32
    %dma_wait3A_42 = tpu.memref_slice %arg6[%sub3A_40, %dma_wait3A, %dma_wait3A_41] : memref<2624x128x16xf32, #tpu.memory_space<hbm>> -> memref<1x128x16xf32, #tpu.memory_space<hbm>>
    %dma_wait3A_43 = tpu.memref_squeeze %dma_wait3A_42 : memref<1x128x16xf32, #tpu.memory_space<hbm>> -> memref<128x16xf32, #tpu.memory_space<hbm>>
    %dma_wait3A_44 = arith.constant 0 : i32
    %dma_wait3A_45 = arith.constant 0 : i32
    %dma_wait3A_46 = tpu.memref_slice %arg6[%sub3A_40, %dma_wait3A_44, %dma_wait3A_45] : memref<2624x128x16xf32, #tpu.memory_space<hbm>> -> memref<1x128x16xf32, #tpu.memory_space<hbm>>
    %dma_wait3A_47 = tpu.memref_squeeze %dma_wait3A_46 : memref<1x128x16xf32, #tpu.memory_space<hbm>> -> memref<128x16xf32, #tpu.memory_space<hbm>>
    tpu.wait_dma2 semaphore(%arg23 : memref<!tpu.dma_semaphore, #tpu.memory_space<semaphore_mem>>) src(%arg15 : memref<128x16xf32, #tpu.memory_space<vmem>>) dst(%dma_wait3A_47 : memref<128x16xf32, #tpu.memory_space<hbm>>)
    %dma_wait3A_48 = arith.constant 1 : i32
    %dma_wait3A_49 = arith.constant 0 : i32
    %dma_wait3A_50 = tpu.memref_slice %arg9[%dma_wait3A_48, %dma_wait3A_49] : memref<2x128xi32, #tpu.memory_space<vmem>> -> memref<1x128xi32, #tpu.memory_space<vmem>>
    %dma_wait3A_51 = tpu.memref_squeeze %dma_wait3A_50 : memref<1x128xi32, #tpu.memory_space<vmem>> -> memref<128xi32, #tpu.memory_space<vmem>>
    %dma_wait3A_52 = arith.constant 0 : i32
    %dma_wait3A_53 = arith.constant 0 : i32
    %dma_wait3A_54 = tpu.memref_slice %arg26[%dma_wait3A_52, %dma_wait3A_53] : memref<10112x16xf32, #tpu.memory_space<vmem_shared>> -> memref<10112x16xf32, #tpu.memory_space<vmem_shared>>
    tpu.wait_indirect_dma semaphore(%arg25 : memref<!tpu.dma_semaphore, #tpu.memory_space<semaphore_mem>>) src(%arg15 : memref<128x16xf32, #tpu.memory_space<vmem>>) dst(%dma_wait3A_54 : memref<10112x16xf32, #tpu.memory_space<vmem_shared>>)
    %barrier3A_55 = arith.constant 0 : index
    tpu.barrier barrier_id(%barrier3A_55)
    %mul3A_56 = arith.constant 632 : i32
    %mul3A_57 = arith.muli %arg1, %mul3A_56 : i32
    "tpu.region"() ({
      %run_scoped3A_60 = tpu.sem_alloc : memref<!tpu.dma_semaphore, #tpu.memory_space<semaphore_mem>>
      %dma_start3A_61 = arith.constant 0 : i32
      %dma_start3A_62 = tpu.memref_slice %arg26[%mul3A_57, %dma_start3A_61] : memref<10112x16xf32, #tpu.memory_space<vmem_shared>> -> memref<632x16xf32, #tpu.memory_space<vmem_shared>>
      %dma_start3A_63 = arith.constant 0 : i32
      %dma_start3A_64 = tpu.memref_slice %arg26[%mul3A_57, %dma_start3A_63] : memref<10112x16xf32, #tpu.memory_space<vmem_shared>> -> memref<632x16xf32, #tpu.memory_space<vmem_shared>>
      tpu.enqueue_dma source(%dma_start3A_64 : memref<632x16xf32, #tpu.memory_space<vmem_shared>>) target(%arg17 : memref<632x16xf32, #tpu.memory_space<vmem>>) target_semaphore(%run_scoped3A_60 : memref<!tpu.dma_semaphore, #tpu.memory_space<semaphore_mem>>)
      %dma_wait3A_65 = arith.constant 0 : i32
      %dma_wait3A_66 = tpu.memref_slice %arg26[%mul3A_57, %dma_wait3A_65] : memref<10112x16xf32, #tpu.memory_space<vmem_shared>> -> memref<632x16xf32, #tpu.memory_space<vmem_shared>>
      %dma_wait3A_67 = arith.constant 0 : i32
      %dma_wait3A_68 = tpu.memref_slice %arg26[%mul3A_57, %dma_wait3A_67] : memref<10112x16xf32, #tpu.memory_space<vmem_shared>> -> memref<632x16xf32, #tpu.memory_space<vmem_shared>>
      tpu.wait_dma2 semaphore(%run_scoped3A_60 : memref<!tpu.dma_semaphore, #tpu.memory_space<semaphore_mem>>) src(%dma_wait3A_68 : memref<632x16xf32, #tpu.memory_space<vmem_shared>>) dst(%arg17 : memref<632x16xf32, #tpu.memory_space<vmem>>)
      tpu.yield
    }) : () -> ()
    %mul3A_58 = arith.constant 632 : i32
    %mul3A_59 = arith.muli %arg1, %mul3A_58 : i32
    "tpu.region"() ({
      %run_scoped3A_60 = tpu.sem_alloc : memref<!tpu.dma_semaphore, #tpu.memory_space<semaphore_mem>>
      %dma_start3A_61 = arith.constant 0 : i32
      %dma_start3A_62 = tpu.memref_slice %arg7[%arg0, %mul3A_59, %dma_start3A_61] : memref<2x10112x16xf32, #tpu.memory_space<hbm>> -> memref<1x632x16xf32, #tpu.memory_space<hbm>>
      %dma_start3A_63 = tpu.memref_squeeze %dma_start3A_62 : memref<1x632x16xf32, #tpu.memory_space<hbm>> -> memref<632x16xf32, #tpu.memory_space<hbm>>
      %dma_start3A_64 = arith.constant 0 : i32
      %dma_start3A_65 = tpu.memref_slice %arg7[%arg0, %mul3A_59, %dma_start3A_64] : memref<2x10112x16xf32, #tpu.memory_space<hbm>> -> memref<1x632x16xf32, #tpu.memory_space<hbm>>
      %dma_start3A_66 = tpu.memref_squeeze %dma_start3A_65 : memref<1x632x16xf32, #tpu.memory_space<hbm>> -> memref<632x16xf32, #tpu.memory_space<hbm>>
      tpu.enqueue_dma source(%arg17 : memref<632x16xf32, #tpu.memory_space<vmem>>) target(%dma_start3A_66 : memref<632x16xf32, #tpu.memory_space<hbm>>) target_semaphore(%run_scoped3A_60 : memref<!tpu.dma_semaphore, #tpu.memory_space<semaphore_mem>>)
      %dma_wait3A_67 = arith.constant 0 : i32
      %dma_wait3A_68 = tpu.memref_slice %arg7[%arg0, %mul3A_59, %dma_wait3A_67] : memref<2x10112x16xf32, #tpu.memory_space<hbm>> -> memref<1x632x16xf32, #tpu.memory_space<hbm>>
      %dma_wait3A_69 = tpu.memref_squeeze %dma_wait3A_68 : memref<1x632x16xf32, #tpu.memory_space<hbm>> -> memref<632x16xf32, #tpu.memory_space<hbm>>
      %dma_wait3A_70 = arith.constant 0 : i32
      %dma_wait3A_71 = tpu.memref_slice %arg7[%arg0, %mul3A_59, %dma_wait3A_70] : memref<2x10112x16xf32, #tpu.memory_space<hbm>> -> memref<1x632x16xf32, #tpu.memory_space<hbm>>
      %dma_wait3A_72 = tpu.memref_squeeze %dma_wait3A_71 : memref<1x632x16xf32, #tpu.memory_space<hbm>> -> memref<632x16xf32, #tpu.memory_space<hbm>>
      tpu.wait_dma2 semaphore(%run_scoped3A_60 : memref<!tpu.dma_semaphore, #tpu.memory_space<semaphore_mem>>) src(%arg17 : memref<632x16xf32, #tpu.memory_space<vmem>>) dst(%dma_wait3A_72 : memref<632x16xf32, #tpu.memory_space<hbm>>)
      tpu.yield
    }) : () -> ()
    return
  }
}

module attributes {stable_mosaic.version = 14 : i64} {
  func.func @_k0_body(%arg0: memref<10112x128xf32, #tpu.memory_space<vmem>>, %arg1: memref<128x128xf32, #tpu.memory_space<vmem>>, %arg2: memref<128x16xf32, #tpu.memory_space<vmem>>, %arg3: memref<128x16xf32, #tpu.memory_space<vmem>>, %arg4: memref<2x10112x64xf32, #tpu.memory_space<vmem>>, %arg5: memref<10112x16xf32, #tpu.memory_space<vmem>>, %arg6: memref<10112x16xf32, #tpu.memory_space<vmem>>, %arg7: memref<1x16xf32, #tpu.memory_space<vmem>>) attributes {dimension_semantics = [], scalar_prefetch = 0 : i64, scratch_operands = 0 : i64, tpu.core_type = #tpu.core_type<tc>} {
    %get3A = arith.constant 0 : index
    %get3A_0 = arith.constant 0 : index
    %get3A_1 = vector.load %arg0[%get3A, %get3A_0] : memref<10112x128xf32, #tpu.memory_space<vmem>>, vector<10112x128xf32>
    %get3A_2 = arith.constant 0 : index
    %get3A_3 = arith.constant 0 : index
    %get3A_4 = vector.load %arg1[%get3A_2, %get3A_3] : memref<128x128xf32, #tpu.memory_space<vmem>>, vector<128x128xf32>
    %dot_general3A = arith.constant dense<0.000000e+00> : vector<10112x128xf32>
    %dot_general3A_5 = tpu.matmul %get3A_1, %get3A_4, %dot_general3A {dimension_numbers = #tpu.dot_dimension_numbers<[1], [0], [0], [1], [0, 0, 1, 1], [], []>, transpose_lhs_hint = false} : vector<10112x128xf32>, vector<128x128xf32>, vector<10112x128xf32> -> vector<10112x128xf32>
    %slice3A = vector.extract_strided_slice %dot_general3A_5 {offsets = [0, 0], sizes = [10112, 64], strides = [1, 1]} : vector<10112x128xf32> to vector<10112x64xf32>
    %swap3A = arith.constant 0 : index
    %swap3A_6 = arith.constant 0 : index
    %swap3A_7 = arith.constant 0 : index
    %swap3A_8 = vector.load %arg4[%swap3A, %swap3A_6, %swap3A_7] : memref<2x10112x64xf32, #tpu.memory_space<vmem>>, vector<1x10112x64xf32>
    %swap3A_9 = vector.shape_cast %swap3A_8 : vector<1x10112x64xf32> to vector<10112x64xf32>
    %swap3A_10 = vector.shape_cast %slice3A : vector<10112x64xf32> to vector<1x10112x64xf32>
    tpu.vector_store %arg4[%swap3A, %swap3A_6, %swap3A_7], %swap3A_10 {strides = array<i32>} : memref<2x10112x64xf32, #tpu.memory_space<vmem>>, vector<1x10112x64xf32>,
    %slice3A_11 = vector.extract_strided_slice %dot_general3A_5 {offsets = [0, 64], sizes = [10112, 64], strides = [1, 1]} : vector<10112x128xf32> to vector<10112x64xf32>
    %swap3A_12 = arith.constant 1 : index
    %swap3A_13 = arith.constant 0 : index
    %swap3A_14 = arith.constant 0 : index
    %swap3A_15 = vector.load %arg4[%swap3A_12, %swap3A_13, %swap3A_14] : memref<2x10112x64xf32, #tpu.memory_space<vmem>>, vector<1x10112x64xf32>
    %swap3A_16 = vector.shape_cast %swap3A_15 : vector<1x10112x64xf32> to vector<10112x64xf32>
    %swap3A_17 = vector.shape_cast %slice3A_11 : vector<10112x64xf32> to vector<1x10112x64xf32>
    tpu.vector_store %arg4[%swap3A_12, %swap3A_13, %swap3A_14], %swap3A_17 {strides = array<i32>} : memref<2x10112x64xf32, #tpu.memory_space<vmem>>, vector<1x10112x64xf32>,
    %get3A_18 = arith.constant 0 : index
    %get3A_19 = arith.constant 0 : index
    %get3A_20 = vector.load %arg2[%get3A_18, %get3A_19] : memref<128x16xf32, #tpu.memory_space<vmem>>, vector<128x16xf32>
    %dot_general3A_21 = arith.constant dense<0.000000e+00> : vector<10112x16xf32>
    %dot_general3A_22 = tpu.matmul %dot_general3A_5, %get3A_20, %dot_general3A_21 {dimension_numbers = #tpu.dot_dimension_numbers<[1], [0], [0], [1], [0, 0, 1, 1], [], []>, transpose_lhs_hint = false} : vector<10112x128xf32>, vector<128x16xf32>, vector<10112x16xf32> -> vector<10112x16xf32>
    %get3A_23 = arith.constant 0 : index
    %get3A_24 = arith.constant 0 : index
    %get3A_25 = vector.load %arg3[%get3A_23, %get3A_24] : memref<128x16xf32, #tpu.memory_space<vmem>>, vector<128x16xf32>
    %dot_general3A_26 = arith.constant dense<0.000000e+00> : vector<10112x16xf32>
    %dot_general3A_27 = tpu.matmul %dot_general3A_5, %get3A_25, %dot_general3A_26 {dimension_numbers = #tpu.dot_dimension_numbers<[1], [0], [0], [1], [0, 0, 1, 1], [], []>, transpose_lhs_hint = false} : vector<10112x128xf32>, vector<128x16xf32>, vector<10112x16xf32> -> vector<10112x16xf32>
    %swap3A_28 = arith.constant 0 : index
    %swap3A_29 = arith.constant 0 : index
    %swap3A_30 = vector.load %arg5[%swap3A_28, %swap3A_29] : memref<10112x16xf32, #tpu.memory_space<vmem>>, vector<10112x16xf32>
    tpu.vector_store %arg5[%swap3A_28, %swap3A_29], %dot_general3A_22 {strides = array<i32>} : memref<10112x16xf32, #tpu.memory_space<vmem>>, vector<10112x16xf32>,
    %swap3A_31 = arith.constant 0 : index
    %swap3A_32 = arith.constant 0 : index
    %swap3A_33 = vector.load %arg6[%swap3A_31, %swap3A_32] : memref<10112x16xf32, #tpu.memory_space<vmem>>, vector<10112x16xf32>
    tpu.vector_store %arg6[%swap3A_31, %swap3A_32], %dot_general3A_27 {strides = array<i32>} : memref<10112x16xf32, #tpu.memory_space<vmem>>, vector<10112x16xf32>,
    %reduce_max3A = arith.constant dense<0xFF800000> : vector<16xf32>
    %reduce_max3A_34 = vector.multi_reduction <maximumf>, %dot_general3A_22, %reduce_max3A [0] : vector<10112x16xf32> to vector<16xf32>
    %broadcast_in_dim3A = vector.shape_cast %reduce_max3A_34 : vector<16xf32> to vector<1x16xf32>
    %reduce_max3A_35 = arith.constant dense<0xFF800000> : vector<16xf32>
    %reduce_max3A_36 = vector.multi_reduction <maximumf>, %dot_general3A_27, %reduce_max3A_35 [0] : vector<10112x16xf32> to vector<16xf32>
    %broadcast_in_dim3A_37 = vector.shape_cast %reduce_max3A_36 : vector<16xf32> to vector<1x16xf32>
    %add3A = arith.addf %broadcast_in_dim3A, %broadcast_in_dim3A_37 : vector<1x16xf32>
    %mul3A = arith.constant 2.000000e-01 : f32
    %mul3A_38 = vector.broadcast %mul3A : f32 to vector<1x16xf32>
    %mul3A_39 = arith.mulf %mul3A_38, %add3A : vector<1x16xf32>
    %max3A = arith.maximumf %add3A, %mul3A_39 : vector<1x16xf32>
    %iota3A = tpu.iota {dimensions = array<i32: 1>} : vector<1x16xi32>
    %lt3A = arith.constant 8 : i32
    %lt3A_40 = vector.broadcast %lt3A : i32 to vector<1x16xi32>
    %lt3A_41 = arith.cmpi slt, %iota3A, %lt3A_40 : vector<1x16xi32>
    %jit3A = arith.constant 1.000000e+09 : f32
    %broadcast_in_dim3A_42 = vector.broadcast %jit3A : f32 to vector<1x16xf32>
    %select_n3A = arith.select %lt3A_41, %max3A, %broadcast_in_dim3A_42 : vector<1x16xi1>, vector<1x16xf32>
    %swap3A_43 = arith.constant 0 : index
    %swap3A_44 = arith.constant 0 : index
    %swap3A_45 = vector.load %arg7[%swap3A_43, %swap3A_44] : memref<1x16xf32, #tpu.memory_space<vmem>>, vector<1x16xf32>
    tpu.vector_store %arg7[%swap3A_43, %swap3A_44], %select_n3A {strides = array<i32>} : memref<1x16xf32, #tpu.memory_space<vmem>>, vector<1x16xf32>,
    return
  }
}

module attributes {stable_mosaic.version = 14 : i64} {
  func.func @_kd_body(%arg0: memref<2x10112x64xf32, #tpu.memory_space<vmem>>, %arg1: memref<2x10112x16xf32, #tpu.memory_space<vmem>>, %arg2: memref<128x128xf32, #tpu.memory_space<vmem>>, %arg3: memref<16x128xf32, #tpu.memory_space<vmem>>, %arg4: memref<16x128xf32, #tpu.memory_space<vmem>>, %arg5: memref<2x10112x64xf32, #tpu.memory_space<vmem>>) attributes {dimension_semantics = [], scalar_prefetch = 0 : i64, scratch_operands = 0 : i64, tpu.core_type = #tpu.core_type<tc>} {
    %get3A = arith.constant 0 : index
    %get3A_0 = arith.constant 0 : index
    %get3A_1 = arith.constant 0 : index
    %get3A_2 = vector.load %arg0[%get3A, %get3A_0, %get3A_1] : memref<2x10112x64xf32, #tpu.memory_space<vmem>>, vector<1x10112x64xf32>
    %get3A_3 = vector.shape_cast %get3A_2 : vector<1x10112x64xf32> to vector<10112x64xf32>
    %get3A_4 = arith.constant 1 : index
    %get3A_5 = arith.constant 0 : index
    %get3A_6 = arith.constant 0 : index
    %get3A_7 = vector.load %arg0[%get3A_4, %get3A_5, %get3A_6] : memref<2x10112x64xf32, #tpu.memory_space<vmem>>, vector<1x10112x64xf32>
    %get3A_8 = vector.shape_cast %get3A_7 : vector<1x10112x64xf32> to vector<10112x64xf32>
    %concatenate3A = tpu.concatenate %get3A_3, %get3A_8 in 1 : vector<10112x64xf32>, vector<10112x64xf32> -> vector<10112x128xf32>
    %get3A_9 = arith.constant 0 : index
    %get3A_10 = arith.constant 0 : index
    %get3A_11 = arith.constant 0 : index
    %get3A_12 = vector.load %arg1[%get3A_9, %get3A_10, %get3A_11] : memref<2x10112x16xf32, #tpu.memory_space<vmem>>, vector<1x10112x16xf32>
    %get3A_13 = vector.shape_cast %get3A_12 : vector<1x10112x16xf32> to vector<10112x16xf32>
    %get3A_14 = arith.constant 1 : index
    %get3A_15 = arith.constant 0 : index
    %get3A_16 = arith.constant 0 : index
    %get3A_17 = vector.load %arg1[%get3A_14, %get3A_15, %get3A_16] : memref<2x10112x16xf32, #tpu.memory_space<vmem>>, vector<1x10112x16xf32>
    %get3A_18 = vector.shape_cast %get3A_17 : vector<1x10112x16xf32> to vector<10112x16xf32>
    %add3A = arith.addf %get3A_13, %get3A_18 : vector<10112x16xf32>
    %get3A_19 = arith.constant 0 : index
    %get3A_20 = arith.constant 0 : index
    %get3A_21 = vector.load %arg3[%get3A_19, %get3A_20] : memref<16x128xf32, #tpu.memory_space<vmem>>, vector<16x128xf32>
    %dot_general3A = arith.constant dense<0.000000e+00> : vector<10112x128xf32>
    %dot_general3A_22 = tpu.matmul %add3A, %get3A_21, %dot_general3A {dimension_numbers = #tpu.dot_dimension_numbers<[1], [0], [0], [1], [0, 0, 1, 1], [], []>, transpose_lhs_hint = false} : vector<10112x16xf32>, vector<16x128xf32>, vector<10112x128xf32> -> vector<10112x128xf32>
    %get3A_23 = arith.constant 0 : index
    %get3A_24 = arith.constant 0 : index
    %get3A_25 = vector.load %arg4[%get3A_23, %get3A_24] : memref<16x128xf32, #tpu.memory_space<vmem>>, vector<16x128xf32>
    %dot_general3A_26 = arith.constant dense<0.000000e+00> : vector<10112x128xf32>
    %dot_general3A_27 = tpu.matmul %add3A, %get3A_25, %dot_general3A_26 {dimension_numbers = #tpu.dot_dimension_numbers<[1], [0], [0], [1], [0, 0, 1, 1], [], []>, transpose_lhs_hint = false} : vector<10112x16xf32>, vector<16x128xf32>, vector<10112x128xf32> -> vector<10112x128xf32>
    %add3A_28 = arith.constant 1.000000e-16 : f32
    %add3A_29 = vector.broadcast %add3A_28 : f32 to vector<10112x128xf32>
    %add3A_30 = arith.addf %dot_general3A_22, %add3A_29 : vector<10112x128xf32>
    %div3A = arith.divf %concatenate3A, %add3A_30 : vector<10112x128xf32>
    %gt3A = arith.constant 0.000000e+00 : f32
    %gt3A_31 = vector.broadcast %gt3A : f32 to vector<10112x128xf32>
    %gt3A_32 = arith.cmpf ogt, %dot_general3A_27, %gt3A_31 : vector<10112x128xf32>
    %rsqrt3A = math.rsqrt %dot_general3A_27 : vector<10112x128xf32>
    %jit3A = arith.constant 0.000000e+00 : f32
    %broadcast_in_dim3A = vector.broadcast %jit3A : f32 to vector<10112x128xf32>
    %select_n3A = arith.select %gt3A_32, %rsqrt3A, %broadcast_in_dim3A : vector<10112x128xi1>, vector<10112x128xf32>
    %get3A_33 = arith.constant 0 : index
    %get3A_34 = arith.constant 0 : index
    %get3A_35 = vector.load %arg2[%get3A_33, %get3A_34] : memref<128x128xf32, #tpu.memory_space<vmem>>, vector<128x128xf32>
    %dot_general3A_36 = arith.constant dense<0.000000e+00> : vector<10112x128xf32>
    %dot_general3A_37 = tpu.matmul %div3A, %get3A_35, %dot_general3A_36 {dimension_numbers = #tpu.dot_dimension_numbers<[1], [0], [0], [1], [0, 0, 1, 1], [], []>, transpose_lhs_hint = false} : vector<10112x128xf32>, vector<128x128xf32>, vector<10112x128xf32> -> vector<10112x128xf32>
    %mul3A = arith.mulf %select_n3A, %dot_general3A_37 : vector<10112x128xf32>
    %slice3A = vector.extract_strided_slice %mul3A {offsets = [0, 0], sizes = [10112, 64], strides = [1, 1]} : vector<10112x128xf32> to vector<10112x64xf32>
    %swap3A = arith.constant 0 : index
    %swap3A_38 = arith.constant 0 : index
    %swap3A_39 = arith.constant 0 : index
    %swap3A_40 = vector.load %arg5[%swap3A, %swap3A_38, %swap3A_39] : memref<2x10112x64xf32, #tpu.memory_space<vmem>>, vector<1x10112x64xf32>
    %swap3A_41 = vector.shape_cast %swap3A_40 : vector<1x10112x64xf32> to vector<10112x64xf32>
    %swap3A_42 = vector.shape_cast %slice3A : vector<10112x64xf32> to vector<1x10112x64xf32>
    tpu.vector_store %arg5[%swap3A, %swap3A_38, %swap3A_39], %swap3A_42 {strides = array<i32>} : memref<2x10112x64xf32, #tpu.memory_space<vmem>>, vector<1x10112x64xf32>,
    %slice3A_43 = vector.extract_strided_slice %mul3A {offsets = [0, 64], sizes = [10112, 64], strides = [1, 1]} : vector<10112x128xf32> to vector<10112x64xf32>
    %swap3A_44 = arith.constant 1 : index
    %swap3A_45 = arith.constant 0 : index
    %swap3A_46 = arith.constant 0 : index
    %swap3A_47 = vector.load %arg5[%swap3A_44, %swap3A_45, %swap3A_46] : memref<2x10112x64xf32, #tpu.memory_space<vmem>>, vector<1x10112x64xf32>
    %swap3A_48 = vector.shape_cast %swap3A_47 : vector<1x10112x64xf32> to vector<10112x64xf32>
    %swap3A_49 = vector.shape_cast %slice3A_43 : vector<10112x64xf32> to vector<1x10112x64xf32>
    tpu.vector_store %arg5[%swap3A_44, %swap3A_45, %swap3A_46], %swap3A_49 {strides = array<i32>} : memref<2x10112x64xf32, #tpu.memory_space<vmem>>, vector<1x10112x64xf32>,
    return
  }
}

module attributes {stable_mosaic.version = 14 : i64} {
  func.func @_ke_body(%arg0: memref<2x10112x64xf32, #tpu.memory_space<vmem>>, %arg1: memref<2x10112x16xf32, #tpu.memory_space<vmem>>, %arg2: memref<16x128xf32, #tpu.memory_space<vmem>>, %arg3: memref<10112x128xf32, #tpu.memory_space<vmem>>) attributes {dimension_semantics = [], scalar_prefetch = 0 : i64, scratch_operands = 0 : i64, tpu.core_type = #tpu.core_type<tc>} {
    %get3A = arith.constant 0 : index
    %get3A_0 = arith.constant 0 : index
    %get3A_1 = arith.constant 0 : index
    %get3A_2 = vector.load %arg1[%get3A, %get3A_0, %get3A_1] : memref<2x10112x16xf32, #tpu.memory_space<vmem>>, vector<1x10112x16xf32>
    %get3A_3 = vector.shape_cast %get3A_2 : vector<1x10112x16xf32> to vector<10112x16xf32>
    %get3A_4 = arith.constant 1 : index
    %get3A_5 = arith.constant 0 : index
    %get3A_6 = arith.constant 0 : index
    %get3A_7 = vector.load %arg1[%get3A_4, %get3A_5, %get3A_6] : memref<2x10112x16xf32, #tpu.memory_space<vmem>>, vector<1x10112x16xf32>
    %get3A_8 = vector.shape_cast %get3A_7 : vector<1x10112x16xf32> to vector<10112x16xf32>
    %add3A = arith.addf %get3A_3, %get3A_8 : vector<10112x16xf32>
    %get3A_9 = arith.constant 0 : index
    %get3A_10 = arith.constant 0 : index
    %get3A_11 = vector.load %arg2[%get3A_9, %get3A_10] : memref<16x128xf32, #tpu.memory_space<vmem>>, vector<16x128xf32>
    %dot_general3A = arith.constant dense<0.000000e+00> : vector<10112x128xf32>
    %dot_general3A_12 = tpu.matmul %add3A, %get3A_11, %dot_general3A {dimension_numbers = #tpu.dot_dimension_numbers<[1], [0], [0], [1], [0, 0, 1, 1], [], []>, transpose_lhs_hint = false} : vector<10112x16xf32>, vector<16x128xf32>, vector<10112x128xf32> -> vector<10112x128xf32>
    %gt3A = arith.constant 0.000000e+00 : f32
    %gt3A_13 = vector.broadcast %gt3A : f32 to vector<10112x128xf32>
    %gt3A_14 = arith.cmpf ogt, %dot_general3A_12, %gt3A_13 : vector<10112x128xf32>
    %rsqrt3A = math.rsqrt %dot_general3A_12 : vector<10112x128xf32>
    %jit3A = arith.constant 0.000000e+00 : f32
    %broadcast_in_dim3A = vector.broadcast %jit3A : f32 to vector<10112x128xf32>
    %select_n3A = arith.select %gt3A_14, %rsqrt3A, %broadcast_in_dim3A : vector<10112x128xi1>, vector<10112x128xf32>
    %get3A_15 = arith.constant 0 : index
    %get3A_16 = arith.constant 0 : index
    %get3A_17 = arith.constant 0 : index
    %get3A_18 = vector.load %arg0[%get3A_15, %get3A_16, %get3A_17] : memref<2x10112x64xf32, #tpu.memory_space<vmem>>, vector<1x10112x64xf32>
    %get3A_19 = vector.shape_cast %get3A_18 : vector<1x10112x64xf32> to vector<10112x64xf32>
    %get3A_20 = arith.constant 1 : index
    %get3A_21 = arith.constant 0 : index
    %get3A_22 = arith.constant 0 : index
    %get3A_23 = vector.load %arg0[%get3A_20, %get3A_21, %get3A_22] : memref<2x10112x64xf32, #tpu.memory_space<vmem>>, vector<1x10112x64xf32>
    %get3A_24 = vector.shape_cast %get3A_23 : vector<1x10112x64xf32> to vector<10112x64xf32>
    %concatenate3A = tpu.concatenate %get3A_19, %get3A_24 in 1 : vector<10112x64xf32>, vector<10112x64xf32> -> vector<10112x128xf32>
    %mul3A = arith.mulf %select_n3A, %concatenate3A : vector<10112x128xf32>
    %swap3A = arith.constant 0 : index
    %swap3A_25 = arith.constant 0 : index
    %swap3A_26 = vector.load %arg3[%swap3A, %swap3A_25] : memref<10112x128xf32, #tpu.memory_space<vmem>>, vector<10112x128xf32>
    tpu.vector_store %arg3[%swap3A, %swap3A_25], %mul3A {strides = array<i32>} : memref<10112x128xf32, #tpu.memory_space<vmem>>, vector<10112x128xf32>,
    return
  }
}

</mosaic_0001>

<sc_bundles>
// kernel: kernel.11.cloned.1.call-start
scs
__scs_entry_jumppad:
0x0: {  	(pc) =	sbr.rel $0x88, $3  }
0x1: {  	(tag) =	ssettag $0x0;
	lr =	simm.s32 $0x1  }
0x2: {  	[smem:$0x3F9B] =	sst lr;
	_ =	strace $0xD0000000  }
0x3: {  	_ = 	snop  }
0x4: {  	_ = 	snop  }
0x5: {  	_ = 	snop  }
0x6: {  	_ = 	snop  }
0x7: {  	_ = 	snop  }
__scs_overlays_trampoline_lowered:
0x8: {  	[smem:$0x3FAA] =	sst s0  }
0x9: {  	[smem:$0x3FAB] =	sst s1  }
0xa: {  	[smem:$0x3FAC] =	sst s2  }
0xb: {  	[smem:$0x3FAD] =	sst s3  }
0xc: {  	[smem:$0x3FAE] =	sst s4  }
0xd: {  	[smem:$0x3FAF] =	sst s5  }
0xe: {  	[smem:$0x3FB0] =	sst s6  }
0xf: {  	[smem:$0x3FB1] =	sst s7  }
0x10: {  	[smem:$0x3FB2] =	sst s8  }
0x11: {  	[smem:$0x3FB3] =	sst s9;
	s0 =	simm.s32 @!p0 $0x0  }
0x12: {  	s1 =	sld [smem:$0x3F99];
	s0 =	simm.s32 @p0 $0x1  }
0x13: {  	[smem:$0x3FB4] =	sst s0;
	s0 =	simm.s32 @!p1 $0x0  }
0x14: {  	s2 =	sld [smem:$0x3F98];
	s0 =	simm.s32 @p1 $0x1  }
0x15: {  	[smem:$0x3FB5] =	sst s0;
	s0 =	simm.s32 @!p2 $0x0  }
0x16: {  	s3 =	sld [smem:$0x3FDB];
	s0 =	simm.s32 @p2 $0x1  }
0x17: {  	s4 =	simm.s32 $0x1BF5;
	[smem:$0x3FB7] =	sst s0  }
0x18: {  	s0 =	sld [smem:$0x3F9A];
	_ =	swait.ge [sflag:s4], $0x0  }
0x19: {  	s7 =	sld [smem:$0x3F9B]  }
0x1a: {  	s8 =	sadd.s32 $0xFFFFE003, lr  }
0x1b: {  	s9 =	sadd.s32 $0xFFFFFEF7, lr;
	s5 =	simm.s32 $0xFFFFFFFF;
	p2 =	slt.u32 s8, $0xFFFFF086  }
0x1c: {  	p1 =	slt.u32 s9, $0xF7A;
	s5 =	simm.s32 @!p2 $0x0  }
0x1d: {  	s5 =	simm.s32 @p1 $0x1;
	p0 =	seq.s32 s7, s2  }
0x1e: {  	s7 =	smul.u32 @!p0 $0xF7A, s2;
	p2 =	seq.s32 @!p0 s5, $0x0  }
0x1f: {  	s9 =	smul.u32 $0xF7A, s1;
	s8 =	simm.s32 @!p0 $0x1BF5;
	p2 =	por !p2, p0  }
0x20: {  	[sflag:s8] =	ssyncset.s32 @!p0 $0xFFFFF086;
	s6 =	sadd.s32 @!p0 s3, s7;
	s7 =	simm.s32 @!p0 $0x108  }
0x21: {  	s3 =	sadd.s32 s3, s9;
	s6 =	sadd.s32 @!p0 $0x88, s6;
	s7 =	simm.s32 @p2 $0x1082  }
0x22: {  	[simem:s7], [sflag:s8] =	dma.local @!p0 [hbm:s6], $0xF7A  }
0x23: {  	s9 =	sor.u32 $0xD0000000, s2;
	s6 =	simm.s32 $0x108;
	_ =	swait.ge @!p0 [sflag:s8], $0x0  }
0x24: {  	s3 =	sadd.s32 $0x88, s3;
	s6 =	simm.s32 @!p1 $0x1082;
	[sflag:s4] =	ssyncset.s32 $0xFFFFF086  }
0x25: {  	[simem:s6], [sflag:s4] =	dma.local [hbm:s3], $0xF7A  }
0x26: {  	[smem:$0x3F9B] =	sst s1;
	(tag) =	ssettag s2;
	_ =	strace s9  }
0x27: {  	s1 =	sld [smem:$0x3FAB]  }
0x28: {  	s2 =	sld [smem:$0x3FAC]  }
0x29: {  	s4 =	sld [smem:$0x3FAE]  }
0x2a: {  	p0 =	seq.s32 s5, $0x0;
	s5 =	sld [smem:$0x3FAF]  }
0x2b: {  	s6 =	sld [smem:$0x3FB0]  }
0x2c: {  	s7 =	sld [smem:$0x3FB1]  }
0x2d: {  	s3 =	simm.s32 $0x108;
	s8 =	sld [smem:$0x3FB2]  }
0x2e: {  	s3 =	simm.s32 @!p0 $0x1082;
	s9 =	sld [smem:$0x3FB3]  }
0x2f: {  	lr =	sadd.s32 s0, s3;
	s0 =	sld [smem:$0x3FAA]  }
0x30: {  	s3 =	sld [smem:$0x3FAD]  }
0x31: {  	[smem:$0x3FB6] =	sst s10  }
0x32: {  	s10 =	sld [smem:$0x3FB4];
	_ =	sdelay $0x3  }
0x33: {  	p0 =	seq.s32 s10, $0x1;
	s10 =	sld [smem:$0x3FB6];
	_ =	sdelay $0x3  }
0x34: {  	[smem:$0x3FB6] =	sst s10  }
0x35: {  	s10 =	sld [smem:$0x3FB5];
	_ =	sdelay $0x3  }
0x36: {  	p1 =	seq.s32 s10, $0x1;
	s10 =	sld [smem:$0x3FB6];
	_ =	sdelay $0x3  }
0x37: {  	[smem:$0x3FB6] =	sst s10  }
0x38: {  	s10 =	sld [smem:$0x3FB7]  }
0x39: {  	_ = 	snop;
	(pc) =	sbr.ind lr, $3  }
0x3a: {  	_ = 	snop  }
0x3b: {  	_ = 	snop  }
0x3c: {  	p2 =	seq.s32 s10, $0x1;
	s10 =	sld [smem:$0x3FB6]  }
0x3d: {  	_ =	shalt  }
0x3e: {  	_ =	shalt  }
0x3f: {  	_ =	shalt  }
0x40: {  	_ =	shalt  }
0x41: {  	_ =	shalt  }
0x42: {  	_ =	shalt  }
0x43: {  	_ =	shalt  }
0x44: {  	_ =	shalt  }
0x45: {  	_ =	shalt  }
0x46: {  	_ =	shalt  }
0x47: {  	_ =	shalt  }
0x48: {  	_ =	shalt  }
0x49: {  	_ =	shalt  }
0x4a: {  	_ =	shalt  }
0x4b: {  	_ =	shalt  }
0x4c: {  	_ =	shalt  }
0x4d: {  	_ =	shalt  }
0x4e: {  	_ =	shalt  }
0x4f: {  	_ =	shalt  }
0x50: {  	_ =	shalt  }
0x51: {  	_ =	shalt  }
0x52: {  	_ =	shalt  }
0x53: {  	_ =	shalt  }
0x54: {  	_ =	shalt  }
0x55: {  	_ =	shalt  }
0x56: {  	_ =	shalt  }
0x57: {  	_ =	shalt  }
0x58: {  	_ =	shalt  }
0x59: {  	_ =	shalt  }
0x5a: {  	_ =	shalt  }
0x5b: {  	_ =	shalt  }
0x5c: {  	_ =	shalt  }
0x5d: {  	_ =	shalt  }
0x5e: {  	_ =	shalt  }
0x5f: {  	_ =	shalt  }
0x60: {  	_ =	shalt  }
0x61: {  	_ =	shalt  }
0x62: {  	_ =	shalt  }
0x63: {  	_ =	shalt  }
0x64: {  	_ =	shalt  }
0x65: {  	_ =	shalt  }
0x66: {  	_ =	shalt  }
0x67: {  	_ =	shalt  }
0x68: {  	_ =	shalt  }
0x69: {  	_ =	shalt  }
0x6a: {  	_ =	shalt  }
0x6b: {  	_ =	shalt  }
0x6c: {  	_ =	shalt  }
0x6d: {  	_ =	shalt  }
0x6e: {  	_ =	shalt  }
0x6f: {  	_ =	shalt  }
0x70: {  	_ =	shalt  }
0x71: {  	_ =	shalt  }
0x72: {  	_ =	shalt  }
0x73: {  	_ =	shalt  }
0x74: {  	_ =	shalt  }
0x75: {  	_ =	shalt  }
0x76: {  	_ =	shalt  }
0x77: {  	_ =	shalt  }
0x78: {  	_ =	shalt  }
0x79: {  	_ =	shalt  }
0x7a: {  	_ =	shalt  }
0x7b: {  	_ =	shalt  }
0x7c: {  	_ =	shalt  }
0x7d: {  	_ =	shalt  }
0x7e: {  	_ =	shalt  }
0x7f: {  	_ =	shalt  }
0x80: {  	_ =	shalt  }
0x81: {  	_ =	shalt  }
0x82: {  	_ =	shalt  }
0x83: {  	_ =	shalt  }
0x84: {  	_ =	shalt  }
0x85: {  	_ =	shalt  }
0x86: {  	_ =	shalt  }
0x87: {  	_ =	shalt  }
.Lfunc_end0:
.L_simem_size_0:
called_computation.1_lowered:
.L_overlay_start_0:
0x88: {  	s2 =	sld [smem:$0x3FD9]  }
0x89: {  	s3 =	sld [smem:$0x3FFE];
	_ =	sdelay $0x1  }
0x8a: {  	s1 =	srdreg.scid  }
0x8b: {  	s0 =	sand.u32 $0x1, s1  }
0x8c: {  	s16 =	sshll.u32 s0, $0xA;
	s2 =	sadd.s32 s3, s2  }
0x8d: {  	s2 =	sadd.s32 s2, s16  }
0x8e: {  	[smem:$0x3FC2] =	sst s2  }
0x8f: {  	_ = 	snop  }
0x90: {  	(tm) =	ssettm $0x1  }
0x91: {  	s17 =	sld [smem:$0x3FFB];
	_ =	sdelay $0x3  }
0x92: {  	_ =	strace s17  }
0x93: {  	s2 =	sld [smem:$0x3FFC];
	_ =	sdelay $0x3  }
0x94: {  	_ =	strace s2  }
0x95: {  	s2 =	sld [smem:$0x3FFD];
	_ =	sdelay $0x3  }
0x96: {  	_ =	strace s2  }
0x97: {  	_ =	strace $0x8FFFFFFF  }
0x98: {  	s18 =	sld [smem:$0x3FDB];
	_ =	sdelay $0x1  }
0x99: {  	s19 =	simm.s32 $_scs_section_size  }
0x9a: {  	s4 =	simm.s32 $_size__tile_overlayer_lowered;
	s5 =	simm.s32 $_tile_overlayer_lowered  }
0x9b: {  	s22 =	simm.s32 $0x1BFF;
	s21 =	sshll.u32 s5, $0x1;
	s2 =	sadd.s32 s19, s18  }
0x9c: {  	s6 =	simm.s32 $0x0;
	s20 =	sshll.u32 s4, $0x1;
	s4 =	sadd.s32 s21, s2  }
0x9d: {  	[timem:s6], [sflag:s22] =	dma.local [hbm:s4], s20  }
0x9e: {  	_ =	swait.ge [sflag:s22], s20  }
0x9f: {  	s3 =	ssub.s32 $0x0, s20;
	[sflag:s22] =	ssyncset.done $0x0  }
0xa0: {  	[sflag:s22] =	ssyncadd.s32 s3;
	_ =	sdelay $0x1  }
0xa1: {  	s23 =	simm.s32 $0x1B8B  }
0xa2: {  	_ =	swait.ge [sflag:s23], $0x1  }
0xa3: {  	[sflag:s23] =	ssyncset.done $0x0  }
0xa4: {  	s25 =	simm.s32 $0x1B8E;
	s24 =	sld [smem:$0x3FFE];
	[sflag:s23] =	ssyncadd.s32 $0xFFFFFFFF  }
0xa5: {  	s26 =	simm.s32 $execute0_lowered;
	[smem:$0x3FD2] =	sst s25  }
0xa6: {  	s4 =	sshll.u32 s26, $0x1;
	_ =	strace $0x80000049;
	[dreg:$0x1] =	wrdreg $0xFFFFFFFF  }
0xa7: {  	s28 =	simm.s32 $_size_execute0_lowered;
	s2 =	sadd.s32 s2, s4;
	[dreg:$0x0] =	wrdreg $0x0  }
0xa8: {  	s4 =	sshll.u32 s28, $0x1;
	[dreg:$0x2] =	wrdreg s2  }
0xa9: {  	[dreg:$0x3] =	wrdreg s4  }
0xaa: {  	[dreg:$0x4] =	wrdreg $0xC0  }
0xab: {  	_ =	task [dreg:s6], $0x5FFFF  }
0xac: {  	[dreg:$0x1] =	wrdreg $0xFFFFFFFF  }
0xad: {  	[dreg:$0x0] =	wrdreg $0x60  }
0xae: {  	[dreg:$0x2] =	wrdreg s24  }
0xaf: {  	[dreg:$0x3] =	wrdreg $0xF2000  }
0xb0: {  	[dreg:$0x4] =	wrdreg $0x9  }
0xb1: {  	_ =	task.clear_ibuf [dreg:s6], $0x5FFFF;
	_ =	strace $0x90000049  }
0xb2: {  	s29 =	simm.s32 $0x9;
	_ =	strace $0x8000004B  }
0xb3: {  	_ =	swait.ge [sflag:s29], $0x1  }
0xb4: {  	[sflag:s29] =	ssyncadd.s32 $0xFFFFFFFF  }
0xb5: {  	_ =	strace $0x9000004B  }
0xb6: {  	_ =	sfence  }
0xb7: {  	s30 =	sld [smem:$0x0];
	_ =	sdelay $0x2  }
0xb8: {  	s31 =	sshll.u32 s1, $0xD;
	s1 =	sshrl.u32 s1, $0x2  }
0xb9: {  	s3 =	sand.u32 $0x4000, s31;
	s1 =	sadd.s32 s1, s30  }
0xba: {  	s0 =	sor.u32 s3, s0;
	s1 =	sshll.u32 s1, $0x11  }
0xbb: {  	s0 =	sor.u32 s1, s0  }
0xbc: {  	s0 =	sadd.s32 $0x8F2B, s0  }
0xbd: {  	[sflag:s0] =	ssyncadd.remote.s32 $0x1  }
0xbe: {  	_ =	sfence.sel $0xFFFF  }
0xbf: {  	[dreg:$0x0] =	wrdreg $0xFFFFFFFF;
	(pc) =	sbr.abs _section_cstart, $3  }
0xc0: {  	[dreg:$0x1] =	wrdreg $0xFFFFFFFF  }
0xc1: {  	_ =	task.clear_ibuf [dreg:s6], $0x2FFFF;
	_ =	strace $0x9FFFFFFF  }
0xc2: {  	(tm) =	ssettm $0x7FFFFFFF  }
0xc3: {  	_ =	shalt  }
tec
execute0_lowered:
.L_overlay_start_1:
0x0: {  	(tag) =	ssettag $0x1  }
0x1: {  	s0 =	rddreg [dreg:$0x0]  }
0x2: {  	s2 =	rddreg [dreg:$0x1]  }
0x3: {  	s12 =	stileid.u32;
	s1 =	srdreg.scid  }
0x4: {  	s4 =	simm.s32 $0x0;
	s16 =	simm.s32 $0x5400;
	s28 =	simm.s32 $0x2  }
0x5: {  	s29 =	simm.s32 $0x2400;
	s30 =	simm.s32 $0x4C00;
	s3 =	smul.u32 $0xA400, s12  }
0x6: {  	s31 =	simm.s32 $0x5;
	s13 =	sand.u32 $0x1, s1;
	s17 =	smul.u32 $0x9E00, s12  }
0x7: {  	[smem:$0x7FF] =	sst s4;
	s6 =	sadd.s32 $0x2A00, s0;
	s7 =	sadd.s32 $0x2A200, s0  }
0x8: {  	s21 =	sadd.s32 $0x16600, s0;
	s14 =	sadd.s32 $0x65B00, s0;
	s1 =	simm.s32 $0x9  }
0x9: {  	s5 =	smul.u32 $0x9E000, s13;
	_ =	strace $0x8000004A;
	s9 =	ssub.s32 $0x2, s13  }
0xa: {  	p0 =	seq.s32 s13, $0x0;
	s4 =	smov.u32 s13;
	p1 =	sne.s32 s13, $0x0  }
0xb: {  	s13 =	simm.s32 $0x3;
	s8 =	sadd.s32 s3, s0;
	s10 =	sshrl.u32 s9, $0x1  }
0xc: {  	s11 =	sshrl.u32 s3, $0x3;
	s15 =	sadd.s32 s17, s2;
	s23 =	sadd.s32 $0x400, s3  }
0xd: {  	s24 =	sadd.s32 $0x500, s3;
	s5 =	sadd.s32 s17, s5;
	s9 =	ssub.s32 s9, s10  }
0xe: {  	s18 =	sadd.s32 s7, s11;
	s11 =	smul.u32 $0xA4, s12;
	[dreg:$0x8] =	wrdreg s23  }
0xf: {  	s20 =	sadd.s32 $0x65A00, s8;
	[dreg:$0x9] =	wrdreg s24;
	s17 =	simm.s32 $0xB  }
0x10: {  	s23 =	simm.s32 $0x80;
	s24 =	simm.s32 $0x400;
	[dreg:$0x4] =	wrdreg s15  }
0x11: {  	s10 =	simm.s32 $0x300;
	s8 =	simm.s32 $0x0;
	[dreg:$0x3] =	wrdreg s18  }
0x12: {  	s5 =	sshrl.u32 s5, $0x3;
	s19 =	sadd.s32 $0x20, s18;
	[dreg:$0x6] =	wrdreg s20  }
.Ltmp0:
0x13: {  	s26 =	smax.u32 s9, $0x1;
	s18 =	simm.s32 $0x6;
	(pc) =	sbr.rel .LBB2_1-.Ltmp0, $4  }
0x14: {  	s20 =	simm.s32 $0xA;
	s9 =	simm.s32 $0x4;
	[dreg:$0x5] =	wrdreg s19  }
0x15: {  	s5 =	sadd.s32 s5, s0;
	s22 =	sor.u32 $0x1, s11;
	[dreg:$0xb] =	wrdreg s26  }
0x16: {  	s0 =	simm.s32 $0x7;
	[dreg:$0x7] =	wrdreg s22;
	s25 =	sadd.s32 $0x109A00, s5  }
0x17: {  	v0 =	vimm.f32 $0.0e+00;
	s19 =	simm.s32 $0x8;
	s26 =	simm.s32 $0x0;
	[dreg:$0xa] =	wrdreg s25  }
.LBB2_33:
0x18: {  	_ =	swait.ge [sflag:s20], $0x2000  }
0x19: {  	[sflag:s20] =	ssyncset.done $0x0  }
0x1a: {  	[sflag:s20] =	ssyncadd.s32 $0xFFFFE000  }
0x1b: {  	[bflag:$0x0] =	sbarrier.arrive $0xFFFF  }
0x1c: {  	s16 =	simm.s32 $0x5400;
	s17 =	simm.s32 $0xB;
	s15 =	rddreg [dreg:$0x4]  }
0x1d: {  	[tilespmem:s16], [sflag:$0xB] =	stream.linear.gather [spmem:s15], $0x9E00, $0x38;
	[tilespmem:$0x19000] =	vst v63  }
0x1e: {  	_ =	swait.ge [sflag:s17], $0x9E00  }
0x1f: {  	[sflag:s17] =	ssyncset.done $0x0  }
0x20: {  	s5 =	rddreg [dreg:$0xa];
	[sflag:s17] =	ssyncadd.s32 $0xFFFF6200  }
0x21: {  	[hbm4b:s5+s26] =	stream.linear.scatter [tilespmem:s16], [sflag:$0xB], $0x9E00, $0x38;
	[tilespmem:$0x19000] =	vst v63  }
0x22: {  	_ =	swait.ge [sflag:s17], $0x9E00  }
0x23: {  	s8 =	rddreg [dreg:$0xc]  }
0x24: {  	s25 =	rddreg [dreg:$0xb];
	s8 =	sadd.s32 $0x1, s8  }
0x25: {  	p2 =	sne.s32 s8, s25  }
.Ltmp1:
0x26: {  	_ = 	snop;
	(pc) =	sbr.rel @!p2 .LBB2_34-.Ltmp1, $3  }
0x27: {  	_ =	sdelay $0x1  }
0x28: {  	[sflag:s17] =	ssyncset.done $0x0  }
0x29: {  	[sflag:s17] =	ssyncadd.s32 $0xFFFF6200  }
.LBB2_1:
0x2a: {  	[dreg:$0xc] =	wrdreg s8;
	s8 =	simm.s32 $0x100;
	s5 =	simm.s32 $0x0  }
.LBB2_2:
0x2b: {  	p2 =	sne.s32 s8, $0x27700;
	[tilespmem:s5+$0x5430] =	vst v0;
	s12 =	smov.u32 s8;
	s8 =	sadd.s32 $0x100, s8  }
.Ltmp2:
0x2c: {  	[tilespmem:s5+$0x5420] =	vst v0;
	(pc) =	sbr.rel @p2 .LBB2_2-.Ltmp2, $3  }
0x2d: {  	[tilespmem:s5+$0x5400] =	vst v0  }
0x2e: {  	[tilespmem:s5+$0x5410] =	vst v0;
	_ =	sdelay $0x1  }
0x2f: {  	s5 =	sshra.s32 s12, $0x2  }
0x30: {  	[tilespmem:s5+$0x5430] =	vst v0  }
0x31: {  	[tilespmem:s5+$0x5420] =	vst v0  }
0x32: {  	[tilespmem:s5+$0x5400] =	vst v0  }
0x33: {  	[tilespmem:s5+$0x5410] =	vst v0  }
0x34: {  	[spmem:s15] =	stream.linear.scatter [tilespmem:s16], [sflag:$0xB], $0x9E00, $0x38;
	[tilespmem:$0x19000] =	vst v63  }
0x35: {  	_ =	swait.ge [sflag:s17], $0x9E00  }
0x36: {  	[sflag:s17] =	ssyncset.done $0x0  }
0x37: {  	s15 =	simm.s32 $0x0;
	s8 =	rddreg [dreg:$0x3];
	[sflag:s17] =	ssyncadd.s32 $0xFFFF6200  }
0x38: {  	[tilespmem:s15], [sflag:$0xB] =	stream.linear.gather [hbm4b:s8+s15], $0x100, $0x38;
	[tilespmem:$0x19000] =	vst v63  }
0x39: {  	_ =	swait.ge [sflag:s17], $0x100  }
0x3a: {  	[sflag:s17] =	ssyncset.done $0x0  }
0x3b: {  	s12 =	simm.s32 $0x100;
	s16 =	rddreg [dreg:$0x5];
	[sflag:s17] =	ssyncadd.s32 $0xFFFFFF00  }
0x3c: {  	[tilespmem:s12], [sflag:$0x2] =	stream.linear.gather [hbm4b:s16+s15], $0x100, $0x38;
	[tilespmem:$0x19000] =	vst v63  }
0x3d: {  	s12 =	smov.u32 s21  }
0x3e: {  	s17 =	simm.s32 $0x0;
	s12 =	smov.u32 @p0 s6  }
0x3f: {  	[tilespmem:s24], [sflag:$0x5] =	stream.indirect.gather [hbm4b:s12+s23], $0x40, s17, s23, $0xb8;
	[tilespmem:$0x19000] =	vst v63  }
.Ltmp3:
0x40: {  	_ = 	snop;
	(pc) =	sbr.rel .LBB2_4-.Ltmp3, $4  }
0x41: {  	s25 =	simm.s32 $0x4400;
	s22 =	rddreg [dreg:$0x6]  }
0x42: {  	[tilespmem:s25], [sflag:$0x7] =	stream.linear.gather [hbm4b:s22+s17], $0x800, $0x38;
	[tilespmem:$0x19000] =	vst v63  }
0x43: {  	[bflag:$0x0] =	sbarrier.arrive $0xFFFF  }
0x44: {  	s22 =	simm.s32 $0x0  }
.LBB2_31:
0x45: {  	v2 =	vld [tilespmem:s16+$0x4C00];
	_ =	sdelay $0x1  }
0x46: {  	v3 =	vld [tilespmem:s5+$0xFFFFFFE0];
	_ =	sdelay $0x1  }
0x47: {  	v4 =	vld [tilespmem:s5+$0x0]  }
0x48: {  	v5 =	vld [tilespmem:s5+$0x10];
	v6 =	vbroadcast v2, $0x4  }
0x49: {  	v7 =	vbroadcast v2, $0x5  }
0x4a: {  	v8 =	vbroadcast v2, $0x6;
	v3 =	vmul.f32 v6, v3  }
0x4b: {  	v2 =	vbroadcast v2, $0x7;
	v1 =	vmul.f32 v1, v7  }
0x4c: {  	v4 =	vmul.f32 v4, v8;
	[tilespmem:s5+$0xFFFFFFE0] =	vst v3  }
0x4d: {  	v2 =	vmul.f32 v5, v2;
	[tilespmem:s5+$0xFFFFFFF0] =	vst v1  }
0x4e: {  	[tilespmem:s8+$0x0] =	vst v4  }
0x4f: {  	[tilespmem:s8+$0x10] =	vst v2  }
.LBB2_32:
0x50: {  	s22 =	sadd.s32 $0x1, s22  }
0x51: {  	p2 =	sne.s32 s22, $0x29  }
.Ltmp4:
0x52: {  	_ = 	snop;
	(pc) =	sbr.rel @!p2 .LBB2_33-.Ltmp4, $3  }
0x53: {  	_ =	sdelay $0x1  }
0x54: {  	s5 =	simm.s32 $0x380  }
0x55: {  	[spmem:s2] =	stream.indirect.scatter.add.f32 [tilespmem:s29], [sflag:$0xA], $0x40, s5, s23, $0xb8;
	[tilespmem:$0x19000] =	vst v63  }
.LBB2_4:
0x56: {  	s5 =	sshll.u32 s22, $0x2  }
0x57: {  	p2 =	seq.s32 s22, $0x0;
	s8 =	sor.u32 $0x2, s5  }
0x58: {  	s15 =	simm.s32 @!p2 $0xA;
	s16 =	sshll.u32 s8, $0x8  }
0x59: {  	_ =	swait.ge @!p2 [sflag:s15], $0x2000;
	s16 =	sadd.s32 s3, s16  }
0x5a: {  	[sflag:s15] =	ssyncset.done @!p2 $0x0;
	s16 =	sshrl.u32 s16, $0x3  }
0x5b: {  	s25 =	simm.s32 $0x200;
	[sflag:s15] =	ssyncadd.s32 @!p2 $0xFFFFE000;
	s17 =	sadd.s32 s7, s16  }
0x5c: {  	[tilespmem:s25], [sflag:$0x3] =	stream.linear.gather [hbm4b:s17+s26], $0x100, $0x38;
	[tilespmem:$0x19000] =	vst v63  }
0x5d: {  	_ =	swait.ge [sflag:s28], $0x100  }
0x5e: {  	s17 =	sadd.s32 s11, s5;
	[sflag:s28] =	ssyncset.done $0x0  }
0x5f: {  	s16 =	simm.s32 $0x100;
	s15 =	sshll.u32 s17, $0x8;
	[sflag:s28] =	ssyncadd.s32 $0xFFFFFF00  }
0x60: {  	[tilespmem:s29], [sflag:$0x6] =	stream.indirect.gather [hbm4b:s12+s23], $0x40, s16, s23, $0xb8;
	[tilespmem:$0x19000] =	vst v63  }
0x61: {  	s25 =	simm.s32 $0x0;
	s15 =	sadd.s32 s15, s14  }
0x62: {  	[tilespmem:s30], [sflag:$0x8] =	stream.linear.gather [hbm4b:s15+s25], $0x800, $0x38;
	[tilespmem:$0x19000] =	vst v63  }
0x63: {  	_ =	swait.ge [sflag:s31], $0x2000  }
.Ltmp5:
0x64: {  	[sflag:s31] =	ssyncset.done $0x0;
	(pc) =	sbr.rel @p1 .LBB2_8-.Ltmp5, $4  }
0x65: {  	[sflag:s31] =	ssyncadd.s32 $0xFFFFE000  }
0x66: {  	_ =	swait.ge [sflag:s0], $0x800  }
0x67: {  	[sflag:s0] =	ssyncset.done $0x0  }
0x68: {  	s17 =	simm.s32 $0x0;
	s25 =	simm.s32 $0x420;
	[sflag:s0] =	ssyncadd.s32 $0xFFFFF800  }
0x69: {  	v1 =	vld [tilespmem:s25+$0xFFFFFFF0];
	s16 =	simm.s32 $0x40;
	s15 =	simm.s32 $0x420  }
.LBB2_6:
0x6a: {  	p2 =	seq.s32 s16, $0x1FC0;
	v2 =	vld [tilespmem:s17+$0x4400]  }
0x6b: {  	v3 =	vld [tilespmem:s25+$0x10]  }
0x6c: {  	v4 =	vld [tilespmem:s25+$0xFFFFFFE0]  }
0x6d: {  	v5 =	vld [tilespmem:s25+$0x0];
	_ =	sdelay $0x1  }
0x6e: {  	v6 =	vbroadcast v2, $0x0;
	v7 =	vbroadcast v2, $0x1  }
0x6f: {  	v8 =	vbroadcast v2, $0x2;
	v2 =	vbroadcast v2, $0x3  }
0x70: {  	v4 =	vmul.f32 v6, v4;
	v1 =	vmul.f32 v1, v7  }
.Ltmp6:
0x71: {  	v2 =	vmul.f32 v3, v2;
	v5 =	vmul.f32 v5, v8;
	(pc) =	sbr.rel @!p2 .LBB2_6-.Ltmp6, $4  }
0x72: {  	[tilespmem:s25+$0xFFFFFFE0] =	vst v4  }
0x73: {  	[tilespmem:s25+$0xFFFFFFF0] =	vst v1  }
0x74: {  	s25 =	sadd.s32 $0x40, s25;
	[tilespmem:s15+$0x0] =	vst v5  }
0x75: {  	s17 =	sshra.s32 s16, $0x2;
	s16 =	sadd.s32 $0x40, s16;
	v1 =	vld [tilespmem:s25+$0xFFFFFFF0];
	[tilespmem:s15+$0x10] =	vst v2;
	s15 =	smov.u32 s25  }
0x76: {  	v2 =	vld [tilespmem:s17+$0x4400];
	_ =	sdelay $0x1  }
0x77: {  	v3 =	vld [tilespmem:s25+$0xFFFFFFE0];
	_ =	sdelay $0x1  }
0x78: {  	v4 =	vld [tilespmem:s25+$0x0]  }
0x79: {  	v5 =	vld [tilespmem:s25+$0x10];
	v6 =	vbroadcast v2, $0x0  }
0x7a: {  	v7 =	vbroadcast v2, $0x1  }
0x7b: {  	v8 =	vbroadcast v2, $0x2;
	v3 =	vmul.f32 v6, v3  }
.Ltmp7:
0x7c: {  	v2 =	vbroadcast v2, $0x3;
	v1 =	vmul.f32 v1, v7;
	(pc) =	sbr.rel .LBB2_11-.Ltmp7, $4  }
0x7d: {  	v4 =	vmul.f32 v4, v8;
	[tilespmem:s25+$0xFFFFFFE0] =	vst v3  }
0x7e: {  	v2 =	vmul.f32 v5, v2;
	[tilespmem:s25+$0xFFFFFFF0] =	vst v1  }
0x7f: {  	[tilespmem:s15+$0x0] =	vst v4  }
0x80: {  	[tilespmem:s15+$0x10] =	vst v2  }
.LBB2_8:
0x81: {  	v1 =	vld [tilespmem:s25+$0xFFFFFFF0];
	s16 =	simm.s32 $0x40;
	s15 =	simm.s32 $0x420  }
.LBB2_9:
0x82: {  	p2 =	sne.s32 s16, $0x1FC0;
	v2 =	vld [tilespmem:s17+$0x4400]  }
0x83: {  	v3 =	vld [tilespmem:s25+$0x10]  }
0x84: {  	v4 =	vld [tilespmem:s25+$0xFFFFFFE0]  }
0x85: {  	v5 =	vld [tilespmem:s25+$0x0];
	_ =	sdelay $0x1  }
0x86: {  	v6 =	vbroadcast v2, $0x4;
	v7 =	vbroadcast v2, $0x5  }
0x87: {  	v8 =	vbroadcast v2, $0x6;
	v2 =	vbroadcast v2, $0x7  }
0x88: {  	v4 =	vmul.f32 v6, v4;
	v1 =	vmul.f32 v1, v7  }
.Ltmp8:
0x89: {  	v2 =	vmul.f32 v3, v2;
	v5 =	vmul.f32 v5, v8;
	(pc) =	sbr.rel @p2 .LBB2_9-.Ltmp8, $4  }
0x8a: {  	[tilespmem:s25+$0xFFFFFFE0] =	vst v4  }
0x8b: {  	[tilespmem:s25+$0xFFFFFFF0] =	vst v1  }
0x8c: {  	s25 =	sadd.s32 $0x40, s25;
	[tilespmem:s15+$0x0] =	vst v5  }
0x8d: {  	s17 =	sshra.s32 s16, $0x2;
	s16 =	sadd.s32 $0x40, s16;
	v1 =	vld [tilespmem:s25+$0xFFFFFFF0];
	[tilespmem:s15+$0x10] =	vst v2;
	s15 =	smov.u32 s25  }
0x8e: {  	v2 =	vld [tilespmem:s17+$0x4400];
	_ =	sdelay $0x1  }
0x8f: {  	v3 =	vld [tilespmem:s25+$0xFFFFFFE0];
	_ =	sdelay $0x1  }
0x90: {  	v4 =	vld [tilespmem:s25+$0x0]  }
0x91: {  	v5 =	vld [tilespmem:s25+$0x10];
	v6 =	vbroadcast v2, $0x4  }
0x92: {  	v7 =	vbroadcast v2, $0x5  }
0x93: {  	v8 =	vbroadcast v2, $0x6;
	v3 =	vmul.f32 v6, v3  }
0x94: {  	v2 =	vbroadcast v2, $0x7;
	v1 =	vmul.f32 v1, v7  }
0x95: {  	v4 =	vmul.f32 v4, v8;
	[tilespmem:s25+$0xFFFFFFE0] =	vst v3  }
0x96: {  	v2 =	vmul.f32 v5, v2;
	[tilespmem:s25+$0xFFFFFFF0] =	vst v1  }
0x97: {  	[tilespmem:s15+$0x0] =	vst v4  }
0x98: {  	[tilespmem:s15+$0x10] =	vst v2  }
.LBB2_11:
0x99: {  	[spmem:s2] =	stream.indirect.scatter.add.f32 [tilespmem:s24], [sflag:$0x9], $0x40, s23, s23, $0xb8;
	[tilespmem:$0x19000] =	vst v63  }
0x9a: {  	s25 =	sor.u32 $0x3, s5  }
0x9b: {  	s15 =	sshll.u32 s25, $0x8  }
0x9c: {  	_ =	swait.ge [sflag:s1], $0x2000;
	s15 =	sadd.s32 s3, s15  }
0x9d: {  	[sflag:s1] =	ssyncset.done $0x0;
	s15 =	sshrl.u32 s15, $0x3  }
0x9e: {  	[sflag:s1] =	ssyncadd.s32 $0xFFFFE000;
	s15 =	sadd.s32 s7, s15  }
0x9f: {  	[tilespmem:s10], [sflag:$0x4] =	stream.linear.gather [hbm4b:s15+s26], $0x100, $0x38;
	[tilespmem:$0x19000] =	vst v63  }
0xa0: {  	_ =	swait.ge [sflag:s13], $0x100  }
0xa1: {  	[sflag:s13] =	ssyncset.done $0x0  }
0xa2: {  	s16 =	simm.s32 $0x200;
	s17 =	rddreg [dreg:$0x7];
	[sflag:s13] =	ssyncadd.s32 $0xFFFFFF00  }
0xa3: {  	[tilespmem:s24], [sflag:$0x5] =	stream.indirect.gather [hbm4b:s12+s23], $0x40, s16, s23, $0xb8;
	[tilespmem:$0x19000] =	vst v63  }
0xa4: {  	s16 =	sadd.s32 s5, s17  }
0xa5: {  	s5 =	sshll.u32 s16, $0x8  }
0xa6: {  	s17 =	simm.s32 $0x0;
	s16 =	simm.s32 $0x4400;
	s5 =	sadd.s32 s5, s14  }
0xa7: {  	[tilespmem:s16], [sflag:$0x7] =	stream.linear.gather [hbm4b:s5+s17], $0x800, $0x38;
	[tilespmem:$0x19000] =	vst v63  }
0xa8: {  	_ =	swait.ge [sflag:s18], $0x2000  }
.Ltmp9:
0xa9: {  	[sflag:s18] =	ssyncset.done $0x0;
	(pc) =	sbr.rel @p1 .LBB2_15-.Ltmp9, $4  }
0xaa: {  	[sflag:s18] =	ssyncadd.s32 $0xFFFFE000  }
0xab: {  	_ =	swait.ge [sflag:s19], $0x800  }
0xac: {  	[sflag:s19] =	ssyncset.done $0x0  }
0xad: {  	s5 =	simm.s32 $0x2420;
	s17 =	simm.s32 $0x0;
	[sflag:s19] =	ssyncadd.s32 $0xFFFFF800  }
0xae: {  	v1 =	vld [tilespmem:s5+$0xFFFFFFF0];
	s16 =	simm.s32 $0x40;
	s15 =	simm.s32 $0x2420  }
.LBB2_13:
0xaf: {  	p2 =	seq.s32 s16, $0x1FC0;
	v2 =	vld [tilespmem:s17+$0x4C00]  }
0xb0: {  	v3 =	vld [tilespmem:s5+$0x10]  }
0xb1: {  	v4 =	vld [tilespmem:s5+$0xFFFFFFE0]  }
0xb2: {  	v5 =	vld [tilespmem:s5+$0x0];
	_ =	sdelay $0x1  }
0xb3: {  	v6 =	vbroadcast v2, $0x0;
	v7 =	vbroadcast v2, $0x1  }
0xb4: {  	v8 =	vbroadcast v2, $0x2;
	v2 =	vbroadcast v2, $0x3  }
0xb5: {  	v4 =	vmul.f32 v6, v4;
	v1 =	vmul.f32 v1, v7  }
.Ltmp10:
0xb6: {  	v2 =	vmul.f32 v3, v2;
	v5 =	vmul.f32 v5, v8;
	(pc) =	sbr.rel @!p2 .LBB2_13-.Ltmp10, $4  }
0xb7: {  	[tilespmem:s5+$0xFFFFFFE0] =	vst v4  }
0xb8: {  	[tilespmem:s5+$0xFFFFFFF0] =	vst v1  }
0xb9: {  	s5 =	sadd.s32 $0x40, s5;
	[tilespmem:s15+$0x0] =	vst v5  }
0xba: {  	s17 =	sshra.s32 s16, $0x2;
	s16 =	sadd.s32 $0x40, s16;
	v1 =	vld [tilespmem:s5+$0xFFFFFFF0];
	[tilespmem:s15+$0x10] =	vst v2;
	s15 =	smov.u32 s5  }
0xbb: {  	v2 =	vld [tilespmem:s17+$0x4C00];
	_ =	sdelay $0x1  }
0xbc: {  	v3 =	vld [tilespmem:s5+$0xFFFFFFE0];
	_ =	sdelay $0x1  }
0xbd: {  	v4 =	vld [tilespmem:s5+$0x0]  }
0xbe: {  	v5 =	vld [tilespmem:s5+$0x10];
	v6 =	vbroadcast v2, $0x0  }
0xbf: {  	v7 =	vbroadcast v2, $0x1  }
0xc0: {  	v8 =	vbroadcast v2, $0x2;
	v3 =	vmul.f32 v6, v3  }
.Ltmp11:
0xc1: {  	v2 =	vbroadcast v2, $0x3;
	v1 =	vmul.f32 v1, v7;
	(pc) =	sbr.rel .LBB2_18-.Ltmp11, $4  }
0xc2: {  	v4 =	vmul.f32 v4, v8;
	[tilespmem:s5+$0xFFFFFFE0] =	vst v3  }
0xc3: {  	v2 =	vmul.f32 v5, v2;
	[tilespmem:s5+$0xFFFFFFF0] =	vst v1  }
0xc4: {  	[tilespmem:s15+$0x0] =	vst v4  }
0xc5: {  	[tilespmem:s15+$0x10] =	vst v2  }
.LBB2_15:
0xc6: {  	v1 =	vld [tilespmem:s5+$0xFFFFFFF0];
	s16 =	simm.s32 $0x40;
	s15 =	simm.s32 $0x2420  }
.LBB2_16:
0xc7: {  	p2 =	sne.s32 s16, $0x1FC0;
	v2 =	vld [tilespmem:s17+$0x4C00]  }
0xc8: {  	v3 =	vld [tilespmem:s5+$0x10]  }
0xc9: {  	v4 =	vld [tilespmem:s5+$0xFFFFFFE0]  }
0xca: {  	v5 =	vld [tilespmem:s5+$0x0];
	_ =	sdelay $0x1  }
0xcb: {  	v6 =	vbroadcast v2, $0x4;
	v7 =	vbroadcast v2, $0x5  }
0xcc: {  	v8 =	vbroadcast v2, $0x6;
	v2 =	vbroadcast v2, $0x7  }
0xcd: {  	v4 =	vmul.f32 v6, v4;
	v1 =	vmul.f32 v1, v7  }
.Ltmp12:
0xce: {  	v2 =	vmul.f32 v3, v2;
	v5 =	vmul.f32 v5, v8;
	(pc) =	sbr.rel @p2 .LBB2_16-.Ltmp12, $4  }
0xcf: {  	[tilespmem:s5+$0xFFFFFFE0] =	vst v4  }
0xd0: {  	[tilespmem:s5+$0xFFFFFFF0] =	vst v1  }
0xd1: {  	s5 =	sadd.s32 $0x40, s5;
	[tilespmem:s15+$0x0] =	vst v5  }
0xd2: {  	s17 =	sshra.s32 s16, $0x2;
	s16 =	sadd.s32 $0x40, s16;
	v1 =	vld [tilespmem:s5+$0xFFFFFFF0];
	[tilespmem:s15+$0x10] =	vst v2;
	s15 =	smov.u32 s5  }
0xd3: {  	v2 =	vld [tilespmem:s17+$0x4C00];
	_ =	sdelay $0x1  }
0xd4: {  	v3 =	vld [tilespmem:s5+$0xFFFFFFE0];
	_ =	sdelay $0x1  }
0xd5: {  	v4 =	vld [tilespmem:s5+$0x0]  }
0xd6: {  	v5 =	vld [tilespmem:s5+$0x10];
	v6 =	vbroadcast v2, $0x4  }
0xd7: {  	v7 =	vbroadcast v2, $0x5  }
0xd8: {  	v8 =	vbroadcast v2, $0x6;
	v3 =	vmul.f32 v6, v3  }
0xd9: {  	v2 =	vbroadcast v2, $0x7;
	v1 =	vmul.f32 v1, v7  }
0xda: {  	v4 =	vmul.f32 v4, v8;
	[tilespmem:s5+$0xFFFFFFE0] =	vst v3  }
0xdb: {  	v2 =	vmul.f32 v5, v2;
	[tilespmem:s5+$0xFFFFFFF0] =	vst v1  }
0xdc: {  	[tilespmem:s15+$0x0] =	vst v4  }
0xdd: {  	[tilespmem:s15+$0x10] =	vst v2  }
.LBB2_18:
0xde: {  	s5 =	simm.s32 $0x180  }
0xdf: {  	[spmem:s2] =	stream.indirect.scatter.add.f32 [tilespmem:s29], [sflag:$0xA], $0x40, s5, s23, $0xb8;
	[tilespmem:$0x19000] =	vst v63  }
0xe0: {  	p2 =	seq.s32 s22, $0x28;
	_ =	swait.ge [sflag:s20], $0x2000  }
0xe1: {  	s5 =	sshll.u32 @!p2 s22, $0xA;
	s15 =	rddreg [dreg:$0x8]  }
0xe2: {  	s15 =	sadd.s32 @!p2 s5, s15  }
0xe3: {  	[sflag:s20] =	ssyncset.done $0x0;
	s15 =	sshrl.u32 @!p2 s15, $0x3  }
0xe4: {  	s16 =	simm.s32 @!p2 $0x0;
	[sflag:s20] =	ssyncadd.s32 $0xFFFFE000;
	s15 =	sadd.s32 @!p2 s7, s15  }
0xe5: {  	[tilespmem:s16], [sflag:$0x1] =	stream.linear.gather @!p2 [hbm4b:s15+s16], $0x100, $0x38;
	[tilespmem:$0x19000] =	vst v63  }
0xe6: {  	_ =	swait.ge [sflag:s9], $0x100  }
0xe7: {  	s8 =	sadd.s32 s11, s8;
	[sflag:s9] =	ssyncset.done $0x0  }
0xe8: {  	s8 =	sshll.u32 s8, $0x8;
	[sflag:s9] =	ssyncadd.s32 $0xFFFFFF00  }
0xe9: {  	[tilespmem:s29], [sflag:$0x6] =	stream.indirect.gather [hbm4b:s12+s23], $0x40, s10, s23, $0xb8;
	[tilespmem:$0x19000] =	vst v63  }
0xea: {  	s17 =	simm.s32 $0x0;
	s8 =	sadd.s32 s8, s14  }
0xeb: {  	[tilespmem:s30], [sflag:$0x8] =	stream.linear.gather [hbm4b:s8+s17], $0x800, $0x38;
	[tilespmem:$0x19000] =	vst v63  }
0xec: {  	_ =	swait.ge [sflag:s31], $0x2000  }
.Ltmp13:
0xed: {  	[sflag:s31] =	ssyncset.done $0x0;
	(pc) =	sbr.rel @p1 .LBB2_22-.Ltmp13, $4  }
0xee: {  	[sflag:s31] =	ssyncadd.s32 $0xFFFFE000  }
0xef: {  	_ =	swait.ge [sflag:s0], $0x800  }
0xf0: {  	[sflag:s0] =	ssyncset.done $0x0  }
0xf1: {  	s8 =	simm.s32 $0x420;
	s17 =	simm.s32 $0x0;
	[sflag:s0] =	ssyncadd.s32 $0xFFFFF800  }
0xf2: {  	v1 =	vld [tilespmem:s8+$0xFFFFFFF0];
	s16 =	simm.s32 $0x40;
	s15 =	simm.s32 $0x420  }
.LBB2_20:
0xf3: {  	p3 =	seq.s32 s16, $0x1FC0;
	v2 =	vld [tilespmem:s17+$0x4400]  }
0xf4: {  	v3 =	vld [tilespmem:s8+$0x10]  }
0xf5: {  	v4 =	vld [tilespmem:s8+$0xFFFFFFE0]  }
0xf6: {  	v5 =	vld [tilespmem:s8+$0x0];
	_ =	sdelay $0x1  }
0xf7: {  	v6 =	vbroadcast v2, $0x0;
	v7 =	vbroadcast v2, $0x1  }
0xf8: {  	v8 =	vbroadcast v2, $0x2;
	v2 =	vbroadcast v2, $0x3  }
0xf9: {  	v4 =	vmul.f32 v6, v4;
	v1 =	vmul.f32 v1, v7  }
.Ltmp14:
0xfa: {  	v2 =	vmul.f32 v3, v2;
	v5 =	vmul.f32 v5, v8;
	(pc) =	sbr.rel @!p3 .LBB2_20-.Ltmp14, $4  }
0xfb: {  	[tilespmem:s8+$0xFFFFFFE0] =	vst v4  }
0xfc: {  	[tilespmem:s8+$0xFFFFFFF0] =	vst v1  }
0xfd: {  	s8 =	sadd.s32 $0x40, s8;
	[tilespmem:s15+$0x0] =	vst v5  }
0xfe: {  	s17 =	sshra.s32 s16, $0x2;
	s16 =	sadd.s32 $0x40, s16;
	v1 =	vld [tilespmem:s8+$0xFFFFFFF0];
	[tilespmem:s15+$0x10] =	vst v2;
	s15 =	smov.u32 s8  }
0xff: {  	v2 =	vld [tilespmem:s17+$0x4400];
	_ =	sdelay $0x1  }
0x100: {  	v3 =	vld [tilespmem:s8+$0xFFFFFFE0];
	_ =	sdelay $0x1  }
0x101: {  	v4 =	vld [tilespmem:s8+$0x0]  }
0x102: {  	v5 =	vld [tilespmem:s8+$0x10];
	v6 =	vbroadcast v2, $0x0  }
0x103: {  	v7 =	vbroadcast v2, $0x1  }
0x104: {  	v8 =	vbroadcast v2, $0x2;
	v3 =	vmul.f32 v6, v3  }
.Ltmp15:
0x105: {  	v2 =	vbroadcast v2, $0x3;
	v1 =	vmul.f32 v1, v7;
	(pc) =	sbr.rel .LBB2_25-.Ltmp15, $4  }
0x106: {  	v4 =	vmul.f32 v4, v8;
	[tilespmem:s8+$0xFFFFFFE0] =	vst v3  }
0x107: {  	v2 =	vmul.f32 v5, v2;
	[tilespmem:s8+$0xFFFFFFF0] =	vst v1  }
0x108: {  	[tilespmem:s15+$0x0] =	vst v4  }
0x109: {  	[tilespmem:s15+$0x10] =	vst v2  }
.LBB2_22:
0x10a: {  	v1 =	vld [tilespmem:s8+$0xFFFFFFF0];
	s16 =	simm.s32 $0x40;
	s15 =	simm.s32 $0x420  }
.LBB2_23:
0x10b: {  	p3 =	sne.s32 s16, $0x1FC0;
	v2 =	vld [tilespmem:s17+$0x4400]  }
0x10c: {  	v3 =	vld [tilespmem:s8+$0x10]  }
0x10d: {  	v4 =	vld [tilespmem:s8+$0xFFFFFFE0]  }
0x10e: {  	v5 =	vld [tilespmem:s8+$0x0];
	_ =	sdelay $0x1  }
0x10f: {  	v6 =	vbroadcast v2, $0x4;
	v7 =	vbroadcast v2, $0x5  }
0x110: {  	v8 =	vbroadcast v2, $0x6;
	v2 =	vbroadcast v2, $0x7  }
0x111: {  	v4 =	vmul.f32 v6, v4;
	v1 =	vmul.f32 v1, v7  }
.Ltmp16:
0x112: {  	v2 =	vmul.f32 v3, v2;
	v5 =	vmul.f32 v5, v8;
	(pc) =	sbr.rel @p3 .LBB2_23-.Ltmp16, $4  }
0x113: {  	[tilespmem:s8+$0xFFFFFFE0] =	vst v4  }
0x114: {  	[tilespmem:s8+$0xFFFFFFF0] =	vst v1  }
0x115: {  	s8 =	sadd.s32 $0x40, s8;
	[tilespmem:s15+$0x0] =	vst v5  }
0x116: {  	s17 =	sshra.s32 s16, $0x2;
	s16 =	sadd.s32 $0x40, s16;
	v1 =	vld [tilespmem:s8+$0xFFFFFFF0];
	[tilespmem:s15+$0x10] =	vst v2;
	s15 =	smov.u32 s8  }
0x117: {  	v2 =	vld [tilespmem:s17+$0x4400];
	_ =	sdelay $0x1  }
0x118: {  	v3 =	vld [tilespmem:s8+$0xFFFFFFE0];
	_ =	sdelay $0x1  }
0x119: {  	v4 =	vld [tilespmem:s8+$0x0]  }
0x11a: {  	v5 =	vld [tilespmem:s8+$0x10];
	v6 =	vbroadcast v2, $0x4  }
0x11b: {  	v7 =	vbroadcast v2, $0x5  }
0x11c: {  	v8 =	vbroadcast v2, $0x6;
	v3 =	vmul.f32 v6, v3  }
0x11d: {  	v2 =	vbroadcast v2, $0x7;
	v1 =	vmul.f32 v1, v7  }
0x11e: {  	v4 =	vmul.f32 v4, v8;
	[tilespmem:s8+$0xFFFFFFE0] =	vst v3  }
0x11f: {  	v2 =	vmul.f32 v5, v2;
	[tilespmem:s8+$0xFFFFFFF0] =	vst v1  }
0x120: {  	[tilespmem:s15+$0x0] =	vst v4  }
0x121: {  	[tilespmem:s15+$0x10] =	vst v2  }
.LBB2_25:
0x122: {  	s8 =	simm.s32 $0x280  }
0x123: {  	[spmem:s2] =	stream.indirect.scatter.add.f32 [tilespmem:s24], [sflag:$0x9], $0x40, s8, s23, $0xb8;
	[tilespmem:$0x19000] =	vst v63  }
0x124: {  	_ =	swait.ge [sflag:s1], $0x2000  }
0x125: {  	s8 =	rddreg [dreg:$0x9]  }
0x126: {  	s5 =	sadd.s32 @!p2 s5, s8  }
0x127: {  	s15 =	simm.s32 @!p2 $0x100;
	[sflag:s1] =	ssyncset.done $0x0;
	s5 =	sshrl.u32 @!p2 s5, $0x3  }
0x128: {  	[sflag:s1] =	ssyncadd.s32 $0xFFFFE000;
	s8 =	simm.s32 @!p2 $0x0;
	s5 =	sadd.s32 @!p2 s7, s5  }
0x129: {  	[tilespmem:s15], [sflag:$0x2] =	stream.linear.gather @!p2 [hbm4b:s5+s8], $0x100, $0x38;
	[tilespmem:$0x19000] =	vst v63  }
0x12a: {  	s5 =	simm.s32 @!p2 $0x1  }
0x12b: {  	_ =	swait.ge @!p2 [sflag:s5], $0x100  }
0x12c: {  	p3 =	seq.s32 @!p2 s4, $0x0;
	[sflag:s5] =	ssyncset.done @!p2 $0x0  }
0x12d: {  	p3 =	por !p3, p2;
	[sflag:s5] =	ssyncadd.s32 @!p2 $0xFFFFFF00;
	s5 =	smov.u32 s6  }
0x12e: {  	s16 =	simm.s32 @!p2 $0x400;
	s15 =	simm.s32 @!p2 $0x80;
	s5 =	smov.u32 @p3 s21  }
0x12f: {  	[tilespmem:s16], [sflag:$0x5] =	stream.indirect.gather @!p2 [hbm4b:s5+s15], $0x40, s8, s15, $0xb8;
	[tilespmem:$0x19000] =	vst v63  }
0x130: {  	s5 =	sadd.s32 @!p2 s11, s25  }
0x131: {  	s5 =	sshll.u32 @!p2 s5, $0x8  }
0x132: {  	s15 =	simm.s32 @!p2 $0x4400;
	s5 =	sadd.s32 @!p2 s5, s14  }
0x133: {  	[tilespmem:s15], [sflag:$0x7] =	stream.linear.gather @!p2 [hbm4b:s5+s8], $0x800, $0x38;
	[tilespmem:$0x19000] =	vst v63  }
0x134: {  	_ =	swait.ge [sflag:s18], $0x2000  }
.Ltmp17:
0x135: {  	[sflag:s18] =	ssyncset.done $0x0;
	(pc) =	sbr.rel @p1 .LBB2_29-.Ltmp17, $4  }
0x136: {  	[sflag:s18] =	ssyncadd.s32 $0xFFFFE000  }
0x137: {  	_ =	swait.ge [sflag:s19], $0x800  }
0x138: {  	[sflag:s19] =	ssyncset.done $0x0  }
0x139: {  	s16 =	simm.s32 $0x0;
	s5 =	simm.s32 $0x2420;
	[sflag:s19] =	ssyncadd.s32 $0xFFFFF800  }
0x13a: {  	v1 =	vld [tilespmem:s5+$0xFFFFFFF0];
	s15 =	simm.s32 $0x40;
	s8 =	simm.s32 $0x2420  }
.LBB2_27:
0x13b: {  	p2 =	seq.s32 s15, $0x1FC0;
	v2 =	vld [tilespmem:s16+$0x4C00]  }
0x13c: {  	v3 =	vld [tilespmem:s5+$0x10]  }
0x13d: {  	v4 =	vld [tilespmem:s5+$0xFFFFFFE0]  }
0x13e: {  	v5 =	vld [tilespmem:s5+$0x0];
	_ =	sdelay $0x1  }
0x13f: {  	v6 =	vbroadcast v2, $0x0;
	v7 =	vbroadcast v2, $0x1  }
0x140: {  	v8 =	vbroadcast v2, $0x2;
	v2 =	vbroadcast v2, $0x3  }
0x141: {  	v4 =	vmul.f32 v6, v4;
	v1 =	vmul.f32 v1, v7  }
.Ltmp18:
0x142: {  	v2 =	vmul.f32 v3, v2;
	v5 =	vmul.f32 v5, v8;
	(pc) =	sbr.rel @!p2 .LBB2_27-.Ltmp18, $4  }
0x143: {  	[tilespmem:s5+$0xFFFFFFE0] =	vst v4  }
0x144: {  	[tilespmem:s5+$0xFFFFFFF0] =	vst v1  }
0x145: {  	s5 =	sadd.s32 $0x40, s5;
	[tilespmem:s8+$0x0] =	vst v5  }
0x146: {  	s16 =	sshra.s32 s15, $0x2;
	s15 =	sadd.s32 $0x40, s15;
	v1 =	vld [tilespmem:s5+$0xFFFFFFF0];
	[tilespmem:s8+$0x10] =	vst v2;
	s8 =	smov.u32 s5  }
0x147: {  	v2 =	vld [tilespmem:s16+$0x4C00];
	_ =	sdelay $0x1  }
0x148: {  	v3 =	vld [tilespmem:s5+$0xFFFFFFE0];
	_ =	sdelay $0x1  }
0x149: {  	v4 =	vld [tilespmem:s5+$0x0]  }
0x14a: {  	v5 =	vld [tilespmem:s5+$0x10];
	v6 =	vbroadcast v2, $0x0  }
0x14b: {  	v7 =	vbroadcast v2, $0x1  }
0x14c: {  	v8 =	vbroadcast v2, $0x2;
	v3 =	vmul.f32 v6, v3  }
.Ltmp19:
0x14d: {  	v2 =	vbroadcast v2, $0x3;
	v1 =	vmul.f32 v1, v7;
	(pc) =	sbr.rel .LBB2_32-.Ltmp19, $4  }
0x14e: {  	v4 =	vmul.f32 v4, v8;
	[tilespmem:s5+$0xFFFFFFE0] =	vst v3  }
0x14f: {  	v2 =	vmul.f32 v5, v2;
	[tilespmem:s5+$0xFFFFFFF0] =	vst v1  }
0x150: {  	[tilespmem:s8+$0x0] =	vst v4  }
0x151: {  	[tilespmem:s8+$0x10] =	vst v2  }
.LBB2_29:
0x152: {  	v1 =	vld [tilespmem:s5+$0xFFFFFFF0];
	s15 =	simm.s32 $0x40;
	s8 =	simm.s32 $0x2420  }
.LBB2_30:
0x153: {  	p2 =	sne.s32 s15, $0x1FC0;
	v2 =	vld [tilespmem:s16+$0x4C00]  }
0x154: {  	v3 =	vld [tilespmem:s5+$0x10]  }
0x155: {  	v4 =	vld [tilespmem:s5+$0xFFFFFFE0]  }
0x156: {  	v5 =	vld [tilespmem:s5+$0x0];
	_ =	sdelay $0x1  }
0x157: {  	v6 =	vbroadcast v2, $0x4;
	v7 =	vbroadcast v2, $0x5  }
0x158: {  	v8 =	vbroadcast v2, $0x6;
	v2 =	vbroadcast v2, $0x7  }
0x159: {  	v4 =	vmul.f32 v6, v4;
	v1 =	vmul.f32 v1, v7  }
.Ltmp20:
0x15a: {  	v2 =	vmul.f32 v3, v2;
	v5 =	vmul.f32 v5, v8;
	(pc) =	sbr.rel @p2 .LBB2_30-.Ltmp20, $4  }
0x15b: {  	[tilespmem:s5+$0xFFFFFFE0] =	vst v4  }
0x15c: {  	[tilespmem:s5+$0xFFFFFFF0] =	vst v1  }
0x15d: {  	s5 =	sadd.s32 $0x40, s5;
	[tilespmem:s8+$0x0] =	vst v5  }
0x15e: {  	s16 =	sshra.s32 s15, $0x2;
	s15 =	sadd.s32 $0x40, s15;
	v1 =	vld [tilespmem:s5+$0xFFFFFFF0];
	[tilespmem:s8+$0x10] =	vst v2;
	s8 =	smov.u32 s5  }
.Ltmp21:
0x15f: {  	_ = 	snop;
	(pc) =	sbr.rel .LBB2_31-.Ltmp21, $1  }
0x160: {  	_ =	sdelay $0x3  }
.LBB2_34:
0x161: {  	_ =	sfence.sel $0x180000  }
0x162: {  	[bflag:$0x0] =	sbarrier.arrive $0xFFFF  }
0x163: {  	_ =	strace $0x9000004A  }
0x164: {  	s0 =	stileid.u32;
	[bflag:$0x2] =	sbarrier.arrive $0xFFFF  }
0x165: {  	p0 =	sne.s32 s0, $0x0;
	s0 =	rddreg [dreg:$0x2]  }
0x166: {  	s0 =	sadd.s32 @!p0 $0x100000, s0  }
0x167: {  	[sflag:s0] =	ssyncadd.tile.s32 @!p0 $0x1;
	_ =	shalt  }
.Lfunc_end2:
_tile_overlayer_lowered:
.L_overlay_start_2:
0x168: {  	(tag) =	ssettag $0x2  }
0x169: {  	s0 =	rddreg [dreg:$0x0];
	s2 =	stileid.u32  }
0x16a: {  	s1 =	rddreg [dreg:$0x1];
	p0 =	sne.s32 s2, $0x0  }
0x16b: {  	s3 =	rddreg [dreg:$0x2];
	[bflag:$0x3] =	sbarrier.arrive $0xFFFF;
	s2 =	simm.s32 @!p0 $0x1C0B  }
0x16c: {  	[timem:s3], [sflag:s2] =	dma.local @!p0 [hbm:s0], s1  }
0x16d: {  	s0 =	simm.s32 @!p0 $0xB  }
0x16e: {  	_ =	swait.ge @!p0 [sflag:s0], s1  }
0x16f: {  	s1 =	ssub.s32 @!p0 $0x0, s1;
	[sflag:s0] =	ssyncset.done @!p0 $0x0  }
0x170: {  	[sflag:s0] =	ssyncadd.s32 @!p0 s1  }
0x171: {  	[bflag:$0x3] =	sbarrier.arrive $0xFFFF  }
0x172: {  	_ =	shalt  }

// kernel: kernel.14.cloned.1.call-start
scs
__scs_entry_jumppad:
0x0: {  	(pc) =	sbr.rel $0x88, $3  }
0x1: {  	(tag) =	ssettag $0x0;
	lr =	simm.s32 $0x1  }
0x2: {  	[smem:$0x3F9B] =	sst lr;
	_ =	strace $0xD0000000  }
0x3: {  	_ = 	snop  }
0x4: {  	_ = 	snop  }
0x5: {  	_ = 	snop  }
0x6: {  	_ = 	snop  }
0x7: {  	_ = 	snop  }
__scs_overlays_trampoline_lowered:
0x8: {  	[smem:$0x3FAA] =	sst s0  }
0x9: {  	[smem:$0x3FAB] =	sst s1  }
0xa: {  	[smem:$0x3FAC] =	sst s2  }
0xb: {  	[smem:$0x3FAD] =	sst s3  }
0xc: {  	[smem:$0x3FAE] =	sst s4  }
0xd: {  	[smem:$0x3FAF] =	sst s5  }
0xe: {  	[smem:$0x3FB0] =	sst s6  }
0xf: {  	[smem:$0x3FB1] =	sst s7  }
0x10: {  	[smem:$0x3FB2] =	sst s8  }
0x11: {  	[smem:$0x3FB3] =	sst s9;
	s0 =	simm.s32 @!p0 $0x0  }
0x12: {  	s1 =	sld [smem:$0x3F99];
	s0 =	simm.s32 @p0 $0x1  }
0x13: {  	[smem:$0x3FB4] =	sst s0;
	s0 =	simm.s32 @!p1 $0x0  }
0x14: {  	s2 =	sld [smem:$0x3F98];
	s0 =	simm.s32 @p1 $0x1  }
0x15: {  	[smem:$0x3FB5] =	sst s0;
	s0 =	simm.s32 @!p2 $0x0  }
0x16: {  	s3 =	sld [smem:$0x3FDB];
	s0 =	simm.s32 @p2 $0x1  }
0x17: {  	s4 =	simm.s32 $0x1BF5;
	[smem:$0x3FB7] =	sst s0  }
0x18: {  	s0 =	sld [smem:$0x3F9A];
	_ =	swait.ge [sflag:s4], $0x0  }
0x19: {  	s7 =	sld [smem:$0x3F9B]  }
0x1a: {  	s8 =	sadd.s32 $0xFFFFE003, lr  }
0x1b: {  	s9 =	sadd.s32 $0xFFFFFEF7, lr;
	s5 =	simm.s32 $0xFFFFFFFF;
	p2 =	slt.u32 s8, $0xFFFFF086  }
0x1c: {  	p1 =	slt.u32 s9, $0xF7A;
	s5 =	simm.s32 @!p2 $0x0  }
0x1d: {  	s5 =	simm.s32 @p1 $0x1;
	p0 =	seq.s32 s7, s2  }
0x1e: {  	s7 =	smul.u32 @!p0 $0xF7A, s2;
	p2 =	seq.s32 @!p0 s5, $0x0  }
0x1f: {  	s9 =	smul.u32 $0xF7A, s1;
	s8 =	simm.s32 @!p0 $0x1BF5;
	p2 =	por !p2, p0  }
0x20: {  	[sflag:s8] =	ssyncset.s32 @!p0 $0xFFFFF086;
	s6 =	sadd.s32 @!p0 s3, s7;
	s7 =	simm.s32 @!p0 $0x108  }
0x21: {  	s3 =	sadd.s32 s3, s9;
	s6 =	sadd.s32 @!p0 $0x88, s6;
	s7 =	simm.s32 @p2 $0x1082  }
0x22: {  	[simem:s7], [sflag:s8] =	dma.local @!p0 [hbm:s6], $0xF7A  }
0x23: {  	s9 =	sor.u32 $0xD0000000, s2;
	s6 =	simm.s32 $0x108;
	_ =	swait.ge @!p0 [sflag:s8], $0x0  }
0x24: {  	s3 =	sadd.s32 $0x88, s3;
	s6 =	simm.s32 @!p1 $0x1082;
	[sflag:s4] =	ssyncset.s32 $0xFFFFF086  }
0x25: {  	[simem:s6], [sflag:s4] =	dma.local [hbm:s3], $0xF7A  }
0x26: {  	[smem:$0x3F9B] =	sst s1;
	(tag) =	ssettag s2;
	_ =	strace s9  }
0x27: {  	s1 =	sld [smem:$0x3FAB]  }
0x28: {  	s2 =	sld [smem:$0x3FAC]  }
0x29: {  	s4 =	sld [smem:$0x3FAE]  }
0x2a: {  	p0 =	seq.s32 s5, $0x0;
	s5 =	sld [smem:$0x3FAF]  }
0x2b: {  	s6 =	sld [smem:$0x3FB0]  }
0x2c: {  	s7 =	sld [smem:$0x3FB1]  }
0x2d: {  	s3 =	simm.s32 $0x108;
	s8 =	sld [smem:$0x3FB2]  }
0x2e: {  	s3 =	simm.s32 @!p0 $0x1082;
	s9 =	sld [smem:$0x3FB3]  }
0x2f: {  	lr =	sadd.s32 s0, s3;
	s0 =	sld [smem:$0x3FAA]  }
0x30: {  	s3 =	sld [smem:$0x3FAD]  }
0x31: {  	[smem:$0x3FB6] =	sst s10  }
0x32: {  	s10 =	sld [smem:$0x3FB4];
	_ =	sdelay $0x3  }
0x33: {  	p0 =	seq.s32 s10, $0x1;
	s10 =	sld [smem:$0x3FB6];
	_ =	sdelay $0x3  }
0x34: {  	[smem:$0x3FB6] =	sst s10  }
0x35: {  	s10 =	sld [smem:$0x3FB5];
	_ =	sdelay $0x3  }
0x36: {  	p1 =	seq.s32 s10, $0x1;
	s10 =	sld [smem:$0x3FB6];
	_ =	sdelay $0x3  }
0x37: {  	[smem:$0x3FB6] =	sst s10  }
0x38: {  	s10 =	sld [smem:$0x3FB7]  }
0x39: {  	_ = 	snop;
	(pc) =	sbr.ind lr, $3  }
0x3a: {  	_ = 	snop  }
0x3b: {  	_ = 	snop  }
0x3c: {  	p2 =	seq.s32 s10, $0x1;
	s10 =	sld [smem:$0x3FB6]  }
0x3d: {  	_ =	shalt  }
0x3e: {  	_ =	shalt  }
0x3f: {  	_ =	shalt  }
0x40: {  	_ =	shalt  }
0x41: {  	_ =	shalt  }
0x42: {  	_ =	shalt  }
0x43: {  	_ =	shalt  }
0x44: {  	_ =	shalt  }
0x45: {  	_ =	shalt  }
0x46: {  	_ =	shalt  }
0x47: {  	_ =	shalt  }
0x48: {  	_ =	shalt  }
0x49: {  	_ =	shalt  }
0x4a: {  	_ =	shalt  }
0x4b: {  	_ =	shalt  }
0x4c: {  	_ =	shalt  }
0x4d: {  	_ =	shalt  }
0x4e: {  	_ =	shalt  }
0x4f: {  	_ =	shalt  }
0x50: {  	_ =	shalt  }
0x51: {  	_ =	shalt  }
0x52: {  	_ =	shalt  }
0x53: {  	_ =	shalt  }
0x54: {  	_ =	shalt  }
0x55: {  	_ =	shalt  }
0x56: {  	_ =	shalt  }
0x57: {  	_ =	shalt  }
0x58: {  	_ =	shalt  }
0x59: {  	_ =	shalt  }
0x5a: {  	_ =	shalt  }
0x5b: {  	_ =	shalt  }
0x5c: {  	_ =	shalt  }
0x5d: {  	_ =	shalt  }
0x5e: {  	_ =	shalt  }
0x5f: {  	_ =	shalt  }
0x60: {  	_ =	shalt  }
0x61: {  	_ =	shalt  }
0x62: {  	_ =	shalt  }
0x63: {  	_ =	shalt  }
0x64: {  	_ =	shalt  }
0x65: {  	_ =	shalt  }
0x66: {  	_ =	shalt  }
0x67: {  	_ =	shalt  }
0x68: {  	_ =	shalt  }
0x69: {  	_ =	shalt  }
0x6a: {  	_ =	shalt  }
0x6b: {  	_ =	shalt  }
0x6c: {  	_ =	shalt  }
0x6d: {  	_ =	shalt  }
0x6e: {  	_ =	shalt  }
0x6f: {  	_ =	shalt  }
0x70: {  	_ =	shalt  }
0x71: {  	_ =	shalt  }
0x72: {  	_ =	shalt  }
0x73: {  	_ =	shalt  }
0x74: {  	_ =	shalt  }
0x75: {  	_ =	shalt  }
0x76: {  	_ =	shalt  }
0x77: {  	_ =	shalt  }
0x78: {  	_ =	shalt  }
0x79: {  	_ =	shalt  }
0x7a: {  	_ =	shalt  }
0x7b: {  	_ =	shalt  }
0x7c: {  	_ =	shalt  }
0x7d: {  	_ =	shalt  }
0x7e: {  	_ =	shalt  }
0x7f: {  	_ =	shalt  }
0x80: {  	_ =	shalt  }
0x81: {  	_ =	shalt  }
0x82: {  	_ =	shalt  }
0x83: {  	_ =	shalt  }
0x84: {  	_ =	shalt  }
0x85: {  	_ =	shalt  }
0x86: {  	_ =	shalt  }
0x87: {  	_ =	shalt  }
.Lfunc_end0:
.L_simem_size_0:
called_computation.2_lowered:
.L_overlay_start_0:
0x88: {  	s2 =	sld [smem:$0x3FD9]  }
0x89: {  	s3 =	sld [smem:$0x3FFE];
	_ =	sdelay $0x1  }
0x8a: {  	s1 =	srdreg.scid  }
0x8b: {  	s0 =	sand.u32 $0x1, s1  }
0x8c: {  	s16 =	sshll.u32 s0, $0xA;
	s2 =	sadd.s32 s3, s2  }
0x8d: {  	s2 =	sadd.s32 s2, s16  }
0x8e: {  	[smem:$0x3FC2] =	sst s2  }
0x8f: {  	_ = 	snop  }
0x90: {  	(tm) =	ssettm $0x1  }
0x91: {  	s17 =	sld [smem:$0x3FFB];
	_ =	sdelay $0x3  }
0x92: {  	_ =	strace s17  }
0x93: {  	s2 =	sld [smem:$0x3FFC];
	_ =	sdelay $0x3  }
0x94: {  	_ =	strace s2  }
0x95: {  	s2 =	sld [smem:$0x3FFD];
	_ =	sdelay $0x3  }
0x96: {  	_ =	strace s2  }
0x97: {  	_ =	strace $0x8FFFFFFF  }
0x98: {  	s18 =	sld [smem:$0x3FDB];
	_ =	sdelay $0x1  }
0x99: {  	s19 =	simm.s32 $_scs_section_size  }
0x9a: {  	s4 =	simm.s32 $_size__tile_overlayer_lowered;
	s5 =	simm.s32 $_tile_overlayer_lowered  }
0x9b: {  	s22 =	simm.s32 $0x1BFF;
	s21 =	sshll.u32 s5, $0x1;
	s2 =	sadd.s32 s19, s18  }
0x9c: {  	s6 =	simm.s32 $0x0;
	s20 =	sshll.u32 s4, $0x1;
	s4 =	sadd.s32 s21, s2  }
0x9d: {  	[timem:s6], [sflag:s22] =	dma.local [hbm:s4], s20  }
0x9e: {  	_ =	swait.ge [sflag:s22], s20  }
0x9f: {  	s3 =	ssub.s32 $0x0, s20;
	[sflag:s22] =	ssyncset.done $0x0  }
0xa0: {  	[sflag:s22] =	ssyncadd.s32 s3;
	_ =	sdelay $0x1  }
0xa1: {  	s23 =	simm.s32 $0x1B8B  }
0xa2: {  	_ =	swait.ge [sflag:s23], $0x1  }
0xa3: {  	[sflag:s23] =	ssyncset.done $0x0  }
0xa4: {  	s25 =	simm.s32 $0x1B8E;
	s24 =	sld [smem:$0x3FFE];
	[sflag:s23] =	ssyncadd.s32 $0xFFFFFFFF  }
0xa5: {  	s26 =	simm.s32 $execute0_lowered;
	[smem:$0x3FD2] =	sst s25  }
0xa6: {  	s4 =	sshll.u32 s26, $0x1;
	_ =	strace $0x8000004C;
	[dreg:$0x1] =	wrdreg $0xFFFFFFFF  }
0xa7: {  	s28 =	simm.s32 $_size_execute0_lowered;
	s2 =	sadd.s32 s2, s4;
	[dreg:$0x0] =	wrdreg $0x0  }
0xa8: {  	s4 =	sshll.u32 s28, $0x1;
	[dreg:$0x2] =	wrdreg s2  }
0xa9: {  	[dreg:$0x3] =	wrdreg s4  }
0xaa: {  	[dreg:$0x4] =	wrdreg $0xC0  }
0xab: {  	_ =	task [dreg:s6], $0x5FFFF  }
0xac: {  	[dreg:$0x1] =	wrdreg $0xFFFFFFFF  }
0xad: {  	[dreg:$0x0] =	wrdreg $0x60  }
0xae: {  	[dreg:$0x2] =	wrdreg s24  }
0xaf: {  	[dreg:$0x3] =	wrdreg $0xE2000  }
0xb0: {  	[dreg:$0x4] =	wrdreg $0x9  }
0xb1: {  	_ =	task.clear_ibuf [dreg:s6], $0x5FFFF;
	_ =	strace $0x9000004C  }
0xb2: {  	s29 =	simm.s32 $0x9;
	_ =	strace $0x8000004E  }
0xb3: {  	_ =	swait.ge [sflag:s29], $0x1  }
0xb4: {  	[sflag:s29] =	ssyncadd.s32 $0xFFFFFFFF  }
0xb5: {  	_ =	strace $0x9000004E  }
0xb6: {  	_ =	sfence  }
0xb7: {  	s30 =	sld [smem:$0x0];
	_ =	sdelay $0x2  }
0xb8: {  	s31 =	sshll.u32 s1, $0xD;
	s1 =	sshrl.u32 s1, $0x2  }
0xb9: {  	s3 =	sand.u32 $0x4000, s31;
	s1 =	sadd.s32 s1, s30  }
0xba: {  	s0 =	sor.u32 s3, s0;
	s1 =	sshll.u32 s1, $0x11  }
0xbb: {  	s0 =	sor.u32 s1, s0  }
0xbc: {  	s0 =	sadd.s32 $0x8F2B, s0  }
0xbd: {  	[sflag:s0] =	ssyncadd.remote.s32 $0x1  }
0xbe: {  	_ =	sfence.sel $0xFFFF  }
0xbf: {  	[dreg:$0x0] =	wrdreg $0xFFFFFFFF;
	(pc) =	sbr.abs _section_cstart, $3  }
0xc0: {  	[dreg:$0x1] =	wrdreg $0xFFFFFFFF  }
0xc1: {  	_ =	task.clear_ibuf [dreg:s6], $0x2FFFF;
	_ =	strace $0x9FFFFFFF  }
0xc2: {  	(tm) =	ssettm $0x7FFFFFFF  }
0xc3: {  	_ =	shalt  }
tec
execute0_lowered:
.L_overlay_start_1:
0x0: {  	(tag) =	ssettag $0x1  }
0x1: {  	s0 =	rddreg [dreg:$0x0]  }
0x2: {  	s2 =	rddreg [dreg:$0x1]  }
0x3: {  	s1 =	srdreg.scid;
	s9 =	stileid.u32;
	s3 =	simm.s32 $0x0  }
0x4: {  	s14 =	simm.s32 $0x9;
	s16 =	simm.s32 $0x100;
	s17 =	simm.s32 $0x80  }
0x5: {  	s18 =	simm.s32 $0x400;
	s19 =	simm.s32 $0x200;
	s25 =	simm.s32 $0x180  }
0x6: {  	s26 =	simm.s32 $0x280;
	s31 =	simm.s32 $0x380;
	s28 =	simm.s32 $0x8  }
0x7: {  	s29 =	simm.s32 $0x4;
	s30 =	simm.s32 $0x0;
	s20 =	smul.u32 $0x9E00, s9  }
0x8: {  	s4 =	sand.u32 $0x1, s1;
	[smem:$0x7FF] =	sst s3;
	s7 =	smul.u32 $0xA400, s9  }
0x9: {  	s5 =	sadd.s32 $0x2A00, s0;
	s12 =	sadd.s32 $0x2A200, s0;
	s13 =	smul.u32 $0x1480, s9  }
0xa: {  	s9 =	sadd.s32 $0x16600, s0;
	_ =	strace $0x8000004D;
	[dreg:$0x3] =	wrdreg s25  }
0xb: {  	s6 =	smul.u32 $0x9E000, s4;
	s8 =	ssub.s32 $0x2, s4;
	[dreg:$0x4] =	wrdreg s26  }
0xc: {  	p0 =	seq.s32 s4, $0x0;
	s15 =	smov.u32 s9;
	[dreg:$0x5] =	wrdreg s31  }
0xd: {  	s25 =	simm.s32 $0x3;
	s26 =	simm.s32 $0x6;
	s21 =	sshrl.u32 s8, $0x1  }
0xe: {  	s7 =	sshrl.u32 s7, $0x3;
	s15 =	smov.u32 @p0 s5;
	s6 =	sadd.s32 s20, s6  }
0xf: {  	s11 =	ssub.s32 s8, s21;
	s21 =	simm.s32 $0x2400;
	s6 =	sshrl.u32 s6, $0x3  }
0x10: {  	s24 =	smax.u32 s11, $0x1;
	s10 =	sadd.s32 s6, s0;
	s6 =	sadd.s32 s12, s7  }
0x11: {  	s7 =	sadd.s32 s20, s2;
	[dreg:$0x8] =	wrdreg s24;
	s12 =	sadd.s32 s13, s12  }
0x12: {  	s13 =	simm.s32 $0x4400;
	s20 =	simm.s32 $0x2;
	s22 =	sadd.s32 $0x20, s6  }
0x13: {  	s24 =	simm.s32 $0x300;
	s23 =	sadd.s32 $0x109A00, s10;
	[dreg:$0x6] =	wrdreg s22  }
0x14: {  	v0 =	vimm.f32 $0.0e+00;
	[dreg:$0x7] =	wrdreg s23;
	s22 =	simm.s32 $0x5;
	s23 =	simm.s32 $0x7  }
.LBB2_1:
0x15: {  	s1 =	simm.s32 $0x100;
	s0 =	simm.s32 $0x0  }
.LBB2_2:
0x16: {  	p0 =	sne.s32 s1, $0x27700;
	[tilespmem:s0+$0x4430] =	vst v0;
	s31 =	smov.u32 s1;
	s1 =	sadd.s32 $0x100, s1  }
.Ltmp0:
0x17: {  	[tilespmem:s0+$0x4420] =	vst v0;
	(pc) =	sbr.rel @p0 .LBB2_2-.Ltmp0, $3  }
0x18: {  	[tilespmem:s0+$0x4400] =	vst v0  }
0x19: {  	[tilespmem:s0+$0x4410] =	vst v0;
	_ =	sdelay $0x1  }
0x1a: {  	s0 =	sshra.s32 s31, $0x2  }
0x1b: {  	[tilespmem:s0+$0x4430] =	vst v0  }
0x1c: {  	[tilespmem:s0+$0x4420] =	vst v0  }
0x1d: {  	[tilespmem:s0+$0x4400] =	vst v0  }
0x1e: {  	[tilespmem:s0+$0x4410] =	vst v0  }
0x1f: {  	[spmem:s7] =	stream.linear.scatter [tilespmem:s13], [sflag:$0x9], $0x9E00, $0x38;
	[tilespmem:$0x18000] =	vst v63  }
0x20: {  	_ =	swait.ge [sflag:s14], $0x9E00  }
0x21: {  	[sflag:s14] =	ssyncset.done $0x0  }
0x22: {  	[sflag:s14] =	ssyncadd.s32 $0xFFFF6200  }
0x23: {  	[tilespmem:s3], [sflag:$0x9] =	stream.linear.gather [hbm4b:s6+s3], $0x100, $0x38;
	[tilespmem:$0x18000] =	vst v63  }
0x24: {  	_ =	swait.ge [sflag:s14], $0x100  }
0x25: {  	[sflag:s14] =	ssyncset.done $0x0  }
0x26: {  	p0 =	por $0x1, $0x1;
	s8 =	rddreg [dreg:$0x6];
	[sflag:s14] =	ssyncadd.s32 $0xFFFFFF00  }
0x27: {  	[tilespmem:s16], [sflag:$0x2] =	stream.linear.gather [hbm4b:s8+s3], $0x100, $0x38;
	[tilespmem:$0x18000] =	vst v63  }
0x28: {  	s10 =	simm.s32 $0x0;
	p0 =	por p0, p0  }
0x29: {  	[tilespmem:s18], [sflag:$0x5] =	stream.indirect.gather [hbm4b:s15+s17], $0x40, s10, s17, $0xb8;
	[tilespmem:$0x18000] =	vst v63  }
0x2a: {  	s0 =	simm.s32 @!p0 $0x8;
	[bflag:$0x0] =	sbarrier.arrive $0xFFFF  }
0x2b: {  	_ =	swait.ge @!p0 [sflag:s0], $0x2000  }
0x2c: {  	s1 =	sadd.s32 $0x0, s12;
	[sflag:s0] =	ssyncset.done @!p0 $0x0  }
0x2d: {  	s11 =	sadd.s32 $0x40, s1;
	[sflag:s0] =	ssyncadd.s32 @!p0 $0xFFFFE000  }
0x2e: {  	[tilespmem:s19], [sflag:$0x3] =	stream.linear.gather [hbm4b:s11+s3], $0x100, $0x38;
	[tilespmem:$0x18000] =	vst v63  }
0x2f: {  	_ =	swait.ge [sflag:s20], $0x100  }
0x30: {  	[sflag:s20] =	ssyncset.done $0x0  }
0x31: {  	[sflag:s20] =	ssyncadd.s32 $0xFFFFFF00  }
0x32: {  	[tilespmem:s21], [sflag:$0x6] =	stream.indirect.gather [hbm4b:s15+s17], $0x40, s16, s17, $0xb8;
	[tilespmem:$0x18000] =	vst v63  }
0x33: {  	_ =	swait.ge [sflag:s22], $0x2000  }
0x34: {  	[sflag:s22] =	ssyncset.done $0x0  }
0x35: {  	[sflag:s22] =	ssyncadd.s32 $0xFFFFE000  }
0x36: {  	[spmem:s2] =	stream.indirect.scatter.add.f32 [tilespmem:s18], [sflag:$0x7], $0x40, s17, s17, $0xb8;
	[tilespmem:$0x18000] =	vst v63  }
0x37: {  	_ =	swait.ge [sflag:s23], $0x2000  }
0x38: {  	[sflag:s23] =	ssyncset.done $0x0  }
0x39: {  	s8 =	sadd.s32 $0x60, s1;
	[sflag:s23] =	ssyncadd.s32 $0xFFFFE000  }
0x3a: {  	[tilespmem:s24], [sflag:$0x4] =	stream.linear.gather [hbm4b:s8+s3], $0x100, $0x38;
	[tilespmem:$0x18000] =	vst v63  }
0x3b: {  	_ =	swait.ge [sflag:s25], $0x100  }
0x3c: {  	[sflag:s25] =	ssyncset.done $0x0  }
0x3d: {  	[sflag:s25] =	ssyncadd.s32 $0xFFFFFF00  }
0x3e: {  	[tilespmem:s18], [sflag:$0x5] =	stream.indirect.gather [hbm4b:s15+s17], $0x40, s19, s17, $0xb8;
	[tilespmem:$0x18000] =	vst v63  }
0x3f: {  	_ =	swait.ge [sflag:s26], $0x2000  }
0x40: {  	[sflag:s26] =	ssyncset.done $0x0  }
0x41: {  	s10 =	rddreg [dreg:$0x3];
	[sflag:s26] =	ssyncadd.s32 $0xFFFFE000  }
0x42: {  	[spmem:s2] =	stream.indirect.scatter.add.f32 [tilespmem:s21], [sflag:$0x8], $0x40, s10, s17, $0xb8;
	[tilespmem:$0x18000] =	vst v63  }
0x43: {  	p0 =	por $0x0, $0x0;
	_ =	swait.ge [sflag:s28], $0x2000  }
0x44: {  	s0 =	sadd.s32 @!p0 $0x0, s12;
	[sflag:s28] =	ssyncset.done $0x0  }
0x45: {  	s31 =	simm.s32 @!p0 $0x0;
	s1 =	sadd.s32 @!p0 $0x80, s0;
	[sflag:s28] =	ssyncadd.s32 $0xFFFFE000  }
0x46: {  	[tilespmem:s31], [sflag:$0x1] =	stream.linear.gather @!p0 [hbm4b:s1+s31], $0x100, $0x38;
	[tilespmem:$0x18000] =	vst v63  }
0x47: {  	_ =	swait.ge [sflag:s29], $0x100  }
0x48: {  	[sflag:s29] =	ssyncset.done $0x0  }
0x49: {  	[sflag:s29] =	ssyncadd.s32 $0xFFFFFF00  }
0x4a: {  	[tilespmem:s21], [sflag:$0x6] =	stream.indirect.gather [hbm4b:s15+s17], $0x40, s24, s17, $0xb8;
	[tilespmem:$0x18000] =	vst v63  }
0x4b: {  	_ =	swait.ge [sflag:s22], $0x2000  }
0x4c: {  	[sflag:s22] =	ssyncset.done $0x0  }
0x4d: {  	s11 =	rddreg [dreg:$0x4];
	[sflag:s22] =	ssyncadd.s32 $0xFFFFE000  }
0x4e: {  	[spmem:s2] =	stream.indirect.scatter.add.f32 [tilespmem:s18], [sflag:$0x7], $0x40, s11, s17, $0xb8;
	[tilespmem:$0x18000] =	vst v63  }
0x4f: {  	_ =	swait.ge [sflag:s23], $0x2000  }
0x50: {  	p1 =	seq.s32 @!p0 s4, $0x0;
	s0 =	sadd.s32 @!p0 $0xA0, s0;
	[sflag:s23] =	ssyncset.done $0x0  }
0x51: {  	s8 =	simm.s32 @!p0 $0x1;
	s1 =	simm.s32 @!p0 $0x100;
	[sflag:s23] =	ssyncadd.s32 $0xFFFFE000  }
0x52: {  	[tilespmem:s1], [sflag:$0x2] =	stream.linear.gather @!p0 [hbm4b:s0+s31], $0x100, $0x38;
	[tilespmem:$0x18000] =	vst v63  }
0x53: {  	p1 =	por !p1, p0;
	_ =	swait.ge @!p0 [sflag:s8], $0x100  }
0x54: {  	s0 =	smov.u32 s5;
	s1 =	simm.s32 @!p0 $0x80;
	[sflag:s8] =	ssyncset.done @!p0 $0x0  }
0x55: {  	s0 =	smov.u32 @p1 s9;
	[sflag:s8] =	ssyncadd.s32 @!p0 $0xFFFFFF00;
	s8 =	simm.s32 @!p0 $0x400  }
0x56: {  	[tilespmem:s8], [sflag:$0x5] =	stream.indirect.gather @!p0 [hbm4b:s0+s1], $0x40, s31, s1, $0xb8;
	[tilespmem:$0x18000] =	vst v63  }
0x57: {  	p6 =	por $0x0, $0x0;
	_ =	swait.ge [sflag:s26], $0x2000  }
0x58: {  	s31 =	simm.s32 $0x80;
	s0 =	simm.s32 $0x100;
	[sflag:s26] =	ssyncset.done $0x0  }
0x59: {  	p0 =	por p6, p6;
	s1 =	rddreg [dreg:$0x5];
	[sflag:s26] =	ssyncadd.s32 $0xFFFFE000  }
.LBB2_4:
0x5a: {  	[spmem:s2] =	stream.indirect.scatter.add.f32 [tilespmem:s21], [sflag:$0x8], $0x40, s1, s17, $0xb8;
	[tilespmem:$0x18000] =	vst v63  }
0x5b: {  	s8 =	simm.s32 @!p0 $0x8  }
0x5c: {  	_ =	swait.ge @!p0 [sflag:s8], $0x2000  }
0x5d: {  	s10 =	sadd.s32 s31, s12;
	[sflag:s8] =	ssyncset.done @!p0 $0x0  }
0x5e: {  	s11 =	sadd.s32 $0x40, s10;
	[sflag:s8] =	ssyncadd.s32 @!p0 $0xFFFFE000  }
0x5f: {  	[tilespmem:s19], [sflag:$0x3] =	stream.linear.gather [hbm4b:s11+s3], $0x100, $0x38;
	[tilespmem:$0x18000] =	vst v63  }
0x60: {  	_ =	swait.ge [sflag:s20], $0x100  }
0x61: {  	[sflag:s20] =	ssyncset.done $0x0  }
0x62: {  	[sflag:s20] =	ssyncadd.s32 $0xFFFFFF00  }
0x63: {  	[tilespmem:s21], [sflag:$0x6] =	stream.indirect.gather [hbm4b:s15+s17], $0x40, s16, s17, $0xb8;
	[tilespmem:$0x18000] =	vst v63  }
0x64: {  	_ =	swait.ge [sflag:s22], $0x2000  }
0x65: {  	[sflag:s22] =	ssyncset.done $0x0  }
0x66: {  	[sflag:s22] =	ssyncadd.s32 $0xFFFFE000  }
0x67: {  	[spmem:s2] =	stream.indirect.scatter.add.f32 [tilespmem:s18], [sflag:$0x7], $0x40, s17, s17, $0xb8;
	[tilespmem:$0x18000] =	vst v63  }
0x68: {  	_ =	swait.ge [sflag:s23], $0x2000  }
0x69: {  	[sflag:s23] =	ssyncset.done $0x0  }
0x6a: {  	s10 =	sadd.s32 $0x60, s10;
	[sflag:s23] =	ssyncadd.s32 $0xFFFFE000  }
0x6b: {  	[tilespmem:s24], [sflag:$0x4] =	stream.linear.gather [hbm4b:s10+s3], $0x100, $0x38;
	[tilespmem:$0x18000] =	vst v63  }
0x6c: {  	_ =	swait.ge [sflag:s25], $0x100  }
0x6d: {  	[sflag:s25] =	ssyncset.done $0x0  }
0x6e: {  	[sflag:s25] =	ssyncadd.s32 $0xFFFFFF00  }
0x6f: {  	[tilespmem:s18], [sflag:$0x5] =	stream.indirect.gather [hbm4b:s15+s17], $0x40, s19, s17, $0xb8;
	[tilespmem:$0x18000] =	vst v63  }
0x70: {  	_ =	swait.ge [sflag:s26], $0x2000  }
0x71: {  	s1 =	smov.u32 s0;
	[sflag:s26] =	ssyncset.done $0x0  }
0x72: {  	p2 =	seq.s32 s1, $0x0;
	s11 =	rddreg [dreg:$0x3];
	[sflag:s26] =	ssyncadd.s32 $0xFFFFE000  }
0x73: {  	[spmem:s2] =	stream.indirect.scatter.add.f32 [tilespmem:s21], [sflag:$0x8], $0x40, s11, s17, $0xb8;
	[tilespmem:$0x18000] =	vst v63  }
0x74: {  	p0 =	por p2, p2;
	p2 =	seq.s32 s31, $0x1400;
	_ =	swait.ge [sflag:s28], $0x2000  }
0x75: {  	s8 =	sadd.s32 @!p2 s31, s12;
	[sflag:s28] =	ssyncset.done $0x0  }
0x76: {  	s10 =	sadd.s32 @!p2 $0x80, s8;
	s11 =	simm.s32 @!p2 $0x0;
	[sflag:s28] =	ssyncadd.s32 $0xFFFFE000  }
0x77: {  	[tilespmem:s11], [sflag:$0x1] =	stream.linear.gather @!p2 [hbm4b:s10+s11], $0x100, $0x38;
	[tilespmem:$0x18000] =	vst v63  }
0x78: {  	_ =	swait.ge [sflag:s29], $0x100  }
0x79: {  	[sflag:s29] =	ssyncset.done $0x0  }
0x7a: {  	[sflag:s29] =	ssyncadd.s32 $0xFFFFFF00  }
0x7b: {  	[tilespmem:s21], [sflag:$0x6] =	stream.indirect.gather [hbm4b:s15+s17], $0x40, s24, s17, $0xb8;
	[tilespmem:$0x18000] =	vst v63  }
0x7c: {  	_ =	swait.ge [sflag:s22], $0x2000  }
0x7d: {  	[sflag:s22] =	ssyncset.done $0x0  }
0x7e: {  	s0 =	sadd.s32 $0x80, s0;
	s10 =	rddreg [dreg:$0x4];
	[sflag:s22] =	ssyncadd.s32 $0xFFFFE000  }
0x7f: {  	[spmem:s2] =	stream.indirect.scatter.add.f32 [tilespmem:s18], [sflag:$0x7], $0x40, s10, s17, $0xb8;
	[tilespmem:$0x18000] =	vst v63  }
0x80: {  	p1 =	sne.s32 s0, $0x1480;
	p3 =	seq.s32 @!p2 s4, $0x0;
	_ =	swait.ge [sflag:s23], $0x2000  }
0x81: {  	s31 =	smov.u32 s1;
	s1 =	simm.s32 @!p2 $0x100;
	[sflag:s23] =	ssyncset.done $0x0  }
0x82: {  	s8 =	sadd.s32 @!p2 $0xA0, s8;
	s10 =	simm.s32 @!p2 $0x1;
	[sflag:s23] =	ssyncadd.s32 $0xFFFFE000  }
0x83: {  	[tilespmem:s1], [sflag:$0x2] =	stream.linear.gather @!p2 [hbm4b:s8+s11], $0x100, $0x38;
	[tilespmem:$0x18000] =	vst v63  }
0x84: {  	p3 =	por !p3, p2;
	s1 =	smov.u32 s5;
	_ =	swait.ge @!p2 [sflag:s10], $0x100  }
0x85: {  	s8 =	simm.s32 @!p2 $0x80;
	s1 =	smov.u32 @p3 s9;
	[sflag:s10] =	ssyncset.done @!p2 $0x0  }
.Ltmp1:
0x86: {  	[sflag:s10] =	ssyncadd.s32 @!p2 $0xFFFFFF00;
	s10 =	simm.s32 @!p2 $0x400;
	(pc) =	sbr.rel @p1 .LBB2_4-.Ltmp1, $4  }
0x87: {  	[tilespmem:s10], [sflag:$0x5] =	stream.indirect.gather @!p2 [hbm4b:s1+s8], $0x40, s11, s8, $0xb8;
	[tilespmem:$0x18000] =	vst v63  }
0x88: {  	_ =	swait.ge [sflag:s26], $0x2000  }
0x89: {  	[sflag:s26] =	ssyncset.done $0x0  }
0x8a: {  	s1 =	rddreg [dreg:$0x5];
	[sflag:s26] =	ssyncadd.s32 $0xFFFFE000  }
0x8b: {  	[spmem:s2] =	stream.indirect.scatter.add.f32 [tilespmem:s21], [sflag:$0x8], $0x40, s1, s17, $0xb8;
	[tilespmem:$0x18000] =	vst v63  }
0x8c: {  	s0 =	simm.s32 @!p0 $0x8  }
0x8d: {  	_ =	swait.ge @!p0 [sflag:s0], $0x2000  }
0x8e: {  	s11 =	sadd.s32 s31, s12;
	[sflag:s0] =	ssyncset.done @!p0 $0x0  }
0x8f: {  	s8 =	sadd.s32 $0x40, s11;
	[sflag:s0] =	ssyncadd.s32 @!p0 $0xFFFFE000  }
0x90: {  	[tilespmem:s19], [sflag:$0x3] =	stream.linear.gather [hbm4b:s8+s3], $0x100, $0x38;
	[tilespmem:$0x18000] =	vst v63  }
0x91: {  	_ =	swait.ge [sflag:s20], $0x100  }
0x92: {  	[sflag:s20] =	ssyncset.done $0x0  }
0x93: {  	[sflag:s20] =	ssyncadd.s32 $0xFFFFFF00  }
0x94: {  	[tilespmem:s21], [sflag:$0x6] =	stream.indirect.gather [hbm4b:s15+s17], $0x40, s16, s17, $0xb8;
	[tilespmem:$0x18000] =	vst v63  }
0x95: {  	_ =	swait.ge [sflag:s22], $0x2000  }
0x96: {  	[sflag:s22] =	ssyncset.done $0x0  }
0x97: {  	[sflag:s22] =	ssyncadd.s32 $0xFFFFE000  }
0x98: {  	[spmem:s2] =	stream.indirect.scatter.add.f32 [tilespmem:s18], [sflag:$0x7], $0x40, s17, s17, $0xb8;
	[tilespmem:$0x18000] =	vst v63  }
0x99: {  	_ =	swait.ge [sflag:s23], $0x2000  }
0x9a: {  	[sflag:s23] =	ssyncset.done $0x0  }
0x9b: {  	s10 =	sadd.s32 $0x60, s11;
	[sflag:s23] =	ssyncadd.s32 $0xFFFFE000  }
0x9c: {  	[tilespmem:s24], [sflag:$0x4] =	stream.linear.gather [hbm4b:s10+s3], $0x100, $0x38;
	[tilespmem:$0x18000] =	vst v63  }
0x9d: {  	_ =	swait.ge [sflag:s25], $0x100  }
0x9e: {  	[sflag:s25] =	ssyncset.done $0x0  }
0x9f: {  	[sflag:s25] =	ssyncadd.s32 $0xFFFFFF00  }
0xa0: {  	[tilespmem:s18], [sflag:$0x5] =	stream.indirect.gather [hbm4b:s15+s17], $0x40, s19, s17, $0xb8;
	[tilespmem:$0x18000] =	vst v63  }
0xa1: {  	_ =	swait.ge [sflag:s26], $0x2000  }
0xa2: {  	[sflag:s26] =	ssyncset.done $0x0  }
0xa3: {  	s11 =	rddreg [dreg:$0x3];
	[sflag:s26] =	ssyncadd.s32 $0xFFFFE000  }
0xa4: {  	[spmem:s2] =	stream.indirect.scatter.add.f32 [tilespmem:s21], [sflag:$0x8], $0x40, s11, s17, $0xb8;
	[tilespmem:$0x18000] =	vst v63  }
0xa5: {  	p0 =	seq.s32 s31, $0x1400;
	_ =	swait.ge [sflag:s28], $0x2000  }
0xa6: {  	s0 =	sadd.s32 @!p0 s31, s12;
	[sflag:s28] =	ssyncset.done $0x0  }
0xa7: {  	s8 =	simm.s32 @!p0 $0x0;
	s1 =	sadd.s32 @!p0 $0x80, s0;
	[sflag:s28] =	ssyncadd.s32 $0xFFFFE000  }
0xa8: {  	[tilespmem:s8], [sflag:$0x1] =	stream.linear.gather @!p0 [hbm4b:s1+s8], $0x100, $0x38;
	[tilespmem:$0x18000] =	vst v63  }
0xa9: {  	_ =	swait.ge [sflag:s29], $0x100  }
0xaa: {  	[sflag:s29] =	ssyncset.done $0x0  }
0xab: {  	[sflag:s29] =	ssyncadd.s32 $0xFFFFFF00  }
0xac: {  	[tilespmem:s21], [sflag:$0x6] =	stream.indirect.gather [hbm4b:s15+s17], $0x40, s24, s17, $0xb8;
	[tilespmem:$0x18000] =	vst v63  }
0xad: {  	_ =	swait.ge [sflag:s22], $0x2000  }
0xae: {  	[sflag:s22] =	ssyncset.done $0x0  }
0xaf: {  	s31 =	rddreg [dreg:$0x4];
	[sflag:s22] =	ssyncadd.s32 $0xFFFFE000  }
0xb0: {  	[spmem:s2] =	stream.indirect.scatter.add.f32 [tilespmem:s18], [sflag:$0x7], $0x40, s31, s17, $0xb8;
	[tilespmem:$0x18000] =	vst v63  }
0xb1: {  	_ =	swait.ge [sflag:s23], $0x2000  }
0xb2: {  	p1 =	seq.s32 @!p0 s4, $0x0;
	s0 =	sadd.s32 @!p0 $0xA0, s0;
	[sflag:s23] =	ssyncset.done $0x0  }
0xb3: {  	s10 =	simm.s32 @!p0 $0x1;
	s1 =	simm.s32 @!p0 $0x100;
	[sflag:s23] =	ssyncadd.s32 $0xFFFFE000  }
0xb4: {  	[tilespmem:s1], [sflag:$0x2] =	stream.linear.gather @!p0 [hbm4b:s0+s8], $0x100, $0x38;
	[tilespmem:$0x18000] =	vst v63  }
0xb5: {  	p1 =	por !p1, p0;
	_ =	swait.ge @!p0 [sflag:s10], $0x100  }
0xb6: {  	s0 =	smov.u32 s5;
	s1 =	simm.s32 @!p0 $0x80;
	[sflag:s10] =	ssyncset.done @!p0 $0x0  }
0xb7: {  	s0 =	smov.u32 @p1 s9;
	[sflag:s10] =	ssyncadd.s32 @!p0 $0xFFFFFF00;
	s10 =	simm.s32 @!p0 $0x400  }
0xb8: {  	[tilespmem:s10], [sflag:$0x5] =	stream.indirect.gather @!p0 [hbm4b:s0+s1], $0x40, s8, s1, $0xb8;
	[tilespmem:$0x18000] =	vst v63  }
0xb9: {  	_ =	swait.ge [sflag:s26], $0x2000  }
0xba: {  	[sflag:s26] =	ssyncset.done $0x0  }
0xbb: {  	s10 =	rddreg [dreg:$0x5];
	[sflag:s26] =	ssyncadd.s32 $0xFFFFE000  }
0xbc: {  	[spmem:s2] =	stream.indirect.scatter.add.f32 [tilespmem:s21], [sflag:$0x8], $0x40, s10, s17, $0xb8;
	[tilespmem:$0x18000] =	vst v63  }
0xbd: {  	_ =	swait.ge [sflag:s28], $0x2000  }
0xbe: {  	[sflag:s28] =	ssyncset.done $0x0  }
0xbf: {  	[sflag:s28] =	ssyncadd.s32 $0xFFFFE000  }
0xc0: {  	[bflag:$0x0] =	sbarrier.arrive $0xFFFF  }
0xc1: {  	[tilespmem:s13], [sflag:$0x9] =	stream.linear.gather [spmem:s7], $0x9E00, $0x38;
	[tilespmem:$0x18000] =	vst v63  }
0xc2: {  	_ =	swait.ge [sflag:s14], $0x9E00  }
0xc3: {  	[sflag:s14] =	ssyncset.done $0x0  }
0xc4: {  	s11 =	rddreg [dreg:$0x7];
	[sflag:s14] =	ssyncadd.s32 $0xFFFF6200  }
0xc5: {  	[hbm4b:s11+s3] =	stream.linear.scatter [tilespmem:s13], [sflag:$0x9], $0x9E00, $0x38;
	[tilespmem:$0x18000] =	vst v63  }
0xc6: {  	_ =	swait.ge [sflag:s14], $0x9E00  }
0xc7: {  	s30 =	sadd.s32 $0x1, s30;
	s31 =	rddreg [dreg:$0x8]  }
0xc8: {  	p0 =	sne.s32 s30, s31  }
.Ltmp2:
0xc9: {  	_ = 	snop;
	(pc) =	sbr.rel @p0 .LBB2_1-.Ltmp2, $3  }
0xca: {  	_ =	sdelay $0x1  }
0xcb: {  	[sflag:s14] =	ssyncset.done $0x0  }
0xcc: {  	[sflag:s14] =	ssyncadd.s32 $0xFFFF6200  }
0xcd: {  	_ =	sfence.sel $0x180000  }
0xce: {  	[bflag:$0x0] =	sbarrier.arrive $0xFFFF  }
0xcf: {  	_ =	strace $0x9000004D  }
0xd0: {  	s0 =	stileid.u32;
	[bflag:$0x2] =	sbarrier.arrive $0xFFFF  }
0xd1: {  	p0 =	sne.s32 s0, $0x0;
	s0 =	rddreg [dreg:$0x2]  }
0xd2: {  	s0 =	sadd.s32 @!p0 $0x100000, s0  }
0xd3: {  	[sflag:s0] =	ssyncadd.tile.s32 @!p0 $0x1;
	_ =	shalt  }
.Lfunc_end2:
_tile_overlayer_lowered:
.L_overlay_start_2:
0xd4: {  	(tag) =	ssettag $0x2  }
0xd5: {  	s0 =	rddreg [dreg:$0x0];
	s2 =	stileid.u32  }
0xd6: {  	s1 =	rddreg [dreg:$0x1];
	p0 =	sne.s32 s2, $0x0  }
0xd7: {  	s3 =	rddreg [dreg:$0x2];
	[bflag:$0x3] =	sbarrier.arrive $0xFFFF;
	s2 =	simm.s32 @!p0 $0x1C09  }
0xd8: {  	[timem:s3], [sflag:s2] =	dma.local @!p0 [hbm:s0], s1  }
0xd9: {  	s0 =	simm.s32 @!p0 $0x9  }
0xda: {  	_ =	swait.ge @!p0 [sflag:s0], s1  }
0xdb: {  	s1 =	ssub.s32 @!p0 $0x0, s1;
	[sflag:s0] =	ssyncset.done @!p0 $0x0  }
0xdc: {  	[sflag:s0] =	ssyncadd.s32 @!p0 s1  }
0xdd: {  	[bflag:$0x3] =	sbarrier.arrive $0xFFFF  }
0xde: {  	_ =	shalt  }

// kernel: kernel.8.cloned.1.call-start
scs
__scs_entry_jumppad:
0x0: {  	(pc) =	sbr.rel $0x88, $3  }
0x1: {  	(tag) =	ssettag $0x0;
	lr =	simm.s32 $0x1  }
0x2: {  	[smem:$0x3F9B] =	sst lr;
	_ =	strace $0xD0000000  }
0x3: {  	_ = 	snop  }
0x4: {  	_ = 	snop  }
0x5: {  	_ = 	snop  }
0x6: {  	_ = 	snop  }
0x7: {  	_ = 	snop  }
__scs_overlays_trampoline_lowered:
0x8: {  	[smem:$0x3FAA] =	sst s0  }
0x9: {  	[smem:$0x3FAB] =	sst s1  }
0xa: {  	[smem:$0x3FAC] =	sst s2  }
0xb: {  	[smem:$0x3FAD] =	sst s3  }
0xc: {  	[smem:$0x3FAE] =	sst s4  }
0xd: {  	[smem:$0x3FAF] =	sst s5  }
0xe: {  	[smem:$0x3FB0] =	sst s6  }
0xf: {  	[smem:$0x3FB1] =	sst s7  }
0x10: {  	[smem:$0x3FB2] =	sst s8  }
0x11: {  	[smem:$0x3FB3] =	sst s9;
	s0 =	simm.s32 @!p0 $0x0  }
0x12: {  	s1 =	sld [smem:$0x3F99];
	s0 =	simm.s32 @p0 $0x1  }
0x13: {  	[smem:$0x3FB4] =	sst s0;
	s0 =	simm.s32 @!p1 $0x0  }
0x14: {  	s2 =	sld [smem:$0x3F98];
	s0 =	simm.s32 @p1 $0x1  }
0x15: {  	[smem:$0x3FB5] =	sst s0;
	s0 =	simm.s32 @!p2 $0x0  }
0x16: {  	s3 =	sld [smem:$0x3FDB];
	s0 =	simm.s32 @p2 $0x1  }
0x17: {  	s4 =	simm.s32 $0x1BF5;
	[smem:$0x3FB7] =	sst s0  }
0x18: {  	s0 =	sld [smem:$0x3F9A];
	_ =	swait.ge [sflag:s4], $0x0  }
0x19: {  	s7 =	sld [smem:$0x3F9B]  }
0x1a: {  	s8 =	sadd.s32 $0xFFFFE003, lr  }
0x1b: {  	s9 =	sadd.s32 $0xFFFFFEF7, lr;
	s5 =	simm.s32 $0xFFFFFFFF;
	p2 =	slt.u32 s8, $0xFFFFF086  }
0x1c: {  	p1 =	slt.u32 s9, $0xF7A;
	s5 =	simm.s32 @!p2 $0x0  }
0x1d: {  	s5 =	simm.s32 @p1 $0x1;
	p0 =	seq.s32 s7, s2  }
0x1e: {  	s7 =	smul.u32 @!p0 $0xF7A, s2;
	p2 =	seq.s32 @!p0 s5, $0x0  }
0x1f: {  	s9 =	smul.u32 $0xF7A, s1;
	s8 =	simm.s32 @!p0 $0x1BF5;
	p2 =	por !p2, p0  }
0x20: {  	[sflag:s8] =	ssyncset.s32 @!p0 $0xFFFFF086;
	s6 =	sadd.s32 @!p0 s3, s7;
	s7 =	simm.s32 @!p0 $0x108  }
0x21: {  	s3 =	sadd.s32 s3, s9;
	s6 =	sadd.s32 @!p0 $0x88, s6;
	s7 =	simm.s32 @p2 $0x1082  }
0x22: {  	[simem:s7], [sflag:s8] =	dma.local @!p0 [hbm:s6], $0xF7A  }
0x23: {  	s9 =	sor.u32 $0xD0000000, s2;
	s6 =	simm.s32 $0x108;
	_ =	swait.ge @!p0 [sflag:s8], $0x0  }
0x24: {  	s3 =	sadd.s32 $0x88, s3;
	s6 =	simm.s32 @!p1 $0x1082;
	[sflag:s4] =	ssyncset.s32 $0xFFFFF086  }
0x25: {  	[simem:s6], [sflag:s4] =	dma.local [hbm:s3], $0xF7A  }
0x26: {  	[smem:$0x3F9B] =	sst s1;
	(tag) =	ssettag s2;
	_ =	strace s9  }
0x27: {  	s1 =	sld [smem:$0x3FAB]  }
0x28: {  	s2 =	sld [smem:$0x3FAC]  }
0x29: {  	s4 =	sld [smem:$0x3FAE]  }
0x2a: {  	p0 =	seq.s32 s5, $0x0;
	s5 =	sld [smem:$0x3FAF]  }
0x2b: {  	s6 =	sld [smem:$0x3FB0]  }
0x2c: {  	s7 =	sld [smem:$0x3FB1]  }
0x2d: {  	s3 =	simm.s32 $0x108;
	s8 =	sld [smem:$0x3FB2]  }
0x2e: {  	s3 =	simm.s32 @!p0 $0x1082;
	s9 =	sld [smem:$0x3FB3]  }
0x2f: {  	lr =	sadd.s32 s0, s3;
	s0 =	sld [smem:$0x3FAA]  }
0x30: {  	s3 =	sld [smem:$0x3FAD]  }
0x31: {  	[smem:$0x3FB6] =	sst s10  }
0x32: {  	s10 =	sld [smem:$0x3FB4];
	_ =	sdelay $0x3  }
0x33: {  	p0 =	seq.s32 s10, $0x1;
	s10 =	sld [smem:$0x3FB6];
	_ =	sdelay $0x3  }
0x34: {  	[smem:$0x3FB6] =	sst s10  }
0x35: {  	s10 =	sld [smem:$0x3FB5];
	_ =	sdelay $0x3  }
0x36: {  	p1 =	seq.s32 s10, $0x1;
	s10 =	sld [smem:$0x3FB6];
	_ =	sdelay $0x3  }
0x37: {  	[smem:$0x3FB6] =	sst s10  }
0x38: {  	s10 =	sld [smem:$0x3FB7]  }
0x39: {  	_ = 	snop;
	(pc) =	sbr.ind lr, $3  }
0x3a: {  	_ = 	snop  }
0x3b: {  	_ = 	snop  }
0x3c: {  	p2 =	seq.s32 s10, $0x1;
	s10 =	sld [smem:$0x3FB6]  }
0x3d: {  	_ =	shalt  }
0x3e: {  	_ =	shalt  }
0x3f: {  	_ =	shalt  }
0x40: {  	_ =	shalt  }
0x41: {  	_ =	shalt  }
0x42: {  	_ =	shalt  }
0x43: {  	_ =	shalt  }
0x44: {  	_ =	shalt  }
0x45: {  	_ =	shalt  }
0x46: {  	_ =	shalt  }
0x47: {  	_ =	shalt  }
0x48: {  	_ =	shalt  }
0x49: {  	_ =	shalt  }
0x4a: {  	_ =	shalt  }
0x4b: {  	_ =	shalt  }
0x4c: {  	_ =	shalt  }
0x4d: {  	_ =	shalt  }
0x4e: {  	_ =	shalt  }
0x4f: {  	_ =	shalt  }
0x50: {  	_ =	shalt  }
0x51: {  	_ =	shalt  }
0x52: {  	_ =	shalt  }
0x53: {  	_ =	shalt  }
0x54: {  	_ =	shalt  }
0x55: {  	_ =	shalt  }
0x56: {  	_ =	shalt  }
0x57: {  	_ =	shalt  }
0x58: {  	_ =	shalt  }
0x59: {  	_ =	shalt  }
0x5a: {  	_ =	shalt  }
0x5b: {  	_ =	shalt  }
0x5c: {  	_ =	shalt  }
0x5d: {  	_ =	shalt  }
0x5e: {  	_ =	shalt  }
0x5f: {  	_ =	shalt  }
0x60: {  	_ =	shalt  }
0x61: {  	_ =	shalt  }
0x62: {  	_ =	shalt  }
0x63: {  	_ =	shalt  }
0x64: {  	_ =	shalt  }
0x65: {  	_ =	shalt  }
0x66: {  	_ =	shalt  }
0x67: {  	_ =	shalt  }
0x68: {  	_ =	shalt  }
0x69: {  	_ =	shalt  }
0x6a: {  	_ =	shalt  }
0x6b: {  	_ =	shalt  }
0x6c: {  	_ =	shalt  }
0x6d: {  	_ =	shalt  }
0x6e: {  	_ =	shalt  }
0x6f: {  	_ =	shalt  }
0x70: {  	_ =	shalt  }
0x71: {  	_ =	shalt  }
0x72: {  	_ =	shalt  }
0x73: {  	_ =	shalt  }
0x74: {  	_ =	shalt  }
0x75: {  	_ =	shalt  }
0x76: {  	_ =	shalt  }
0x77: {  	_ =	shalt  }
0x78: {  	_ =	shalt  }
0x79: {  	_ =	shalt  }
0x7a: {  	_ =	shalt  }
0x7b: {  	_ =	shalt  }
0x7c: {  	_ =	shalt  }
0x7d: {  	_ =	shalt  }
0x7e: {  	_ =	shalt  }
0x7f: {  	_ =	shalt  }
0x80: {  	_ =	shalt  }
0x81: {  	_ =	shalt  }
0x82: {  	_ =	shalt  }
0x83: {  	_ =	shalt  }
0x84: {  	_ =	shalt  }
0x85: {  	_ =	shalt  }
0x86: {  	_ =	shalt  }
0x87: {  	_ =	shalt  }
.Lfunc_end0:
.L_simem_size_0:
called_computation_lowered:
.L_overlay_start_0:
0x88: {  	s2 =	sld [smem:$0x3FD9]  }
0x89: {  	s3 =	sld [smem:$0x3FFE];
	_ =	sdelay $0x1  }
0x8a: {  	s1 =	srdreg.scid  }
0x8b: {  	s0 =	sand.u32 $0x1, s1  }
0x8c: {  	s17 =	sshll.u32 s0, $0xA;
	s2 =	sadd.s32 s3, s2  }
0x8d: {  	s2 =	sadd.s32 s2, s17  }
0x8e: {  	[smem:$0x3FC2] =	sst s2  }
0x8f: {  	_ = 	snop  }
0x90: {  	s2 =	sld [smem:$0x3FD0];
	(tm) =	ssettm $0x1  }
0x91: {  	s18 =	sld [smem:$0x3FFB];
	_ =	sdelay $0x3  }
0x92: {  	_ =	strace s18  }
0x93: {  	s3 =	sld [smem:$0x3FFC];
	_ =	sdelay $0x3  }
0x94: {  	_ =	strace s3  }
0x95: {  	s3 =	sld [smem:$0x3FFD];
	_ =	sdelay $0x3  }
0x96: {  	_ =	strace s3  }
0x97: {  	_ =	strace $0x8FFFFFFF  }
0x98: {  	s19 =	sld [smem:$0x3FDB];
	_ =	sdelay $0x1  }
0x99: {  	s4 =	simm.s32 $_scs_section_size  }
0x9a: {  	s5 =	simm.s32 $_size__tile_overlayer_lowered;
	s6 =	simm.s32 $_tile_overlayer_lowered  }
0x9b: {  	s22 =	simm.s32 $0x1BFF;
	s21 =	sshll.u32 s6, $0x1;
	s3 =	sadd.s32 s4, s19  }
0x9c: {  	s7 =	simm.s32 $0x0;
	s20 =	sshll.u32 s5, $0x1;
	s5 =	sadd.s32 s21, s3  }
0x9d: {  	[timem:s7], [sflag:s22] =	dma.local [hbm:s5], s20  }
0x9e: {  	_ =	swait.ge [sflag:s22], s20  }
0x9f: {  	s4 =	ssub.s32 $0x0, s20;
	[sflag:s22] =	ssyncset.done $0x0  }
0xa0: {  	[sflag:s22] =	ssyncadd.s32 s4;
	_ =	sdelay $0x1  }
0xa1: {  	s23 =	simm.s32 $0x1B8B  }
0xa2: {  	_ =	swait.ge [sflag:s23], $0x1  }
0xa3: {  	[sflag:s23] =	ssyncset.done $0x0  }
0xa4: {  	s25 =	simm.s32 $0x1B8E;
	s24 =	sld [smem:$0x3FFE];
	[sflag:s23] =	ssyncadd.s32 $0xFFFFFFFF  }
0xa5: {  	s26 =	simm.s32 $execute0_lowered;
	[smem:$0x3FD2] =	sst s25  }
0xa6: {  	s5 =	sshll.u32 s26, $0x1;
	_ =	strace $0x80000046;
	[dreg:$0x1] =	wrdreg $0xFFFFFFFF  }
0xa7: {  	s28 =	simm.s32 $_size_execute0_lowered;
	s3 =	sadd.s32 s3, s5;
	[dreg:$0x0] =	wrdreg $0x0  }
0xa8: {  	s5 =	sshll.u32 s28, $0x1;
	[dreg:$0x2] =	wrdreg s3  }
0xa9: {  	[dreg:$0x3] =	wrdreg s5  }
0xaa: {  	[dreg:$0x4] =	wrdreg $0xC0  }
0xab: {  	_ =	task [dreg:s7], $0x5FFFF  }
0xac: {  	[dreg:$0x1] =	wrdreg $0xFFFFFFFF  }
0xad: {  	[dreg:$0x0] =	wrdreg $0x60  }
0xae: {  	[dreg:$0x2] =	wrdreg s24  }
0xaf: {  	[dreg:$0x3] =	wrdreg s2  }
0xb0: {  	[dreg:$0x4] =	wrdreg $0x59900  }
0xb1: {  	[dreg:$0x5] =	wrdreg $0x9  }
0xb2: {  	_ =	task.clear_ibuf [dreg:s7], $0x6FFFF;
	_ =	strace $0x90000046  }
0xb3: {  	s29 =	simm.s32 $0x9;
	_ =	strace $0x80000048  }
0xb4: {  	_ =	swait.ge [sflag:s29], $0x1  }
0xb5: {  	[sflag:s29] =	ssyncadd.s32 $0xFFFFFFFF  }
0xb6: {  	_ =	strace $0x90000048  }
0xb7: {  	_ =	sfence  }
0xb8: {  	s30 =	sld [smem:$0x0];
	_ =	sdelay $0x2  }
0xb9: {  	s31 =	sshll.u32 s1, $0xD;
	s1 =	sshrl.u32 s1, $0x2  }
0xba: {  	s3 =	sand.u32 $0x4000, s31;
	s1 =	sadd.s32 s1, s30  }
0xbb: {  	s0 =	sor.u32 s3, s0;
	s1 =	sshll.u32 s1, $0x11  }
0xbc: {  	s0 =	sor.u32 s1, s0  }
0xbd: {  	s0 =	sadd.s32 $0x8F2B, s0  }
0xbe: {  	[sflag:s0] =	ssyncadd.remote.s32 $0x1  }
0xbf: {  	_ =	sfence.sel $0xFFFF  }
0xc0: {  	[dreg:$0x0] =	wrdreg $0xFFFFFFFF;
	(pc) =	sbr.abs _section_cstart, $3  }
0xc1: {  	[dreg:$0x1] =	wrdreg $0xFFFFFFFF  }
0xc2: {  	_ =	task.clear_ibuf [dreg:s7], $0x2FFFF;
	_ =	strace $0x9FFFFFFF  }
0xc3: {  	(tm) =	ssettm $0x7FFFFFFF  }
tec
execute0_lowered:
.L_overlay_start_1:
0x0: {  	(tag) =	ssettag $0x1  }
0x1: {  	s0 =	rddreg [dreg:$0x0]  }
0x2: {  	s1 =	rddreg [dreg:$0x1]  }
0x3: {  	s2 =	rddreg [dreg:$0x2];
	s4 =	simm.s32 $0x0;
	s3 =	srdreg.scid  }
0x4: {  	s6 =	stileid.u32;
	s17 =	simm.s32 $0x9;
	s19 =	simm.s32 $0x80  }
0x5: {  	s22 =	simm.s32 $0x100;
	s28 =	simm.s32 $0x3;
	s29 =	simm.s32 $0x2200  }
0x6: {  	s30 =	simm.s32 $0x5;
	s31 =	simm.s32 $0x7;
	s18 =	simm.s32 $0x2A00  }
0x7: {  	[smem:$0x7FF] =	sst s4;
	s3 =	sand.u32 $0x1, s3;
	s7 =	smul.u32 $0x2780, s6  }
0x8: {  	s5 =	sadd.s32 $0x51C00, s0;
	s9 =	sshll.u32 s6, $0x1;
	s6 =	sadd.s32 $0x56C00, s0  }
0x9: {  	s10 =	sadd.s32 $0x51A00, s0;
	_ =	strace $0x80000047;
	s8 =	smul.u32 $0x27800, s3  }
0xa: {  	[dreg:$0x4] =	wrdreg s10;
	s23 =	sor.u32 s3, s9;
	s3 =	ssub.s32 $0x2, s3  }
0xb: {  	s9 =	sadd.s32 $0x65A00, s0;
	s10 =	simm.s32 $0x0;
	s12 =	sshrl.u32 s3, $0x1  }
0xc: {  	s14 =	sadd.s32 s7, s2;
	s11 =	sadd.s32 s7, s8;
	s8 =	smul.u32 $0x5200, s23  }
0xd: {  	s3 =	ssub.s32 s3, s12;
	s12 =	smul.u32 $0x52, s23;
	[dreg:$0x5] =	wrdreg s14  }
0xe: {  	s11 =	sshrl.u32 s11, $0x3;
	s26 =	smax.u32 s3, $0x1;
	s3 =	simm.s32 $0x4  }
0xf: {  	s0 =	sadd.s32 s11, s0;
	s24 =	sshrl.u32 s8, $0x3;
	s13 =	sadd.s32 $0x200, s8  }
0x10: {  	[dreg:$0x8] =	wrdreg s26;
	s11 =	simm.s32 $0x3210;
	s25 =	sadd.s32 s1, s24  }
0x11: {  	s26 =	simm.s32 $0x1;
	s0 =	sadd.s32 $0x5BC00, s0;
	[dreg:$0x6] =	wrdreg s25  }
0x12: {  	v0 =	vimm.f32 $0.0e+00;
	v1 =	vlaneseq.u32;
	s24 =	simm.s32 $0x180;
	[dreg:$0x7] =	wrdreg s0;
	s0 =	simm.s32 $0x2  }
.LBB2_1:
0x13: {  	[dreg:$0x9] =	wrdreg s10;
	s7 =	simm.s32 $0x40;
	s10 =	simm.s32 $0x0  }
.LBB2_2:
0x14: {  	p0 =	sne.s32 s7, $0x9DC0;
	[tilespmem:s10+$0x3210] =	vst v0;
	s10 =	smov.u32 s7;
	s7 =	sadd.s32 $0x40, s7  }
.Ltmp0:
0x15: {  	(pc) =	sbr.rel @p0 .LBB2_2-.Ltmp0, $2  }
0x16: {  	_ =	sdelay $0x2  }
0x17: {  	s10 =	sshra.s32 s10, $0x2  }
0x18: {  	[tilespmem:s10+$0x3210] =	vst v0  }
0x19: {  	[spmem:s14] =	stream.linear.scatter [tilespmem:s11], [sflag:$0x9], $0x2780, $0x38;
	[tilespmem:$0x8110] =	vst v63  }
0x1a: {  	_ =	swait.ge [sflag:s17], $0x2780  }
0x1b: {  	s20 =	simm.s32 $0x3200;
	[sflag:s17] =	ssyncset.done $0x0  }
0x1c: {  	s11 =	simm.s32 $0x0;
	s7 =	rddreg [dreg:$0x4];
	[sflag:s17] =	ssyncadd.s32 $0xFFFFD880  }
0x1d: {  	[tilespmem:s20], [sflag:$0x9] =	stream.linear.gather [hbm4b:s7+s11], $0x10, $0x38;
	[tilespmem:$0x8110] =	vst v63  }
0x1e: {  	_ =	swait.ge [sflag:s17], $0x10  }
0x1f: {  	[sflag:s17] =	ssyncset.done $0x0  }
0x20: {  	s21 =	rddreg [dreg:$0x6];
	[sflag:s17] =	ssyncadd.s32 $0xFFFFFFF0  }
0x21: {  	[tilespmem:s11], [sflag:$0x9] =	stream.linear.gather [hbm4b:s21+s11], $0x100, $0x38;
	[tilespmem:$0x8110] =	vst v63  }
0x22: {  	_ =	swait.ge [sflag:s17], $0x100  }
0x23: {  	[sflag:s17] =	ssyncset.done $0x0  }
0x24: {  	s23 =	simm.s32 $0x200;
	[sflag:s17] =	ssyncadd.s32 $0xFFFFFF00  }
0x25: {  	[tilespmem:s23], [sflag:$0x1] =	stream.indirect.gather [hbm4b:s5+s19], $0x10, s11, s19, $0xb8;
	[tilespmem:$0x8110] =	vst v63  }
0x26: {  	s25 =	simm.s32 $0x1200  }
0x27: {  	[tilespmem:s25], [sflag:$0x3] =	stream.indirect.gather [hbm4b:s6+s19], $0x10, s19, s19, $0xb8;
	[tilespmem:$0x8110] =	vst v63  }
0x28: {  	[bflag:$0x0] =	sbarrier.arrive $0xFFFF  }
0x29: {  	v2 =	vld [tilespmem:$0x3200];
	_ =	sdelay $0x3  }
0x2a: {  	s14 =	simm.s32 $0x0  }
.LBB2_4:
0x2b: {  	p0 =	seq.s32 s14, $0x0  }
0x2c: {  	s7 =	simm.s32 @!p0 $0x6  }
0x2d: {  	s16 =	sshll.u32 s14, $0x1;
	_ =	swait.ge @!p0 [sflag:s7], $0x800  }
0x2e: {  	s15 =	sor.u32 $0x1, s16;
	[sflag:s7] =	ssyncset.done @!p0 $0x0  }
0x2f: {  	s10 =	sshll.u32 s15, $0x8;
	[sflag:s7] =	ssyncadd.s32 @!p0 $0xFFFFF800;
	s7 =	simm.s32 @!p0 $0x8  }
0x30: {  	s10 =	sadd.s32 s8, s10;
	_ =	swait.ge @!p0 [sflag:s7], $0x800  }
0x31: {  	s10 =	sshrl.u32 s10, $0x3;
	[sflag:s7] =	ssyncset.done @!p0 $0x0  }
0x32: {  	s21 =	sadd.s32 s1, s10;
	[sflag:s7] =	ssyncadd.s32 @!p0 $0xFFFFF800  }
0x33: {  	[tilespmem:s22], [sflag:$0x9] =	stream.linear.gather [hbm4b:s21+s11], $0x100, $0x38;
	[tilespmem:$0x8110] =	vst v63  }
0x34: {  	_ =	swait.ge [sflag:s17], $0x100  }
0x35: {  	[sflag:s17] =	ssyncset.done $0x0  }
0x36: {  	s23 =	simm.s32 $0xA00;
	[sflag:s17] =	ssyncadd.s32 $0xFFFFFF00  }
0x37: {  	[tilespmem:s23], [sflag:$0x2] =	stream.indirect.gather [hbm4b:s5+s19], $0x10, s22, s19, $0xb8;
	[tilespmem:$0x8110] =	vst v63  }
0x38: {  	s25 =	simm.s32 $0x1A00  }
0x39: {  	[tilespmem:s25], [sflag:$0x4] =	stream.indirect.gather [hbm4b:s6+s19], $0x10, s24, s19, $0xb8;
	[tilespmem:$0x8110] =	vst v63  }
0x3a: {  	_ =	swait.ge [sflag:s26], $0x800  }
0x3b: {  	[sflag:s26] =	ssyncset.done $0x0  }
0x3c: {  	[sflag:s26] =	ssyncadd.s32 $0xFFFFF800  }
0x3d: {  	_ =	swait.ge [sflag:s28], $0x800  }
0x3e: {  	[sflag:s28] =	ssyncset.done $0x0  }
0x3f: {  	s21 =	simm.s32 $0x0;
	[sflag:s28] =	ssyncadd.s32 $0xFFFFF800  }
0x40: {  	v3 =	vld [tilespmem:s21+$0x200]  }
0x41: {  	v4 =	vld [tilespmem:s21+$0x1200];
	_ =	sdelay $0x1  }
0x42: {  	s10 =	simm.s32 $0x10  }
0x43: {  	v5 =	vld [tilespmem:s10+$0x200]  }
0x44: {  	v6 =	vld [tilespmem:s10+$0x1200]  }
0x45: {  	v3 =	vadd.f32 v4, v3;
	_ =	sdelay $0x1  }
0x46: {  	v7 =	vmul.f32 $2.000000030e-01, v3;
	_ =	sdelay $0x1  }
0x47: {  	v5 =	vadd.f32 v6, v5;
	v3 =	vmax.f32 v3, v7  }
0x48: {  	s20 =	simm.s32 $0x20;
	v3 =	vsub.f32 v3, v2  }
0x49: {  	v4 =	vld [tilespmem:s20+$0x200];
	v8 =	vmul.f32 $2.000000030e-01, v5  }
0x4a: {  	v6 =	vld [tilespmem:s20+$0x1200];
	v3 =	vmul.f32 $1.442695020e+00, v3  }
0x4b: {  	v5 =	vmax.f32 v5, v8  }
0x4c: {  	v5 =	vsub.f32 v5, v2;
	(erf) = vpow2.f32 v3;
	_ =	sdelay $0x1  }
0x4d: {  	s7 =	simm.s32 $0x30;
	v5 =	vmul.f32 $1.442695020e+00, v5  }
0x4e: {  	v6 =	vadd.f32 v6, v4;
	v4 =	vld [tilespmem:s7+$0x1200]  }
0x4f: {  	v3 =	vld [tilespmem:s7+$0x200];
	(erf) = vpow2.f32 v5  }
0x50: {  	v7 =	vmul.f32 $2.000000030e-01, v6;
	_ =	sdelay $0x1  }
0x51: {  	s23 =	simm.s32 $0x100;
	v5 =	vmax.f32 v6, v7  }
.LBB2_5:
0x52: {  	s25 =	sshra.s32 s23, $0x2;
	v5 =	vsub.f32 v5, v2;
	p0 =	sne.s32 s23, $0x1FC0  }
.Ltmp1:
0x53: {  	s23 =	sadd.s32 $0x40, s23;
	vm0 =	veq.s32 v1, $0x8;
	v6 =	vadd.f32 v4, v3;
	v3 =	vld [tilespmem:s25+$0x200];
	v7 =	vpop (erf);
	(pc) =	sbr.rel @p0 .LBB2_5-.Ltmp1, $4  }
0x54: {  	v4 =	vld [tilespmem:s25+$0x1200];
	v5 =	vmul.f32 $1.442695020e+00, v5;
	v7 =	vsel vm0, $0x3F800000, v7  }
0x55: {  	v8 =	vmul.f32 $2.000000030e-01, v6;
	[tilespmem:s21+$0x2200] =	vst v7;
	s21 =	smov.u32 s10;
	s10 =	smov.u32 s20;
	s20 =	smov.u32 s7  }
0x56: {  	s7 =	smov.u32 s25;
	(erf) = vpow2.f32 v5  }
0x57: {  	v5 =	vmax.f32 v6, v8  }
0x58: {  	_ = 	snop  }
0x59: {  	v3 =	vadd.f32 v4, v3;
	_ =	sdelay $0x1  }
0x5a: {  	v4 =	vmul.f32 $2.000000030e-01, v3;
	_ =	sdelay $0x1  }
0x5b: {  	v5 =	vsub.f32 v5, v2;
	v3 =	vmax.f32 v3, v4  }
0x5c: {  	v3 =	vsub.f32 v3, v2  }
0x5d: {  	v4 =	vmul.f32 $1.442695020e+00, v5  }
0x5e: {  	v3 =	vmul.f32 $1.442695020e+00, v3  }
0x5f: {  	(erf) = vpow2.f32 v4  }
0x60: {  	(erf) = vpow2.f32 v3;
	_ =	sdelay $0x5  }
0x61: {  	v3 =	vpop (erf)  }
0x62: {  	v4 =	vpop (erf);
	v3 =	vsel vm0, $0x3F800000, v3  }
0x63: {  	[tilespmem:s21+$0x2200] =	vst v3;
	v3 =	vsel vm0, $0x3F800000, v4;
	v4 =	vpop (erf)  }
0x64: {  	s23 =	sadd.s32 s12, s16;
	[tilespmem:s10+$0x2200] =	vst v3;
	v3 =	vsel vm0, $0x3F800000, v4;
	v4 =	vpop (erf)  }
0x65: {  	s10 =	sshll.u32 s23, $0x8;
	[tilespmem:s20+$0x2200] =	vst v3;
	v3 =	vsel vm0, $0x3F800000, v4  }
0x66: {  	s25 =	sadd.s32 s9, s10;
	[tilespmem:s7+$0x2200] =	vst v3  }
0x67: {  	[hbm4b:s25+s4] =	stream.linear.scatter [tilespmem:s29], [sflag:$0x5], $0x800, $0x38;
	[tilespmem:$0x8110] =	vst v63  }
0x68: {  	_ = 	snop  }
0x69: {  	[spmem:s2] =	stream.indirect.scatter.add.f32 [tilespmem:s29], [sflag:$0x7], $0x10, s19, s19, $0xb8;
	[tilespmem:$0x8110] =	vst v63  }
0x6a: {  	_ =	swait.ge [sflag:s30], $0x800  }
0x6b: {  	p0 =	seq.s32 s14, $0x28;
	[sflag:s30] =	ssyncset.done $0x0  }
0x6c: {  	s7 =	sshll.u32 @!p0 s14, $0x9;
	[sflag:s30] =	ssyncadd.s32 $0xFFFFF800  }
0x6d: {  	s7 =	sadd.s32 @!p0 s7, s13;
	_ =	swait.ge [sflag:s31], $0x800  }
0x6e: {  	s7 =	sshrl.u32 @!p0 s7, $0x3;
	[sflag:s31] =	ssyncset.done $0x0  }
0x6f: {  	s10 =	simm.s32 @!p0 $0x0;
	s7 =	sadd.s32 @!p0 s1, s7;
	[sflag:s31] =	ssyncadd.s32 $0xFFFFF800  }
0x70: {  	[tilespmem:s10], [sflag:$0x9] =	stream.linear.gather @!p0 [hbm4b:s7+s10], $0x100, $0x38;
	[tilespmem:$0x8110] =	vst v63  }
0x71: {  	s7 =	simm.s32 @!p0 $0x9  }
0x72: {  	_ =	swait.ge @!p0 [sflag:s7], $0x100  }
0x73: {  	[sflag:s7] =	ssyncset.done @!p0 $0x0  }
0x74: {  	s16 =	simm.s32 @!p0 $0x200;
	[sflag:s7] =	ssyncadd.s32 @!p0 $0xFFFFFF00;
	s7 =	simm.s32 @!p0 $0x80  }
0x75: {  	[tilespmem:s16], [sflag:$0x1] =	stream.indirect.gather @!p0 [hbm4b:s5+s7], $0x10, s10, s7, $0xb8;
	[tilespmem:$0x8110] =	vst v63  }
0x76: {  	s10 =	simm.s32 @!p0 $0x1200  }
0x77: {  	[tilespmem:s10], [sflag:$0x3] =	stream.indirect.gather @!p0 [hbm4b:s6+s7], $0x10, s7, s7, $0xb8;
	[tilespmem:$0x8110] =	vst v63  }
0x78: {  	_ =	swait.ge [sflag:s0], $0x800  }
0x79: {  	[sflag:s0] =	ssyncset.done $0x0  }
0x7a: {  	[sflag:s0] =	ssyncadd.s32 $0xFFFFF800  }
0x7b: {  	_ =	swait.ge [sflag:s3], $0x800  }
0x7c: {  	[sflag:s3] =	ssyncset.done $0x0  }
0x7d: {  	s10 =	simm.s32 $0x0;
	[sflag:s3] =	ssyncadd.s32 $0xFFFFF800  }
0x7e: {  	v3 =	vld [tilespmem:s10+$0xA00]  }
0x7f: {  	v4 =	vld [tilespmem:s10+$0x1A00];
	_ =	sdelay $0x1  }
0x80: {  	s20 =	simm.s32 $0x10  }
0x81: {  	v5 =	vld [tilespmem:s20+$0xA00]  }
0x82: {  	v6 =	vld [tilespmem:s20+$0x1A00]  }
0x83: {  	v3 =	vadd.f32 v4, v3;
	_ =	sdelay $0x1  }
0x84: {  	v7 =	vmul.f32 $2.000000030e-01, v3;
	_ =	sdelay $0x1  }
0x85: {  	v5 =	vadd.f32 v6, v5;
	v3 =	vmax.f32 v3, v7  }
0x86: {  	s16 =	simm.s32 $0x20;
	v3 =	vsub.f32 v3, v2  }
0x87: {  	v4 =	vld [tilespmem:s16+$0xA00];
	v8 =	vmul.f32 $2.000000030e-01, v5  }
0x88: {  	v6 =	vld [tilespmem:s16+$0x1A00];
	v3 =	vmul.f32 $1.442695020e+00, v3  }
0x89: {  	v5 =	vmax.f32 v5, v8  }
0x8a: {  	v5 =	vsub.f32 v5, v2;
	(erf) = vpow2.f32 v3;
	_ =	sdelay $0x1  }
0x8b: {  	s21 =	simm.s32 $0x30;
	v5 =	vmul.f32 $1.442695020e+00, v5  }
0x8c: {  	v6 =	vadd.f32 v6, v4;
	v4 =	vld [tilespmem:s21+$0x1A00]  }
0x8d: {  	v3 =	vld [tilespmem:s21+$0xA00];
	(erf) = vpow2.f32 v5  }
0x8e: {  	v7 =	vmul.f32 $2.000000030e-01, v6;
	_ =	sdelay $0x1  }
0x8f: {  	s7 =	simm.s32 $0x100;
	v5 =	vmax.f32 v6, v7  }
.LBB2_7:
0x90: {  	s23 =	sshra.s32 s7, $0x2;
	v5 =	vsub.f32 v5, v2;
	p0 =	sne.s32 s7, $0x1FC0  }
.Ltmp2:
0x91: {  	s7 =	sadd.s32 $0x40, s7;
	vm0 =	veq.s32 v1, $0x8;
	v6 =	vadd.f32 v4, v3;
	v3 =	vld [tilespmem:s23+$0xA00];
	v7 =	vpop (erf);
	(pc) =	sbr.rel @p0 .LBB2_7-.Ltmp2, $4  }
0x92: {  	v4 =	vld [tilespmem:s23+$0x1A00];
	v5 =	vmul.f32 $1.442695020e+00, v5;
	v7 =	vsel vm0, $0x3F800000, v7  }
0x93: {  	v8 =	vmul.f32 $2.000000030e-01, v6;
	[tilespmem:s10+$0x2A00] =	vst v7;
	s10 =	smov.u32 s20;
	s20 =	smov.u32 s16;
	s16 =	smov.u32 s21  }
0x94: {  	s21 =	smov.u32 s23;
	(erf) = vpow2.f32 v5  }
0x95: {  	v5 =	vmax.f32 v6, v8  }
0x96: {  	_ = 	snop  }
0x97: {  	v3 =	vadd.f32 v4, v3;
	_ =	sdelay $0x1  }
0x98: {  	v4 =	vmul.f32 $2.000000030e-01, v3;
	_ =	sdelay $0x1  }
0x99: {  	v5 =	vsub.f32 v5, v2;
	v3 =	vmax.f32 v3, v4  }
0x9a: {  	v3 =	vsub.f32 v3, v2  }
0x9b: {  	v60 =	vmul.f32 $1.442695020e+00, v5  }
0x9c: {  	v3 =	vmul.f32 $1.442695020e+00, v3  }
0x9d: {  	(erf) = vpow2.f32 v60  }
0x9e: {  	(erf) = vpow2.f32 v3;
	_ =	sdelay $0x5  }
0x9f: {  	v3 =	vpop (erf)  }
0xa0: {  	v61 =	vpop (erf);
	v3 =	vsel vm0, $0x3F800000, v3  }
0xa1: {  	s7 =	sadd.s32 s12, s15;
	s14 =	sadd.s32 $0x1, s14;
	[tilespmem:s10+$0x2A00] =	vst v3;
	v3 =	vsel vm0, $0x3F800000, v61;
	v62 =	vpop (erf)  }
0xa2: {  	s7 =	sshll.u32 s7, $0x8;
	p0 =	sne.s32 s14, $0x29;
	[tilespmem:s20+$0x2A00] =	vst v3;
	v3 =	vsel vm0, $0x3F800000, v62;
	v63 =	vpop (erf)  }
.Ltmp3:
0xa3: {  	s7 =	sand.u32 $0x1FFFFF00, s7;
	[tilespmem:s16+$0x2A00] =	vst v3;
	v3 =	vsel vm0, $0x3F800000, v63;
	(pc) =	sbr.rel @p0 .LBB2_4-.Ltmp3, $4  }
0xa4: {  	s7 =	sadd.s32 s9, s7;
	[tilespmem:s21+$0x2A00] =	vst v3  }
0xa5: {  	[hbm4b:s7+s4] =	stream.linear.scatter [tilespmem:s18], [sflag:$0x6], $0x800, $0x38;
	[tilespmem:$0x8110] =	vst v63  }
0xa6: {  	_ = 	snop  }
0xa7: {  	[spmem:s2] =	stream.indirect.scatter.add.f32 [tilespmem:s18], [sflag:$0x8], $0x10, s24, s19, $0xb8;
	[tilespmem:$0x8110] =	vst v63  }
0xa8: {  	s7 =	simm.s32 $0x6  }
0xa9: {  	_ =	swait.ge [sflag:s7], $0x800  }
0xaa: {  	[sflag:s7] =	ssyncset.done $0x0  }
0xab: {  	s21 =	simm.s32 $0x8;
	[sflag:s7] =	ssyncadd.s32 $0xFFFFF800  }
0xac: {  	_ =	swait.ge [sflag:s21], $0x800  }
0xad: {  	[sflag:s21] =	ssyncset.done $0x0  }
0xae: {  	[sflag:s21] =	ssyncadd.s32 $0xFFFFF800  }
0xaf: {  	[bflag:$0x0] =	sbarrier.arrive $0xFFFF  }
0xb0: {  	s11 =	simm.s32 $0x3210;
	s14 =	rddreg [dreg:$0x5]  }
0xb1: {  	[tilespmem:s11], [sflag:$0x9] =	stream.linear.gather [spmem:s14], $0x2780, $0x38;
	[tilespmem:$0x8110] =	vst v63  }
0xb2: {  	_ =	swait.ge [sflag:s17], $0x2780  }
0xb3: {  	[sflag:s17] =	ssyncset.done $0x0  }
0xb4: {  	s23 =	rddreg [dreg:$0x7];
	[sflag:s17] =	ssyncadd.s32 $0xFFFFD880  }
0xb5: {  	[hbm4b:s23+s4] =	stream.linear.scatter [tilespmem:s11], [sflag:$0x9], $0x2780, $0x38;
	[tilespmem:$0x8110] =	vst v63  }
0xb6: {  	_ =	swait.ge [sflag:s17], $0x2780  }
0xb7: {  	s10 =	rddreg [dreg:$0x9]  }
0xb8: {  	s25 =	rddreg [dreg:$0x8];
	s10 =	sadd.s32 $0x1, s10  }
0xb9: {  	p0 =	sne.s32 s10, s25  }
.Ltmp4:
0xba: {  	_ = 	snop;
	(pc) =	sbr.rel @p0 .LBB2_1-.Ltmp4, $3  }
0xbb: {  	_ =	sdelay $0x1  }
0xbc: {  	[sflag:s17] =	ssyncset.done $0x0  }
0xbd: {  	[sflag:s17] =	ssyncadd.s32 $0xFFFFD880  }
0xbe: {  	_ =	sfence.sel $0x180000  }
0xbf: {  	[bflag:$0x0] =	sbarrier.arrive $0xFFFF  }
0xc0: {  	_ =	strace $0x90000047  }
0xc1: {  	s0 =	stileid.u32;
	[bflag:$0x2] =	sbarrier.arrive $0xFFFF  }
0xc2: {  	p0 =	sne.s32 s0, $0x0;
	s0 =	rddreg [dreg:$0x3]  }
0xc3: {  	s0 =	sadd.s32 @!p0 $0x100000, s0  }
0xc4: {  	[sflag:s0] =	ssyncadd.tile.s32 @!p0 $0x1;
	_ =	shalt  }
.Lfunc_end2:
_tile_overlayer_lowered:
.L_overlay_start_2:
0xc5: {  	(tag) =	ssettag $0x2  }
0xc6: {  	s0 =	rddreg [dreg:$0x0];
	s2 =	stileid.u32  }
0xc7: {  	s1 =	rddreg [dreg:$0x1];
	p0 =	sne.s32 s2, $0x0  }
0xc8: {  	s3 =	rddreg [dreg:$0x2];
	[bflag:$0x3] =	sbarrier.arrive $0xFFFF;
	s2 =	simm.s32 @!p0 $0x1C09  }
0xc9: {  	[timem:s3], [sflag:s2] =	dma.local @!p0 [hbm:s0], s1  }
0xca: {  	s0 =	simm.s32 @!p0 $0x9  }
0xcb: {  	_ =	swait.ge @!p0 [sflag:s0], s1  }
0xcc: {  	s1 =	ssub.s32 @!p0 $0x0, s1;
	[sflag:s0] =	ssyncset.done @!p0 $0x0  }
0xcd: {  	[sflag:s0] =	ssyncadd.s32 @!p0 s1  }
0xce: {  	[bflag:$0x3] =	sbarrier.arrive $0xFFFF  }
0xcf: {  	_ =	shalt  }

</sc_bundles>
